<compile_context>
chip_gen: v7x
topology: tpu7x:2x2x1
jax: 0.10.2.dev20260603
libtpu: 0.0.44.dev20260713+nightly
codegen_flags: <defaults>
</compile_context>

<pallas_src>
import functools

import jax
import jax.numpy as jnp
from jax import lax
from jax.experimental import pallas as pl
from jax.experimental.pallas import tpu as pltpu
from jax.experimental.pallas import tpu_sc as plsc

N = 10000
E = 320000
CHUNK = 128
NCH = 2560
EP = NCH * CHUNK
NC, NS = 2, 16
NW = NC * NS
CHW = NCH // NW
NP = 10240
RPT = 632
RPT_LAST = N - 15 * RPT
SP = NP // NS
EPW = EP // NW
BM = 5000

_mesh = plsc.VectorSubcoreMesh(core_axis_name="c", subcore_axis_name="s")



@functools.partial(
    pl.kernel,
    out_type=jax.ShapeDtypeStruct((NC * NP,), jnp.float32),
    mesh=_mesh,
    compiler_params=pltpu.CompilerParams(needs_layout_passes=False),
    scratch_types=[
        pltpu.VMEM((EPW,), jnp.int32),
        pltpu.VMEM((NP,), jnp.float32),
        pltpu.VMEM((NS * SP,), jnp.float32),
        pltpu.VMEM((SP,), jnp.float32),
        pltpu.VMEM_SHARED((NS * NP,), jnp.float32),
    ],
)
def _sc_degree(dst1d, out, dstv, hist, buf, resv, stag):
    c = lax.axis_index("c")
    s = lax.axis_index("s")
    w = c * NS + s
    pltpu.sync_copy(dst1d.at[pl.ds(w * EPW, EPW)], dstv)

    def zbody(i, carry):
        hist[pl.ds(i * 16, 16)] = jnp.zeros((16,), jnp.float32)
        return carry

    lax.fori_loop(0, NP // 16, zbody, 0)
    ones = jnp.ones((16,), jnp.float32)

    def body(i, carry):
        idx = dstv[pl.ds(i * 16, 16)]
        plsc.addupdate_scatter(hist, [idx], ones)
        return carry

    lax.fori_loop(0, EPW // 16, body, 0)
    pltpu.sync_copy(hist, stag.at[pl.ds(s * NP, NP)])
    plsc.subcore_barrier()
    off = s * SP
    for t in range(NS):
        pltpu.sync_copy(stag.at[pl.ds(t * NP + off, SP)],
                        buf.at[pl.ds(t * SP, SP)])

    def cbody(k, carry):
        acc16 = jnp.zeros((16,), jnp.float32)
        for t in range(NS):
            acc16 = acc16 + buf[pl.ds(t * SP + k * 16, 16)]
        resv[pl.ds(k * 16, 16)] = acc16
        return carry

    lax.fori_loop(0, SP // 16, cbody, 0)
    pltpu.sync_copy(resv, out.at[pl.ds(c * NP + off, SP)])


HCH = CHW // 2
CHT = NCH // NS

_PROP_SCRATCH = [
    pltpu.VMEM((HCH, CHUNK), jnp.int32),
    pltpu.VMEM((HCH, CHUNK), jnp.int32),
    pltpu.VMEM((CHUNK, 128), jnp.float32),
    pltpu.VMEM((CHUNK, 128), jnp.float32),
    pltpu.VMEM_SHARED((NP, 128), jnp.float32),
    pltpu.SemaphoreType.DMA,
    pltpu.SemaphoreType.DMA,
]


def _sweep(table, srcb, dst2d, srcv, dstv, rows0, rows1, acc,
           sem0, sem1, src_row0, dst_row0):
    pltpu.sync_copy(srcb.at[pl.ds(src_row0, HCH)], srcv)
    pltpu.sync_copy(dst2d.at[pl.ds(dst_row0, HCH)], dstv)
    pltpu.async_copy(table.at[srcv.at[0]], rows0, sem0)

    def body(g, carry):
        i0 = 2 * g
        pltpu.async_copy(table.at[srcv.at[i0 + 1]], rows1, sem1)
        pltpu.make_async_copy(table.at[srcv.at[i0]], rows0, sem0).wait()
        pltpu.sync_copy(rows0, acc.at[dstv.at[i0]], add=True)

        @pl.when(i0 + 2 < HCH)
        def _():
            pltpu.async_copy(table.at[srcv.at[i0 + 2]], rows0, sem0)

        pltpu.make_async_copy(table.at[srcv.at[i0 + 1]], rows1, sem1).wait()
        pltpu.sync_copy(rows1, acc.at[dstv.at[i0 + 1]], add=True)
        return carry

    lax.fori_loop(0, HCH // 2, body, 0)


def _rows_copy(s, fn):
    @pl.when(s < NS - 1)
    def _():
        fn(s * RPT, RPT)

    @pl.when(s == NS - 1)
    def _():
        fn((NS - 1) * RPT, RPT_LAST)


@functools.partial(
    pl.kernel,
    out_type=jax.ShapeDtypeStruct((4 * N, 128), jnp.float32),
    mesh=_mesh,
    scratch_types=list(_PROP_SCRATCH),
)
def _sc_prop4(table, srcb, dst2d, out, srcv, dstv, rows0, rows1, acc,
              sem0, sem1):
    c = lax.axis_index("c")
    s = lax.axis_index("s")
    for j in range(2):
        blk = c * 2 + j
        _rows_copy(s, lambda o, n: pltpu.sync_copy(
            table.at[pl.ds(blk * N + o, n)], acc.at[pl.ds(o, n)]))
        plsc.subcore_barrier()
        for h in range(CHT // HCH):
            _sweep(table, srcb, dst2d, srcv, dstv, rows0, rows1, acc,
                   sem0, sem1,
                   blk * NCH + s * CHT + h * HCH, s * CHT + h * HCH)
        plsc.subcore_barrier()
        _rows_copy(s, lambda o, n: pltpu.sync_copy(
            acc.at[pl.ds(o, n)], out.at[pl.ds(blk * N + o, n)]))


def _make_sc_propagate(B):

    @functools.partial(
        pl.kernel,
        out_type=jax.ShapeDtypeStruct((NC * B * N, 128), jnp.float32),
        mesh=_mesh,
        scratch_types=list(_PROP_SCRATCH),
    )
    def prop(table, srcb, dst2d, zeros, out, srcv, dstv, rows0, rows1, acc,
             sem0, sem1):
        c = lax.axis_index("c")
        s = lax.axis_index("s")
        w = c * NS + s

        for blk in range(B):
            @pl.when(c == 0)
            def _():
                _rows_copy(s, lambda o, n: pltpu.sync_copy(
                    table.at[pl.ds(blk * N + o, n)], acc.at[pl.ds(o, n)]))

            @pl.when(c != 0)
            def _():
                _rows_copy(s, lambda o, n: pltpu.sync_copy(
                    zeros.at[pl.ds(o, n)], acc.at[pl.ds(o, n)]))

            plsc.subcore_barrier()
            for h in range(2):
                _sweep(table, srcb, dst2d, srcv, dstv, rows0, rows1, acc,
                       sem0, sem1,
                       blk * NCH + w * CHW + h * HCH, w * CHW + h * HCH)
            plsc.subcore_barrier()
            _rows_copy(s, lambda o, n: pltpu.sync_copy(
                acc.at[pl.ds(o, n)],
                out.at[pl.ds((c * B + blk) * N + o, n)]))

    return prop


_sc_prop1 = _make_sc_propagate(1)



_P = jax.lax.Precision.DEFAULT


def _dot(a, b):
    return jnp.dot(a, b, precision=_P, preferred_element_type=jnp.float32)


def _tc1_body(d0, d1, x, r_out, xn_out):
    deg = d0[...] + d1[...] + 1.0
    rv = jax.lax.rsqrt(deg)
    r_out[...] = jnp.broadcast_to(rv, (BM, 16))
    xn_out[...] = x[...] * rv


def _tc1(degp0, degp1, x):
    return pl.pallas_call(
        _tc1_body,
        grid=(N // BM,),
        in_specs=[
            pl.BlockSpec((BM, 1), lambda i: (i, 0)),
            pl.BlockSpec((BM, 1), lambda i: (i, 0)),
            pl.BlockSpec((BM, 128), lambda i: (i, 0)),
        ],
        out_specs=[
            pl.BlockSpec((BM, 16), lambda i: (i, 0)),
            pl.BlockSpec((BM, 128), lambda i: (i, 0)),
        ],
        out_shape=[
            jax.ShapeDtypeStruct((N, 16), jnp.float32),
            jax.ShapeDtypeStruct((N, 128), jnp.float32),
        ],
    )(degp0, degp1, x)


def _tc2_body(s0, s1, r, W1, b1, W3, b3, H):
    rv = r[:, 0:1]
    P0 = (s0[...] + s1[...]) * rv
    L1 = jnp.tanh(_dot(P0, W1[...]) + b1[...])
    L3 = jnp.tanh(_dot(P0, W3[...]) + b3[...])
    H[0] = L1[:, :128] * rv
    H[1] = L1[:, 128:] * rv
    H[2] = L3[:, :128] * rv
    H[3] = L3[:, 128:] * rv


def _tc2(s0, r, W1, b1, W3, b3):
    nb = N // BM
    return pl.pallas_call(
        _tc2_body,
        grid=(nb,),
        in_specs=[
            pl.BlockSpec((BM, 128), lambda i: (i, 0)),
            pl.BlockSpec((BM, 128), lambda i, o=nb: (o + i, 0)),
            pl.BlockSpec((BM, 16), lambda i: (i, 0)),
            pl.BlockSpec((128, 256), lambda i: (0, 0)),
            pl.BlockSpec((1, 256), lambda i: (0, 0)),
            pl.BlockSpec((128, 256), lambda i: (0, 0)),
            pl.BlockSpec((1, 256), lambda i: (0, 0)),
        ],
        out_specs=pl.BlockSpec((4, BM, 128), lambda i: (0, i, 0)),
        out_shape=jax.ShapeDtypeStruct((4, N, 128), jnp.float32),
    )(s0, s0, r, W1, b1, W3, b3)


def _tc3a_body(p0, p1, p2, p3, x, r,
               W2, b2, W4, b4, W7b, W7c, e7, vmax):
    i = pl.program_id(0)
    rv = r[:, 0:1]
    P1 = jnp.concatenate([p0[...] * rv, p1[...] * rv], axis=1)
    L2 = jnp.tanh(_dot(P1, W2[...]) + b2[...])
    vb = jnp.broadcast_to(jnp.max(L2, axis=0, keepdims=True), (8, 512))

    @pl.when(i == 0)
    def _():
        vmax[...] = vb

    @pl.when(i > 0)
    def _():
        vmax[...] = jnp.maximum(vmax[...], vb)

    P2 = jnp.concatenate([p2[...] * rv, p3[...] * rv], axis=1)
    L4 = jnp.tanh(_dot(P2, W4[...]) + b4[...])
    e7[...] = _dot(L4, W7b[...]) + _dot(x[...], W7c[...])


def _tc3a(s13, x, r, W2, b2, W4, b4, W7b, W7c):
    nb = N // BM
    specs = []
    for blk in range(4):
        o = blk * nb
        specs.append(pl.BlockSpec((BM, 128), lambda i, o=o: (o + i, 0)))
    return pl.pallas_call(
        _tc3a_body,
        grid=(nb,),
        in_specs=specs + [
            pl.BlockSpec((BM, 128), lambda i: (i, 0)),
            pl.BlockSpec((BM, 16), lambda i: (i, 0)),
            pl.BlockSpec((256, 512), lambda i: (0, 0)),
            pl.BlockSpec((1, 512), lambda i: (0, 0)),
            pl.BlockSpec((256, 512), lambda i: (0, 0)),
            pl.BlockSpec((1, 512), lambda i: (0, 0)),
            pl.BlockSpec((512, 128), lambda i: (0, 0)),
            pl.BlockSpec((128, 128), lambda i: (0, 0)),
        ],
        out_specs=[
            pl.BlockSpec((BM, 128), lambda i: (i, 0)),
            pl.BlockSpec((8, 512), lambda i: (0, 0)),
        ],
        out_shape=[
            jax.ShapeDtypeStruct((N, 128), jnp.float32),
            jax.ShapeDtypeStruct((8, 512), jnp.float32),
        ],
    )(s13, s13, s13, s13, x, r, W2, b2, W4, b4, W7b, W7c)


def _tc3b_body(e7, vmax, W7a, r, h7n):
    u = _dot(vmax[0:1], W7a[...])
    h7n[...] = (e7[...] + u) * r[:, 0:1]


def _tc3b(e7, vmax, W7a, r):
    return pl.pallas_call(
        _tc3b_body,
        grid=(N // BM,),
        in_specs=[
            pl.BlockSpec((BM, 128), lambda i: (i, 0)),
            pl.BlockSpec((8, 512), lambda i: (0, 0)),
            pl.BlockSpec((512, 128), lambda i: (0, 0)),
            pl.BlockSpec((BM, 16), lambda i: (i, 0)),
        ],
        out_specs=pl.BlockSpec((BM, 128), lambda i: (i, 0)),
        out_shape=jax.ShapeDtypeStruct((N, 128), jnp.float32),
    )(e7, vmax, W7a, r)


def _tc4_body(p0, p1, r, b7, out):
    out[...] = jnp.tanh((p0[...] + p1[...]) * r[:, 0:1] + b7[...])


def _tc4(sc4, r, b7):
    nb = N // BM
    return pl.pallas_call(
        _tc4_body,
        grid=(nb,),
        in_specs=[
            pl.BlockSpec((BM, 128), lambda i: (i, 0)),
            pl.BlockSpec((BM, 128), lambda i, o=nb: (o + i, 0)),
            pl.BlockSpec((BM, 16), lambda i: (i, 0)),
            pl.BlockSpec((1, 128), lambda i: (0, 0)),
        ],
        out_specs=pl.BlockSpec((BM, 128), lambda i: (i, 0)),
        out_shape=jax.ShapeDtypeStruct((N, 128), jnp.float32),
    )(sc4, sc4, r, b7)



def kernel(x, edge_index, batch, W1, b1, W2, b2, W3, b3, W4, b4, W7, b7):
    src = edge_index[0]
    dst = edge_index[1]

    npad = EP - E
    pad_src = (jnp.arange(npad, dtype=jnp.int32) * 97) % N
    pad_dst = N + (jnp.arange(npad, dtype=jnp.int32) % (NP - N))
    src_p = jnp.concatenate([src, pad_src])
    dst_p = jnp.concatenate([dst, pad_dst])
    dst2d = dst_p.reshape(NCH, CHUNK)
    src4 = (src_p[None, :]
            + (jnp.arange(4, dtype=jnp.int32) * N)[:, None]).reshape(4 * NCH, CHUNK)
    src1 = src4[:NCH]

    zeros = jnp.zeros((N, 128), jnp.float32)

    degp = _sc_degree(dst_p)
    r, xn = _tc1(degp[:N].reshape(N, 1), degp[NP:NP + N].reshape(N, 1), x)

    s0 = _sc_prop1(xn, src1, dst2d, zeros)
    H = _tc2(s0, r, W1, b1.reshape(1, 256), W3, b3.reshape(1, 256))

    s13 = _sc_prop4(H.reshape(4 * N, 128), src4, dst2d)
    e7, vmax = _tc3a(s13, x, r, W2, b2.reshape(1, 512), W4, b4.reshape(1, 512),
                     W7[512:1024], W7[1024:])
    h7n = _tc3b(e7, vmax, W7[:512], r)

    sc4 = _sc_prop1(h7n, src1, dst2d, zeros)
    return _tc4(sc4, r, b7.reshape(1, 128))

# --- scband reference (transcript-rebuilt; emitter-appended) ---
"""Pipeline reference for scband-inception-l-16166256902763 (READ-ONLY COPY).

The authoritative reference and input builder live on the scoring server;
editing this copy changes nothing except your own understanding.
"""

import jax, jax.numpy as jnp
import numpy as np

N = 10000
E = 320000
D = 128
G = 64
OUT = 128


def _init_w(key, fan_in, fan_out):
    s = 1.0 / np.sqrt(fan_in)
    return jax.random.uniform(key, (fan_in, fan_out), dtype=jnp.float32, minval=-s, maxval=s)


def setup_inputs(seed: int = 0):
    key = jax.random.key(seed)
    ks = jax.random.split(key, 14)
    x = jax.random.normal(ks[0], (N, D), dtype=jnp.float32)
    edge_index = jax.random.randint(ks[1], (2, E), 0, N, dtype=jnp.int32)
    batch = jnp.sort(jax.random.randint(ks[2], (N,), 0, G, dtype=jnp.int32))
    W1 = _init_w(ks[3], D, 2 * D)
    b1 = jnp.zeros((2 * D,), dtype=jnp.float32)
    W2 = _init_w(ks[4], 2 * D, 4 * D)
    b2 = jnp.zeros((4 * D,), dtype=jnp.float32)
    W3 = _init_w(ks[5], D, 2 * D)
    b3 = jnp.zeros((2 * D,), dtype=jnp.float32)
    W4 = _init_w(ks[6], 2 * D, 4 * D)
    b4 = jnp.zeros((4 * D,), dtype=jnp.float32)
    W7 = _init_w(ks[7], 9 * D, OUT)
    b7 = jnp.zeros((OUT,), dtype=jnp.float32)
    return {"x": x, "edge_index": edge_index, "batch": batch,
            "W1": W1, "b1": b1, "W2": W2, "b2": b2,
            "W3": W3, "b3": b3, "W4": W4, "b4": b4,
            "W7": W7, "b7": b7}


def gcn_conv(x, src, dst, W, b):
    # PyG GCNConv: add self-loops, symmetric normalization, linear, scatter-add, bias
    n = x.shape[0]
    h = x @ W
    loop = jnp.arange(n, dtype=src.dtype)
    s = jnp.concatenate([src, loop])
    d = jnp.concatenate([dst, loop])
    deg = jnp.zeros((n,), dtype=h.dtype).at[d].add(1.0)
    inv_sqrt = jax.lax.rsqrt(deg)
    coef = inv_sqrt[s] * inv_sqrt[d]
    msg = h[s] * coef[:, None]
    agg = jnp.zeros_like(h).at[d].add(msg)
    return agg + b


def reference(x, edge_index, batch, W1, b1, W2, b2, W3, b3, W4, b4, W7, b7):
    src, dst = edge_index[0], edge_index[1]
    n = x.shape[0]
    i1 = jnp.tanh(gcn_conv(x, src, dst, W1, b1))
    i1 = jnp.tanh(gcn_conv(i1, src, dst, W2, b2))
    i1 = jax.ops.segment_max(i1, batch, num_segments=G)
    i1 = jnp.max(i1, axis=0, keepdims=True)
    i1 = jnp.broadcast_to(i1, (n, i1.shape[1]))
    i2 = jnp.tanh(gcn_conv(x, src, dst, W3, b3))
    i2 = jnp.tanh(gcn_conv(i2, src, dst, W4, b4))
    c = jnp.concatenate([i1, i2, x], axis=1)
    return jnp.tanh(gcn_conv(c, src, dst, W7, b7))

if __name__ == "__main__":
    import jax
    _d = setup_inputs()
    print(jax.jit(kernel)(*tuple(_d.values())))

</pallas_src>

<mosaic_0001>
#map = affine_map<(d0, d1) -> (0, 0)>
module attributes {stable_mosaic.version = 14 : i64} {
  func.func @_sc_prop4(%arg0: i32, %arg1: i32, %arg2: memref<40000x128xf32, #tpu.memory_space<hbm>>, %arg3: memref<10240x128xi32, #tpu.memory_space<hbm>>, %arg4: memref<2560x128xi32, #tpu.memory_space<hbm>>, %arg5: memref<40000x128xf32, #tpu.memory_space<hbm>>, %arg6: memref<40x128xi32, #tpu.memory_space<vmem>>, %arg7: memref<40x128xi32, #tpu.memory_space<vmem>>, %arg8: memref<128x128xf32, #tpu.memory_space<vmem>>, %arg9: memref<128x128xf32, #tpu.memory_space<vmem>>, %arg10: memref<10240x128xf32, #tpu.memory_space<vmem_shared>>, %arg11: memref<!tpu.dma_semaphore, #tpu.memory_space<semaphore_mem>>, %arg12: memref<!tpu.dma_semaphore, #tpu.memory_space<semaphore_mem>>) attributes {dimension_semantics = [#tpu.dimension_semantics<core_parallel>, #tpu.dimension_semantics<subcore_parallel>], iteration_bounds = array<i64: 2, 16>, scalar_prefetch = 0 : i64, scratch_operands = 7 : i64, tpu.core_type = #tpu.core_type<sc_vector_subcore>, window_params = [{transform_indices = #map}, {transform_indices = #map}, {transform_indices = #map}, {transform_indices = #map}]} {
    %mul3A = arith.constant 2 : i32
    %mul3A_0 = arith.muli %arg0, %mul3A : i32
    %add3A = arith.constant 0 : i32
    %add3A_1 = arith.addi %mul3A_0, %add3A : i32
    %lt3A = arith.constant 15 : i32
    %lt3A_2 = arith.cmpi slt, %arg1, %lt3A : i32
    %convert_element_type3A = arith.extui %lt3A_2 : i1 to i32
    %cond3A = arith.constant 0 : i32
    %cond3A_3 = arith.cmpi ne, %convert_element_type3A, %cond3A : i32
    scf.if %cond3A_3 {
      %mul3A_235 = arith.constant 632 : i32
      %mul3A_236 = arith.muli %arg1, %mul3A_235 : i32
      %mul3A_237 = arith.constant 10000 : i32
      %mul3A_238 = arith.muli %add3A_1, %mul3A_237 : i32
      %add3A_239 = arith.addi %mul3A_238, %mul3A_236 : i32
      "tpu.region"() ({
        %run_scoped3A = tpu.sem_alloc : memref<!tpu.dma_semaphore, #tpu.memory_space<semaphore_mem>>
        %dma_start3A_240 = arith.constant 0 : i32
        %dma_start3A_241 = tpu.memref_slice %arg10[%mul3A_236, %dma_start3A_240] : memref<10240x128xf32, #tpu.memory_space<vmem_shared>> -> memref<632x128xf32, #tpu.memory_space<vmem_shared>>
        %dma_start3A_242 = arith.constant 0 : i32
        %dma_start3A_243 = tpu.memref_slice %arg2[%add3A_239, %dma_start3A_242] : memref<40000x128xf32, #tpu.memory_space<hbm>> -> memref<632x128xf32, #tpu.memory_space<hbm>>
        tpu.enqueue_dma source(%dma_start3A_243 : memref<632x128xf32, #tpu.memory_space<hbm>>) target(%dma_start3A_241 : memref<632x128xf32, #tpu.memory_space<vmem_shared>>) target_semaphore(%run_scoped3A : memref<!tpu.dma_semaphore, #tpu.memory_space<semaphore_mem>>)
        %dma_wait3A = arith.constant 0 : i32
        %dma_wait3A_244 = tpu.memref_slice %arg10[%mul3A_236, %dma_wait3A] : memref<10240x128xf32, #tpu.memory_space<vmem_shared>> -> memref<632x128xf32, #tpu.memory_space<vmem_shared>>
        %dma_wait3A_245 = arith.constant 0 : i32
        %dma_wait3A_246 = tpu.memref_slice %arg2[%add3A_239, %dma_wait3A_245] : memref<40000x128xf32, #tpu.memory_space<hbm>> -> memref<632x128xf32, #tpu.memory_space<hbm>>
        tpu.wait_dma2 semaphore(%run_scoped3A : memref<!tpu.dma_semaphore, #tpu.memory_space<semaphore_mem>>) src(%dma_wait3A_246 : memref<632x128xf32, #tpu.memory_space<hbm>>) dst(%dma_wait3A_244 : memref<632x128xf32, #tpu.memory_space<vmem_shared>>)
        tpu.yield
      }) : () -> ()
    } else {
    }
    %eq3A = arith.constant 15 : i32
    %eq3A_4 = arith.cmpi eq, %arg1, %eq3A : i32
    %convert_element_type3A_5 = arith.extui %eq3A_4 : i1 to i32
    %cond3A_6 = arith.constant 0 : i32
    %cond3A_7 = arith.cmpi ne, %convert_element_type3A_5, %cond3A_6 : i32
    scf.if %cond3A_7 {
      %mul3A_235 = arith.constant 10000 : i32
      %mul3A_236 = arith.muli %add3A_1, %mul3A_235 : i32
      %add3A_237 = arith.constant 9480 : i32
      %add3A_238 = arith.addi %mul3A_236, %add3A_237 : i32
      "tpu.region"() ({
        %run_scoped3A = tpu.sem_alloc : memref<!tpu.dma_semaphore, #tpu.memory_space<semaphore_mem>>
        %dma_start3A_239 = arith.constant 9480 : i32
        %dma_start3A_240 = arith.constant 0 : i32
        %dma_start3A_241 = tpu.memref_slice %arg10[%dma_start3A_239, %dma_start3A_240] : memref<10240x128xf32, #tpu.memory_space<vmem_shared>> -> memref<520x128xf32, #tpu.memory_space<vmem_shared>>
        %dma_start3A_242 = arith.constant 0 : i32
        %dma_start3A_243 = tpu.memref_slice %arg2[%add3A_238, %dma_start3A_242] : memref<40000x128xf32, #tpu.memory_space<hbm>> -> memref<520x128xf32, #tpu.memory_space<hbm>>
        tpu.enqueue_dma source(%dma_start3A_243 : memref<520x128xf32, #tpu.memory_space<hbm>>) target(%dma_start3A_241 : memref<520x128xf32, #tpu.memory_space<vmem_shared>>) target_semaphore(%run_scoped3A : memref<!tpu.dma_semaphore, #tpu.memory_space<semaphore_mem>>)
        %dma_wait3A = arith.constant 9480 : i32
        %dma_wait3A_244 = arith.constant 0 : i32
        %dma_wait3A_245 = tpu.memref_slice %arg10[%dma_wait3A, %dma_wait3A_244] : memref<10240x128xf32, #tpu.memory_space<vmem_shared>> -> memref<520x128xf32, #tpu.memory_space<vmem_shared>>
        %dma_wait3A_246 = arith.constant 0 : i32
        %dma_wait3A_247 = tpu.memref_slice %arg2[%add3A_238, %dma_wait3A_246] : memref<40000x128xf32, #tpu.memory_space<hbm>> -> memref<520x128xf32, #tpu.memory_space<hbm>>
        tpu.wait_dma2 semaphore(%run_scoped3A : memref<!tpu.dma_semaphore, #tpu.memory_space<semaphore_mem>>) src(%dma_wait3A_247 : memref<520x128xf32, #tpu.memory_space<hbm>>) dst(%dma_wait3A_245 : memref<520x128xf32, #tpu.memory_space<vmem_shared>>)
        tpu.yield
      }) : () -> ()
    } else {
    }
    %barrier3A = arith.constant 0 : index
    tpu.barrier barrier_id(%barrier3A)
    %mul3A_8 = arith.constant 2560 : i32
    %mul3A_9 = arith.muli %add3A_1, %mul3A_8 : i32
    %mul3A_10 = arith.constant 160 : i32
    %mul3A_11 = arith.muli %arg1, %mul3A_10 : i32
    %add3A_12 = arith.addi %mul3A_9, %mul3A_11 : i32
    %add3A_13 = arith.constant 0 : i32
    %add3A_14 = arith.addi %add3A_12, %add3A_13 : i32
    %mul3A_15 = arith.constant 160 : i32
    %mul3A_16 = arith.muli %arg1, %mul3A_15 : i32
    %add3A_17 = arith.constant 0 : i32
    %add3A_18 = arith.addi %mul3A_16, %add3A_17 : i32
    "tpu.region"() ({
      %run_scoped3A = tpu.sem_alloc : memref<!tpu.dma_semaphore, #tpu.memory_space<semaphore_mem>>
      %dma_start3A_235 = arith.constant 0 : i32
      %dma_start3A_236 = tpu.memref_slice %arg3[%add3A_14, %dma_start3A_235] : memref<10240x128xi32, #tpu.memory_space<hbm>> -> memref<40x128xi32, #tpu.memory_space<hbm>>
      %dma_start3A_237 = arith.constant 0 : i32
      %dma_start3A_238 = tpu.memref_slice %arg3[%add3A_14, %dma_start3A_237] : memref<10240x128xi32, #tpu.memory_space<hbm>> -> memref<40x128xi32, #tpu.memory_space<hbm>>
      tpu.enqueue_dma source(%dma_start3A_238 : memref<40x128xi32, #tpu.memory_space<hbm>>) target(%arg6 : memref<40x128xi32, #tpu.memory_space<vmem>>) target_semaphore(%run_scoped3A : memref<!tpu.dma_semaphore, #tpu.memory_space<semaphore_mem>>)
      %dma_wait3A = arith.constant 0 : i32
      %dma_wait3A_239 = tpu.memref_slice %arg3[%add3A_14, %dma_wait3A] : memref<10240x128xi32, #tpu.memory_space<hbm>> -> memref<40x128xi32, #tpu.memory_space<hbm>>
      %dma_wait3A_240 = arith.constant 0 : i32
      %dma_wait3A_241 = tpu.memref_slice %arg3[%add3A_14, %dma_wait3A_240] : memref<10240x128xi32, #tpu.memory_space<hbm>> -> memref<40x128xi32, #tpu.memory_space<hbm>>
      tpu.wait_dma2 semaphore(%run_scoped3A : memref<!tpu.dma_semaphore, #tpu.memory_space<semaphore_mem>>) src(%dma_wait3A_241 : memref<40x128xi32, #tpu.memory_space<hbm>>) dst(%arg6 : memref<40x128xi32, #tpu.memory_space<vmem>>)
      tpu.yield
    }) : () -> ()
    "tpu.region"() ({
      %run_scoped3A = tpu.sem_alloc : memref<!tpu.dma_semaphore, #tpu.memory_space<semaphore_mem>>
      %dma_start3A_235 = arith.constant 0 : i32
      %dma_start3A_236 = tpu.memref_slice %arg4[%add3A_18, %dma_start3A_235] : memref<2560x128xi32, #tpu.memory_space<hbm>> -> memref<40x128xi32, #tpu.memory_space<hbm>>
      %dma_start3A_237 = arith.constant 0 : i32
      %dma_start3A_238 = tpu.memref_slice %arg4[%add3A_18, %dma_start3A_237] : memref<2560x128xi32, #tpu.memory_space<hbm>> -> memref<40x128xi32, #tpu.memory_space<hbm>>
      tpu.enqueue_dma source(%dma_start3A_238 : memref<40x128xi32, #tpu.memory_space<hbm>>) target(%arg7 : memref<40x128xi32, #tpu.memory_space<vmem>>) target_semaphore(%run_scoped3A : memref<!tpu.dma_semaphore, #tpu.memory_space<semaphore_mem>>)
      %dma_wait3A = arith.constant 0 : i32
      %dma_wait3A_239 = tpu.memref_slice %arg4[%add3A_18, %dma_wait3A] : memref<2560x128xi32, #tpu.memory_space<hbm>> -> memref<40x128xi32, #tpu.memory_space<hbm>>
      %dma_wait3A_240 = arith.constant 0 : i32
      %dma_wait3A_241 = tpu.memref_slice %arg4[%add3A_18, %dma_wait3A_240] : memref<2560x128xi32, #tpu.memory_space<hbm>> -> memref<40x128xi32, #tpu.memory_space<hbm>>
      tpu.wait_dma2 semaphore(%run_scoped3A : memref<!tpu.dma_semaphore, #tpu.memory_space<semaphore_mem>>) src(%dma_wait3A_241 : memref<40x128xi32, #tpu.memory_space<hbm>>) dst(%arg7 : memref<40x128xi32, #tpu.memory_space<vmem>>)
      tpu.yield
    }) : () -> ()
    %dma_start3A = arith.constant 0 : i32
    %dma_start3A_19 = arith.constant 0 : i32
    %dma_start3A_20 = tpu.memref_slice %arg6[%dma_start3A, %dma_start3A_19] : memref<40x128xi32, #tpu.memory_space<vmem>> -> memref<1x128xi32, #tpu.memory_space<vmem>>
    %dma_start3A_21 = tpu.memref_squeeze %dma_start3A_20 : memref<1x128xi32, #tpu.memory_space<vmem>> -> memref<128xi32, #tpu.memory_space<vmem>>
    %dma_start3A_22 = arith.constant 0 : i32
    %dma_start3A_23 = arith.constant 0 : i32
    %dma_start3A_24 = tpu.memref_slice %arg2[%dma_start3A_22, %dma_start3A_23] : memref<40000x128xf32, #tpu.memory_space<hbm>> -> memref<40000x128xf32, #tpu.memory_space<hbm>>
    tpu.enqueue_indirect_dma source(%dma_start3A_24 : memref<40000x128xf32, #tpu.memory_space<hbm>>) target(%arg8 : memref<128x128xf32, #tpu.memory_space<vmem>>) offsets(%dma_start3A_21 : memref<128xi32, #tpu.memory_space<vmem>>) semaphore(%arg11 : memref<!tpu.dma_semaphore, #tpu.memory_space<semaphore_mem>>)
    %scan3A = arith.constant 0 : i32
    %scan3A_25 = arith.constant 0 : i32
    %scan3A_26 = arith.constant 20 : i32
    %scan3A_27 = arith.addi %scan3A_25, %scan3A_26 : i32
    %scan3A_28 = arith.constant 1 : i32
    scf.for %scan3A_235 = %scan3A_25 to %scan3A_27 step %scan3A_28  : i32 {
      %mul3A_236 = arith.constant 2 : i32
      %mul3A_237 = arith.muli %mul3A_236, %scan3A_235 : i32
      %add3A_238 = arith.constant 1 : i32
      %add3A_239 = arith.addi %mul3A_237, %add3A_238 : i32
      %dma_start3A_240 = arith.constant 0 : i32
      %dma_start3A_241 = tpu.memref_slice %arg6[%add3A_239, %dma_start3A_240] : memref<40x128xi32, #tpu.memory_space<vmem>> -> memref<1x128xi32, #tpu.memory_space<vmem>>
      %dma_start3A_242 = tpu.memref_squeeze %dma_start3A_241 : memref<1x128xi32, #tpu.memory_space<vmem>> -> memref<128xi32, #tpu.memory_space<vmem>>
      %dma_start3A_243 = arith.constant 0 : i32
      %dma_start3A_244 = arith.constant 0 : i32
      %dma_start3A_245 = tpu.memref_slice %arg2[%dma_start3A_243, %dma_start3A_244] : memref<40000x128xf32, #tpu.memory_space<hbm>> -> memref<40000x128xf32, #tpu.memory_space<hbm>>
      tpu.enqueue_indirect_dma source(%dma_start3A_245 : memref<40000x128xf32, #tpu.memory_space<hbm>>) target(%arg9 : memref<128x128xf32, #tpu.memory_space<vmem>>) offsets(%dma_start3A_242 : memref<128xi32, #tpu.memory_space<vmem>>) semaphore(%arg12 : memref<!tpu.dma_semaphore, #tpu.memory_space<semaphore_mem>>)
      %dma_wait3A = arith.constant 0 : i32
      %dma_wait3A_246 = tpu.memref_slice %arg6[%mul3A_237, %dma_wait3A] : memref<40x128xi32, #tpu.memory_space<vmem>> -> memref<1x128xi32, #tpu.memory_space<vmem>>
      %dma_wait3A_247 = tpu.memref_squeeze %dma_wait3A_246 : memref<1x128xi32, #tpu.memory_space<vmem>> -> memref<128xi32, #tpu.memory_space<vmem>>
      %dma_wait3A_248 = arith.constant 0 : i32
      %dma_wait3A_249 = arith.constant 0 : i32
      %dma_wait3A_250 = tpu.memref_slice %arg2[%dma_wait3A_248, %dma_wait3A_249] : memref<40000x128xf32, #tpu.memory_space<hbm>> -> memref<40000x128xf32, #tpu.memory_space<hbm>>
      tpu.wait_indirect_dma semaphore(%arg11 : memref<!tpu.dma_semaphore, #tpu.memory_space<semaphore_mem>>) src(%dma_wait3A_250 : memref<40000x128xf32, #tpu.memory_space<hbm>>) dst(%arg8 : memref<128x128xf32, #tpu.memory_space<vmem>>)
      "tpu.region"() ({
        %run_scoped3A = tpu.sem_alloc : memref<!tpu.dma_semaphore, #tpu.memory_space<semaphore_mem>>
        %dma_start3A_268 = arith.constant 0 : i32
        %dma_start3A_269 = tpu.memref_slice %arg7[%mul3A_237, %dma_start3A_268] : memref<40x128xi32, #tpu.memory_space<vmem>> -> memref<1x128xi32, #tpu.memory_space<vmem>>
        %dma_start3A_270 = tpu.memref_squeeze %dma_start3A_269 : memref<1x128xi32, #tpu.memory_space<vmem>> -> memref<128xi32, #tpu.memory_space<vmem>>
        %dma_start3A_271 = arith.constant 0 : i32
        %dma_start3A_272 = arith.constant 0 : i32
        %dma_start3A_273 = tpu.memref_slice %arg10[%dma_start3A_271, %dma_start3A_272] : memref<10240x128xf32, #tpu.memory_space<vmem_shared>> -> memref<10240x128xf32, #tpu.memory_space<vmem_shared>>
        tpu.enqueue_indirect_dma source(%arg8 : memref<128x128xf32, #tpu.memory_space<vmem>>) target(%dma_start3A_273 : memref<10240x128xf32, #tpu.memory_space<vmem_shared>>) offsets(%dma_start3A_270 : memref<128xi32, #tpu.memory_space<vmem>>) semaphore(%run_scoped3A : memref<!tpu.dma_semaphore, #tpu.memory_space<semaphore_mem>>) {add = true}
        %dma_wait3A_274 = arith.constant 0 : i32
        %dma_wait3A_275 = tpu.memref_slice %arg7[%mul3A_237, %dma_wait3A_274] : memref<40x128xi32, #tpu.memory_space<vmem>> -> memref<1x128xi32, #tpu.memory_space<vmem>>
        %dma_wait3A_276 = tpu.memref_squeeze %dma_wait3A_275 : memref<1x128xi32, #tpu.memory_space<vmem>> -> memref<128xi32, #tpu.memory_space<vmem>>
        %dma_wait3A_277 = arith.constant 0 : i32
        %dma_wait3A_278 = arith.constant 0 : i32
        %dma_wait3A_279 = tpu.memref_slice %arg10[%dma_wait3A_277, %dma_wait3A_278] : memref<10240x128xf32, #tpu.memory_space<vmem_shared>> -> memref<10240x128xf32, #tpu.memory_space<vmem_shared>>
        tpu.wait_indirect_dma semaphore(%run_scoped3A : memref<!tpu.dma_semaphore, #tpu.memory_space<semaphore_mem>>) src(%arg8 : memref<128x128xf32, #tpu.memory_space<vmem>>) dst(%dma_wait3A_279 : memref<10240x128xf32, #tpu.memory_space<vmem_shared>>)
        tpu.yield
      }) : () -> ()
      %add3A_251 = arith.constant 2 : i32
      %add3A_252 = arith.addi %mul3A_237, %add3A_251 : i32
      %lt3A_253 = arith.constant 40 : i32
      %lt3A_254 = arith.cmpi slt, %add3A_252, %lt3A_253 : i32
      %convert_element_type3A_255 = arith.extui %lt3A_254 : i1 to i32
      %cond3A_256 = arith.constant 0 : i32
      %cond3A_257 = arith.cmpi ne, %convert_element_type3A_255, %cond3A_256 : i32
      scf.if %cond3A_257 {
        %add3A_268 = arith.constant 2 : i32
        %add3A_269 = arith.addi %mul3A_237, %add3A_268 : i32
        %dma_start3A_270 = arith.constant 0 : i32
        %dma_start3A_271 = tpu.memref_slice %arg6[%add3A_269, %dma_start3A_270] : memref<40x128xi32, #tpu.memory_space<vmem>> -> memref<1x128xi32, #tpu.memory_space<vmem>>
        %dma_start3A_272 = tpu.memref_squeeze %dma_start3A_271 : memref<1x128xi32, #tpu.memory_space<vmem>> -> memref<128xi32, #tpu.memory_space<vmem>>
        %dma_start3A_273 = arith.constant 0 : i32
        %dma_start3A_274 = arith.constant 0 : i32
        %dma_start3A_275 = tpu.memref_slice %arg2[%dma_start3A_273, %dma_start3A_274] : memref<40000x128xf32, #tpu.memory_space<hbm>> -> memref<40000x128xf32, #tpu.memory_space<hbm>>
        tpu.enqueue_indirect_dma source(%dma_start3A_275 : memref<40000x128xf32, #tpu.memory_space<hbm>>) target(%arg8 : memref<128x128xf32, #tpu.memory_space<vmem>>) offsets(%dma_start3A_272 : memref<128xi32, #tpu.memory_space<vmem>>) semaphore(%arg11 : memref<!tpu.dma_semaphore, #tpu.memory_space<semaphore_mem>>)
      } else {
      }
      %add3A_258 = arith.constant 1 : i32
      %add3A_259 = arith.addi %mul3A_237, %add3A_258 : i32
      %dma_wait3A_260 = arith.constant 0 : i32
      %dma_wait3A_261 = tpu.memref_slice %arg6[%add3A_259, %dma_wait3A_260] : memref<40x128xi32, #tpu.memory_space<vmem>> -> memref<1x128xi32, #tpu.memory_space<vmem>>
      %dma_wait3A_262 = tpu.memref_squeeze %dma_wait3A_261 : memref<1x128xi32, #tpu.memory_space<vmem>> -> memref<128xi32, #tpu.memory_space<vmem>>
      %dma_wait3A_263 = arith.constant 0 : i32
      %dma_wait3A_264 = arith.constant 0 : i32
      %dma_wait3A_265 = tpu.memref_slice %arg2[%dma_wait3A_263, %dma_wait3A_264] : memref<40000x128xf32, #tpu.memory_space<hbm>> -> memref<40000x128xf32, #tpu.memory_space<hbm>>
      tpu.wait_indirect_dma semaphore(%arg12 : memref<!tpu.dma_semaphore, #tpu.memory_space<semaphore_mem>>) src(%dma_wait3A_265 : memref<40000x128xf32, #tpu.memory_space<hbm>>) dst(%arg9 : memref<128x128xf32, #tpu.memory_space<vmem>>)
      %add3A_266 = arith.constant 1 : i32
      %add3A_267 = arith.addi %mul3A_237, %add3A_266 : i32
      "tpu.region"() ({
        %run_scoped3A = tpu.sem_alloc : memref<!tpu.dma_semaphore, #tpu.memory_space<semaphore_mem>>
        %dma_start3A_268 = arith.constant 0 : i32
        %dma_start3A_269 = tpu.memref_slice %arg7[%add3A_267, %dma_start3A_268] : memref<40x128xi32, #tpu.memory_space<vmem>> -> memref<1x128xi32, #tpu.memory_space<vmem>>
        %dma_start3A_270 = tpu.memref_squeeze %dma_start3A_269 : memref<1x128xi32, #tpu.memory_space<vmem>> -> memref<128xi32, #tpu.memory_space<vmem>>
        %dma_start3A_271 = arith.constant 0 : i32
        %dma_start3A_272 = arith.constant 0 : i32
        %dma_start3A_273 = tpu.memref_slice %arg10[%dma_start3A_271, %dma_start3A_272] : memref<10240x128xf32, #tpu.memory_space<vmem_shared>> -> memref<10240x128xf32, #tpu.memory_space<vmem_shared>>
        tpu.enqueue_indirect_dma source(%arg9 : memref<128x128xf32, #tpu.memory_space<vmem>>) target(%dma_start3A_273 : memref<10240x128xf32, #tpu.memory_space<vmem_shared>>) offsets(%dma_start3A_270 : memref<128xi32, #tpu.memory_space<vmem>>) semaphore(%run_scoped3A : memref<!tpu.dma_semaphore, #tpu.memory_space<semaphore_mem>>) {add = true}
        %dma_wait3A_274 = arith.constant 0 : i32
        %dma_wait3A_275 = tpu.memref_slice %arg7[%add3A_267, %dma_wait3A_274] : memref<40x128xi32, #tpu.memory_space<vmem>> -> memref<1x128xi32, #tpu.memory_space<vmem>>
        %dma_wait3A_276 = tpu.memref_squeeze %dma_wait3A_275 : memref<1x128xi32, #tpu.memory_space<vmem>> -> memref<128xi32, #tpu.memory_space<vmem>>
        %dma_wait3A_277 = arith.constant 0 : i32
        %dma_wait3A_278 = arith.constant 0 : i32
        %dma_wait3A_279 = tpu.memref_slice %arg10[%dma_wait3A_277, %dma_wait3A_278] : memref<10240x128xf32, #tpu.memory_space<vmem_shared>> -> memref<10240x128xf32, #tpu.memory_space<vmem_shared>>
        tpu.wait_indirect_dma semaphore(%run_scoped3A : memref<!tpu.dma_semaphore, #tpu.memory_space<semaphore_mem>>) src(%arg9 : memref<128x128xf32, #tpu.memory_space<vmem>>) dst(%dma_wait3A_279 : memref<10240x128xf32, #tpu.memory_space<vmem_shared>>)
        tpu.yield
      }) : () -> ()
    }
    %scan3A_29 = arith.constant 20 : i32
    %mul3A_30 = arith.constant 2560 : i32
    %mul3A_31 = arith.muli %add3A_1, %mul3A_30 : i32
    %mul3A_32 = arith.constant 160 : i32
    %mul3A_33 = arith.muli %arg1, %mul3A_32 : i32
    %add3A_34 = arith.addi %mul3A_31, %mul3A_33 : i32
    %add3A_35 = arith.constant 40 : i32
    %add3A_36 = arith.addi %add3A_34, %add3A_35 : i32
    %mul3A_37 = arith.constant 160 : i32
    %mul3A_38 = arith.muli %arg1, %mul3A_37 : i32
    %add3A_39 = arith.constant 40 : i32
    %add3A_40 = arith.addi %mul3A_38, %add3A_39 : i32
    "tpu.region"() ({
      %run_scoped3A = tpu.sem_alloc : memref<!tpu.dma_semaphore, #tpu.memory_space<semaphore_mem>>
      %dma_start3A_235 = arith.constant 0 : i32
      %dma_start3A_236 = tpu.memref_slice %arg3[%add3A_36, %dma_start3A_235] : memref<10240x128xi32, #tpu.memory_space<hbm>> -> memref<40x128xi32, #tpu.memory_space<hbm>>
      %dma_start3A_237 = arith.constant 0 : i32
      %dma_start3A_238 = tpu.memref_slice %arg3[%add3A_36, %dma_start3A_237] : memref<10240x128xi32, #tpu.memory_space<hbm>> -> memref<40x128xi32, #tpu.memory_space<hbm>>
      tpu.enqueue_dma source(%dma_start3A_238 : memref<40x128xi32, #tpu.memory_space<hbm>>) target(%arg6 : memref<40x128xi32, #tpu.memory_space<vmem>>) target_semaphore(%run_scoped3A : memref<!tpu.dma_semaphore, #tpu.memory_space<semaphore_mem>>)
      %dma_wait3A = arith.constant 0 : i32
      %dma_wait3A_239 = tpu.memref_slice %arg3[%add3A_36, %dma_wait3A] : memref<10240x128xi32, #tpu.memory_space<hbm>> -> memref<40x128xi32, #tpu.memory_space<hbm>>
      %dma_wait3A_240 = arith.constant 0 : i32
      %dma_wait3A_241 = tpu.memref_slice %arg3[%add3A_36, %dma_wait3A_240] : memref<10240x128xi32, #tpu.memory_space<hbm>> -> memref<40x128xi32, #tpu.memory_space<hbm>>
      tpu.wait_dma2 semaphore(%run_scoped3A : memref<!tpu.dma_semaphore, #tpu.memory_space<semaphore_mem>>) src(%dma_wait3A_241 : memref<40x128xi32, #tpu.memory_space<hbm>>) dst(%arg6 : memref<40x128xi32, #tpu.memory_space<vmem>>)
      tpu.yield
    }) : () -> ()
    "tpu.region"() ({
      %run_scoped3A = tpu.sem_alloc : memref<!tpu.dma_semaphore, #tpu.memory_space<semaphore_mem>>
      %dma_start3A_235 = arith.constant 0 : i32
      %dma_start3A_236 = tpu.memref_slice %arg4[%add3A_40, %dma_start3A_235] : memref<2560x128xi32, #tpu.memory_space<hbm>> -> memref<40x128xi32, #tpu.memory_space<hbm>>
      %dma_start3A_237 = arith.constant 0 : i32
      %dma_start3A_238 = tpu.memref_slice %arg4[%add3A_40, %dma_start3A_237] : memref<2560x128xi32, #tpu.memory_space<hbm>> -> memref<40x128xi32, #tpu.memory_space<hbm>>
      tpu.enqueue_dma source(%dma_start3A_238 : memref<40x128xi32, #tpu.memory_space<hbm>>) target(%arg7 : memref<40x128xi32, #tpu.memory_space<vmem>>) target_semaphore(%run_scoped3A : memref<!tpu.dma_semaphore, #tpu.memory_space<semaphore_mem>>)
      %dma_wait3A = arith.constant 0 : i32
      %dma_wait3A_239 = tpu.memref_slice %arg4[%add3A_40, %dma_wait3A] : memref<2560x128xi32, #tpu.memory_space<hbm>> -> memref<40x128xi32, #tpu.memory_space<hbm>>
      %dma_wait3A_240 = arith.constant 0 : i32
      %dma_wait3A_241 = tpu.memref_slice %arg4[%add3A_40, %dma_wait3A_240] : memref<2560x128xi32, #tpu.memory_space<hbm>> -> memref<40x128xi32, #tpu.memory_space<hbm>>
      tpu.wait_dma2 semaphore(%run_scoped3A : memref<!tpu.dma_semaphore, #tpu.memory_space<semaphore_mem>>) src(%dma_wait3A_241 : memref<40x128xi32, #tpu.memory_space<hbm>>) dst(%arg7 : memref<40x128xi32, #tpu.memory_space<vmem>>)
      tpu.yield
    }) : () -> ()
    %dma_start3A_41 = arith.constant 0 : i32
    %dma_start3A_42 = arith.constant 0 : i32
    %dma_start3A_43 = tpu.memref_slice %arg6[%dma_start3A_41, %dma_start3A_42] : memref<40x128xi32, #tpu.memory_space<vmem>> -> memref<1x128xi32, #tpu.memory_space<vmem>>
    %dma_start3A_44 = tpu.memref_squeeze %dma_start3A_43 : memref<1x128xi32, #tpu.memory_space<vmem>> -> memref<128xi32, #tpu.memory_space<vmem>>
    %dma_start3A_45 = arith.constant 0 : i32
    %dma_start3A_46 = arith.constant 0 : i32
    %dma_start3A_47 = tpu.memref_slice %arg2[%dma_start3A_45, %dma_start3A_46] : memref<40000x128xf32, #tpu.memory_space<hbm>> -> memref<40000x128xf32, #tpu.memory_space<hbm>>
    tpu.enqueue_indirect_dma source(%dma_start3A_47 : memref<40000x128xf32, #tpu.memory_space<hbm>>) target(%arg8 : memref<128x128xf32, #tpu.memory_space<vmem>>) offsets(%dma_start3A_44 : memref<128xi32, #tpu.memory_space<vmem>>) semaphore(%arg11 : memref<!tpu.dma_semaphore, #tpu.memory_space<semaphore_mem>>)
    %scan3A_48 = arith.constant 0 : i32
    %scan3A_49 = arith.constant 0 : i32
    %scan3A_50 = arith.constant 20 : i32
    %scan3A_51 = arith.addi %scan3A_49, %scan3A_50 : i32
    %scan3A_52 = arith.constant 1 : i32
    scf.for %scan3A_235 = %scan3A_49 to %scan3A_51 step %scan3A_52  : i32 {
      %mul3A_236 = arith.constant 2 : i32
      %mul3A_237 = arith.muli %mul3A_236, %scan3A_235 : i32
      %add3A_238 = arith.constant 1 : i32
      %add3A_239 = arith.addi %mul3A_237, %add3A_238 : i32
      %dma_start3A_240 = arith.constant 0 : i32
      %dma_start3A_241 = tpu.memref_slice %arg6[%add3A_239, %dma_start3A_240] : memref<40x128xi32, #tpu.memory_space<vmem>> -> memref<1x128xi32, #tpu.memory_space<vmem>>
      %dma_start3A_242 = tpu.memref_squeeze %dma_start3A_241 : memref<1x128xi32, #tpu.memory_space<vmem>> -> memref<128xi32, #tpu.memory_space<vmem>>
      %dma_start3A_243 = arith.constant 0 : i32
      %dma_start3A_244 = arith.constant 0 : i32
      %dma_start3A_245 = tpu.memref_slice %arg2[%dma_start3A_243, %dma_start3A_244] : memref<40000x128xf32, #tpu.memory_space<hbm>> -> memref<40000x128xf32, #tpu.memory_space<hbm>>
      tpu.enqueue_indirect_dma source(%dma_start3A_245 : memref<40000x128xf32, #tpu.memory_space<hbm>>) target(%arg9 : memref<128x128xf32, #tpu.memory_space<vmem>>) offsets(%dma_start3A_242 : memref<128xi32, #tpu.memory_space<vmem>>) semaphore(%arg12 : memref<!tpu.dma_semaphore, #tpu.memory_space<semaphore_mem>>)
      %dma_wait3A = arith.constant 0 : i32
      %dma_wait3A_246 = tpu.memref_slice %arg6[%mul3A_237, %dma_wait3A] : memref<40x128xi32, #tpu.memory_space<vmem>> -> memref<1x128xi32, #tpu.memory_space<vmem>>
      %dma_wait3A_247 = tpu.memref_squeeze %dma_wait3A_246 : memref<1x128xi32, #tpu.memory_space<vmem>> -> memref<128xi32, #tpu.memory_space<vmem>>
      %dma_wait3A_248 = arith.constant 0 : i32
      %dma_wait3A_249 = arith.constant 0 : i32
      %dma_wait3A_250 = tpu.memref_slice %arg2[%dma_wait3A_248, %dma_wait3A_249] : memref<40000x128xf32, #tpu.memory_space<hbm>> -> memref<40000x128xf32, #tpu.memory_space<hbm>>
      tpu.wait_indirect_dma semaphore(%arg11 : memref<!tpu.dma_semaphore, #tpu.memory_space<semaphore_mem>>) src(%dma_wait3A_250 : memref<40000x128xf32, #tpu.memory_space<hbm>>) dst(%arg8 : memref<128x128xf32, #tpu.memory_space<vmem>>)
      "tpu.region"() ({
        %run_scoped3A = tpu.sem_alloc : memref<!tpu.dma_semaphore, #tpu.memory_space<semaphore_mem>>
        %dma_start3A_268 = arith.constant 0 : i32
        %dma_start3A_269 = tpu.memref_slice %arg7[%mul3A_237, %dma_start3A_268] : memref<40x128xi32, #tpu.memory_space<vmem>> -> memref<1x128xi32, #tpu.memory_space<vmem>>
        %dma_start3A_270 = tpu.memref_squeeze %dma_start3A_269 : memref<1x128xi32, #tpu.memory_space<vmem>> -> memref<128xi32, #tpu.memory_space<vmem>>
        %dma_start3A_271 = arith.constant 0 : i32
        %dma_start3A_272 = arith.constant 0 : i32
        %dma_start3A_273 = tpu.memref_slice %arg10[%dma_start3A_271, %dma_start3A_272] : memref<10240x128xf32, #tpu.memory_space<vmem_shared>> -> memref<10240x128xf32, #tpu.memory_space<vmem_shared>>
        tpu.enqueue_indirect_dma source(%arg8 : memref<128x128xf32, #tpu.memory_space<vmem>>) target(%dma_start3A_273 : memref<10240x128xf32, #tpu.memory_space<vmem_shared>>) offsets(%dma_start3A_270 : memref<128xi32, #tpu.memory_space<vmem>>) semaphore(%run_scoped3A : memref<!tpu.dma_semaphore, #tpu.memory_space<semaphore_mem>>) {add = true}
        %dma_wait3A_274 = arith.constant 0 : i32
        %dma_wait3A_275 = tpu.memref_slice %arg7[%mul3A_237, %dma_wait3A_274] : memref<40x128xi32, #tpu.memory_space<vmem>> -> memref<1x128xi32, #tpu.memory_space<vmem>>
        %dma_wait3A_276 = tpu.memref_squeeze %dma_wait3A_275 : memref<1x128xi32, #tpu.memory_space<vmem>> -> memref<128xi32, #tpu.memory_space<vmem>>
        %dma_wait3A_277 = arith.constant 0 : i32
        %dma_wait3A_278 = arith.constant 0 : i32
        %dma_wait3A_279 = tpu.memref_slice %arg10[%dma_wait3A_277, %dma_wait3A_278] : memref<10240x128xf32, #tpu.memory_space<vmem_shared>> -> memref<10240x128xf32, #tpu.memory_space<vmem_shared>>
        tpu.wait_indirect_dma semaphore(%run_scoped3A : memref<!tpu.dma_semaphore, #tpu.memory_space<semaphore_mem>>) src(%arg8 : memref<128x128xf32, #tpu.memory_space<vmem>>) dst(%dma_wait3A_279 : memref<10240x128xf32, #tpu.memory_space<vmem_shared>>)
        tpu.yield
      }) : () -> ()
      %add3A_251 = arith.constant 2 : i32
      %add3A_252 = arith.addi %mul3A_237, %add3A_251 : i32
      %lt3A_253 = arith.constant 40 : i32
      %lt3A_254 = arith.cmpi slt, %add3A_252, %lt3A_253 : i32
      %convert_element_type3A_255 = arith.extui %lt3A_254 : i1 to i32
      %cond3A_256 = arith.constant 0 : i32
      %cond3A_257 = arith.cmpi ne, %convert_element_type3A_255, %cond3A_256 : i32
      scf.if %cond3A_257 {
        %add3A_268 = arith.constant 2 : i32
        %add3A_269 = arith.addi %mul3A_237, %add3A_268 : i32
        %dma_start3A_270 = arith.constant 0 : i32
        %dma_start3A_271 = tpu.memref_slice %arg6[%add3A_269, %dma_start3A_270] : memref<40x128xi32, #tpu.memory_space<vmem>> -> memref<1x128xi32, #tpu.memory_space<vmem>>
        %dma_start3A_272 = tpu.memref_squeeze %dma_start3A_271 : memref<1x128xi32, #tpu.memory_space<vmem>> -> memref<128xi32, #tpu.memory_space<vmem>>
        %dma_start3A_273 = arith.constant 0 : i32
        %dma_start3A_274 = arith.constant 0 : i32
        %dma_start3A_275 = tpu.memref_slice %arg2[%dma_start3A_273, %dma_start3A_274] : memref<40000x128xf32, #tpu.memory_space<hbm>> -> memref<40000x128xf32, #tpu.memory_space<hbm>>
        tpu.enqueue_indirect_dma source(%dma_start3A_275 : memref<40000x128xf32, #tpu.memory_space<hbm>>) target(%arg8 : memref<128x128xf32, #tpu.memory_space<vmem>>) offsets(%dma_start3A_272 : memref<128xi32, #tpu.memory_space<vmem>>) semaphore(%arg11 : memref<!tpu.dma_semaphore, #tpu.memory_space<semaphore_mem>>)
      } else {
      }
      %add3A_258 = arith.constant 1 : i32
      %add3A_259 = arith.addi %mul3A_237, %add3A_258 : i32
      %dma_wait3A_260 = arith.constant 0 : i32
      %dma_wait3A_261 = tpu.memref_slice %arg6[%add3A_259, %dma_wait3A_260] : memref<40x128xi32, #tpu.memory_space<vmem>> -> memref<1x128xi32, #tpu.memory_space<vmem>>
      %dma_wait3A_262 = tpu.memref_squeeze %dma_wait3A_261 : memref<1x128xi32, #tpu.memory_space<vmem>> -> memref<128xi32, #tpu.memory_space<vmem>>
      %dma_wait3A_263 = arith.constant 0 : i32
      %dma_wait3A_264 = arith.constant 0 : i32
      %dma_wait3A_265 = tpu.memref_slice %arg2[%dma_wait3A_263, %dma_wait3A_264] : memref<40000x128xf32, #tpu.memory_space<hbm>> -> memref<40000x128xf32, #tpu.memory_space<hbm>>
      tpu.wait_indirect_dma semaphore(%arg12 : memref<!tpu.dma_semaphore, #tpu.memory_space<semaphore_mem>>) src(%dma_wait3A_265 : memref<40000x128xf32, #tpu.memory_space<hbm>>) dst(%arg9 : memref<128x128xf32, #tpu.memory_space<vmem>>)
      %add3A_266 = arith.constant 1 : i32
      %add3A_267 = arith.addi %mul3A_237, %add3A_266 : i32
      "tpu.region"() ({
        %run_scoped3A = tpu.sem_alloc : memref<!tpu.dma_semaphore, #tpu.memory_space<semaphore_mem>>
        %dma_start3A_268 = arith.constant 0 : i32
        %dma_start3A_269 = tpu.memref_slice %arg7[%add3A_267, %dma_start3A_268] : memref<40x128xi32, #tpu.memory_space<vmem>> -> memref<1x128xi32, #tpu.memory_space<vmem>>
        %dma_start3A_270 = tpu.memref_squeeze %dma_start3A_269 : memref<1x128xi32, #tpu.memory_space<vmem>> -> memref<128xi32, #tpu.memory_space<vmem>>
        %dma_start3A_271 = arith.constant 0 : i32
        %dma_start3A_272 = arith.constant 0 : i32
        %dma_start3A_273 = tpu.memref_slice %arg10[%dma_start3A_271, %dma_start3A_272] : memref<10240x128xf32, #tpu.memory_space<vmem_shared>> -> memref<10240x128xf32, #tpu.memory_space<vmem_shared>>
        tpu.enqueue_indirect_dma source(%arg9 : memref<128x128xf32, #tpu.memory_space<vmem>>) target(%dma_start3A_273 : memref<10240x128xf32, #tpu.memory_space<vmem_shared>>) offsets(%dma_start3A_270 : memref<128xi32, #tpu.memory_space<vmem>>) semaphore(%run_scoped3A : memref<!tpu.dma_semaphore, #tpu.memory_space<semaphore_mem>>) {add = true}
        %dma_wait3A_274 = arith.constant 0 : i32
        %dma_wait3A_275 = tpu.memref_slice %arg7[%add3A_267, %dma_wait3A_274] : memref<40x128xi32, #tpu.memory_space<vmem>> -> memref<1x128xi32, #tpu.memory_space<vmem>>
        %dma_wait3A_276 = tpu.memref_squeeze %dma_wait3A_275 : memref<1x128xi32, #tpu.memory_space<vmem>> -> memref<128xi32, #tpu.memory_space<vmem>>
        %dma_wait3A_277 = arith.constant 0 : i32
        %dma_wait3A_278 = arith.constant 0 : i32
        %dma_wait3A_279 = tpu.memref_slice %arg10[%dma_wait3A_277, %dma_wait3A_278] : memref<10240x128xf32, #tpu.memory_space<vmem_shared>> -> memref<10240x128xf32, #tpu.memory_space<vmem_shared>>
        tpu.wait_indirect_dma semaphore(%run_scoped3A : memref<!tpu.dma_semaphore, #tpu.memory_space<semaphore_mem>>) src(%arg9 : memref<128x128xf32, #tpu.memory_space<vmem>>) dst(%dma_wait3A_279 : memref<10240x128xf32, #tpu.memory_space<vmem_shared>>)
        tpu.yield
      }) : () -> ()
    }
    %scan3A_53 = arith.constant 20 : i32
    %mul3A_54 = arith.constant 2560 : i32
    %mul3A_55 = arith.muli %add3A_1, %mul3A_54 : i32
    %mul3A_56 = arith.constant 160 : i32
    %mul3A_57 = arith.muli %arg1, %mul3A_56 : i32
    %add3A_58 = arith.addi %mul3A_55, %mul3A_57 : i32
    %add3A_59 = arith.constant 80 : i32
    %add3A_60 = arith.addi %add3A_58, %add3A_59 : i32
    %mul3A_61 = arith.constant 160 : i32
    %mul3A_62 = arith.muli %arg1, %mul3A_61 : i32
    %add3A_63 = arith.constant 80 : i32
    %add3A_64 = arith.addi %mul3A_62, %add3A_63 : i32
    "tpu.region"() ({
      %run_scoped3A = tpu.sem_alloc : memref<!tpu.dma_semaphore, #tpu.memory_space<semaphore_mem>>
      %dma_start3A_235 = arith.constant 0 : i32
      %dma_start3A_236 = tpu.memref_slice %arg3[%add3A_60, %dma_start3A_235] : memref<10240x128xi32, #tpu.memory_space<hbm>> -> memref<40x128xi32, #tpu.memory_space<hbm>>
      %dma_start3A_237 = arith.constant 0 : i32
      %dma_start3A_238 = tpu.memref_slice %arg3[%add3A_60, %dma_start3A_237] : memref<10240x128xi32, #tpu.memory_space<hbm>> -> memref<40x128xi32, #tpu.memory_space<hbm>>
      tpu.enqueue_dma source(%dma_start3A_238 : memref<40x128xi32, #tpu.memory_space<hbm>>) target(%arg6 : memref<40x128xi32, #tpu.memory_space<vmem>>) target_semaphore(%run_scoped3A : memref<!tpu.dma_semaphore, #tpu.memory_space<semaphore_mem>>)
      %dma_wait3A = arith.constant 0 : i32
      %dma_wait3A_239 = tpu.memref_slice %arg3[%add3A_60, %dma_wait3A] : memref<10240x128xi32, #tpu.memory_space<hbm>> -> memref<40x128xi32, #tpu.memory_space<hbm>>
      %dma_wait3A_240 = arith.constant 0 : i32
      %dma_wait3A_241 = tpu.memref_slice %arg3[%add3A_60, %dma_wait3A_240] : memref<10240x128xi32, #tpu.memory_space<hbm>> -> memref<40x128xi32, #tpu.memory_space<hbm>>
      tpu.wait_dma2 semaphore(%run_scoped3A : memref<!tpu.dma_semaphore, #tpu.memory_space<semaphore_mem>>) src(%dma_wait3A_241 : memref<40x128xi32, #tpu.memory_space<hbm>>) dst(%arg6 : memref<40x128xi32, #tpu.memory_space<vmem>>)
      tpu.yield
    }) : () -> ()
    "tpu.region"() ({
      %run_scoped3A = tpu.sem_alloc : memref<!tpu.dma_semaphore, #tpu.memory_space<semaphore_mem>>
      %dma_start3A_235 = arith.constant 0 : i32
      %dma_start3A_236 = tpu.memref_slice %arg4[%add3A_64, %dma_start3A_235] : memref<2560x128xi32, #tpu.memory_space<hbm>> -> memref<40x128xi32, #tpu.memory_space<hbm>>
      %dma_start3A_237 = arith.constant 0 : i32
      %dma_start3A_238 = tpu.memref_slice %arg4[%add3A_64, %dma_start3A_237] : memref<2560x128xi32, #tpu.memory_space<hbm>> -> memref<40x128xi32, #tpu.memory_space<hbm>>
      tpu.enqueue_dma source(%dma_start3A_238 : memref<40x128xi32, #tpu.memory_space<hbm>>) target(%arg7 : memref<40x128xi32, #tpu.memory_space<vmem>>) target_semaphore(%run_scoped3A : memref<!tpu.dma_semaphore, #tpu.memory_space<semaphore_mem>>)
      %dma_wait3A = arith.constant 0 : i32
      %dma_wait3A_239 = tpu.memref_slice %arg4[%add3A_64, %dma_wait3A] : memref<2560x128xi32, #tpu.memory_space<hbm>> -> memref<40x128xi32, #tpu.memory_space<hbm>>
      %dma_wait3A_240 = arith.constant 0 : i32
      %dma_wait3A_241 = tpu.memref_slice %arg4[%add3A_64, %dma_wait3A_240] : memref<2560x128xi32, #tpu.memory_space<hbm>> -> memref<40x128xi32, #tpu.memory_space<hbm>>
      tpu.wait_dma2 semaphore(%run_scoped3A : memref<!tpu.dma_semaphore, #tpu.memory_space<semaphore_mem>>) src(%dma_wait3A_241 : memref<40x128xi32, #tpu.memory_space<hbm>>) dst(%arg7 : memref<40x128xi32, #tpu.memory_space<vmem>>)
      tpu.yield
    }) : () -> ()
    %dma_start3A_65 = arith.constant 0 : i32
    %dma_start3A_66 = arith.constant 0 : i32
    %dma_start3A_67 = tpu.memref_slice %arg6[%dma_start3A_65, %dma_start3A_66] : memref<40x128xi32, #tpu.memory_space<vmem>> -> memref<1x128xi32, #tpu.memory_space<vmem>>
    %dma_start3A_68 = tpu.memref_squeeze %dma_start3A_67 : memref<1x128xi32, #tpu.memory_space<vmem>> -> memref<128xi32, #tpu.memory_space<vmem>>
    %dma_start3A_69 = arith.constant 0 : i32
    %dma_start3A_70 = arith.constant 0 : i32
    %dma_start3A_71 = tpu.memref_slice %arg2[%dma_start3A_69, %dma_start3A_70] : memref<40000x128xf32, #tpu.memory_space<hbm>> -> memref<40000x128xf32, #tpu.memory_space<hbm>>
    tpu.enqueue_indirect_dma source(%dma_start3A_71 : memref<40000x128xf32, #tpu.memory_space<hbm>>) target(%arg8 : memref<128x128xf32, #tpu.memory_space<vmem>>) offsets(%dma_start3A_68 : memref<128xi32, #tpu.memory_space<vmem>>) semaphore(%arg11 : memref<!tpu.dma_semaphore, #tpu.memory_space<semaphore_mem>>)
    %scan3A_72 = arith.constant 0 : i32
    %scan3A_73 = arith.constant 0 : i32
    %scan3A_74 = arith.constant 20 : i32
    %scan3A_75 = arith.addi %scan3A_73, %scan3A_74 : i32
    %scan3A_76 = arith.constant 1 : i32
    scf.for %scan3A_235 = %scan3A_73 to %scan3A_75 step %scan3A_76  : i32 {
      %mul3A_236 = arith.constant 2 : i32
      %mul3A_237 = arith.muli %mul3A_236, %scan3A_235 : i32
      %add3A_238 = arith.constant 1 : i32
      %add3A_239 = arith.addi %mul3A_237, %add3A_238 : i32
      %dma_start3A_240 = arith.constant 0 : i32
      %dma_start3A_241 = tpu.memref_slice %arg6[%add3A_239, %dma_start3A_240] : memref<40x128xi32, #tpu.memory_space<vmem>> -> memref<1x128xi32, #tpu.memory_space<vmem>>
      %dma_start3A_242 = tpu.memref_squeeze %dma_start3A_241 : memref<1x128xi32, #tpu.memory_space<vmem>> -> memref<128xi32, #tpu.memory_space<vmem>>
      %dma_start3A_243 = arith.constant 0 : i32
      %dma_start3A_244 = arith.constant 0 : i32
      %dma_start3A_245 = tpu.memref_slice %arg2[%dma_start3A_243, %dma_start3A_244] : memref<40000x128xf32, #tpu.memory_space<hbm>> -> memref<40000x128xf32, #tpu.memory_space<hbm>>
      tpu.enqueue_indirect_dma source(%dma_start3A_245 : memref<40000x128xf32, #tpu.memory_space<hbm>>) target(%arg9 : memref<128x128xf32, #tpu.memory_space<vmem>>) offsets(%dma_start3A_242 : memref<128xi32, #tpu.memory_space<vmem>>) semaphore(%arg12 : memref<!tpu.dma_semaphore, #tpu.memory_space<semaphore_mem>>)
      %dma_wait3A = arith.constant 0 : i32
      %dma_wait3A_246 = tpu.memref_slice %arg6[%mul3A_237, %dma_wait3A] : memref<40x128xi32, #tpu.memory_space<vmem>> -> memref<1x128xi32, #tpu.memory_space<vmem>>
      %dma_wait3A_247 = tpu.memref_squeeze %dma_wait3A_246 : memref<1x128xi32, #tpu.memory_space<vmem>> -> memref<128xi32, #tpu.memory_space<vmem>>
      %dma_wait3A_248 = arith.constant 0 : i32
      %dma_wait3A_249 = arith.constant 0 : i32
      %dma_wait3A_250 = tpu.memref_slice %arg2[%dma_wait3A_248, %dma_wait3A_249] : memref<40000x128xf32, #tpu.memory_space<hbm>> -> memref<40000x128xf32, #tpu.memory_space<hbm>>
      tpu.wait_indirect_dma semaphore(%arg11 : memref<!tpu.dma_semaphore, #tpu.memory_space<semaphore_mem>>) src(%dma_wait3A_250 : memref<40000x128xf32, #tpu.memory_space<hbm>>) dst(%arg8 : memref<128x128xf32, #tpu.memory_space<vmem>>)
      "tpu.region"() ({
        %run_scoped3A = tpu.sem_alloc : memref<!tpu.dma_semaphore, #tpu.memory_space<semaphore_mem>>
        %dma_start3A_268 = arith.constant 0 : i32
        %dma_start3A_269 = tpu.memref_slice %arg7[%mul3A_237, %dma_start3A_268] : memref<40x128xi32, #tpu.memory_space<vmem>> -> memref<1x128xi32, #tpu.memory_space<vmem>>
        %dma_start3A_270 = tpu.memref_squeeze %dma_start3A_269 : memref<1x128xi32, #tpu.memory_space<vmem>> -> memref<128xi32, #tpu.memory_space<vmem>>
        %dma_start3A_271 = arith.constant 0 : i32
        %dma_start3A_272 = arith.constant 0 : i32
        %dma_start3A_273 = tpu.memref_slice %arg10[%dma_start3A_271, %dma_start3A_272] : memref<10240x128xf32, #tpu.memory_space<vmem_shared>> -> memref<10240x128xf32, #tpu.memory_space<vmem_shared>>
        tpu.enqueue_indirect_dma source(%arg8 : memref<128x128xf32, #tpu.memory_space<vmem>>) target(%dma_start3A_273 : memref<10240x128xf32, #tpu.memory_space<vmem_shared>>) offsets(%dma_start3A_270 : memref<128xi32, #tpu.memory_space<vmem>>) semaphore(%run_scoped3A : memref<!tpu.dma_semaphore, #tpu.memory_space<semaphore_mem>>) {add = true}
        %dma_wait3A_274 = arith.constant 0 : i32
        %dma_wait3A_275 = tpu.memref_slice %arg7[%mul3A_237, %dma_wait3A_274] : memref<40x128xi32, #tpu.memory_space<vmem>> -> memref<1x128xi32, #tpu.memory_space<vmem>>
        %dma_wait3A_276 = tpu.memref_squeeze %dma_wait3A_275 : memref<1x128xi32, #tpu.memory_space<vmem>> -> memref<128xi32, #tpu.memory_space<vmem>>
        %dma_wait3A_277 = arith.constant 0 : i32
        %dma_wait3A_278 = arith.constant 0 : i32
        %dma_wait3A_279 = tpu.memref_slice %arg10[%dma_wait3A_277, %dma_wait3A_278] : memref<10240x128xf32, #tpu.memory_space<vmem_shared>> -> memref<10240x128xf32, #tpu.memory_space<vmem_shared>>
        tpu.wait_indirect_dma semaphore(%run_scoped3A : memref<!tpu.dma_semaphore, #tpu.memory_space<semaphore_mem>>) src(%arg8 : memref<128x128xf32, #tpu.memory_space<vmem>>) dst(%dma_wait3A_279 : memref<10240x128xf32, #tpu.memory_space<vmem_shared>>)
        tpu.yield
      }) : () -> ()
      %add3A_251 = arith.constant 2 : i32
      %add3A_252 = arith.addi %mul3A_237, %add3A_251 : i32
      %lt3A_253 = arith.constant 40 : i32
      %lt3A_254 = arith.cmpi slt, %add3A_252, %lt3A_253 : i32
      %convert_element_type3A_255 = arith.extui %lt3A_254 : i1 to i32
      %cond3A_256 = arith.constant 0 : i32
      %cond3A_257 = arith.cmpi ne, %convert_element_type3A_255, %cond3A_256 : i32
      scf.if %cond3A_257 {
        %add3A_268 = arith.constant 2 : i32
        %add3A_269 = arith.addi %mul3A_237, %add3A_268 : i32
        %dma_start3A_270 = arith.constant 0 : i32
        %dma_start3A_271 = tpu.memref_slice %arg6[%add3A_269, %dma_start3A_270] : memref<40x128xi32, #tpu.memory_space<vmem>> -> memref<1x128xi32, #tpu.memory_space<vmem>>
        %dma_start3A_272 = tpu.memref_squeeze %dma_start3A_271 : memref<1x128xi32, #tpu.memory_space<vmem>> -> memref<128xi32, #tpu.memory_space<vmem>>
        %dma_start3A_273 = arith.constant 0 : i32
        %dma_start3A_274 = arith.constant 0 : i32
        %dma_start3A_275 = tpu.memref_slice %arg2[%dma_start3A_273, %dma_start3A_274] : memref<40000x128xf32, #tpu.memory_space<hbm>> -> memref<40000x128xf32, #tpu.memory_space<hbm>>
        tpu.enqueue_indirect_dma source(%dma_start3A_275 : memref<40000x128xf32, #tpu.memory_space<hbm>>) target(%arg8 : memref<128x128xf32, #tpu.memory_space<vmem>>) offsets(%dma_start3A_272 : memref<128xi32, #tpu.memory_space<vmem>>) semaphore(%arg11 : memref<!tpu.dma_semaphore, #tpu.memory_space<semaphore_mem>>)
      } else {
      }
      %add3A_258 = arith.constant 1 : i32
      %add3A_259 = arith.addi %mul3A_237, %add3A_258 : i32
      %dma_wait3A_260 = arith.constant 0 : i32
      %dma_wait3A_261 = tpu.memref_slice %arg6[%add3A_259, %dma_wait3A_260] : memref<40x128xi32, #tpu.memory_space<vmem>> -> memref<1x128xi32, #tpu.memory_space<vmem>>
      %dma_wait3A_262 = tpu.memref_squeeze %dma_wait3A_261 : memref<1x128xi32, #tpu.memory_space<vmem>> -> memref<128xi32, #tpu.memory_space<vmem>>
      %dma_wait3A_263 = arith.constant 0 : i32
      %dma_wait3A_264 = arith.constant 0 : i32
      %dma_wait3A_265 = tpu.memref_slice %arg2[%dma_wait3A_263, %dma_wait3A_264] : memref<40000x128xf32, #tpu.memory_space<hbm>> -> memref<40000x128xf32, #tpu.memory_space<hbm>>
      tpu.wait_indirect_dma semaphore(%arg12 : memref<!tpu.dma_semaphore, #tpu.memory_space<semaphore_mem>>) src(%dma_wait3A_265 : memref<40000x128xf32, #tpu.memory_space<hbm>>) dst(%arg9 : memref<128x128xf32, #tpu.memory_space<vmem>>)
      %add3A_266 = arith.constant 1 : i32
      %add3A_267 = arith.addi %mul3A_237, %add3A_266 : i32
      "tpu.region"() ({
        %run_scoped3A = tpu.sem_alloc : memref<!tpu.dma_semaphore, #tpu.memory_space<semaphore_mem>>
        %dma_start3A_268 = arith.constant 0 : i32
        %dma_start3A_269 = tpu.memref_slice %arg7[%add3A_267, %dma_start3A_268] : memref<40x128xi32, #tpu.memory_space<vmem>> -> memref<1x128xi32, #tpu.memory_space<vmem>>
        %dma_start3A_270 = tpu.memref_squeeze %dma_start3A_269 : memref<1x128xi32, #tpu.memory_space<vmem>> -> memref<128xi32, #tpu.memory_space<vmem>>
        %dma_start3A_271 = arith.constant 0 : i32
        %dma_start3A_272 = arith.constant 0 : i32
        %dma_start3A_273 = tpu.memref_slice %arg10[%dma_start3A_271, %dma_start3A_272] : memref<10240x128xf32, #tpu.memory_space<vmem_shared>> -> memref<10240x128xf32, #tpu.memory_space<vmem_shared>>
        tpu.enqueue_indirect_dma source(%arg9 : memref<128x128xf32, #tpu.memory_space<vmem>>) target(%dma_start3A_273 : memref<10240x128xf32, #tpu.memory_space<vmem_shared>>) offsets(%dma_start3A_270 : memref<128xi32, #tpu.memory_space<vmem>>) semaphore(%run_scoped3A : memref<!tpu.dma_semaphore, #tpu.memory_space<semaphore_mem>>) {add = true}
        %dma_wait3A_274 = arith.constant 0 : i32
        %dma_wait3A_275 = tpu.memref_slice %arg7[%add3A_267, %dma_wait3A_274] : memref<40x128xi32, #tpu.memory_space<vmem>> -> memref<1x128xi32, #tpu.memory_space<vmem>>
        %dma_wait3A_276 = tpu.memref_squeeze %dma_wait3A_275 : memref<1x128xi32, #tpu.memory_space<vmem>> -> memref<128xi32, #tpu.memory_space<vmem>>
        %dma_wait3A_277 = arith.constant 0 : i32
        %dma_wait3A_278 = arith.constant 0 : i32
        %dma_wait3A_279 = tpu.memref_slice %arg10[%dma_wait3A_277, %dma_wait3A_278] : memref<10240x128xf32, #tpu.memory_space<vmem_shared>> -> memref<10240x128xf32, #tpu.memory_space<vmem_shared>>
        tpu.wait_indirect_dma semaphore(%run_scoped3A : memref<!tpu.dma_semaphore, #tpu.memory_space<semaphore_mem>>) src(%arg9 : memref<128x128xf32, #tpu.memory_space<vmem>>) dst(%dma_wait3A_279 : memref<10240x128xf32, #tpu.memory_space<vmem_shared>>)
        tpu.yield
      }) : () -> ()
    }
    %scan3A_77 = arith.constant 20 : i32
    %mul3A_78 = arith.constant 2560 : i32
    %mul3A_79 = arith.muli %add3A_1, %mul3A_78 : i32
    %mul3A_80 = arith.constant 160 : i32
    %mul3A_81 = arith.muli %arg1, %mul3A_80 : i32
    %add3A_82 = arith.addi %mul3A_79, %mul3A_81 : i32
    %add3A_83 = arith.constant 120 : i32
    %add3A_84 = arith.addi %add3A_82, %add3A_83 : i32
    %mul3A_85 = arith.constant 160 : i32
    %mul3A_86 = arith.muli %arg1, %mul3A_85 : i32
    %add3A_87 = arith.constant 120 : i32
    %add3A_88 = arith.addi %mul3A_86, %add3A_87 : i32
    "tpu.region"() ({
      %run_scoped3A = tpu.sem_alloc : memref<!tpu.dma_semaphore, #tpu.memory_space<semaphore_mem>>
      %dma_start3A_235 = arith.constant 0 : i32
      %dma_start3A_236 = tpu.memref_slice %arg3[%add3A_84, %dma_start3A_235] : memref<10240x128xi32, #tpu.memory_space<hbm>> -> memref<40x128xi32, #tpu.memory_space<hbm>>
      %dma_start3A_237 = arith.constant 0 : i32
      %dma_start3A_238 = tpu.memref_slice %arg3[%add3A_84, %dma_start3A_237] : memref<10240x128xi32, #tpu.memory_space<hbm>> -> memref<40x128xi32, #tpu.memory_space<hbm>>
      tpu.enqueue_dma source(%dma_start3A_238 : memref<40x128xi32, #tpu.memory_space<hbm>>) target(%arg6 : memref<40x128xi32, #tpu.memory_space<vmem>>) target_semaphore(%run_scoped3A : memref<!tpu.dma_semaphore, #tpu.memory_space<semaphore_mem>>)
      %dma_wait3A = arith.constant 0 : i32
      %dma_wait3A_239 = tpu.memref_slice %arg3[%add3A_84, %dma_wait3A] : memref<10240x128xi32, #tpu.memory_space<hbm>> -> memref<40x128xi32, #tpu.memory_space<hbm>>
      %dma_wait3A_240 = arith.constant 0 : i32
      %dma_wait3A_241 = tpu.memref_slice %arg3[%add3A_84, %dma_wait3A_240] : memref<10240x128xi32, #tpu.memory_space<hbm>> -> memref<40x128xi32, #tpu.memory_space<hbm>>
      tpu.wait_dma2 semaphore(%run_scoped3A : memref<!tpu.dma_semaphore, #tpu.memory_space<semaphore_mem>>) src(%dma_wait3A_241 : memref<40x128xi32, #tpu.memory_space<hbm>>) dst(%arg6 : memref<40x128xi32, #tpu.memory_space<vmem>>)
      tpu.yield
    }) : () -> ()
    "tpu.region"() ({
      %run_scoped3A = tpu.sem_alloc : memref<!tpu.dma_semaphore, #tpu.memory_space<semaphore_mem>>
      %dma_start3A_235 = arith.constant 0 : i32
      %dma_start3A_236 = tpu.memref_slice %arg4[%add3A_88, %dma_start3A_235] : memref<2560x128xi32, #tpu.memory_space<hbm>> -> memref<40x128xi32, #tpu.memory_space<hbm>>
      %dma_start3A_237 = arith.constant 0 : i32
      %dma_start3A_238 = tpu.memref_slice %arg4[%add3A_88, %dma_start3A_237] : memref<2560x128xi32, #tpu.memory_space<hbm>> -> memref<40x128xi32, #tpu.memory_space<hbm>>
      tpu.enqueue_dma source(%dma_start3A_238 : memref<40x128xi32, #tpu.memory_space<hbm>>) target(%arg7 : memref<40x128xi32, #tpu.memory_space<vmem>>) target_semaphore(%run_scoped3A : memref<!tpu.dma_semaphore, #tpu.memory_space<semaphore_mem>>)
      %dma_wait3A = arith.constant 0 : i32
      %dma_wait3A_239 = tpu.memref_slice %arg4[%add3A_88, %dma_wait3A] : memref<2560x128xi32, #tpu.memory_space<hbm>> -> memref<40x128xi32, #tpu.memory_space<hbm>>
      %dma_wait3A_240 = arith.constant 0 : i32
      %dma_wait3A_241 = tpu.memref_slice %arg4[%add3A_88, %dma_wait3A_240] : memref<2560x128xi32, #tpu.memory_space<hbm>> -> memref<40x128xi32, #tpu.memory_space<hbm>>
      tpu.wait_dma2 semaphore(%run_scoped3A : memref<!tpu.dma_semaphore, #tpu.memory_space<semaphore_mem>>) src(%dma_wait3A_241 : memref<40x128xi32, #tpu.memory_space<hbm>>) dst(%arg7 : memref<40x128xi32, #tpu.memory_space<vmem>>)
      tpu.yield
    }) : () -> ()
    %dma_start3A_89 = arith.constant 0 : i32
    %dma_start3A_90 = arith.constant 0 : i32
    %dma_start3A_91 = tpu.memref_slice %arg6[%dma_start3A_89, %dma_start3A_90] : memref<40x128xi32, #tpu.memory_space<vmem>> -> memref<1x128xi32, #tpu.memory_space<vmem>>
    %dma_start3A_92 = tpu.memref_squeeze %dma_start3A_91 : memref<1x128xi32, #tpu.memory_space<vmem>> -> memref<128xi32, #tpu.memory_space<vmem>>
    %dma_start3A_93 = arith.constant 0 : i32
    %dma_start3A_94 = arith.constant 0 : i32
    %dma_start3A_95 = tpu.memref_slice %arg2[%dma_start3A_93, %dma_start3A_94] : memref<40000x128xf32, #tpu.memory_space<hbm>> -> memref<40000x128xf32, #tpu.memory_space<hbm>>
    tpu.enqueue_indirect_dma source(%dma_start3A_95 : memref<40000x128xf32, #tpu.memory_space<hbm>>) target(%arg8 : memref<128x128xf32, #tpu.memory_space<vmem>>) offsets(%dma_start3A_92 : memref<128xi32, #tpu.memory_space<vmem>>) semaphore(%arg11 : memref<!tpu.dma_semaphore, #tpu.memory_space<semaphore_mem>>)
    %scan3A_96 = arith.constant 0 : i32
    %scan3A_97 = arith.constant 0 : i32
    %scan3A_98 = arith.constant 20 : i32
    %scan3A_99 = arith.addi %scan3A_97, %scan3A_98 : i32
    %scan3A_100 = arith.constant 1 : i32
    scf.for %scan3A_235 = %scan3A_97 to %scan3A_99 step %scan3A_100  : i32 {
      %mul3A_236 = arith.constant 2 : i32
      %mul3A_237 = arith.muli %mul3A_236, %scan3A_235 : i32
      %add3A_238 = arith.constant 1 : i32
      %add3A_239 = arith.addi %mul3A_237, %add3A_238 : i32
      %dma_start3A_240 = arith.constant 0 : i32
      %dma_start3A_241 = tpu.memref_slice %arg6[%add3A_239, %dma_start3A_240] : memref<40x128xi32, #tpu.memory_space<vmem>> -> memref<1x128xi32, #tpu.memory_space<vmem>>
      %dma_start3A_242 = tpu.memref_squeeze %dma_start3A_241 : memref<1x128xi32, #tpu.memory_space<vmem>> -> memref<128xi32, #tpu.memory_space<vmem>>
      %dma_start3A_243 = arith.constant 0 : i32
      %dma_start3A_244 = arith.constant 0 : i32
      %dma_start3A_245 = tpu.memref_slice %arg2[%dma_start3A_243, %dma_start3A_244] : memref<40000x128xf32, #tpu.memory_space<hbm>> -> memref<40000x128xf32, #tpu.memory_space<hbm>>
      tpu.enqueue_indirect_dma source(%dma_start3A_245 : memref<40000x128xf32, #tpu.memory_space<hbm>>) target(%arg9 : memref<128x128xf32, #tpu.memory_space<vmem>>) offsets(%dma_start3A_242 : memref<128xi32, #tpu.memory_space<vmem>>) semaphore(%arg12 : memref<!tpu.dma_semaphore, #tpu.memory_space<semaphore_mem>>)
      %dma_wait3A = arith.constant 0 : i32
      %dma_wait3A_246 = tpu.memref_slice %arg6[%mul3A_237, %dma_wait3A] : memref<40x128xi32, #tpu.memory_space<vmem>> -> memref<1x128xi32, #tpu.memory_space<vmem>>
      %dma_wait3A_247 = tpu.memref_squeeze %dma_wait3A_246 : memref<1x128xi32, #tpu.memory_space<vmem>> -> memref<128xi32, #tpu.memory_space<vmem>>
      %dma_wait3A_248 = arith.constant 0 : i32
      %dma_wait3A_249 = arith.constant 0 : i32
      %dma_wait3A_250 = tpu.memref_slice %arg2[%dma_wait3A_248, %dma_wait3A_249] : memref<40000x128xf32, #tpu.memory_space<hbm>> -> memref<40000x128xf32, #tpu.memory_space<hbm>>
      tpu.wait_indirect_dma semaphore(%arg11 : memref<!tpu.dma_semaphore, #tpu.memory_space<semaphore_mem>>) src(%dma_wait3A_250 : memref<40000x128xf32, #tpu.memory_space<hbm>>) dst(%arg8 : memref<128x128xf32, #tpu.memory_space<vmem>>)
      "tpu.region"() ({
        %run_scoped3A = tpu.sem_alloc : memref<!tpu.dma_semaphore, #tpu.memory_space<semaphore_mem>>
        %dma_start3A_268 = arith.constant 0 : i32
        %dma_start3A_269 = tpu.memref_slice %arg7[%mul3A_237, %dma_start3A_268] : memref<40x128xi32, #tpu.memory_space<vmem>> -> memref<1x128xi32, #tpu.memory_space<vmem>>
        %dma_start3A_270 = tpu.memref_squeeze %dma_start3A_269 : memref<1x128xi32, #tpu.memory_space<vmem>> -> memref<128xi32, #tpu.memory_space<vmem>>
        %dma_start3A_271 = arith.constant 0 : i32
        %dma_start3A_272 = arith.constant 0 : i32
        %dma_start3A_273 = tpu.memref_slice %arg10[%dma_start3A_271, %dma_start3A_272] : memref<10240x128xf32, #tpu.memory_space<vmem_shared>> -> memref<10240x128xf32, #tpu.memory_space<vmem_shared>>
        tpu.enqueue_indirect_dma source(%arg8 : memref<128x128xf32, #tpu.memory_space<vmem>>) target(%dma_start3A_273 : memref<10240x128xf32, #tpu.memory_space<vmem_shared>>) offsets(%dma_start3A_270 : memref<128xi32, #tpu.memory_space<vmem>>) semaphore(%run_scoped3A : memref<!tpu.dma_semaphore, #tpu.memory_space<semaphore_mem>>) {add = true}
        %dma_wait3A_274 = arith.constant 0 : i32
        %dma_wait3A_275 = tpu.memref_slice %arg7[%mul3A_237, %dma_wait3A_274] : memref<40x128xi32, #tpu.memory_space<vmem>> -> memref<1x128xi32, #tpu.memory_space<vmem>>
        %dma_wait3A_276 = tpu.memref_squeeze %dma_wait3A_275 : memref<1x128xi32, #tpu.memory_space<vmem>> -> memref<128xi32, #tpu.memory_space<vmem>>
        %dma_wait3A_277 = arith.constant 0 : i32
        %dma_wait3A_278 = arith.constant 0 : i32
        %dma_wait3A_279 = tpu.memref_slice %arg10[%dma_wait3A_277, %dma_wait3A_278] : memref<10240x128xf32, #tpu.memory_space<vmem_shared>> -> memref<10240x128xf32, #tpu.memory_space<vmem_shared>>
        tpu.wait_indirect_dma semaphore(%run_scoped3A : memref<!tpu.dma_semaphore, #tpu.memory_space<semaphore_mem>>) src(%arg8 : memref<128x128xf32, #tpu.memory_space<vmem>>) dst(%dma_wait3A_279 : memref<10240x128xf32, #tpu.memory_space<vmem_shared>>)
        tpu.yield
      }) : () -> ()
      %add3A_251 = arith.constant 2 : i32
      %add3A_252 = arith.addi %mul3A_237, %add3A_251 : i32
      %lt3A_253 = arith.constant 40 : i32
      %lt3A_254 = arith.cmpi slt, %add3A_252, %lt3A_253 : i32
      %convert_element_type3A_255 = arith.extui %lt3A_254 : i1 to i32
      %cond3A_256 = arith.constant 0 : i32
      %cond3A_257 = arith.cmpi ne, %convert_element_type3A_255, %cond3A_256 : i32
      scf.if %cond3A_257 {
        %add3A_268 = arith.constant 2 : i32
        %add3A_269 = arith.addi %mul3A_237, %add3A_268 : i32
        %dma_start3A_270 = arith.constant 0 : i32
        %dma_start3A_271 = tpu.memref_slice %arg6[%add3A_269, %dma_start3A_270] : memref<40x128xi32, #tpu.memory_space<vmem>> -> memref<1x128xi32, #tpu.memory_space<vmem>>
        %dma_start3A_272 = tpu.memref_squeeze %dma_start3A_271 : memref<1x128xi32, #tpu.memory_space<vmem>> -> memref<128xi32, #tpu.memory_space<vmem>>
        %dma_start3A_273 = arith.constant 0 : i32
        %dma_start3A_274 = arith.constant 0 : i32
        %dma_start3A_275 = tpu.memref_slice %arg2[%dma_start3A_273, %dma_start3A_274] : memref<40000x128xf32, #tpu.memory_space<hbm>> -> memref<40000x128xf32, #tpu.memory_space<hbm>>
        tpu.enqueue_indirect_dma source(%dma_start3A_275 : memref<40000x128xf32, #tpu.memory_space<hbm>>) target(%arg8 : memref<128x128xf32, #tpu.memory_space<vmem>>) offsets(%dma_start3A_272 : memref<128xi32, #tpu.memory_space<vmem>>) semaphore(%arg11 : memref<!tpu.dma_semaphore, #tpu.memory_space<semaphore_mem>>)
      } else {
      }
      %add3A_258 = arith.constant 1 : i32
      %add3A_259 = arith.addi %mul3A_237, %add3A_258 : i32
      %dma_wait3A_260 = arith.constant 0 : i32
      %dma_wait3A_261 = tpu.memref_slice %arg6[%add3A_259, %dma_wait3A_260] : memref<40x128xi32, #tpu.memory_space<vmem>> -> memref<1x128xi32, #tpu.memory_space<vmem>>
      %dma_wait3A_262 = tpu.memref_squeeze %dma_wait3A_261 : memref<1x128xi32, #tpu.memory_space<vmem>> -> memref<128xi32, #tpu.memory_space<vmem>>
      %dma_wait3A_263 = arith.constant 0 : i32
      %dma_wait3A_264 = arith.constant 0 : i32
      %dma_wait3A_265 = tpu.memref_slice %arg2[%dma_wait3A_263, %dma_wait3A_264] : memref<40000x128xf32, #tpu.memory_space<hbm>> -> memref<40000x128xf32, #tpu.memory_space<hbm>>
      tpu.wait_indirect_dma semaphore(%arg12 : memref<!tpu.dma_semaphore, #tpu.memory_space<semaphore_mem>>) src(%dma_wait3A_265 : memref<40000x128xf32, #tpu.memory_space<hbm>>) dst(%arg9 : memref<128x128xf32, #tpu.memory_space<vmem>>)
      %add3A_266 = arith.constant 1 : i32
      %add3A_267 = arith.addi %mul3A_237, %add3A_266 : i32
      "tpu.region"() ({
        %run_scoped3A = tpu.sem_alloc : memref<!tpu.dma_semaphore, #tpu.memory_space<semaphore_mem>>
        %dma_start3A_268 = arith.constant 0 : i32
        %dma_start3A_269 = tpu.memref_slice %arg7[%add3A_267, %dma_start3A_268] : memref<40x128xi32, #tpu.memory_space<vmem>> -> memref<1x128xi32, #tpu.memory_space<vmem>>
        %dma_start3A_270 = tpu.memref_squeeze %dma_start3A_269 : memref<1x128xi32, #tpu.memory_space<vmem>> -> memref<128xi32, #tpu.memory_space<vmem>>
        %dma_start3A_271 = arith.constant 0 : i32
        %dma_start3A_272 = arith.constant 0 : i32
        %dma_start3A_273 = tpu.memref_slice %arg10[%dma_start3A_271, %dma_start3A_272] : memref<10240x128xf32, #tpu.memory_space<vmem_shared>> -> memref<10240x128xf32, #tpu.memory_space<vmem_shared>>
        tpu.enqueue_indirect_dma source(%arg9 : memref<128x128xf32, #tpu.memory_space<vmem>>) target(%dma_start3A_273 : memref<10240x128xf32, #tpu.memory_space<vmem_shared>>) offsets(%dma_start3A_270 : memref<128xi32, #tpu.memory_space<vmem>>) semaphore(%run_scoped3A : memref<!tpu.dma_semaphore, #tpu.memory_space<semaphore_mem>>) {add = true}
        %dma_wait3A_274 = arith.constant 0 : i32
        %dma_wait3A_275 = tpu.memref_slice %arg7[%add3A_267, %dma_wait3A_274] : memref<40x128xi32, #tpu.memory_space<vmem>> -> memref<1x128xi32, #tpu.memory_space<vmem>>
        %dma_wait3A_276 = tpu.memref_squeeze %dma_wait3A_275 : memref<1x128xi32, #tpu.memory_space<vmem>> -> memref<128xi32, #tpu.memory_space<vmem>>
        %dma_wait3A_277 = arith.constant 0 : i32
        %dma_wait3A_278 = arith.constant 0 : i32
        %dma_wait3A_279 = tpu.memref_slice %arg10[%dma_wait3A_277, %dma_wait3A_278] : memref<10240x128xf32, #tpu.memory_space<vmem_shared>> -> memref<10240x128xf32, #tpu.memory_space<vmem_shared>>
        tpu.wait_indirect_dma semaphore(%run_scoped3A : memref<!tpu.dma_semaphore, #tpu.memory_space<semaphore_mem>>) src(%arg9 : memref<128x128xf32, #tpu.memory_space<vmem>>) dst(%dma_wait3A_279 : memref<10240x128xf32, #tpu.memory_space<vmem_shared>>)
        tpu.yield
      }) : () -> ()
    }
    %scan3A_101 = arith.constant 20 : i32
    %barrier3A_102 = arith.constant 0 : index
    tpu.barrier barrier_id(%barrier3A_102)
    %lt3A_103 = arith.constant 15 : i32
    %lt3A_104 = arith.cmpi slt, %arg1, %lt3A_103 : i32
    %convert_element_type3A_105 = arith.extui %lt3A_104 : i1 to i32
    %cond3A_106 = arith.constant 0 : i32
    %cond3A_107 = arith.cmpi ne, %convert_element_type3A_105, %cond3A_106 : i32
    scf.if %cond3A_107 {
      %mul3A_235 = arith.constant 632 : i32
      %mul3A_236 = arith.muli %arg1, %mul3A_235 : i32
      %mul3A_237 = arith.constant 10000 : i32
      %mul3A_238 = arith.muli %add3A_1, %mul3A_237 : i32
      %add3A_239 = arith.addi %mul3A_238, %mul3A_236 : i32
      "tpu.region"() ({
        %run_scoped3A = tpu.sem_alloc : memref<!tpu.dma_semaphore, #tpu.memory_space<semaphore_mem>>
        %dma_start3A_240 = arith.constant 0 : i32
        %dma_start3A_241 = tpu.memref_slice %arg5[%add3A_239, %dma_start3A_240] : memref<40000x128xf32, #tpu.memory_space<hbm>> -> memref<632x128xf32, #tpu.memory_space<hbm>>
        %dma_start3A_242 = arith.constant 0 : i32
        %dma_start3A_243 = tpu.memref_slice %arg10[%mul3A_236, %dma_start3A_242] : memref<10240x128xf32, #tpu.memory_space<vmem_shared>> -> memref<632x128xf32, #tpu.memory_space<vmem_shared>>
        tpu.enqueue_dma source(%dma_start3A_243 : memref<632x128xf32, #tpu.memory_space<vmem_shared>>) target(%dma_start3A_241 : memref<632x128xf32, #tpu.memory_space<hbm>>) target_semaphore(%run_scoped3A : memref<!tpu.dma_semaphore, #tpu.memory_space<semaphore_mem>>)
        %dma_wait3A = arith.constant 0 : i32
        %dma_wait3A_244 = tpu.memref_slice %arg5[%add3A_239, %dma_wait3A] : memref<40000x128xf32, #tpu.memory_space<hbm>> -> memref<632x128xf32, #tpu.memory_space<hbm>>
        %dma_wait3A_245 = arith.constant 0 : i32
        %dma_wait3A_246 = tpu.memref_slice %arg10[%mul3A_236, %dma_wait3A_245] : memref<10240x128xf32, #tpu.memory_space<vmem_shared>> -> memref<632x128xf32, #tpu.memory_space<vmem_shared>>
        tpu.wait_dma2 semaphore(%run_scoped3A : memref<!tpu.dma_semaphore, #tpu.memory_space<semaphore_mem>>) src(%dma_wait3A_246 : memref<632x128xf32, #tpu.memory_space<vmem_shared>>) dst(%dma_wait3A_244 : memref<632x128xf32, #tpu.memory_space<hbm>>)
        tpu.yield
      }) : () -> ()
    } else {
    }
    %eq3A_108 = arith.constant 15 : i32
    %eq3A_109 = arith.cmpi eq, %arg1, %eq3A_108 : i32
    %convert_element_type3A_110 = arith.extui %eq3A_109 : i1 to i32
    %cond3A_111 = arith.constant 0 : i32
    %cond3A_112 = arith.cmpi ne, %convert_element_type3A_110, %cond3A_111 : i32
    scf.if %cond3A_112 {
      %mul3A_235 = arith.constant 10000 : i32
      %mul3A_236 = arith.muli %add3A_1, %mul3A_235 : i32
      %add3A_237 = arith.constant 9480 : i32
      %add3A_238 = arith.addi %mul3A_236, %add3A_237 : i32
      "tpu.region"() ({
        %run_scoped3A = tpu.sem_alloc : memref<!tpu.dma_semaphore, #tpu.memory_space<semaphore_mem>>
        %dma_start3A_239 = arith.constant 0 : i32
        %dma_start3A_240 = tpu.memref_slice %arg5[%add3A_238, %dma_start3A_239] : memref<40000x128xf32, #tpu.memory_space<hbm>> -> memref<520x128xf32, #tpu.memory_space<hbm>>
        %dma_start3A_241 = arith.constant 9480 : i32
        %dma_start3A_242 = arith.constant 0 : i32
        %dma_start3A_243 = tpu.memref_slice %arg10[%dma_start3A_241, %dma_start3A_242] : memref<10240x128xf32, #tpu.memory_space<vmem_shared>> -> memref<520x128xf32, #tpu.memory_space<vmem_shared>>
        tpu.enqueue_dma source(%dma_start3A_243 : memref<520x128xf32, #tpu.memory_space<vmem_shared>>) target(%dma_start3A_240 : memref<520x128xf32, #tpu.memory_space<hbm>>) target_semaphore(%run_scoped3A : memref<!tpu.dma_semaphore, #tpu.memory_space<semaphore_mem>>)
        %dma_wait3A = arith.constant 0 : i32
        %dma_wait3A_244 = tpu.memref_slice %arg5[%add3A_238, %dma_wait3A] : memref<40000x128xf32, #tpu.memory_space<hbm>> -> memref<520x128xf32, #tpu.memory_space<hbm>>
        %dma_wait3A_245 = arith.constant 9480 : i32
        %dma_wait3A_246 = arith.constant 0 : i32
        %dma_wait3A_247 = tpu.memref_slice %arg10[%dma_wait3A_245, %dma_wait3A_246] : memref<10240x128xf32, #tpu.memory_space<vmem_shared>> -> memref<520x128xf32, #tpu.memory_space<vmem_shared>>
        tpu.wait_dma2 semaphore(%run_scoped3A : memref<!tpu.dma_semaphore, #tpu.memory_space<semaphore_mem>>) src(%dma_wait3A_247 : memref<520x128xf32, #tpu.memory_space<vmem_shared>>) dst(%dma_wait3A_244 : memref<520x128xf32, #tpu.memory_space<hbm>>)
        tpu.yield
      }) : () -> ()
    } else {
    }
    %mul3A_113 = arith.constant 2 : i32
    %mul3A_114 = arith.muli %arg0, %mul3A_113 : i32
    %add3A_115 = arith.constant 1 : i32
    %add3A_116 = arith.addi %mul3A_114, %add3A_115 : i32
    %lt3A_117 = arith.constant 15 : i32
    %lt3A_118 = arith.cmpi slt, %arg1, %lt3A_117 : i32
    %convert_element_type3A_119 = arith.extui %lt3A_118 : i1 to i32
    %cond3A_120 = arith.constant 0 : i32
    %cond3A_121 = arith.cmpi ne, %convert_element_type3A_119, %cond3A_120 : i32
    scf.if %cond3A_121 {
      %mul3A_235 = arith.constant 632 : i32
      %mul3A_236 = arith.muli %arg1, %mul3A_235 : i32
      %mul3A_237 = arith.constant 10000 : i32
      %mul3A_238 = arith.muli %add3A_116, %mul3A_237 : i32
      %add3A_239 = arith.addi %mul3A_238, %mul3A_236 : i32
      "tpu.region"() ({
        %run_scoped3A = tpu.sem_alloc : memref<!tpu.dma_semaphore, #tpu.memory_space<semaphore_mem>>
        %dma_start3A_240 = arith.constant 0 : i32
        %dma_start3A_241 = tpu.memref_slice %arg10[%mul3A_236, %dma_start3A_240] : memref<10240x128xf32, #tpu.memory_space<vmem_shared>> -> memref<632x128xf32, #tpu.memory_space<vmem_shared>>
        %dma_start3A_242 = arith.constant 0 : i32
        %dma_start3A_243 = tpu.memref_slice %arg2[%add3A_239, %dma_start3A_242] : memref<40000x128xf32, #tpu.memory_space<hbm>> -> memref<632x128xf32, #tpu.memory_space<hbm>>
        tpu.enqueue_dma source(%dma_start3A_243 : memref<632x128xf32, #tpu.memory_space<hbm>>) target(%dma_start3A_241 : memref<632x128xf32, #tpu.memory_space<vmem_shared>>) target_semaphore(%run_scoped3A : memref<!tpu.dma_semaphore, #tpu.memory_space<semaphore_mem>>)
        %dma_wait3A = arith.constant 0 : i32
        %dma_wait3A_244 = tpu.memref_slice %arg10[%mul3A_236, %dma_wait3A] : memref<10240x128xf32, #tpu.memory_space<vmem_shared>> -> memref<632x128xf32, #tpu.memory_space<vmem_shared>>
        %dma_wait3A_245 = arith.constant 0 : i32
        %dma_wait3A_246 = tpu.memref_slice %arg2[%add3A_239, %dma_wait3A_245] : memref<40000x128xf32, #tpu.memory_space<hbm>> -> memref<632x128xf32, #tpu.memory_space<hbm>>
        tpu.wait_dma2 semaphore(%run_scoped3A : memref<!tpu.dma_semaphore, #tpu.memory_space<semaphore_mem>>) src(%dma_wait3A_246 : memref<632x128xf32, #tpu.memory_space<hbm>>) dst(%dma_wait3A_244 : memref<632x128xf32, #tpu.memory_space<vmem_shared>>)
        tpu.yield
      }) : () -> ()
    } else {
    }
    %eq3A_122 = arith.constant 15 : i32
    %eq3A_123 = arith.cmpi eq, %arg1, %eq3A_122 : i32
    %convert_element_type3A_124 = arith.extui %eq3A_123 : i1 to i32
    %cond3A_125 = arith.constant 0 : i32
    %cond3A_126 = arith.cmpi ne, %convert_element_type3A_124, %cond3A_125 : i32
    scf.if %cond3A_126 {
      %mul3A_235 = arith.constant 10000 : i32
      %mul3A_236 = arith.muli %add3A_116, %mul3A_235 : i32
      %add3A_237 = arith.constant 9480 : i32
      %add3A_238 = arith.addi %mul3A_236, %add3A_237 : i32
      "tpu.region"() ({
        %run_scoped3A = tpu.sem_alloc : memref<!tpu.dma_semaphore, #tpu.memory_space<semaphore_mem>>
        %dma_start3A_239 = arith.constant 9480 : i32
        %dma_start3A_240 = arith.constant 0 : i32
        %dma_start3A_241 = tpu.memref_slice %arg10[%dma_start3A_239, %dma_start3A_240] : memref<10240x128xf32, #tpu.memory_space<vmem_shared>> -> memref<520x128xf32, #tpu.memory_space<vmem_shared>>
        %dma_start3A_242 = arith.constant 0 : i32
        %dma_start3A_243 = tpu.memref_slice %arg2[%add3A_238, %dma_start3A_242] : memref<40000x128xf32, #tpu.memory_space<hbm>> -> memref<520x128xf32, #tpu.memory_space<hbm>>
        tpu.enqueue_dma source(%dma_start3A_243 : memref<520x128xf32, #tpu.memory_space<hbm>>) target(%dma_start3A_241 : memref<520x128xf32, #tpu.memory_space<vmem_shared>>) target_semaphore(%run_scoped3A : memref<!tpu.dma_semaphore, #tpu.memory_space<semaphore_mem>>)
        %dma_wait3A = arith.constant 9480 : i32
        %dma_wait3A_244 = arith.constant 0 : i32
        %dma_wait3A_245 = tpu.memref_slice %arg10[%dma_wait3A, %dma_wait3A_244] : memref<10240x128xf32, #tpu.memory_space<vmem_shared>> -> memref<520x128xf32, #tpu.memory_space<vmem_shared>>
        %dma_wait3A_246 = arith.constant 0 : i32
        %dma_wait3A_247 = tpu.memref_slice %arg2[%add3A_238, %dma_wait3A_246] : memref<40000x128xf32, #tpu.memory_space<hbm>> -> memref<520x128xf32, #tpu.memory_space<hbm>>
        tpu.wait_dma2 semaphore(%run_scoped3A : memref<!tpu.dma_semaphore, #tpu.memory_space<semaphore_mem>>) src(%dma_wait3A_247 : memref<520x128xf32, #tpu.memory_space<hbm>>) dst(%dma_wait3A_245 : memref<520x128xf32, #tpu.memory_space<vmem_shared>>)
        tpu.yield
      }) : () -> ()
    } else {
    }
    %barrier3A_127 = arith.constant 0 : index
    tpu.barrier barrier_id(%barrier3A_127)
    %mul3A_128 = arith.constant 2560 : i32
    %mul3A_129 = arith.muli %add3A_116, %mul3A_128 : i32
    %mul3A_130 = arith.constant 160 : i32
    %mul3A_131 = arith.muli %arg1, %mul3A_130 : i32
    %add3A_132 = arith.addi %mul3A_129, %mul3A_131 : i32
    %add3A_133 = arith.constant 0 : i32
    %add3A_134 = arith.addi %add3A_132, %add3A_133 : i32
    %mul3A_135 = arith.constant 160 : i32
    %mul3A_136 = arith.muli %arg1, %mul3A_135 : i32
    %add3A_137 = arith.constant 0 : i32
    %add3A_138 = arith.addi %mul3A_136, %add3A_137 : i32
    "tpu.region"() ({
      %run_scoped3A = tpu.sem_alloc : memref<!tpu.dma_semaphore, #tpu.memory_space<semaphore_mem>>
      %dma_start3A_235 = arith.constant 0 : i32
      %dma_start3A_236 = tpu.memref_slice %arg3[%add3A_134, %dma_start3A_235] : memref<10240x128xi32, #tpu.memory_space<hbm>> -> memref<40x128xi32, #tpu.memory_space<hbm>>
      %dma_start3A_237 = arith.constant 0 : i32
      %dma_start3A_238 = tpu.memref_slice %arg3[%add3A_134, %dma_start3A_237] : memref<10240x128xi32, #tpu.memory_space<hbm>> -> memref<40x128xi32, #tpu.memory_space<hbm>>
      tpu.enqueue_dma source(%dma_start3A_238 : memref<40x128xi32, #tpu.memory_space<hbm>>) target(%arg6 : memref<40x128xi32, #tpu.memory_space<vmem>>) target_semaphore(%run_scoped3A : memref<!tpu.dma_semaphore, #tpu.memory_space<semaphore_mem>>)
      %dma_wait3A = arith.constant 0 : i32
      %dma_wait3A_239 = tpu.memref_slice %arg3[%add3A_134, %dma_wait3A] : memref<10240x128xi32, #tpu.memory_space<hbm>> -> memref<40x128xi32, #tpu.memory_space<hbm>>
      %dma_wait3A_240 = arith.constant 0 : i32
      %dma_wait3A_241 = tpu.memref_slice %arg3[%add3A_134, %dma_wait3A_240] : memref<10240x128xi32, #tpu.memory_space<hbm>> -> memref<40x128xi32, #tpu.memory_space<hbm>>
      tpu.wait_dma2 semaphore(%run_scoped3A : memref<!tpu.dma_semaphore, #tpu.memory_space<semaphore_mem>>) src(%dma_wait3A_241 : memref<40x128xi32, #tpu.memory_space<hbm>>) dst(%arg6 : memref<40x128xi32, #tpu.memory_space<vmem>>)
      tpu.yield
    }) : () -> ()
    "tpu.region"() ({
      %run_scoped3A = tpu.sem_alloc : memref<!tpu.dma_semaphore, #tpu.memory_space<semaphore_mem>>
      %dma_start3A_235 = arith.constant 0 : i32
      %dma_start3A_236 = tpu.memref_slice %arg4[%add3A_138, %dma_start3A_235] : memref<2560x128xi32, #tpu.memory_space<hbm>> -> memref<40x128xi32, #tpu.memory_space<hbm>>
      %dma_start3A_237 = arith.constant 0 : i32
      %dma_start3A_238 = tpu.memref_slice %arg4[%add3A_138, %dma_start3A_237] : memref<2560x128xi32, #tpu.memory_space<hbm>> -> memref<40x128xi32, #tpu.memory_space<hbm>>
      tpu.enqueue_dma source(%dma_start3A_238 : memref<40x128xi32, #tpu.memory_space<hbm>>) target(%arg7 : memref<40x128xi32, #tpu.memory_space<vmem>>) target_semaphore(%run_scoped3A : memref<!tpu.dma_semaphore, #tpu.memory_space<semaphore_mem>>)
      %dma_wait3A = arith.constant 0 : i32
      %dma_wait3A_239 = tpu.memref_slice %arg4[%add3A_138, %dma_wait3A] : memref<2560x128xi32, #tpu.memory_space<hbm>> -> memref<40x128xi32, #tpu.memory_space<hbm>>
      %dma_wait3A_240 = arith.constant 0 : i32
      %dma_wait3A_241 = tpu.memref_slice %arg4[%add3A_138, %dma_wait3A_240] : memref<2560x128xi32, #tpu.memory_space<hbm>> -> memref<40x128xi32, #tpu.memory_space<hbm>>
      tpu.wait_dma2 semaphore(%run_scoped3A : memref<!tpu.dma_semaphore, #tpu.memory_space<semaphore_mem>>) src(%dma_wait3A_241 : memref<40x128xi32, #tpu.memory_space<hbm>>) dst(%arg7 : memref<40x128xi32, #tpu.memory_space<vmem>>)
      tpu.yield
    }) : () -> ()
    %dma_start3A_139 = arith.constant 0 : i32
    %dma_start3A_140 = arith.constant 0 : i32
    %dma_start3A_141 = tpu.memref_slice %arg6[%dma_start3A_139, %dma_start3A_140] : memref<40x128xi32, #tpu.memory_space<vmem>> -> memref<1x128xi32, #tpu.memory_space<vmem>>
    %dma_start3A_142 = tpu.memref_squeeze %dma_start3A_141 : memref<1x128xi32, #tpu.memory_space<vmem>> -> memref<128xi32, #tpu.memory_space<vmem>>
    %dma_start3A_143 = arith.constant 0 : i32
    %dma_start3A_144 = arith.constant 0 : i32
    %dma_start3A_145 = tpu.memref_slice %arg2[%dma_start3A_143, %dma_start3A_144] : memref<40000x128xf32, #tpu.memory_space<hbm>> -> memref<40000x128xf32, #tpu.memory_space<hbm>>
    tpu.enqueue_indirect_dma source(%dma_start3A_145 : memref<40000x128xf32, #tpu.memory_space<hbm>>) target(%arg8 : memref<128x128xf32, #tpu.memory_space<vmem>>) offsets(%dma_start3A_142 : memref<128xi32, #tpu.memory_space<vmem>>) semaphore(%arg11 : memref<!tpu.dma_semaphore, #tpu.memory_space<semaphore_mem>>)
    %scan3A_146 = arith.constant 0 : i32
    %scan3A_147 = arith.constant 0 : i32
    %scan3A_148 = arith.constant 20 : i32
    %scan3A_149 = arith.addi %scan3A_147, %scan3A_148 : i32
    %scan3A_150 = arith.constant 1 : i32
    scf.for %scan3A_235 = %scan3A_147 to %scan3A_149 step %scan3A_150  : i32 {
      %mul3A_236 = arith.constant 2 : i32
      %mul3A_237 = arith.muli %mul3A_236, %scan3A_235 : i32
      %add3A_238 = arith.constant 1 : i32
      %add3A_239 = arith.addi %mul3A_237, %add3A_238 : i32
      %dma_start3A_240 = arith.constant 0 : i32
      %dma_start3A_241 = tpu.memref_slice %arg6[%add3A_239, %dma_start3A_240] : memref<40x128xi32, #tpu.memory_space<vmem>> -> memref<1x128xi32, #tpu.memory_space<vmem>>
      %dma_start3A_242 = tpu.memref_squeeze %dma_start3A_241 : memref<1x128xi32, #tpu.memory_space<vmem>> -> memref<128xi32, #tpu.memory_space<vmem>>
      %dma_start3A_243 = arith.constant 0 : i32
      %dma_start3A_244 = arith.constant 0 : i32
      %dma_start3A_245 = tpu.memref_slice %arg2[%dma_start3A_243, %dma_start3A_244] : memref<40000x128xf32, #tpu.memory_space<hbm>> -> memref<40000x128xf32, #tpu.memory_space<hbm>>
      tpu.enqueue_indirect_dma source(%dma_start3A_245 : memref<40000x128xf32, #tpu.memory_space<hbm>>) target(%arg9 : memref<128x128xf32, #tpu.memory_space<vmem>>) offsets(%dma_start3A_242 : memref<128xi32, #tpu.memory_space<vmem>>) semaphore(%arg12 : memref<!tpu.dma_semaphore, #tpu.memory_space<semaphore_mem>>)
      %dma_wait3A = arith.constant 0 : i32
      %dma_wait3A_246 = tpu.memref_slice %arg6[%mul3A_237, %dma_wait3A] : memref<40x128xi32, #tpu.memory_space<vmem>> -> memref<1x128xi32, #tpu.memory_space<vmem>>
      %dma_wait3A_247 = tpu.memref_squeeze %dma_wait3A_246 : memref<1x128xi32, #tpu.memory_space<vmem>> -> memref<128xi32, #tpu.memory_space<vmem>>
      %dma_wait3A_248 = arith.constant 0 : i32
      %dma_wait3A_249 = arith.constant 0 : i32
      %dma_wait3A_250 = tpu.memref_slice %arg2[%dma_wait3A_248, %dma_wait3A_249] : memref<40000x128xf32, #tpu.memory_space<hbm>> -> memref<40000x128xf32, #tpu.memory_space<hbm>>
      tpu.wait_indirect_dma semaphore(%arg11 : memref<!tpu.dma_semaphore, #tpu.memory_space<semaphore_mem>>) src(%dma_wait3A_250 : memref<40000x128xf32, #tpu.memory_space<hbm>>) dst(%arg8 : memref<128x128xf32, #tpu.memory_space<vmem>>)
      "tpu.region"() ({
        %run_scoped3A = tpu.sem_alloc : memref<!tpu.dma_semaphore, #tpu.memory_space<semaphore_mem>>
        %dma_start3A_268 = arith.constant 0 : i32
        %dma_start3A_269 = tpu.memref_slice %arg7[%mul3A_237, %dma_start3A_268] : memref<40x128xi32, #tpu.memory_space<vmem>> -> memref<1x128xi32, #tpu.memory_space<vmem>>
        %dma_start3A_270 = tpu.memref_squeeze %dma_start3A_269 : memref<1x128xi32, #tpu.memory_space<vmem>> -> memref<128xi32, #tpu.memory_space<vmem>>
        %dma_start3A_271 = arith.constant 0 : i32
        %dma_start3A_272 = arith.constant 0 : i32
        %dma_start3A_273 = tpu.memref_slice %arg10[%dma_start3A_271, %dma_start3A_272] : memref<10240x128xf32, #tpu.memory_space<vmem_shared>> -> memref<10240x128xf32, #tpu.memory_space<vmem_shared>>
        tpu.enqueue_indirect_dma source(%arg8 : memref<128x128xf32, #tpu.memory_space<vmem>>) target(%dma_start3A_273 : memref<10240x128xf32, #tpu.memory_space<vmem_shared>>) offsets(%dma_start3A_270 : memref<128xi32, #tpu.memory_space<vmem>>) semaphore(%run_scoped3A : memref<!tpu.dma_semaphore, #tpu.memory_space<semaphore_mem>>) {add = true}
        %dma_wait3A_274 = arith.constant 0 : i32
        %dma_wait3A_275 = tpu.memref_slice %arg7[%mul3A_237, %dma_wait3A_274] : memref<40x128xi32, #tpu.memory_space<vmem>> -> memref<1x128xi32, #tpu.memory_space<vmem>>
        %dma_wait3A_276 = tpu.memref_squeeze %dma_wait3A_275 : memref<1x128xi32, #tpu.memory_space<vmem>> -> memref<128xi32, #tpu.memory_space<vmem>>
        %dma_wait3A_277 = arith.constant 0 : i32
        %dma_wait3A_278 = arith.constant 0 : i32
        %dma_wait3A_279 = tpu.memref_slice %arg10[%dma_wait3A_277, %dma_wait3A_278] : memref<10240x128xf32, #tpu.memory_space<vmem_shared>> -> memref<10240x128xf32, #tpu.memory_space<vmem_shared>>
        tpu.wait_indirect_dma semaphore(%run_scoped3A : memref<!tpu.dma_semaphore, #tpu.memory_space<semaphore_mem>>) src(%arg8 : memref<128x128xf32, #tpu.memory_space<vmem>>) dst(%dma_wait3A_279 : memref<10240x128xf32, #tpu.memory_space<vmem_shared>>)
        tpu.yield
      }) : () -> ()
      %add3A_251 = arith.constant 2 : i32
      %add3A_252 = arith.addi %mul3A_237, %add3A_251 : i32
      %lt3A_253 = arith.constant 40 : i32
      %lt3A_254 = arith.cmpi slt, %add3A_252, %lt3A_253 : i32
      %convert_element_type3A_255 = arith.extui %lt3A_254 : i1 to i32
      %cond3A_256 = arith.constant 0 : i32
      %cond3A_257 = arith.cmpi ne, %convert_element_type3A_255, %cond3A_256 : i32
      scf.if %cond3A_257 {
        %add3A_268 = arith.constant 2 : i32
        %add3A_269 = arith.addi %mul3A_237, %add3A_268 : i32
        %dma_start3A_270 = arith.constant 0 : i32
        %dma_start3A_271 = tpu.memref_slice %arg6[%add3A_269, %dma_start3A_270] : memref<40x128xi32, #tpu.memory_space<vmem>> -> memref<1x128xi32, #tpu.memory_space<vmem>>
        %dma_start3A_272 = tpu.memref_squeeze %dma_start3A_271 : memref<1x128xi32, #tpu.memory_space<vmem>> -> memref<128xi32, #tpu.memory_space<vmem>>
        %dma_start3A_273 = arith.constant 0 : i32
        %dma_start3A_274 = arith.constant 0 : i32
        %dma_start3A_275 = tpu.memref_slice %arg2[%dma_start3A_273, %dma_start3A_274] : memref<40000x128xf32, #tpu.memory_space<hbm>> -> memref<40000x128xf32, #tpu.memory_space<hbm>>
        tpu.enqueue_indirect_dma source(%dma_start3A_275 : memref<40000x128xf32, #tpu.memory_space<hbm>>) target(%arg8 : memref<128x128xf32, #tpu.memory_space<vmem>>) offsets(%dma_start3A_272 : memref<128xi32, #tpu.memory_space<vmem>>) semaphore(%arg11 : memref<!tpu.dma_semaphore, #tpu.memory_space<semaphore_mem>>)
      } else {
      }
      %add3A_258 = arith.constant 1 : i32
      %add3A_259 = arith.addi %mul3A_237, %add3A_258 : i32
      %dma_wait3A_260 = arith.constant 0 : i32
      %dma_wait3A_261 = tpu.memref_slice %arg6[%add3A_259, %dma_wait3A_260] : memref<40x128xi32, #tpu.memory_space<vmem>> -> memref<1x128xi32, #tpu.memory_space<vmem>>
      %dma_wait3A_262 = tpu.memref_squeeze %dma_wait3A_261 : memref<1x128xi32, #tpu.memory_space<vmem>> -> memref<128xi32, #tpu.memory_space<vmem>>
      %dma_wait3A_263 = arith.constant 0 : i32
      %dma_wait3A_264 = arith.constant 0 : i32
      %dma_wait3A_265 = tpu.memref_slice %arg2[%dma_wait3A_263, %dma_wait3A_264] : memref<40000x128xf32, #tpu.memory_space<hbm>> -> memref<40000x128xf32, #tpu.memory_space<hbm>>
      tpu.wait_indirect_dma semaphore(%arg12 : memref<!tpu.dma_semaphore, #tpu.memory_space<semaphore_mem>>) src(%dma_wait3A_265 : memref<40000x128xf32, #tpu.memory_space<hbm>>) dst(%arg9 : memref<128x128xf32, #tpu.memory_space<vmem>>)
      %add3A_266 = arith.constant 1 : i32
      %add3A_267 = arith.addi %mul3A_237, %add3A_266 : i32
      "tpu.region"() ({
        %run_scoped3A = tpu.sem_alloc : memref<!tpu.dma_semaphore, #tpu.memory_space<semaphore_mem>>
        %dma_start3A_268 = arith.constant 0 : i32
        %dma_start3A_269 = tpu.memref_slice %arg7[%add3A_267, %dma_start3A_268] : memref<40x128xi32, #tpu.memory_space<vmem>> -> memref<1x128xi32, #tpu.memory_space<vmem>>
        %dma_start3A_270 = tpu.memref_squeeze %dma_start3A_269 : memref<1x128xi32, #tpu.memory_space<vmem>> -> memref<128xi32, #tpu.memory_space<vmem>>
        %dma_start3A_271 = arith.constant 0 : i32
        %dma_start3A_272 = arith.constant 0 : i32
        %dma_start3A_273 = tpu.memref_slice %arg10[%dma_start3A_271, %dma_start3A_272] : memref<10240x128xf32, #tpu.memory_space<vmem_shared>> -> memref<10240x128xf32, #tpu.memory_space<vmem_shared>>
        tpu.enqueue_indirect_dma source(%arg9 : memref<128x128xf32, #tpu.memory_space<vmem>>) target(%dma_start3A_273 : memref<10240x128xf32, #tpu.memory_space<vmem_shared>>) offsets(%dma_start3A_270 : memref<128xi32, #tpu.memory_space<vmem>>) semaphore(%run_scoped3A : memref<!tpu.dma_semaphore, #tpu.memory_space<semaphore_mem>>) {add = true}
        %dma_wait3A_274 = arith.constant 0 : i32
        %dma_wait3A_275 = tpu.memref_slice %arg7[%add3A_267, %dma_wait3A_274] : memref<40x128xi32, #tpu.memory_space<vmem>> -> memref<1x128xi32, #tpu.memory_space<vmem>>
        %dma_wait3A_276 = tpu.memref_squeeze %dma_wait3A_275 : memref<1x128xi32, #tpu.memory_space<vmem>> -> memref<128xi32, #tpu.memory_space<vmem>>
        %dma_wait3A_277 = arith.constant 0 : i32
        %dma_wait3A_278 = arith.constant 0 : i32
        %dma_wait3A_279 = tpu.memref_slice %arg10[%dma_wait3A_277, %dma_wait3A_278] : memref<10240x128xf32, #tpu.memory_space<vmem_shared>> -> memref<10240x128xf32, #tpu.memory_space<vmem_shared>>
        tpu.wait_indirect_dma semaphore(%run_scoped3A : memref<!tpu.dma_semaphore, #tpu.memory_space<semaphore_mem>>) src(%arg9 : memref<128x128xf32, #tpu.memory_space<vmem>>) dst(%dma_wait3A_279 : memref<10240x128xf32, #tpu.memory_space<vmem_shared>>)
        tpu.yield
      }) : () -> ()
    }
    %scan3A_151 = arith.constant 20 : i32
    %mul3A_152 = arith.constant 2560 : i32
    %mul3A_153 = arith.muli %add3A_116, %mul3A_152 : i32
    %mul3A_154 = arith.constant 160 : i32
    %mul3A_155 = arith.muli %arg1, %mul3A_154 : i32
    %add3A_156 = arith.addi %mul3A_153, %mul3A_155 : i32
    %add3A_157 = arith.constant 40 : i32
    %add3A_158 = arith.addi %add3A_156, %add3A_157 : i32
    %mul3A_159 = arith.constant 160 : i32
    %mul3A_160 = arith.muli %arg1, %mul3A_159 : i32
    %add3A_161 = arith.constant 40 : i32
    %add3A_162 = arith.addi %mul3A_160, %add3A_161 : i32
    "tpu.region"() ({
      %run_scoped3A = tpu.sem_alloc : memref<!tpu.dma_semaphore, #tpu.memory_space<semaphore_mem>>
      %dma_start3A_235 = arith.constant 0 : i32
      %dma_start3A_236 = tpu.memref_slice %arg3[%add3A_158, %dma_start3A_235] : memref<10240x128xi32, #tpu.memory_space<hbm>> -> memref<40x128xi32, #tpu.memory_space<hbm>>
      %dma_start3A_237 = arith.constant 0 : i32
      %dma_start3A_238 = tpu.memref_slice %arg3[%add3A_158, %dma_start3A_237] : memref<10240x128xi32, #tpu.memory_space<hbm>> -> memref<40x128xi32, #tpu.memory_space<hbm>>
      tpu.enqueue_dma source(%dma_start3A_238 : memref<40x128xi32, #tpu.memory_space<hbm>>) target(%arg6 : memref<40x128xi32, #tpu.memory_space<vmem>>) target_semaphore(%run_scoped3A : memref<!tpu.dma_semaphore, #tpu.memory_space<semaphore_mem>>)
      %dma_wait3A = arith.constant 0 : i32
      %dma_wait3A_239 = tpu.memref_slice %arg3[%add3A_158, %dma_wait3A] : memref<10240x128xi32, #tpu.memory_space<hbm>> -> memref<40x128xi32, #tpu.memory_space<hbm>>
      %dma_wait3A_240 = arith.constant 0 : i32
      %dma_wait3A_241 = tpu.memref_slice %arg3[%add3A_158, %dma_wait3A_240] : memref<10240x128xi32, #tpu.memory_space<hbm>> -> memref<40x128xi32, #tpu.memory_space<hbm>>
      tpu.wait_dma2 semaphore(%run_scoped3A : memref<!tpu.dma_semaphore, #tpu.memory_space<semaphore_mem>>) src(%dma_wait3A_241 : memref<40x128xi32, #tpu.memory_space<hbm>>) dst(%arg6 : memref<40x128xi32, #tpu.memory_space<vmem>>)
      tpu.yield
    }) : () -> ()
    "tpu.region"() ({
      %run_scoped3A = tpu.sem_alloc : memref<!tpu.dma_semaphore, #tpu.memory_space<semaphore_mem>>
      %dma_start3A_235 = arith.constant 0 : i32
      %dma_start3A_236 = tpu.memref_slice %arg4[%add3A_162, %dma_start3A_235] : memref<2560x128xi32, #tpu.memory_space<hbm>> -> memref<40x128xi32, #tpu.memory_space<hbm>>
      %dma_start3A_237 = arith.constant 0 : i32
      %dma_start3A_238 = tpu.memref_slice %arg4[%add3A_162, %dma_start3A_237] : memref<2560x128xi32, #tpu.memory_space<hbm>> -> memref<40x128xi32, #tpu.memory_space<hbm>>
      tpu.enqueue_dma source(%dma_start3A_238 : memref<40x128xi32, #tpu.memory_space<hbm>>) target(%arg7 : memref<40x128xi32, #tpu.memory_space<vmem>>) target_semaphore(%run_scoped3A : memref<!tpu.dma_semaphore, #tpu.memory_space<semaphore_mem>>)
      %dma_wait3A = arith.constant 0 : i32
      %dma_wait3A_239 = tpu.memref_slice %arg4[%add3A_162, %dma_wait3A] : memref<2560x128xi32, #tpu.memory_space<hbm>> -> memref<40x128xi32, #tpu.memory_space<hbm>>
      %dma_wait3A_240 = arith.constant 0 : i32
      %dma_wait3A_241 = tpu.memref_slice %arg4[%add3A_162, %dma_wait3A_240] : memref<2560x128xi32, #tpu.memory_space<hbm>> -> memref<40x128xi32, #tpu.memory_space<hbm>>
      tpu.wait_dma2 semaphore(%run_scoped3A : memref<!tpu.dma_semaphore, #tpu.memory_space<semaphore_mem>>) src(%dma_wait3A_241 : memref<40x128xi32, #tpu.memory_space<hbm>>) dst(%arg7 : memref<40x128xi32, #tpu.memory_space<vmem>>)
      tpu.yield
    }) : () -> ()
    %dma_start3A_163 = arith.constant 0 : i32
    %dma_start3A_164 = arith.constant 0 : i32
    %dma_start3A_165 = tpu.memref_slice %arg6[%dma_start3A_163, %dma_start3A_164] : memref<40x128xi32, #tpu.memory_space<vmem>> -> memref<1x128xi32, #tpu.memory_space<vmem>>
    %dma_start3A_166 = tpu.memref_squeeze %dma_start3A_165 : memref<1x128xi32, #tpu.memory_space<vmem>> -> memref<128xi32, #tpu.memory_space<vmem>>
    %dma_start3A_167 = arith.constant 0 : i32
    %dma_start3A_168 = arith.constant 0 : i32
    %dma_start3A_169 = tpu.memref_slice %arg2[%dma_start3A_167, %dma_start3A_168] : memref<40000x128xf32, #tpu.memory_space<hbm>> -> memref<40000x128xf32, #tpu.memory_space<hbm>>
    tpu.enqueue_indirect_dma source(%dma_start3A_169 : memref<40000x128xf32, #tpu.memory_space<hbm>>) target(%arg8 : memref<128x128xf32, #tpu.memory_space<vmem>>) offsets(%dma_start3A_166 : memref<128xi32, #tpu.memory_space<vmem>>) semaphore(%arg11 : memref<!tpu.dma_semaphore, #tpu.memory_space<semaphore_mem>>)
    %scan3A_170 = arith.constant 0 : i32
    %scan3A_171 = arith.constant 0 : i32
    %scan3A_172 = arith.constant 20 : i32
    %scan3A_173 = arith.addi %scan3A_171, %scan3A_172 : i32
    %scan3A_174 = arith.constant 1 : i32
    scf.for %scan3A_235 = %scan3A_171 to %scan3A_173 step %scan3A_174  : i32 {
      %mul3A_236 = arith.constant 2 : i32
      %mul3A_237 = arith.muli %mul3A_236, %scan3A_235 : i32
      %add3A_238 = arith.constant 1 : i32
      %add3A_239 = arith.addi %mul3A_237, %add3A_238 : i32
      %dma_start3A_240 = arith.constant 0 : i32
      %dma_start3A_241 = tpu.memref_slice %arg6[%add3A_239, %dma_start3A_240] : memref<40x128xi32, #tpu.memory_space<vmem>> -> memref<1x128xi32, #tpu.memory_space<vmem>>
      %dma_start3A_242 = tpu.memref_squeeze %dma_start3A_241 : memref<1x128xi32, #tpu.memory_space<vmem>> -> memref<128xi32, #tpu.memory_space<vmem>>
      %dma_start3A_243 = arith.constant 0 : i32
      %dma_start3A_244 = arith.constant 0 : i32
      %dma_start3A_245 = tpu.memref_slice %arg2[%dma_start3A_243, %dma_start3A_244] : memref<40000x128xf32, #tpu.memory_space<hbm>> -> memref<40000x128xf32, #tpu.memory_space<hbm>>
      tpu.enqueue_indirect_dma source(%dma_start3A_245 : memref<40000x128xf32, #tpu.memory_space<hbm>>) target(%arg9 : memref<128x128xf32, #tpu.memory_space<vmem>>) offsets(%dma_start3A_242 : memref<128xi32, #tpu.memory_space<vmem>>) semaphore(%arg12 : memref<!tpu.dma_semaphore, #tpu.memory_space<semaphore_mem>>)
      %dma_wait3A = arith.constant 0 : i32
      %dma_wait3A_246 = tpu.memref_slice %arg6[%mul3A_237, %dma_wait3A] : memref<40x128xi32, #tpu.memory_space<vmem>> -> memref<1x128xi32, #tpu.memory_space<vmem>>
      %dma_wait3A_247 = tpu.memref_squeeze %dma_wait3A_246 : memref<1x128xi32, #tpu.memory_space<vmem>> -> memref<128xi32, #tpu.memory_space<vmem>>
      %dma_wait3A_248 = arith.constant 0 : i32
      %dma_wait3A_249 = arith.constant 0 : i32
      %dma_wait3A_250 = tpu.memref_slice %arg2[%dma_wait3A_248, %dma_wait3A_249] : memref<40000x128xf32, #tpu.memory_space<hbm>> -> memref<40000x128xf32, #tpu.memory_space<hbm>>
      tpu.wait_indirect_dma semaphore(%arg11 : memref<!tpu.dma_semaphore, #tpu.memory_space<semaphore_mem>>) src(%dma_wait3A_250 : memref<40000x128xf32, #tpu.memory_space<hbm>>) dst(%arg8 : memref<128x128xf32, #tpu.memory_space<vmem>>)
      "tpu.region"() ({
        %run_scoped3A = tpu.sem_alloc : memref<!tpu.dma_semaphore, #tpu.memory_space<semaphore_mem>>
        %dma_start3A_268 = arith.constant 0 : i32
        %dma_start3A_269 = tpu.memref_slice %arg7[%mul3A_237, %dma_start3A_268] : memref<40x128xi32, #tpu.memory_space<vmem>> -> memref<1x128xi32, #tpu.memory_space<vmem>>
        %dma_start3A_270 = tpu.memref_squeeze %dma_start3A_269 : memref<1x128xi32, #tpu.memory_space<vmem>> -> memref<128xi32, #tpu.memory_space<vmem>>
        %dma_start3A_271 = arith.constant 0 : i32
        %dma_start3A_272 = arith.constant 0 : i32
        %dma_start3A_273 = tpu.memref_slice %arg10[%dma_start3A_271, %dma_start3A_272] : memref<10240x128xf32, #tpu.memory_space<vmem_shared>> -> memref<10240x128xf32, #tpu.memory_space<vmem_shared>>
        tpu.enqueue_indirect_dma source(%arg8 : memref<128x128xf32, #tpu.memory_space<vmem>>) target(%dma_start3A_273 : memref<10240x128xf32, #tpu.memory_space<vmem_shared>>) offsets(%dma_start3A_270 : memref<128xi32, #tpu.memory_space<vmem>>) semaphore(%run_scoped3A : memref<!tpu.dma_semaphore, #tpu.memory_space<semaphore_mem>>) {add = true}
        %dma_wait3A_274 = arith.constant 0 : i32
        %dma_wait3A_275 = tpu.memref_slice %arg7[%mul3A_237, %dma_wait3A_274] : memref<40x128xi32, #tpu.memory_space<vmem>> -> memref<1x128xi32, #tpu.memory_space<vmem>>
        %dma_wait3A_276 = tpu.memref_squeeze %dma_wait3A_275 : memref<1x128xi32, #tpu.memory_space<vmem>> -> memref<128xi32, #tpu.memory_space<vmem>>
        %dma_wait3A_277 = arith.constant 0 : i32
        %dma_wait3A_278 = arith.constant 0 : i32
        %dma_wait3A_279 = tpu.memref_slice %arg10[%dma_wait3A_277, %dma_wait3A_278] : memref<10240x128xf32, #tpu.memory_space<vmem_shared>> -> memref<10240x128xf32, #tpu.memory_space<vmem_shared>>
        tpu.wait_indirect_dma semaphore(%run_scoped3A : memref<!tpu.dma_semaphore, #tpu.memory_space<semaphore_mem>>) src(%arg8 : memref<128x128xf32, #tpu.memory_space<vmem>>) dst(%dma_wait3A_279 : memref<10240x128xf32, #tpu.memory_space<vmem_shared>>)
        tpu.yield
      }) : () -> ()
      %add3A_251 = arith.constant 2 : i32
      %add3A_252 = arith.addi %mul3A_237, %add3A_251 : i32
      %lt3A_253 = arith.constant 40 : i32
      %lt3A_254 = arith.cmpi slt, %add3A_252, %lt3A_253 : i32
      %convert_element_type3A_255 = arith.extui %lt3A_254 : i1 to i32
      %cond3A_256 = arith.constant 0 : i32
      %cond3A_257 = arith.cmpi ne, %convert_element_type3A_255, %cond3A_256 : i32
      scf.if %cond3A_257 {
        %add3A_268 = arith.constant 2 : i32
        %add3A_269 = arith.addi %mul3A_237, %add3A_268 : i32
        %dma_start3A_270 = arith.constant 0 : i32
        %dma_start3A_271 = tpu.memref_slice %arg6[%add3A_269, %dma_start3A_270] : memref<40x128xi32, #tpu.memory_space<vmem>> -> memref<1x128xi32, #tpu.memory_space<vmem>>
        %dma_start3A_272 = tpu.memref_squeeze %dma_start3A_271 : memref<1x128xi32, #tpu.memory_space<vmem>> -> memref<128xi32, #tpu.memory_space<vmem>>
        %dma_start3A_273 = arith.constant 0 : i32
        %dma_start3A_274 = arith.constant 0 : i32
        %dma_start3A_275 = tpu.memref_slice %arg2[%dma_start3A_273, %dma_start3A_274] : memref<40000x128xf32, #tpu.memory_space<hbm>> -> memref<40000x128xf32, #tpu.memory_space<hbm>>
        tpu.enqueue_indirect_dma source(%dma_start3A_275 : memref<40000x128xf32, #tpu.memory_space<hbm>>) target(%arg8 : memref<128x128xf32, #tpu.memory_space<vmem>>) offsets(%dma_start3A_272 : memref<128xi32, #tpu.memory_space<vmem>>) semaphore(%arg11 : memref<!tpu.dma_semaphore, #tpu.memory_space<semaphore_mem>>)
      } else {
      }
      %add3A_258 = arith.constant 1 : i32
      %add3A_259 = arith.addi %mul3A_237, %add3A_258 : i32
      %dma_wait3A_260 = arith.constant 0 : i32
      %dma_wait3A_261 = tpu.memref_slice %arg6[%add3A_259, %dma_wait3A_260] : memref<40x128xi32, #tpu.memory_space<vmem>> -> memref<1x128xi32, #tpu.memory_space<vmem>>
      %dma_wait3A_262 = tpu.memref_squeeze %dma_wait3A_261 : memref<1x128xi32, #tpu.memory_space<vmem>> -> memref<128xi32, #tpu.memory_space<vmem>>
      %dma_wait3A_263 = arith.constant 0 : i32
      %dma_wait3A_264 = arith.constant 0 : i32
      %dma_wait3A_265 = tpu.memref_slice %arg2[%dma_wait3A_263, %dma_wait3A_264] : memref<40000x128xf32, #tpu.memory_space<hbm>> -> memref<40000x128xf32, #tpu.memory_space<hbm>>
      tpu.wait_indirect_dma semaphore(%arg12 : memref<!tpu.dma_semaphore, #tpu.memory_space<semaphore_mem>>) src(%dma_wait3A_265 : memref<40000x128xf32, #tpu.memory_space<hbm>>) dst(%arg9 : memref<128x128xf32, #tpu.memory_space<vmem>>)
      %add3A_266 = arith.constant 1 : i32
      %add3A_267 = arith.addi %mul3A_237, %add3A_266 : i32
      "tpu.region"() ({
        %run_scoped3A = tpu.sem_alloc : memref<!tpu.dma_semaphore, #tpu.memory_space<semaphore_mem>>
        %dma_start3A_268 = arith.constant 0 : i32
        %dma_start3A_269 = tpu.memref_slice %arg7[%add3A_267, %dma_start3A_268] : memref<40x128xi32, #tpu.memory_space<vmem>> -> memref<1x128xi32, #tpu.memory_space<vmem>>
        %dma_start3A_270 = tpu.memref_squeeze %dma_start3A_269 : memref<1x128xi32, #tpu.memory_space<vmem>> -> memref<128xi32, #tpu.memory_space<vmem>>
        %dma_start3A_271 = arith.constant 0 : i32
        %dma_start3A_272 = arith.constant 0 : i32
        %dma_start3A_273 = tpu.memref_slice %arg10[%dma_start3A_271, %dma_start3A_272] : memref<10240x128xf32, #tpu.memory_space<vmem_shared>> -> memref<10240x128xf32, #tpu.memory_space<vmem_shared>>
        tpu.enqueue_indirect_dma source(%arg9 : memref<128x128xf32, #tpu.memory_space<vmem>>) target(%dma_start3A_273 : memref<10240x128xf32, #tpu.memory_space<vmem_shared>>) offsets(%dma_start3A_270 : memref<128xi32, #tpu.memory_space<vmem>>) semaphore(%run_scoped3A : memref<!tpu.dma_semaphore, #tpu.memory_space<semaphore_mem>>) {add = true}
        %dma_wait3A_274 = arith.constant 0 : i32
        %dma_wait3A_275 = tpu.memref_slice %arg7[%add3A_267, %dma_wait3A_274] : memref<40x128xi32, #tpu.memory_space<vmem>> -> memref<1x128xi32, #tpu.memory_space<vmem>>
        %dma_wait3A_276 = tpu.memref_squeeze %dma_wait3A_275 : memref<1x128xi32, #tpu.memory_space<vmem>> -> memref<128xi32, #tpu.memory_space<vmem>>
        %dma_wait3A_277 = arith.constant 0 : i32
        %dma_wait3A_278 = arith.constant 0 : i32
        %dma_wait3A_279 = tpu.memref_slice %arg10[%dma_wait3A_277, %dma_wait3A_278] : memref<10240x128xf32, #tpu.memory_space<vmem_shared>> -> memref<10240x128xf32, #tpu.memory_space<vmem_shared>>
        tpu.wait_indirect_dma semaphore(%run_scoped3A : memref<!tpu.dma_semaphore, #tpu.memory_space<semaphore_mem>>) src(%arg9 : memref<128x128xf32, #tpu.memory_space<vmem>>) dst(%dma_wait3A_279 : memref<10240x128xf32, #tpu.memory_space<vmem_shared>>)
        tpu.yield
      }) : () -> ()
    }
    %scan3A_175 = arith.constant 20 : i32
    %mul3A_176 = arith.constant 2560 : i32
    %mul3A_177 = arith.muli %add3A_116, %mul3A_176 : i32
    %mul3A_178 = arith.constant 160 : i32
    %mul3A_179 = arith.muli %arg1, %mul3A_178 : i32
    %add3A_180 = arith.addi %mul3A_177, %mul3A_179 : i32
    %add3A_181 = arith.constant 80 : i32
    %add3A_182 = arith.addi %add3A_180, %add3A_181 : i32
    %mul3A_183 = arith.constant 160 : i32
    %mul3A_184 = arith.muli %arg1, %mul3A_183 : i32
    %add3A_185 = arith.constant 80 : i32
    %add3A_186 = arith.addi %mul3A_184, %add3A_185 : i32
    "tpu.region"() ({
      %run_scoped3A = tpu.sem_alloc : memref<!tpu.dma_semaphore, #tpu.memory_space<semaphore_mem>>
      %dma_start3A_235 = arith.constant 0 : i32
      %dma_start3A_236 = tpu.memref_slice %arg3[%add3A_182, %dma_start3A_235] : memref<10240x128xi32, #tpu.memory_space<hbm>> -> memref<40x128xi32, #tpu.memory_space<hbm>>
      %dma_start3A_237 = arith.constant 0 : i32
      %dma_start3A_238 = tpu.memref_slice %arg3[%add3A_182, %dma_start3A_237] : memref<10240x128xi32, #tpu.memory_space<hbm>> -> memref<40x128xi32, #tpu.memory_space<hbm>>
      tpu.enqueue_dma source(%dma_start3A_238 : memref<40x128xi32, #tpu.memory_space<hbm>>) target(%arg6 : memref<40x128xi32, #tpu.memory_space<vmem>>) target_semaphore(%run_scoped3A : memref<!tpu.dma_semaphore, #tpu.memory_space<semaphore_mem>>)
      %dma_wait3A = arith.constant 0 : i32
      %dma_wait3A_239 = tpu.memref_slice %arg3[%add3A_182, %dma_wait3A] : memref<10240x128xi32, #tpu.memory_space<hbm>> -> memref<40x128xi32, #tpu.memory_space<hbm>>
      %dma_wait3A_240 = arith.constant 0 : i32
      %dma_wait3A_241 = tpu.memref_slice %arg3[%add3A_182, %dma_wait3A_240] : memref<10240x128xi32, #tpu.memory_space<hbm>> -> memref<40x128xi32, #tpu.memory_space<hbm>>
      tpu.wait_dma2 semaphore(%run_scoped3A : memref<!tpu.dma_semaphore, #tpu.memory_space<semaphore_mem>>) src(%dma_wait3A_241 : memref<40x128xi32, #tpu.memory_space<hbm>>) dst(%arg6 : memref<40x128xi32, #tpu.memory_space<vmem>>)
      tpu.yield
    }) : () -> ()
    "tpu.region"() ({
      %run_scoped3A = tpu.sem_alloc : memref<!tpu.dma_semaphore, #tpu.memory_space<semaphore_mem>>
      %dma_start3A_235 = arith.constant 0 : i32
      %dma_start3A_236 = tpu.memref_slice %arg4[%add3A_186, %dma_start3A_235] : memref<2560x128xi32, #tpu.memory_space<hbm>> -> memref<40x128xi32, #tpu.memory_space<hbm>>
      %dma_start3A_237 = arith.constant 0 : i32
      %dma_start3A_238 = tpu.memref_slice %arg4[%add3A_186, %dma_start3A_237] : memref<2560x128xi32, #tpu.memory_space<hbm>> -> memref<40x128xi32, #tpu.memory_space<hbm>>
      tpu.enqueue_dma source(%dma_start3A_238 : memref<40x128xi32, #tpu.memory_space<hbm>>) target(%arg7 : memref<40x128xi32, #tpu.memory_space<vmem>>) target_semaphore(%run_scoped3A : memref<!tpu.dma_semaphore, #tpu.memory_space<semaphore_mem>>)
      %dma_wait3A = arith.constant 0 : i32
      %dma_wait3A_239 = tpu.memref_slice %arg4[%add3A_186, %dma_wait3A] : memref<2560x128xi32, #tpu.memory_space<hbm>> -> memref<40x128xi32, #tpu.memory_space<hbm>>
      %dma_wait3A_240 = arith.constant 0 : i32
      %dma_wait3A_241 = tpu.memref_slice %arg4[%add3A_186, %dma_wait3A_240] : memref<2560x128xi32, #tpu.memory_space<hbm>> -> memref<40x128xi32, #tpu.memory_space<hbm>>
      tpu.wait_dma2 semaphore(%run_scoped3A : memref<!tpu.dma_semaphore, #tpu.memory_space<semaphore_mem>>) src(%dma_wait3A_241 : memref<40x128xi32, #tpu.memory_space<hbm>>) dst(%arg7 : memref<40x128xi32, #tpu.memory_space<vmem>>)
      tpu.yield
    }) : () -> ()
    %dma_start3A_187 = arith.constant 0 : i32
    %dma_start3A_188 = arith.constant 0 : i32
    %dma_start3A_189 = tpu.memref_slice %arg6[%dma_start3A_187, %dma_start3A_188] : memref<40x128xi32, #tpu.memory_space<vmem>> -> memref<1x128xi32, #tpu.memory_space<vmem>>
    %dma_start3A_190 = tpu.memref_squeeze %dma_start3A_189 : memref<1x128xi32, #tpu.memory_space<vmem>> -> memref<128xi32, #tpu.memory_space<vmem>>
    %dma_start3A_191 = arith.constant 0 : i32
    %dma_start3A_192 = arith.constant 0 : i32
    %dma_start3A_193 = tpu.memref_slice %arg2[%dma_start3A_191, %dma_start3A_192] : memref<40000x128xf32, #tpu.memory_space<hbm>> -> memref<40000x128xf32, #tpu.memory_space<hbm>>
    tpu.enqueue_indirect_dma source(%dma_start3A_193 : memref<40000x128xf32, #tpu.memory_space<hbm>>) target(%arg8 : memref<128x128xf32, #tpu.memory_space<vmem>>) offsets(%dma_start3A_190 : memref<128xi32, #tpu.memory_space<vmem>>) semaphore(%arg11 : memref<!tpu.dma_semaphore, #tpu.memory_space<semaphore_mem>>)
    %scan3A_194 = arith.constant 0 : i32
    %scan3A_195 = arith.constant 0 : i32
    %scan3A_196 = arith.constant 20 : i32
    %scan3A_197 = arith.addi %scan3A_195, %scan3A_196 : i32
    %scan3A_198 = arith.constant 1 : i32
    scf.for %scan3A_235 = %scan3A_195 to %scan3A_197 step %scan3A_198  : i32 {
      %mul3A_236 = arith.constant 2 : i32
      %mul3A_237 = arith.muli %mul3A_236, %scan3A_235 : i32
      %add3A_238 = arith.constant 1 : i32
      %add3A_239 = arith.addi %mul3A_237, %add3A_238 : i32
      %dma_start3A_240 = arith.constant 0 : i32
      %dma_start3A_241 = tpu.memref_slice %arg6[%add3A_239, %dma_start3A_240] : memref<40x128xi32, #tpu.memory_space<vmem>> -> memref<1x128xi32, #tpu.memory_space<vmem>>
      %dma_start3A_242 = tpu.memref_squeeze %dma_start3A_241 : memref<1x128xi32, #tpu.memory_space<vmem>> -> memref<128xi32, #tpu.memory_space<vmem>>
      %dma_start3A_243 = arith.constant 0 : i32
      %dma_start3A_244 = arith.constant 0 : i32
      %dma_start3A_245 = tpu.memref_slice %arg2[%dma_start3A_243, %dma_start3A_244] : memref<40000x128xf32, #tpu.memory_space<hbm>> -> memref<40000x128xf32, #tpu.memory_space<hbm>>
      tpu.enqueue_indirect_dma source(%dma_start3A_245 : memref<40000x128xf32, #tpu.memory_space<hbm>>) target(%arg9 : memref<128x128xf32, #tpu.memory_space<vmem>>) offsets(%dma_start3A_242 : memref<128xi32, #tpu.memory_space<vmem>>) semaphore(%arg12 : memref<!tpu.dma_semaphore, #tpu.memory_space<semaphore_mem>>)
      %dma_wait3A = arith.constant 0 : i32
      %dma_wait3A_246 = tpu.memref_slice %arg6[%mul3A_237, %dma_wait3A] : memref<40x128xi32, #tpu.memory_space<vmem>> -> memref<1x128xi32, #tpu.memory_space<vmem>>
      %dma_wait3A_247 = tpu.memref_squeeze %dma_wait3A_246 : memref<1x128xi32, #tpu.memory_space<vmem>> -> memref<128xi32, #tpu.memory_space<vmem>>
      %dma_wait3A_248 = arith.constant 0 : i32
      %dma_wait3A_249 = arith.constant 0 : i32
      %dma_wait3A_250 = tpu.memref_slice %arg2[%dma_wait3A_248, %dma_wait3A_249] : memref<40000x128xf32, #tpu.memory_space<hbm>> -> memref<40000x128xf32, #tpu.memory_space<hbm>>
      tpu.wait_indirect_dma semaphore(%arg11 : memref<!tpu.dma_semaphore, #tpu.memory_space<semaphore_mem>>) src(%dma_wait3A_250 : memref<40000x128xf32, #tpu.memory_space<hbm>>) dst(%arg8 : memref<128x128xf32, #tpu.memory_space<vmem>>)
      "tpu.region"() ({
        %run_scoped3A = tpu.sem_alloc : memref<!tpu.dma_semaphore, #tpu.memory_space<semaphore_mem>>
        %dma_start3A_268 = arith.constant 0 : i32
        %dma_start3A_269 = tpu.memref_slice %arg7[%mul3A_237, %dma_start3A_268] : memref<40x128xi32, #tpu.memory_space<vmem>> -> memref<1x128xi32, #tpu.memory_space<vmem>>
        %dma_start3A_270 = tpu.memref_squeeze %dma_start3A_269 : memref<1x128xi32, #tpu.memory_space<vmem>> -> memref<128xi32, #tpu.memory_space<vmem>>
        %dma_start3A_271 = arith.constant 0 : i32
        %dma_start3A_272 = arith.constant 0 : i32
        %dma_start3A_273 = tpu.memref_slice %arg10[%dma_start3A_271, %dma_start3A_272] : memref<10240x128xf32, #tpu.memory_space<vmem_shared>> -> memref<10240x128xf32, #tpu.memory_space<vmem_shared>>
        tpu.enqueue_indirect_dma source(%arg8 : memref<128x128xf32, #tpu.memory_space<vmem>>) target(%dma_start3A_273 : memref<10240x128xf32, #tpu.memory_space<vmem_shared>>) offsets(%dma_start3A_270 : memref<128xi32, #tpu.memory_space<vmem>>) semaphore(%run_scoped3A : memref<!tpu.dma_semaphore, #tpu.memory_space<semaphore_mem>>) {add = true}
        %dma_wait3A_274 = arith.constant 0 : i32
        %dma_wait3A_275 = tpu.memref_slice %arg7[%mul3A_237, %dma_wait3A_274] : memref<40x128xi32, #tpu.memory_space<vmem>> -> memref<1x128xi32, #tpu.memory_space<vmem>>
        %dma_wait3A_276 = tpu.memref_squeeze %dma_wait3A_275 : memref<1x128xi32, #tpu.memory_space<vmem>> -> memref<128xi32, #tpu.memory_space<vmem>>
        %dma_wait3A_277 = arith.constant 0 : i32
        %dma_wait3A_278 = arith.constant 0 : i32
        %dma_wait3A_279 = tpu.memref_slice %arg10[%dma_wait3A_277, %dma_wait3A_278] : memref<10240x128xf32, #tpu.memory_space<vmem_shared>> -> memref<10240x128xf32, #tpu.memory_space<vmem_shared>>
        tpu.wait_indirect_dma semaphore(%run_scoped3A : memref<!tpu.dma_semaphore, #tpu.memory_space<semaphore_mem>>) src(%arg8 : memref<128x128xf32, #tpu.memory_space<vmem>>) dst(%dma_wait3A_279 : memref<10240x128xf32, #tpu.memory_space<vmem_shared>>)
        tpu.yield
      }) : () -> ()
      %add3A_251 = arith.constant 2 : i32
      %add3A_252 = arith.addi %mul3A_237, %add3A_251 : i32
      %lt3A_253 = arith.constant 40 : i32
      %lt3A_254 = arith.cmpi slt, %add3A_252, %lt3A_253 : i32
      %convert_element_type3A_255 = arith.extui %lt3A_254 : i1 to i32
      %cond3A_256 = arith.constant 0 : i32
      %cond3A_257 = arith.cmpi ne, %convert_element_type3A_255, %cond3A_256 : i32
      scf.if %cond3A_257 {
        %add3A_268 = arith.constant 2 : i32
        %add3A_269 = arith.addi %mul3A_237, %add3A_268 : i32
        %dma_start3A_270 = arith.constant 0 : i32
        %dma_start3A_271 = tpu.memref_slice %arg6[%add3A_269, %dma_start3A_270] : memref<40x128xi32, #tpu.memory_space<vmem>> -> memref<1x128xi32, #tpu.memory_space<vmem>>
        %dma_start3A_272 = tpu.memref_squeeze %dma_start3A_271 : memref<1x128xi32, #tpu.memory_space<vmem>> -> memref<128xi32, #tpu.memory_space<vmem>>
        %dma_start3A_273 = arith.constant 0 : i32
        %dma_start3A_274 = arith.constant 0 : i32
        %dma_start3A_275 = tpu.memref_slice %arg2[%dma_start3A_273, %dma_start3A_274] : memref<40000x128xf32, #tpu.memory_space<hbm>> -> memref<40000x128xf32, #tpu.memory_space<hbm>>
        tpu.enqueue_indirect_dma source(%dma_start3A_275 : memref<40000x128xf32, #tpu.memory_space<hbm>>) target(%arg8 : memref<128x128xf32, #tpu.memory_space<vmem>>) offsets(%dma_start3A_272 : memref<128xi32, #tpu.memory_space<vmem>>) semaphore(%arg11 : memref<!tpu.dma_semaphore, #tpu.memory_space<semaphore_mem>>)
      } else {
      }
      %add3A_258 = arith.constant 1 : i32
      %add3A_259 = arith.addi %mul3A_237, %add3A_258 : i32
      %dma_wait3A_260 = arith.constant 0 : i32
      %dma_wait3A_261 = tpu.memref_slice %arg6[%add3A_259, %dma_wait3A_260] : memref<40x128xi32, #tpu.memory_space<vmem>> -> memref<1x128xi32, #tpu.memory_space<vmem>>
      %dma_wait3A_262 = tpu.memref_squeeze %dma_wait3A_261 : memref<1x128xi32, #tpu.memory_space<vmem>> -> memref<128xi32, #tpu.memory_space<vmem>>
      %dma_wait3A_263 = arith.constant 0 : i32
      %dma_wait3A_264 = arith.constant 0 : i32
      %dma_wait3A_265 = tpu.memref_slice %arg2[%dma_wait3A_263, %dma_wait3A_264] : memref<40000x128xf32, #tpu.memory_space<hbm>> -> memref<40000x128xf32, #tpu.memory_space<hbm>>
      tpu.wait_indirect_dma semaphore(%arg12 : memref<!tpu.dma_semaphore, #tpu.memory_space<semaphore_mem>>) src(%dma_wait3A_265 : memref<40000x128xf32, #tpu.memory_space<hbm>>) dst(%arg9 : memref<128x128xf32, #tpu.memory_space<vmem>>)
      %add3A_266 = arith.constant 1 : i32
      %add3A_267 = arith.addi %mul3A_237, %add3A_266 : i32
      "tpu.region"() ({
        %run_scoped3A = tpu.sem_alloc : memref<!tpu.dma_semaphore, #tpu.memory_space<semaphore_mem>>
        %dma_start3A_268 = arith.constant 0 : i32
        %dma_start3A_269 = tpu.memref_slice %arg7[%add3A_267, %dma_start3A_268] : memref<40x128xi32, #tpu.memory_space<vmem>> -> memref<1x128xi32, #tpu.memory_space<vmem>>
        %dma_start3A_270 = tpu.memref_squeeze %dma_start3A_269 : memref<1x128xi32, #tpu.memory_space<vmem>> -> memref<128xi32, #tpu.memory_space<vmem>>
        %dma_start3A_271 = arith.constant 0 : i32
        %dma_start3A_272 = arith.constant 0 : i32
        %dma_start3A_273 = tpu.memref_slice %arg10[%dma_start3A_271, %dma_start3A_272] : memref<10240x128xf32, #tpu.memory_space<vmem_shared>> -> memref<10240x128xf32, #tpu.memory_space<vmem_shared>>
        tpu.enqueue_indirect_dma source(%arg9 : memref<128x128xf32, #tpu.memory_space<vmem>>) target(%dma_start3A_273 : memref<10240x128xf32, #tpu.memory_space<vmem_shared>>) offsets(%dma_start3A_270 : memref<128xi32, #tpu.memory_space<vmem>>) semaphore(%run_scoped3A : memref<!tpu.dma_semaphore, #tpu.memory_space<semaphore_mem>>) {add = true}
        %dma_wait3A_274 = arith.constant 0 : i32
        %dma_wait3A_275 = tpu.memref_slice %arg7[%add3A_267, %dma_wait3A_274] : memref<40x128xi32, #tpu.memory_space<vmem>> -> memref<1x128xi32, #tpu.memory_space<vmem>>
        %dma_wait3A_276 = tpu.memref_squeeze %dma_wait3A_275 : memref<1x128xi32, #tpu.memory_space<vmem>> -> memref<128xi32, #tpu.memory_space<vmem>>
        %dma_wait3A_277 = arith.constant 0 : i32
        %dma_wait3A_278 = arith.constant 0 : i32
        %dma_wait3A_279 = tpu.memref_slice %arg10[%dma_wait3A_277, %dma_wait3A_278] : memref<10240x128xf32, #tpu.memory_space<vmem_shared>> -> memref<10240x128xf32, #tpu.memory_space<vmem_shared>>
        tpu.wait_indirect_dma semaphore(%run_scoped3A : memref<!tpu.dma_semaphore, #tpu.memory_space<semaphore_mem>>) src(%arg9 : memref<128x128xf32, #tpu.memory_space<vmem>>) dst(%dma_wait3A_279 : memref<10240x128xf32, #tpu.memory_space<vmem_shared>>)
        tpu.yield
      }) : () -> ()
    }
    %scan3A_199 = arith.constant 20 : i32
    %mul3A_200 = arith.constant 2560 : i32
    %mul3A_201 = arith.muli %add3A_116, %mul3A_200 : i32
    %mul3A_202 = arith.constant 160 : i32
    %mul3A_203 = arith.muli %arg1, %mul3A_202 : i32
    %add3A_204 = arith.addi %mul3A_201, %mul3A_203 : i32
    %add3A_205 = arith.constant 120 : i32
    %add3A_206 = arith.addi %add3A_204, %add3A_205 : i32
    %mul3A_207 = arith.constant 160 : i32
    %mul3A_208 = arith.muli %arg1, %mul3A_207 : i32
    %add3A_209 = arith.constant 120 : i32
    %add3A_210 = arith.addi %mul3A_208, %add3A_209 : i32
    "tpu.region"() ({
      %run_scoped3A = tpu.sem_alloc : memref<!tpu.dma_semaphore, #tpu.memory_space<semaphore_mem>>
      %dma_start3A_235 = arith.constant 0 : i32
      %dma_start3A_236 = tpu.memref_slice %arg3[%add3A_206, %dma_start3A_235] : memref<10240x128xi32, #tpu.memory_space<hbm>> -> memref<40x128xi32, #tpu.memory_space<hbm>>
      %dma_start3A_237 = arith.constant 0 : i32
      %dma_start3A_238 = tpu.memref_slice %arg3[%add3A_206, %dma_start3A_237] : memref<10240x128xi32, #tpu.memory_space<hbm>> -> memref<40x128xi32, #tpu.memory_space<hbm>>
      tpu.enqueue_dma source(%dma_start3A_238 : memref<40x128xi32, #tpu.memory_space<hbm>>) target(%arg6 : memref<40x128xi32, #tpu.memory_space<vmem>>) target_semaphore(%run_scoped3A : memref<!tpu.dma_semaphore, #tpu.memory_space<semaphore_mem>>)
      %dma_wait3A = arith.constant 0 : i32
      %dma_wait3A_239 = tpu.memref_slice %arg3[%add3A_206, %dma_wait3A] : memref<10240x128xi32, #tpu.memory_space<hbm>> -> memref<40x128xi32, #tpu.memory_space<hbm>>
      %dma_wait3A_240 = arith.constant 0 : i32
      %dma_wait3A_241 = tpu.memref_slice %arg3[%add3A_206, %dma_wait3A_240] : memref<10240x128xi32, #tpu.memory_space<hbm>> -> memref<40x128xi32, #tpu.memory_space<hbm>>
      tpu.wait_dma2 semaphore(%run_scoped3A : memref<!tpu.dma_semaphore, #tpu.memory_space<semaphore_mem>>) src(%dma_wait3A_241 : memref<40x128xi32, #tpu.memory_space<hbm>>) dst(%arg6 : memref<40x128xi32, #tpu.memory_space<vmem>>)
      tpu.yield
    }) : () -> ()
    "tpu.region"() ({
      %run_scoped3A = tpu.sem_alloc : memref<!tpu.dma_semaphore, #tpu.memory_space<semaphore_mem>>
      %dma_start3A_235 = arith.constant 0 : i32
      %dma_start3A_236 = tpu.memref_slice %arg4[%add3A_210, %dma_start3A_235] : memref<2560x128xi32, #tpu.memory_space<hbm>> -> memref<40x128xi32, #tpu.memory_space<hbm>>
      %dma_start3A_237 = arith.constant 0 : i32
      %dma_start3A_238 = tpu.memref_slice %arg4[%add3A_210, %dma_start3A_237] : memref<2560x128xi32, #tpu.memory_space<hbm>> -> memref<40x128xi32, #tpu.memory_space<hbm>>
      tpu.enqueue_dma source(%dma_start3A_238 : memref<40x128xi32, #tpu.memory_space<hbm>>) target(%arg7 : memref<40x128xi32, #tpu.memory_space<vmem>>) target_semaphore(%run_scoped3A : memref<!tpu.dma_semaphore, #tpu.memory_space<semaphore_mem>>)
      %dma_wait3A = arith.constant 0 : i32
      %dma_wait3A_239 = tpu.memref_slice %arg4[%add3A_210, %dma_wait3A] : memref<2560x128xi32, #tpu.memory_space<hbm>> -> memref<40x128xi32, #tpu.memory_space<hbm>>
      %dma_wait3A_240 = arith.constant 0 : i32
      %dma_wait3A_241 = tpu.memref_slice %arg4[%add3A_210, %dma_wait3A_240] : memref<2560x128xi32, #tpu.memory_space<hbm>> -> memref<40x128xi32, #tpu.memory_space<hbm>>
      tpu.wait_dma2 semaphore(%run_scoped3A : memref<!tpu.dma_semaphore, #tpu.memory_space<semaphore_mem>>) src(%dma_wait3A_241 : memref<40x128xi32, #tpu.memory_space<hbm>>) dst(%arg7 : memref<40x128xi32, #tpu.memory_space<vmem>>)
      tpu.yield
    }) : () -> ()
    %dma_start3A_211 = arith.constant 0 : i32
    %dma_start3A_212 = arith.constant 0 : i32
    %dma_start3A_213 = tpu.memref_slice %arg6[%dma_start3A_211, %dma_start3A_212] : memref<40x128xi32, #tpu.memory_space<vmem>> -> memref<1x128xi32, #tpu.memory_space<vmem>>
    %dma_start3A_214 = tpu.memref_squeeze %dma_start3A_213 : memref<1x128xi32, #tpu.memory_space<vmem>> -> memref<128xi32, #tpu.memory_space<vmem>>
    %dma_start3A_215 = arith.constant 0 : i32
    %dma_start3A_216 = arith.constant 0 : i32
    %dma_start3A_217 = tpu.memref_slice %arg2[%dma_start3A_215, %dma_start3A_216] : memref<40000x128xf32, #tpu.memory_space<hbm>> -> memref<40000x128xf32, #tpu.memory_space<hbm>>
    tpu.enqueue_indirect_dma source(%dma_start3A_217 : memref<40000x128xf32, #tpu.memory_space<hbm>>) target(%arg8 : memref<128x128xf32, #tpu.memory_space<vmem>>) offsets(%dma_start3A_214 : memref<128xi32, #tpu.memory_space<vmem>>) semaphore(%arg11 : memref<!tpu.dma_semaphore, #tpu.memory_space<semaphore_mem>>)
    %scan3A_218 = arith.constant 0 : i32
    %scan3A_219 = arith.constant 0 : i32
    %scan3A_220 = arith.constant 20 : i32
    %scan3A_221 = arith.addi %scan3A_219, %scan3A_220 : i32
    %scan3A_222 = arith.constant 1 : i32
    scf.for %scan3A_235 = %scan3A_219 to %scan3A_221 step %scan3A_222  : i32 {
      %mul3A_236 = arith.constant 2 : i32
      %mul3A_237 = arith.muli %mul3A_236, %scan3A_235 : i32
      %add3A_238 = arith.constant 1 : i32
      %add3A_239 = arith.addi %mul3A_237, %add3A_238 : i32
      %dma_start3A_240 = arith.constant 0 : i32
      %dma_start3A_241 = tpu.memref_slice %arg6[%add3A_239, %dma_start3A_240] : memref<40x128xi32, #tpu.memory_space<vmem>> -> memref<1x128xi32, #tpu.memory_space<vmem>>
      %dma_start3A_242 = tpu.memref_squeeze %dma_start3A_241 : memref<1x128xi32, #tpu.memory_space<vmem>> -> memref<128xi32, #tpu.memory_space<vmem>>
      %dma_start3A_243 = arith.constant 0 : i32
      %dma_start3A_244 = arith.constant 0 : i32
      %dma_start3A_245 = tpu.memref_slice %arg2[%dma_start3A_243, %dma_start3A_244] : memref<40000x128xf32, #tpu.memory_space<hbm>> -> memref<40000x128xf32, #tpu.memory_space<hbm>>
      tpu.enqueue_indirect_dma source(%dma_start3A_245 : memref<40000x128xf32, #tpu.memory_space<hbm>>) target(%arg9 : memref<128x128xf32, #tpu.memory_space<vmem>>) offsets(%dma_start3A_242 : memref<128xi32, #tpu.memory_space<vmem>>) semaphore(%arg12 : memref<!tpu.dma_semaphore, #tpu.memory_space<semaphore_mem>>)
      %dma_wait3A = arith.constant 0 : i32
      %dma_wait3A_246 = tpu.memref_slice %arg6[%mul3A_237, %dma_wait3A] : memref<40x128xi32, #tpu.memory_space<vmem>> -> memref<1x128xi32, #tpu.memory_space<vmem>>
      %dma_wait3A_247 = tpu.memref_squeeze %dma_wait3A_246 : memref<1x128xi32, #tpu.memory_space<vmem>> -> memref<128xi32, #tpu.memory_space<vmem>>
      %dma_wait3A_248 = arith.constant 0 : i32
      %dma_wait3A_249 = arith.constant 0 : i32
      %dma_wait3A_250 = tpu.memref_slice %arg2[%dma_wait3A_248, %dma_wait3A_249] : memref<40000x128xf32, #tpu.memory_space<hbm>> -> memref<40000x128xf32, #tpu.memory_space<hbm>>
      tpu.wait_indirect_dma semaphore(%arg11 : memref<!tpu.dma_semaphore, #tpu.memory_space<semaphore_mem>>) src(%dma_wait3A_250 : memref<40000x128xf32, #tpu.memory_space<hbm>>) dst(%arg8 : memref<128x128xf32, #tpu.memory_space<vmem>>)
      "tpu.region"() ({
        %run_scoped3A = tpu.sem_alloc : memref<!tpu.dma_semaphore, #tpu.memory_space<semaphore_mem>>
        %dma_start3A_268 = arith.constant 0 : i32
        %dma_start3A_269 = tpu.memref_slice %arg7[%mul3A_237, %dma_start3A_268] : memref<40x128xi32, #tpu.memory_space<vmem>> -> memref<1x128xi32, #tpu.memory_space<vmem>>
        %dma_start3A_270 = tpu.memref_squeeze %dma_start3A_269 : memref<1x128xi32, #tpu.memory_space<vmem>> -> memref<128xi32, #tpu.memory_space<vmem>>
        %dma_start3A_271 = arith.constant 0 : i32
        %dma_start3A_272 = arith.constant 0 : i32
        %dma_start3A_273 = tpu.memref_slice %arg10[%dma_start3A_271, %dma_start3A_272] : memref<10240x128xf32, #tpu.memory_space<vmem_shared>> -> memref<10240x128xf32, #tpu.memory_space<vmem_shared>>
        tpu.enqueue_indirect_dma source(%arg8 : memref<128x128xf32, #tpu.memory_space<vmem>>) target(%dma_start3A_273 : memref<10240x128xf32, #tpu.memory_space<vmem_shared>>) offsets(%dma_start3A_270 : memref<128xi32, #tpu.memory_space<vmem>>) semaphore(%run_scoped3A : memref<!tpu.dma_semaphore, #tpu.memory_space<semaphore_mem>>) {add = true}
        %dma_wait3A_274 = arith.constant 0 : i32
        %dma_wait3A_275 = tpu.memref_slice %arg7[%mul3A_237, %dma_wait3A_274] : memref<40x128xi32, #tpu.memory_space<vmem>> -> memref<1x128xi32, #tpu.memory_space<vmem>>
        %dma_wait3A_276 = tpu.memref_squeeze %dma_wait3A_275 : memref<1x128xi32, #tpu.memory_space<vmem>> -> memref<128xi32, #tpu.memory_space<vmem>>
        %dma_wait3A_277 = arith.constant 0 : i32
        %dma_wait3A_278 = arith.constant 0 : i32
        %dma_wait3A_279 = tpu.memref_slice %arg10[%dma_wait3A_277, %dma_wait3A_278] : memref<10240x128xf32, #tpu.memory_space<vmem_shared>> -> memref<10240x128xf32, #tpu.memory_space<vmem_shared>>
        tpu.wait_indirect_dma semaphore(%run_scoped3A : memref<!tpu.dma_semaphore, #tpu.memory_space<semaphore_mem>>) src(%arg8 : memref<128x128xf32, #tpu.memory_space<vmem>>) dst(%dma_wait3A_279 : memref<10240x128xf32, #tpu.memory_space<vmem_shared>>)
        tpu.yield
      }) : () -> ()
      %add3A_251 = arith.constant 2 : i32
      %add3A_252 = arith.addi %mul3A_237, %add3A_251 : i32
      %lt3A_253 = arith.constant 40 : i32
      %lt3A_254 = arith.cmpi slt, %add3A_252, %lt3A_253 : i32
      %convert_element_type3A_255 = arith.extui %lt3A_254 : i1 to i32
      %cond3A_256 = arith.constant 0 : i32
      %cond3A_257 = arith.cmpi ne, %convert_element_type3A_255, %cond3A_256 : i32
      scf.if %cond3A_257 {
        %add3A_268 = arith.constant 2 : i32
        %add3A_269 = arith.addi %mul3A_237, %add3A_268 : i32
        %dma_start3A_270 = arith.constant 0 : i32
        %dma_start3A_271 = tpu.memref_slice %arg6[%add3A_269, %dma_start3A_270] : memref<40x128xi32, #tpu.memory_space<vmem>> -> memref<1x128xi32, #tpu.memory_space<vmem>>
        %dma_start3A_272 = tpu.memref_squeeze %dma_start3A_271 : memref<1x128xi32, #tpu.memory_space<vmem>> -> memref<128xi32, #tpu.memory_space<vmem>>
        %dma_start3A_273 = arith.constant 0 : i32
        %dma_start3A_274 = arith.constant 0 : i32
        %dma_start3A_275 = tpu.memref_slice %arg2[%dma_start3A_273, %dma_start3A_274] : memref<40000x128xf32, #tpu.memory_space<hbm>> -> memref<40000x128xf32, #tpu.memory_space<hbm>>
        tpu.enqueue_indirect_dma source(%dma_start3A_275 : memref<40000x128xf32, #tpu.memory_space<hbm>>) target(%arg8 : memref<128x128xf32, #tpu.memory_space<vmem>>) offsets(%dma_start3A_272 : memref<128xi32, #tpu.memory_space<vmem>>) semaphore(%arg11 : memref<!tpu.dma_semaphore, #tpu.memory_space<semaphore_mem>>)
      } else {
      }
      %add3A_258 = arith.constant 1 : i32
      %add3A_259 = arith.addi %mul3A_237, %add3A_258 : i32
      %dma_wait3A_260 = arith.constant 0 : i32
      %dma_wait3A_261 = tpu.memref_slice %arg6[%add3A_259, %dma_wait3A_260] : memref<40x128xi32, #tpu.memory_space<vmem>> -> memref<1x128xi32, #tpu.memory_space<vmem>>
      %dma_wait3A_262 = tpu.memref_squeeze %dma_wait3A_261 : memref<1x128xi32, #tpu.memory_space<vmem>> -> memref<128xi32, #tpu.memory_space<vmem>>
      %dma_wait3A_263 = arith.constant 0 : i32
      %dma_wait3A_264 = arith.constant 0 : i32
      %dma_wait3A_265 = tpu.memref_slice %arg2[%dma_wait3A_263, %dma_wait3A_264] : memref<40000x128xf32, #tpu.memory_space<hbm>> -> memref<40000x128xf32, #tpu.memory_space<hbm>>
      tpu.wait_indirect_dma semaphore(%arg12 : memref<!tpu.dma_semaphore, #tpu.memory_space<semaphore_mem>>) src(%dma_wait3A_265 : memref<40000x128xf32, #tpu.memory_space<hbm>>) dst(%arg9 : memref<128x128xf32, #tpu.memory_space<vmem>>)
      %add3A_266 = arith.constant 1 : i32
      %add3A_267 = arith.addi %mul3A_237, %add3A_266 : i32
      "tpu.region"() ({
        %run_scoped3A = tpu.sem_alloc : memref<!tpu.dma_semaphore, #tpu.memory_space<semaphore_mem>>
        %dma_start3A_268 = arith.constant 0 : i32
        %dma_start3A_269 = tpu.memref_slice %arg7[%add3A_267, %dma_start3A_268] : memref<40x128xi32, #tpu.memory_space<vmem>> -> memref<1x128xi32, #tpu.memory_space<vmem>>
        %dma_start3A_270 = tpu.memref_squeeze %dma_start3A_269 : memref<1x128xi32, #tpu.memory_space<vmem>> -> memref<128xi32, #tpu.memory_space<vmem>>
        %dma_start3A_271 = arith.constant 0 : i32
        %dma_start3A_272 = arith.constant 0 : i32
        %dma_start3A_273 = tpu.memref_slice %arg10[%dma_start3A_271, %dma_start3A_272] : memref<10240x128xf32, #tpu.memory_space<vmem_shared>> -> memref<10240x128xf32, #tpu.memory_space<vmem_shared>>
        tpu.enqueue_indirect_dma source(%arg9 : memref<128x128xf32, #tpu.memory_space<vmem>>) target(%dma_start3A_273 : memref<10240x128xf32, #tpu.memory_space<vmem_shared>>) offsets(%dma_start3A_270 : memref<128xi32, #tpu.memory_space<vmem>>) semaphore(%run_scoped3A : memref<!tpu.dma_semaphore, #tpu.memory_space<semaphore_mem>>) {add = true}
        %dma_wait3A_274 = arith.constant 0 : i32
        %dma_wait3A_275 = tpu.memref_slice %arg7[%add3A_267, %dma_wait3A_274] : memref<40x128xi32, #tpu.memory_space<vmem>> -> memref<1x128xi32, #tpu.memory_space<vmem>>
        %dma_wait3A_276 = tpu.memref_squeeze %dma_wait3A_275 : memref<1x128xi32, #tpu.memory_space<vmem>> -> memref<128xi32, #tpu.memory_space<vmem>>
        %dma_wait3A_277 = arith.constant 0 : i32
        %dma_wait3A_278 = arith.constant 0 : i32
        %dma_wait3A_279 = tpu.memref_slice %arg10[%dma_wait3A_277, %dma_wait3A_278] : memref<10240x128xf32, #tpu.memory_space<vmem_shared>> -> memref<10240x128xf32, #tpu.memory_space<vmem_shared>>
        tpu.wait_indirect_dma semaphore(%run_scoped3A : memref<!tpu.dma_semaphore, #tpu.memory_space<semaphore_mem>>) src(%arg9 : memref<128x128xf32, #tpu.memory_space<vmem>>) dst(%dma_wait3A_279 : memref<10240x128xf32, #tpu.memory_space<vmem_shared>>)
        tpu.yield
      }) : () -> ()
    }
    %scan3A_223 = arith.constant 20 : i32
    %barrier3A_224 = arith.constant 0 : index
    tpu.barrier barrier_id(%barrier3A_224)
    %lt3A_225 = arith.constant 15 : i32
    %lt3A_226 = arith.cmpi slt, %arg1, %lt3A_225 : i32
    %convert_element_type3A_227 = arith.extui %lt3A_226 : i1 to i32
    %cond3A_228 = arith.constant 0 : i32
    %cond3A_229 = arith.cmpi ne, %convert_element_type3A_227, %cond3A_228 : i32
    scf.if %cond3A_229 {
      %mul3A_235 = arith.constant 632 : i32
      %mul3A_236 = arith.muli %arg1, %mul3A_235 : i32
      %mul3A_237 = arith.constant 10000 : i32
      %mul3A_238 = arith.muli %add3A_116, %mul3A_237 : i32
      %add3A_239 = arith.addi %mul3A_238, %mul3A_236 : i32
      "tpu.region"() ({
        %run_scoped3A = tpu.sem_alloc : memref<!tpu.dma_semaphore, #tpu.memory_space<semaphore_mem>>
        %dma_start3A_240 = arith.constant 0 : i32
        %dma_start3A_241 = tpu.memref_slice %arg5[%add3A_239, %dma_start3A_240] : memref<40000x128xf32, #tpu.memory_space<hbm>> -> memref<632x128xf32, #tpu.memory_space<hbm>>
        %dma_start3A_242 = arith.constant 0 : i32
        %dma_start3A_243 = tpu.memref_slice %arg10[%mul3A_236, %dma_start3A_242] : memref<10240x128xf32, #tpu.memory_space<vmem_shared>> -> memref<632x128xf32, #tpu.memory_space<vmem_shared>>
        tpu.enqueue_dma source(%dma_start3A_243 : memref<632x128xf32, #tpu.memory_space<vmem_shared>>) target(%dma_start3A_241 : memref<632x128xf32, #tpu.memory_space<hbm>>) target_semaphore(%run_scoped3A : memref<!tpu.dma_semaphore, #tpu.memory_space<semaphore_mem>>)
        %dma_wait3A = arith.constant 0 : i32
        %dma_wait3A_244 = tpu.memref_slice %arg5[%add3A_239, %dma_wait3A] : memref<40000x128xf32, #tpu.memory_space<hbm>> -> memref<632x128xf32, #tpu.memory_space<hbm>>
        %dma_wait3A_245 = arith.constant 0 : i32
        %dma_wait3A_246 = tpu.memref_slice %arg10[%mul3A_236, %dma_wait3A_245] : memref<10240x128xf32, #tpu.memory_space<vmem_shared>> -> memref<632x128xf32, #tpu.memory_space<vmem_shared>>
        tpu.wait_dma2 semaphore(%run_scoped3A : memref<!tpu.dma_semaphore, #tpu.memory_space<semaphore_mem>>) src(%dma_wait3A_246 : memref<632x128xf32, #tpu.memory_space<vmem_shared>>) dst(%dma_wait3A_244 : memref<632x128xf32, #tpu.memory_space<hbm>>)
        tpu.yield
      }) : () -> ()
    } else {
    }
    %eq3A_230 = arith.constant 15 : i32
    %eq3A_231 = arith.cmpi eq, %arg1, %eq3A_230 : i32
    %convert_element_type3A_232 = arith.extui %eq3A_231 : i1 to i32
    %cond3A_233 = arith.constant 0 : i32
    %cond3A_234 = arith.cmpi ne, %convert_element_type3A_232, %cond3A_233 : i32
    scf.if %cond3A_234 {
      %mul3A_235 = arith.constant 10000 : i32
      %mul3A_236 = arith.muli %add3A_116, %mul3A_235 : i32
      %add3A_237 = arith.constant 9480 : i32
      %add3A_238 = arith.addi %mul3A_236, %add3A_237 : i32
      "tpu.region"() ({
        %run_scoped3A = tpu.sem_alloc : memref<!tpu.dma_semaphore, #tpu.memory_space<semaphore_mem>>
        %dma_start3A_239 = arith.constant 0 : i32
        %dma_start3A_240 = tpu.memref_slice %arg5[%add3A_238, %dma_start3A_239] : memref<40000x128xf32, #tpu.memory_space<hbm>> -> memref<520x128xf32, #tpu.memory_space<hbm>>
        %dma_start3A_241 = arith.constant 9480 : i32
        %dma_start3A_242 = arith.constant 0 : i32
        %dma_start3A_243 = tpu.memref_slice %arg10[%dma_start3A_241, %dma_start3A_242] : memref<10240x128xf32, #tpu.memory_space<vmem_shared>> -> memref<520x128xf32, #tpu.memory_space<vmem_shared>>
        tpu.enqueue_dma source(%dma_start3A_243 : memref<520x128xf32, #tpu.memory_space<vmem_shared>>) target(%dma_start3A_240 : memref<520x128xf32, #tpu.memory_space<hbm>>) target_semaphore(%run_scoped3A : memref<!tpu.dma_semaphore, #tpu.memory_space<semaphore_mem>>)
        %dma_wait3A = arith.constant 0 : i32
        %dma_wait3A_244 = tpu.memref_slice %arg5[%add3A_238, %dma_wait3A] : memref<40000x128xf32, #tpu.memory_space<hbm>> -> memref<520x128xf32, #tpu.memory_space<hbm>>
        %dma_wait3A_245 = arith.constant 9480 : i32
        %dma_wait3A_246 = arith.constant 0 : i32
        %dma_wait3A_247 = tpu.memref_slice %arg10[%dma_wait3A_245, %dma_wait3A_246] : memref<10240x128xf32, #tpu.memory_space<vmem_shared>> -> memref<520x128xf32, #tpu.memory_space<vmem_shared>>
        tpu.wait_dma2 semaphore(%run_scoped3A : memref<!tpu.dma_semaphore, #tpu.memory_space<semaphore_mem>>) src(%dma_wait3A_247 : memref<520x128xf32, #tpu.memory_space<vmem_shared>>) dst(%dma_wait3A_244 : memref<520x128xf32, #tpu.memory_space<hbm>>)
        tpu.yield
      }) : () -> ()
    } else {
    }
    return
  }
}

#map = affine_map<(d0, d1) -> (0)>
module attributes {stable_mosaic.version = 14 : i64} {
  func.func @_sc_degree(%arg0: i32, %arg1: i32, %arg2: memref<327680xi32, #tpu.memory_space<hbm>>, %arg3: memref<20480xf32, #tpu.memory_space<hbm>>, %arg4: memref<10240xi32, #tpu.memory_space<vmem>>, %arg5: memref<10240xf32, #tpu.memory_space<vmem>>, %arg6: memref<10240xf32, #tpu.memory_space<vmem>>, %arg7: memref<640xf32, #tpu.memory_space<vmem>>, %arg8: memref<163840xf32, #tpu.memory_space<vmem_shared>>) attributes {dimension_semantics = [#tpu.dimension_semantics<core_parallel>, #tpu.dimension_semantics<subcore_parallel>], iteration_bounds = array<i64: 2, 16>, scalar_prefetch = 0 : i64, scratch_operands = 5 : i64, tpu.core_type = #tpu.core_type<sc_vector_subcore>, window_params = [{transform_indices = #map}, {transform_indices = #map}]} {
    %mul3A = arith.constant 16 : i32
    %mul3A_0 = arith.muli %arg0, %mul3A : i32
    %add3A = arith.addi %mul3A_0, %arg1 : i32
    %mul3A_1 = arith.constant 10240 : i32
    %mul3A_2 = arith.muli %add3A, %mul3A_1 : i32
    "tpu.region"() ({
      %run_scoped3A = tpu.sem_alloc : memref<!tpu.dma_semaphore, #tpu.memory_space<semaphore_mem>>
      %dma_start3A = tpu.memref_slice %arg2[%mul3A_2] : memref<327680xi32, #tpu.memory_space<hbm>> -> memref<10240xi32, #tpu.memory_space<hbm>>
      %dma_start3A_60 = tpu.memref_slice %arg2[%mul3A_2] : memref<327680xi32, #tpu.memory_space<hbm>> -> memref<10240xi32, #tpu.memory_space<hbm>>
      tpu.enqueue_dma source(%dma_start3A_60 : memref<10240xi32, #tpu.memory_space<hbm>>) target(%arg4 : memref<10240xi32, #tpu.memory_space<vmem>>) target_semaphore(%run_scoped3A : memref<!tpu.dma_semaphore, #tpu.memory_space<semaphore_mem>>)
      %dma_wait3A = tpu.memref_slice %arg2[%mul3A_2] : memref<327680xi32, #tpu.memory_space<hbm>> -> memref<10240xi32, #tpu.memory_space<hbm>>
      %dma_wait3A_61 = tpu.memref_slice %arg2[%mul3A_2] : memref<327680xi32, #tpu.memory_space<hbm>> -> memref<10240xi32, #tpu.memory_space<hbm>>
      tpu.wait_dma2 semaphore(%run_scoped3A : memref<!tpu.dma_semaphore, #tpu.memory_space<semaphore_mem>>) src(%dma_wait3A_61 : memref<10240xi32, #tpu.memory_space<hbm>>) dst(%arg4 : memref<10240xi32, #tpu.memory_space<vmem>>)
      tpu.yield
    }) : () -> ()
    %scan3A = arith.constant 0 : i32
    %scan3A_3 = arith.constant 0 : i32
    %scan3A_4 = arith.constant 640 : i32
    %scan3A_5 = arith.addi %scan3A_3, %scan3A_4 : i32
    %scan3A_6 = arith.constant 1 : i32
    scf.for %scan3A_60 = %scan3A_3 to %scan3A_5 step %scan3A_6  : i32 {
      %broadcast_in_dim3A_61 = arith.constant 0.000000e+00 : f32
      %broadcast_in_dim3A_62 = vector.broadcast %broadcast_in_dim3A_61 : f32 to vector<16xf32>
      %mul3A_63 = arith.constant 16 : i32
      %mul3A_64 = arith.muli %scan3A_60, %mul3A_63 : i32
      %swap3A = arith.index_cast %mul3A_64 : i32 to index
      %swap3A_65 = tpu.vector_load %arg5[%swap3A] {strides = array<i32>} : memref<10240xf32, #tpu.memory_space<vmem>>, vector<16xf32>,
      tpu.vector_store %arg5[%swap3A], %broadcast_in_dim3A_62 {strides = array<i32>} : memref<10240xf32, #tpu.memory_space<vmem>>, vector<16xf32>,
    }
    %scan3A_7 = arith.constant 640 : i32
    %broadcast_in_dim3A = arith.constant 1.000000e+00 : f32
    %broadcast_in_dim3A_8 = vector.broadcast %broadcast_in_dim3A : f32 to vector<16xf32>
    %scan3A_9 = arith.constant 0 : i32
    %scan3A_10 = arith.constant 0 : i32
    %scan3A_11 = arith.constant 640 : i32
    %scan3A_12 = arith.addi %scan3A_10, %scan3A_11 : i32
    %scan3A_13 = arith.constant 1 : i32
    scf.for %scan3A_60 = %scan3A_10 to %scan3A_12 step %scan3A_13  : i32 {
      %mul3A_61 = arith.constant 16 : i32
      %mul3A_62 = arith.muli %scan3A_60, %mul3A_61 : i32
      %get3A = arith.index_cast %mul3A_62 : i32 to index
      %get3A_63 = tpu.vector_load %arg4[%get3A] {strides = array<i32>} : memref<10240xi32, #tpu.memory_space<vmem>>, vector<16xi32>,
      tpu.vector_store_idx %arg5[%get3A_63], %broadcast_in_dim3A_8 {add = true} : memref<10240xf32, #tpu.memory_space<vmem>>[vector<16xi32>], vector<16xf32>,
    }
    %scan3A_14 = arith.constant 640 : i32
    %mul3A_15 = arith.constant 10240 : i32
    %mul3A_16 = arith.muli %arg1, %mul3A_15 : i32
    "tpu.region"() ({
      %run_scoped3A = tpu.sem_alloc : memref<!tpu.dma_semaphore, #tpu.memory_space<semaphore_mem>>
      %dma_start3A = tpu.memref_slice %arg8[%mul3A_16] : memref<163840xf32, #tpu.memory_space<vmem_shared>> -> memref<10240xf32, #tpu.memory_space<vmem_shared>>
      %dma_start3A_60 = tpu.memref_slice %arg8[%mul3A_16] : memref<163840xf32, #tpu.memory_space<vmem_shared>> -> memref<10240xf32, #tpu.memory_space<vmem_shared>>
      tpu.enqueue_dma source(%arg5 : memref<10240xf32, #tpu.memory_space<vmem>>) target(%dma_start3A_60 : memref<10240xf32, #tpu.memory_space<vmem_shared>>) target_semaphore(%run_scoped3A : memref<!tpu.dma_semaphore, #tpu.memory_space<semaphore_mem>>)
      %dma_wait3A = tpu.memref_slice %arg8[%mul3A_16] : memref<163840xf32, #tpu.memory_space<vmem_shared>> -> memref<10240xf32, #tpu.memory_space<vmem_shared>>
      %dma_wait3A_61 = tpu.memref_slice %arg8[%mul3A_16] : memref<163840xf32, #tpu.memory_space<vmem_shared>> -> memref<10240xf32, #tpu.memory_space<vmem_shared>>
      tpu.wait_dma2 semaphore(%run_scoped3A : memref<!tpu.dma_semaphore, #tpu.memory_space<semaphore_mem>>) src(%arg5 : memref<10240xf32, #tpu.memory_space<vmem>>) dst(%dma_wait3A_61 : memref<10240xf32, #tpu.memory_space<vmem_shared>>)
      tpu.yield
    }) : () -> ()
    %barrier3A = arith.constant 0 : index
    tpu.barrier barrier_id(%barrier3A)
    %mul3A_17 = arith.constant 640 : i32
    %mul3A_18 = arith.muli %arg1, %mul3A_17 : i32
    %add3A_19 = arith.constant 0 : i32
    %add3A_20 = arith.addi %add3A_19, %mul3A_18 : i32
    "tpu.region"() ({
      %run_scoped3A = tpu.sem_alloc : memref<!tpu.dma_semaphore, #tpu.memory_space<semaphore_mem>>
      %dma_start3A = arith.constant 0 : i32
      %dma_start3A_60 = tpu.memref_slice %arg6[%dma_start3A] : memref<10240xf32, #tpu.memory_space<vmem>> -> memref<640xf32, #tpu.memory_space<vmem>>
      %dma_start3A_61 = tpu.memref_slice %arg8[%add3A_20] : memref<163840xf32, #tpu.memory_space<vmem_shared>> -> memref<640xf32, #tpu.memory_space<vmem_shared>>
      %dma_start3A_62 = arith.constant 0 : i32
      %dma_start3A_63 = tpu.memref_slice %arg6[%dma_start3A_62] : memref<10240xf32, #tpu.memory_space<vmem>> -> memref<640xf32, #tpu.memory_space<vmem>>
      %dma_start3A_64 = tpu.memref_slice %arg8[%add3A_20] : memref<163840xf32, #tpu.memory_space<vmem_shared>> -> memref<640xf32, #tpu.memory_space<vmem_shared>>
      tpu.enqueue_dma source(%dma_start3A_64 : memref<640xf32, #tpu.memory_space<vmem_shared>>) target(%dma_start3A_63 : memref<640xf32, #tpu.memory_space<vmem>>) target_semaphore(%run_scoped3A : memref<!tpu.dma_semaphore, #tpu.memory_space<semaphore_mem>>)
      %dma_wait3A = arith.constant 0 : i32
      %dma_wait3A_65 = tpu.memref_slice %arg6[%dma_wait3A] : memref<10240xf32, #tpu.memory_space<vmem>> -> memref<640xf32, #tpu.memory_space<vmem>>
      %dma_wait3A_66 = tpu.memref_slice %arg8[%add3A_20] : memref<163840xf32, #tpu.memory_space<vmem_shared>> -> memref<640xf32, #tpu.memory_space<vmem_shared>>
      %dma_wait3A_67 = arith.constant 0 : i32
      %dma_wait3A_68 = tpu.memref_slice %arg6[%dma_wait3A_67] : memref<10240xf32, #tpu.memory_space<vmem>> -> memref<640xf32, #tpu.memory_space<vmem>>
      %dma_wait3A_69 = tpu.memref_slice %arg8[%add3A_20] : memref<163840xf32, #tpu.memory_space<vmem_shared>> -> memref<640xf32, #tpu.memory_space<vmem_shared>>
      tpu.wait_dma2 semaphore(%run_scoped3A : memref<!tpu.dma_semaphore, #tpu.memory_space<semaphore_mem>>) src(%dma_wait3A_69 : memref<640xf32, #tpu.memory_space<vmem_shared>>) dst(%dma_wait3A_68 : memref<640xf32, #tpu.memory_space<vmem>>)
      tpu.yield
    }) : () -> ()
    %add3A_21 = arith.constant 10240 : i32
    %add3A_22 = arith.addi %add3A_21, %mul3A_18 : i32
    "tpu.region"() ({
      %run_scoped3A = tpu.sem_alloc : memref<!tpu.dma_semaphore, #tpu.memory_space<semaphore_mem>>
      %dma_start3A = arith.constant 640 : i32
      %dma_start3A_60 = tpu.memref_slice %arg6[%dma_start3A] : memref<10240xf32, #tpu.memory_space<vmem>> -> memref<640xf32, #tpu.memory_space<vmem>>
      %dma_start3A_61 = tpu.memref_slice %arg8[%add3A_22] : memref<163840xf32, #tpu.memory_space<vmem_shared>> -> memref<640xf32, #tpu.memory_space<vmem_shared>>
      %dma_start3A_62 = arith.constant 640 : i32
      %dma_start3A_63 = tpu.memref_slice %arg6[%dma_start3A_62] : memref<10240xf32, #tpu.memory_space<vmem>> -> memref<640xf32, #tpu.memory_space<vmem>>
      %dma_start3A_64 = tpu.memref_slice %arg8[%add3A_22] : memref<163840xf32, #tpu.memory_space<vmem_shared>> -> memref<640xf32, #tpu.memory_space<vmem_shared>>
      tpu.enqueue_dma source(%dma_start3A_64 : memref<640xf32, #tpu.memory_space<vmem_shared>>) target(%dma_start3A_63 : memref<640xf32, #tpu.memory_space<vmem>>) target_semaphore(%run_scoped3A : memref<!tpu.dma_semaphore, #tpu.memory_space<semaphore_mem>>)
      %dma_wait3A = arith.constant 640 : i32
      %dma_wait3A_65 = tpu.memref_slice %arg6[%dma_wait3A] : memref<10240xf32, #tpu.memory_space<vmem>> -> memref<640xf32, #tpu.memory_space<vmem>>
      %dma_wait3A_66 = tpu.memref_slice %arg8[%add3A_22] : memref<163840xf32, #tpu.memory_space<vmem_shared>> -> memref<640xf32, #tpu.memory_space<vmem_shared>>
      %dma_wait3A_67 = arith.constant 640 : i32
      %dma_wait3A_68 = tpu.memref_slice %arg6[%dma_wait3A_67] : memref<10240xf32, #tpu.memory_space<vmem>> -> memref<640xf32, #tpu.memory_space<vmem>>
      %dma_wait3A_69 = tpu.memref_slice %arg8[%add3A_22] : memref<163840xf32, #tpu.memory_space<vmem_shared>> -> memref<640xf32, #tpu.memory_space<vmem_shared>>
      tpu.wait_dma2 semaphore(%run_scoped3A : memref<!tpu.dma_semaphore, #tpu.memory_space<semaphore_mem>>) src(%dma_wait3A_69 : memref<640xf32, #tpu.memory_space<vmem_shared>>) dst(%dma_wait3A_68 : memref<640xf32, #tpu.memory_space<vmem>>)
      tpu.yield
    }) : () -> ()
    %add3A_23 = arith.constant 20480 : i32
    %add3A_24 = arith.addi %add3A_23, %mul3A_18 : i32
    "tpu.region"() ({
      %run_scoped3A = tpu.sem_alloc : memref<!tpu.dma_semaphore, #tpu.memory_space<semaphore_mem>>
      %dma_start3A = arith.constant 1280 : i32
      %dma_start3A_60 = tpu.memref_slice %arg6[%dma_start3A] : memref<10240xf32, #tpu.memory_space<vmem>> -> memref<640xf32, #tpu.memory_space<vmem>>
      %dma_start3A_61 = tpu.memref_slice %arg8[%add3A_24] : memref<163840xf32, #tpu.memory_space<vmem_shared>> -> memref<640xf32, #tpu.memory_space<vmem_shared>>
      %dma_start3A_62 = arith.constant 1280 : i32
      %dma_start3A_63 = tpu.memref_slice %arg6[%dma_start3A_62] : memref<10240xf32, #tpu.memory_space<vmem>> -> memref<640xf32, #tpu.memory_space<vmem>>
      %dma_start3A_64 = tpu.memref_slice %arg8[%add3A_24] : memref<163840xf32, #tpu.memory_space<vmem_shared>> -> memref<640xf32, #tpu.memory_space<vmem_shared>>
      tpu.enqueue_dma source(%dma_start3A_64 : memref<640xf32, #tpu.memory_space<vmem_shared>>) target(%dma_start3A_63 : memref<640xf32, #tpu.memory_space<vmem>>) target_semaphore(%run_scoped3A : memref<!tpu.dma_semaphore, #tpu.memory_space<semaphore_mem>>)
      %dma_wait3A = arith.constant 1280 : i32
      %dma_wait3A_65 = tpu.memref_slice %arg6[%dma_wait3A] : memref<10240xf32, #tpu.memory_space<vmem>> -> memref<640xf32, #tpu.memory_space<vmem>>
      %dma_wait3A_66 = tpu.memref_slice %arg8[%add3A_24] : memref<163840xf32, #tpu.memory_space<vmem_shared>> -> memref<640xf32, #tpu.memory_space<vmem_shared>>
      %dma_wait3A_67 = arith.constant 1280 : i32
      %dma_wait3A_68 = tpu.memref_slice %arg6[%dma_wait3A_67] : memref<10240xf32, #tpu.memory_space<vmem>> -> memref<640xf32, #tpu.memory_space<vmem>>
      %dma_wait3A_69 = tpu.memref_slice %arg8[%add3A_24] : memref<163840xf32, #tpu.memory_space<vmem_shared>> -> memref<640xf32, #tpu.memory_space<vmem_shared>>
      tpu.wait_dma2 semaphore(%run_scoped3A : memref<!tpu.dma_semaphore, #tpu.memory_space<semaphore_mem>>) src(%dma_wait3A_69 : memref<640xf32, #tpu.memory_space<vmem_shared>>) dst(%dma_wait3A_68 : memref<640xf32, #tpu.memory_space<vmem>>)
      tpu.yield
    }) : () -> ()
    %add3A_25 = arith.constant 30720 : i32
    %add3A_26 = arith.addi %add3A_25, %mul3A_18 : i32
    "tpu.region"() ({
      %run_scoped3A = tpu.sem_alloc : memref<!tpu.dma_semaphore, #tpu.memory_space<semaphore_mem>>
      %dma_start3A = arith.constant 1920 : i32
      %dma_start3A_60 = tpu.memref_slice %arg6[%dma_start3A] : memref<10240xf32, #tpu.memory_space<vmem>> -> memref<640xf32, #tpu.memory_space<vmem>>
      %dma_start3A_61 = tpu.memref_slice %arg8[%add3A_26] : memref<163840xf32, #tpu.memory_space<vmem_shared>> -> memref<640xf32, #tpu.memory_space<vmem_shared>>
      %dma_start3A_62 = arith.constant 1920 : i32
      %dma_start3A_63 = tpu.memref_slice %arg6[%dma_start3A_62] : memref<10240xf32, #tpu.memory_space<vmem>> -> memref<640xf32, #tpu.memory_space<vmem>>
      %dma_start3A_64 = tpu.memref_slice %arg8[%add3A_26] : memref<163840xf32, #tpu.memory_space<vmem_shared>> -> memref<640xf32, #tpu.memory_space<vmem_shared>>
      tpu.enqueue_dma source(%dma_start3A_64 : memref<640xf32, #tpu.memory_space<vmem_shared>>) target(%dma_start3A_63 : memref<640xf32, #tpu.memory_space<vmem>>) target_semaphore(%run_scoped3A : memref<!tpu.dma_semaphore, #tpu.memory_space<semaphore_mem>>)
      %dma_wait3A = arith.constant 1920 : i32
      %dma_wait3A_65 = tpu.memref_slice %arg6[%dma_wait3A] : memref<10240xf32, #tpu.memory_space<vmem>> -> memref<640xf32, #tpu.memory_space<vmem>>
      %dma_wait3A_66 = tpu.memref_slice %arg8[%add3A_26] : memref<163840xf32, #tpu.memory_space<vmem_shared>> -> memref<640xf32, #tpu.memory_space<vmem_shared>>
      %dma_wait3A_67 = arith.constant 1920 : i32
      %dma_wait3A_68 = tpu.memref_slice %arg6[%dma_wait3A_67] : memref<10240xf32, #tpu.memory_space<vmem>> -> memref<640xf32, #tpu.memory_space<vmem>>
      %dma_wait3A_69 = tpu.memref_slice %arg8[%add3A_26] : memref<163840xf32, #tpu.memory_space<vmem_shared>> -> memref<640xf32, #tpu.memory_space<vmem_shared>>
      tpu.wait_dma2 semaphore(%run_scoped3A : memref<!tpu.dma_semaphore, #tpu.memory_space<semaphore_mem>>) src(%dma_wait3A_69 : memref<640xf32, #tpu.memory_space<vmem_shared>>) dst(%dma_wait3A_68 : memref<640xf32, #tpu.memory_space<vmem>>)
      tpu.yield
    }) : () -> ()
    %add3A_27 = arith.constant 40960 : i32
    %add3A_28 = arith.addi %add3A_27, %mul3A_18 : i32
    "tpu.region"() ({
      %run_scoped3A = tpu.sem_alloc : memref<!tpu.dma_semaphore, #tpu.memory_space<semaphore_mem>>
      %dma_start3A = arith.constant 2560 : i32
      %dma_start3A_60 = tpu.memref_slice %arg6[%dma_start3A] : memref<10240xf32, #tpu.memory_space<vmem>> -> memref<640xf32, #tpu.memory_space<vmem>>
      %dma_start3A_61 = tpu.memref_slice %arg8[%add3A_28] : memref<163840xf32, #tpu.memory_space<vmem_shared>> -> memref<640xf32, #tpu.memory_space<vmem_shared>>
      %dma_start3A_62 = arith.constant 2560 : i32
      %dma_start3A_63 = tpu.memref_slice %arg6[%dma_start3A_62] : memref<10240xf32, #tpu.memory_space<vmem>> -> memref<640xf32, #tpu.memory_space<vmem>>
      %dma_start3A_64 = tpu.memref_slice %arg8[%add3A_28] : memref<163840xf32, #tpu.memory_space<vmem_shared>> -> memref<640xf32, #tpu.memory_space<vmem_shared>>
      tpu.enqueue_dma source(%dma_start3A_64 : memref<640xf32, #tpu.memory_space<vmem_shared>>) target(%dma_start3A_63 : memref<640xf32, #tpu.memory_space<vmem>>) target_semaphore(%run_scoped3A : memref<!tpu.dma_semaphore, #tpu.memory_space<semaphore_mem>>)
      %dma_wait3A = arith.constant 2560 : i32
      %dma_wait3A_65 = tpu.memref_slice %arg6[%dma_wait3A] : memref<10240xf32, #tpu.memory_space<vmem>> -> memref<640xf32, #tpu.memory_space<vmem>>
      %dma_wait3A_66 = tpu.memref_slice %arg8[%add3A_28] : memref<163840xf32, #tpu.memory_space<vmem_shared>> -> memref<640xf32, #tpu.memory_space<vmem_shared>>
      %dma_wait3A_67 = arith.constant 2560 : i32
      %dma_wait3A_68 = tpu.memref_slice %arg6[%dma_wait3A_67] : memref<10240xf32, #tpu.memory_space<vmem>> -> memref<640xf32, #tpu.memory_space<vmem>>
      %dma_wait3A_69 = tpu.memref_slice %arg8[%add3A_28] : memref<163840xf32, #tpu.memory_space<vmem_shared>> -> memref<640xf32, #tpu.memory_space<vmem_shared>>
      tpu.wait_dma2 semaphore(%run_scoped3A : memref<!tpu.dma_semaphore, #tpu.memory_space<semaphore_mem>>) src(%dma_wait3A_69 : memref<640xf32, #tpu.memory_space<vmem_shared>>) dst(%dma_wait3A_68 : memref<640xf32, #tpu.memory_space<vmem>>)
      tpu.yield
    }) : () -> ()
    %add3A_29 = arith.constant 51200 : i32
    %add3A_30 = arith.addi %add3A_29, %mul3A_18 : i32
    "tpu.region"() ({
      %run_scoped3A = tpu.sem_alloc : memref<!tpu.dma_semaphore, #tpu.memory_space<semaphore_mem>>
      %dma_start3A = arith.constant 3200 : i32
      %dma_start3A_60 = tpu.memref_slice %arg6[%dma_start3A] : memref<10240xf32, #tpu.memory_space<vmem>> -> memref<640xf32, #tpu.memory_space<vmem>>
      %dma_start3A_61 = tpu.memref_slice %arg8[%add3A_30] : memref<163840xf32, #tpu.memory_space<vmem_shared>> -> memref<640xf32, #tpu.memory_space<vmem_shared>>
      %dma_start3A_62 = arith.constant 3200 : i32
      %dma_start3A_63 = tpu.memref_slice %arg6[%dma_start3A_62] : memref<10240xf32, #tpu.memory_space<vmem>> -> memref<640xf32, #tpu.memory_space<vmem>>
      %dma_start3A_64 = tpu.memref_slice %arg8[%add3A_30] : memref<163840xf32, #tpu.memory_space<vmem_shared>> -> memref<640xf32, #tpu.memory_space<vmem_shared>>
      tpu.enqueue_dma source(%dma_start3A_64 : memref<640xf32, #tpu.memory_space<vmem_shared>>) target(%dma_start3A_63 : memref<640xf32, #tpu.memory_space<vmem>>) target_semaphore(%run_scoped3A : memref<!tpu.dma_semaphore, #tpu.memory_space<semaphore_mem>>)
      %dma_wait3A = arith.constant 3200 : i32
      %dma_wait3A_65 = tpu.memref_slice %arg6[%dma_wait3A] : memref<10240xf32, #tpu.memory_space<vmem>> -> memref<640xf32, #tpu.memory_space<vmem>>
      %dma_wait3A_66 = tpu.memref_slice %arg8[%add3A_30] : memref<163840xf32, #tpu.memory_space<vmem_shared>> -> memref<640xf32, #tpu.memory_space<vmem_shared>>
      %dma_wait3A_67 = arith.constant 3200 : i32
      %dma_wait3A_68 = tpu.memref_slice %arg6[%dma_wait3A_67] : memref<10240xf32, #tpu.memory_space<vmem>> -> memref<640xf32, #tpu.memory_space<vmem>>
      %dma_wait3A_69 = tpu.memref_slice %arg8[%add3A_30] : memref<163840xf32, #tpu.memory_space<vmem_shared>> -> memref<640xf32, #tpu.memory_space<vmem_shared>>
      tpu.wait_dma2 semaphore(%run_scoped3A : memref<!tpu.dma_semaphore, #tpu.memory_space<semaphore_mem>>) src(%dma_wait3A_69 : memref<640xf32, #tpu.memory_space<vmem_shared>>) dst(%dma_wait3A_68 : memref<640xf32, #tpu.memory_space<vmem>>)
      tpu.yield
    }) : () -> ()
    %add3A_31 = arith.constant 61440 : i32
    %add3A_32 = arith.addi %add3A_31, %mul3A_18 : i32
    "tpu.region"() ({
      %run_scoped3A = tpu.sem_alloc : memref<!tpu.dma_semaphore, #tpu.memory_space<semaphore_mem>>
      %dma_start3A = arith.constant 3840 : i32
      %dma_start3A_60 = tpu.memref_slice %arg6[%dma_start3A] : memref<10240xf32, #tpu.memory_space<vmem>> -> memref<640xf32, #tpu.memory_space<vmem>>
      %dma_start3A_61 = tpu.memref_slice %arg8[%add3A_32] : memref<163840xf32, #tpu.memory_space<vmem_shared>> -> memref<640xf32, #tpu.memory_space<vmem_shared>>
      %dma_start3A_62 = arith.constant 3840 : i32
      %dma_start3A_63 = tpu.memref_slice %arg6[%dma_start3A_62] : memref<10240xf32, #tpu.memory_space<vmem>> -> memref<640xf32, #tpu.memory_space<vmem>>
      %dma_start3A_64 = tpu.memref_slice %arg8[%add3A_32] : memref<163840xf32, #tpu.memory_space<vmem_shared>> -> memref<640xf32, #tpu.memory_space<vmem_shared>>
      tpu.enqueue_dma source(%dma_start3A_64 : memref<640xf32, #tpu.memory_space<vmem_shared>>) target(%dma_start3A_63 : memref<640xf32, #tpu.memory_space<vmem>>) target_semaphore(%run_scoped3A : memref<!tpu.dma_semaphore, #tpu.memory_space<semaphore_mem>>)
      %dma_wait3A = arith.constant 3840 : i32
      %dma_wait3A_65 = tpu.memref_slice %arg6[%dma_wait3A] : memref<10240xf32, #tpu.memory_space<vmem>> -> memref<640xf32, #tpu.memory_space<vmem>>
      %dma_wait3A_66 = tpu.memref_slice %arg8[%add3A_32] : memref<163840xf32, #tpu.memory_space<vmem_shared>> -> memref<640xf32, #tpu.memory_space<vmem_shared>>
      %dma_wait3A_67 = arith.constant 3840 : i32
      %dma_wait3A_68 = tpu.memref_slice %arg6[%dma_wait3A_67] : memref<10240xf32, #tpu.memory_space<vmem>> -> memref<640xf32, #tpu.memory_space<vmem>>
      %dma_wait3A_69 = tpu.memref_slice %arg8[%add3A_32] : memref<163840xf32, #tpu.memory_space<vmem_shared>> -> memref<640xf32, #tpu.memory_space<vmem_shared>>
      tpu.wait_dma2 semaphore(%run_scoped3A : memref<!tpu.dma_semaphore, #tpu.memory_space<semaphore_mem>>) src(%dma_wait3A_69 : memref<640xf32, #tpu.memory_space<vmem_shared>>) dst(%dma_wait3A_68 : memref<640xf32, #tpu.memory_space<vmem>>)
      tpu.yield
    }) : () -> ()
    %add3A_33 = arith.constant 71680 : i32
    %add3A_34 = arith.addi %add3A_33, %mul3A_18 : i32
    "tpu.region"() ({
      %run_scoped3A = tpu.sem_alloc : memref<!tpu.dma_semaphore, #tpu.memory_space<semaphore_mem>>
      %dma_start3A = arith.constant 4480 : i32
      %dma_start3A_60 = tpu.memref_slice %arg6[%dma_start3A] : memref<10240xf32, #tpu.memory_space<vmem>> -> memref<640xf32, #tpu.memory_space<vmem>>
      %dma_start3A_61 = tpu.memref_slice %arg8[%add3A_34] : memref<163840xf32, #tpu.memory_space<vmem_shared>> -> memref<640xf32, #tpu.memory_space<vmem_shared>>
      %dma_start3A_62 = arith.constant 4480 : i32
      %dma_start3A_63 = tpu.memref_slice %arg6[%dma_start3A_62] : memref<10240xf32, #tpu.memory_space<vmem>> -> memref<640xf32, #tpu.memory_space<vmem>>
      %dma_start3A_64 = tpu.memref_slice %arg8[%add3A_34] : memref<163840xf32, #tpu.memory_space<vmem_shared>> -> memref<640xf32, #tpu.memory_space<vmem_shared>>
      tpu.enqueue_dma source(%dma_start3A_64 : memref<640xf32, #tpu.memory_space<vmem_shared>>) target(%dma_start3A_63 : memref<640xf32, #tpu.memory_space<vmem>>) target_semaphore(%run_scoped3A : memref<!tpu.dma_semaphore, #tpu.memory_space<semaphore_mem>>)
      %dma_wait3A = arith.constant 4480 : i32
      %dma_wait3A_65 = tpu.memref_slice %arg6[%dma_wait3A] : memref<10240xf32, #tpu.memory_space<vmem>> -> memref<640xf32, #tpu.memory_space<vmem>>
      %dma_wait3A_66 = tpu.memref_slice %arg8[%add3A_34] : memref<163840xf32, #tpu.memory_space<vmem_shared>> -> memref<640xf32, #tpu.memory_space<vmem_shared>>
      %dma_wait3A_67 = arith.constant 4480 : i32
      %dma_wait3A_68 = tpu.memref_slice %arg6[%dma_wait3A_67] : memref<10240xf32, #tpu.memory_space<vmem>> -> memref<640xf32, #tpu.memory_space<vmem>>
      %dma_wait3A_69 = tpu.memref_slice %arg8[%add3A_34] : memref<163840xf32, #tpu.memory_space<vmem_shared>> -> memref<640xf32, #tpu.memory_space<vmem_shared>>
      tpu.wait_dma2 semaphore(%run_scoped3A : memref<!tpu.dma_semaphore, #tpu.memory_space<semaphore_mem>>) src(%dma_wait3A_69 : memref<640xf32, #tpu.memory_space<vmem_shared>>) dst(%dma_wait3A_68 : memref<640xf32, #tpu.memory_space<vmem>>)
      tpu.yield
    }) : () -> ()
    %add3A_35 = arith.constant 81920 : i32
    %add3A_36 = arith.addi %add3A_35, %mul3A_18 : i32
    "tpu.region"() ({
      %run_scoped3A = tpu.sem_alloc : memref<!tpu.dma_semaphore, #tpu.memory_space<semaphore_mem>>
      %dma_start3A = arith.constant 5120 : i32
      %dma_start3A_60 = tpu.memref_slice %arg6[%dma_start3A] : memref<10240xf32, #tpu.memory_space<vmem>> -> memref<640xf32, #tpu.memory_space<vmem>>
      %dma_start3A_61 = tpu.memref_slice %arg8[%add3A_36] : memref<163840xf32, #tpu.memory_space<vmem_shared>> -> memref<640xf32, #tpu.memory_space<vmem_shared>>
      %dma_start3A_62 = arith.constant 5120 : i32
      %dma_start3A_63 = tpu.memref_slice %arg6[%dma_start3A_62] : memref<10240xf32, #tpu.memory_space<vmem>> -> memref<640xf32, #tpu.memory_space<vmem>>
      %dma_start3A_64 = tpu.memref_slice %arg8[%add3A_36] : memref<163840xf32, #tpu.memory_space<vmem_shared>> -> memref<640xf32, #tpu.memory_space<vmem_shared>>
      tpu.enqueue_dma source(%dma_start3A_64 : memref<640xf32, #tpu.memory_space<vmem_shared>>) target(%dma_start3A_63 : memref<640xf32, #tpu.memory_space<vmem>>) target_semaphore(%run_scoped3A : memref<!tpu.dma_semaphore, #tpu.memory_space<semaphore_mem>>)
      %dma_wait3A = arith.constant 5120 : i32
      %dma_wait3A_65 = tpu.memref_slice %arg6[%dma_wait3A] : memref<10240xf32, #tpu.memory_space<vmem>> -> memref<640xf32, #tpu.memory_space<vmem>>
      %dma_wait3A_66 = tpu.memref_slice %arg8[%add3A_36] : memref<163840xf32, #tpu.memory_space<vmem_shared>> -> memref<640xf32, #tpu.memory_space<vmem_shared>>
      %dma_wait3A_67 = arith.constant 5120 : i32
      %dma_wait3A_68 = tpu.memref_slice %arg6[%dma_wait3A_67] : memref<10240xf32, #tpu.memory_space<vmem>> -> memref<640xf32, #tpu.memory_space<vmem>>
      %dma_wait3A_69 = tpu.memref_slice %arg8[%add3A_36] : memref<163840xf32, #tpu.memory_space<vmem_shared>> -> memref<640xf32, #tpu.memory_space<vmem_shared>>
      tpu.wait_dma2 semaphore(%run_scoped3A : memref<!tpu.dma_semaphore, #tpu.memory_space<semaphore_mem>>) src(%dma_wait3A_69 : memref<640xf32, #tpu.memory_space<vmem_shared>>) dst(%dma_wait3A_68 : memref<640xf32, #tpu.memory_space<vmem>>)
      tpu.yield
    }) : () -> ()
    %add3A_37 = arith.constant 92160 : i32
    %add3A_38 = arith.addi %add3A_37, %mul3A_18 : i32
    "tpu.region"() ({
      %run_scoped3A = tpu.sem_alloc : memref<!tpu.dma_semaphore, #tpu.memory_space<semaphore_mem>>
      %dma_start3A = arith.constant 5760 : i32
      %dma_start3A_60 = tpu.memref_slice %arg6[%dma_start3A] : memref<10240xf32, #tpu.memory_space<vmem>> -> memref<640xf32, #tpu.memory_space<vmem>>
      %dma_start3A_61 = tpu.memref_slice %arg8[%add3A_38] : memref<163840xf32, #tpu.memory_space<vmem_shared>> -> memref<640xf32, #tpu.memory_space<vmem_shared>>
      %dma_start3A_62 = arith.constant 5760 : i32
      %dma_start3A_63 = tpu.memref_slice %arg6[%dma_start3A_62] : memref<10240xf32, #tpu.memory_space<vmem>> -> memref<640xf32, #tpu.memory_space<vmem>>
      %dma_start3A_64 = tpu.memref_slice %arg8[%add3A_38] : memref<163840xf32, #tpu.memory_space<vmem_shared>> -> memref<640xf32, #tpu.memory_space<vmem_shared>>
      tpu.enqueue_dma source(%dma_start3A_64 : memref<640xf32, #tpu.memory_space<vmem_shared>>) target(%dma_start3A_63 : memref<640xf32, #tpu.memory_space<vmem>>) target_semaphore(%run_scoped3A : memref<!tpu.dma_semaphore, #tpu.memory_space<semaphore_mem>>)
      %dma_wait3A = arith.constant 5760 : i32
      %dma_wait3A_65 = tpu.memref_slice %arg6[%dma_wait3A] : memref<10240xf32, #tpu.memory_space<vmem>> -> memref<640xf32, #tpu.memory_space<vmem>>
      %dma_wait3A_66 = tpu.memref_slice %arg8[%add3A_38] : memref<163840xf32, #tpu.memory_space<vmem_shared>> -> memref<640xf32, #tpu.memory_space<vmem_shared>>
      %dma_wait3A_67 = arith.constant 5760 : i32
      %dma_wait3A_68 = tpu.memref_slice %arg6[%dma_wait3A_67] : memref<10240xf32, #tpu.memory_space<vmem>> -> memref<640xf32, #tpu.memory_space<vmem>>
      %dma_wait3A_69 = tpu.memref_slice %arg8[%add3A_38] : memref<163840xf32, #tpu.memory_space<vmem_shared>> -> memref<640xf32, #tpu.memory_space<vmem_shared>>
      tpu.wait_dma2 semaphore(%run_scoped3A : memref<!tpu.dma_semaphore, #tpu.memory_space<semaphore_mem>>) src(%dma_wait3A_69 : memref<640xf32, #tpu.memory_space<vmem_shared>>) dst(%dma_wait3A_68 : memref<640xf32, #tpu.memory_space<vmem>>)
      tpu.yield
    }) : () -> ()
    %add3A_39 = arith.constant 102400 : i32
    %add3A_40 = arith.addi %add3A_39, %mul3A_18 : i32
    "tpu.region"() ({
      %run_scoped3A = tpu.sem_alloc : memref<!tpu.dma_semaphore, #tpu.memory_space<semaphore_mem>>
      %dma_start3A = arith.constant 6400 : i32
      %dma_start3A_60 = tpu.memref_slice %arg6[%dma_start3A] : memref<10240xf32, #tpu.memory_space<vmem>> -> memref<640xf32, #tpu.memory_space<vmem>>
      %dma_start3A_61 = tpu.memref_slice %arg8[%add3A_40] : memref<163840xf32, #tpu.memory_space<vmem_shared>> -> memref<640xf32, #tpu.memory_space<vmem_shared>>
      %dma_start3A_62 = arith.constant 6400 : i32
      %dma_start3A_63 = tpu.memref_slice %arg6[%dma_start3A_62] : memref<10240xf32, #tpu.memory_space<vmem>> -> memref<640xf32, #tpu.memory_space<vmem>>
      %dma_start3A_64 = tpu.memref_slice %arg8[%add3A_40] : memref<163840xf32, #tpu.memory_space<vmem_shared>> -> memref<640xf32, #tpu.memory_space<vmem_shared>>
      tpu.enqueue_dma source(%dma_start3A_64 : memref<640xf32, #tpu.memory_space<vmem_shared>>) target(%dma_start3A_63 : memref<640xf32, #tpu.memory_space<vmem>>) target_semaphore(%run_scoped3A : memref<!tpu.dma_semaphore, #tpu.memory_space<semaphore_mem>>)
      %dma_wait3A = arith.constant 6400 : i32
      %dma_wait3A_65 = tpu.memref_slice %arg6[%dma_wait3A] : memref<10240xf32, #tpu.memory_space<vmem>> -> memref<640xf32, #tpu.memory_space<vmem>>
      %dma_wait3A_66 = tpu.memref_slice %arg8[%add3A_40] : memref<163840xf32, #tpu.memory_space<vmem_shared>> -> memref<640xf32, #tpu.memory_space<vmem_shared>>
      %dma_wait3A_67 = arith.constant 6400 : i32
      %dma_wait3A_68 = tpu.memref_slice %arg6[%dma_wait3A_67] : memref<10240xf32, #tpu.memory_space<vmem>> -> memref<640xf32, #tpu.memory_space<vmem>>
      %dma_wait3A_69 = tpu.memref_slice %arg8[%add3A_40] : memref<163840xf32, #tpu.memory_space<vmem_shared>> -> memref<640xf32, #tpu.memory_space<vmem_shared>>
      tpu.wait_dma2 semaphore(%run_scoped3A : memref<!tpu.dma_semaphore, #tpu.memory_space<semaphore_mem>>) src(%dma_wait3A_69 : memref<640xf32, #tpu.memory_space<vmem_shared>>) dst(%dma_wait3A_68 : memref<640xf32, #tpu.memory_space<vmem>>)
      tpu.yield
    }) : () -> ()
    %add3A_41 = arith.constant 112640 : i32
    %add3A_42 = arith.addi %add3A_41, %mul3A_18 : i32
    "tpu.region"() ({
      %run_scoped3A = tpu.sem_alloc : memref<!tpu.dma_semaphore, #tpu.memory_space<semaphore_mem>>
      %dma_start3A = arith.constant 7040 : i32
      %dma_start3A_60 = tpu.memref_slice %arg6[%dma_start3A] : memref<10240xf32, #tpu.memory_space<vmem>> -> memref<640xf32, #tpu.memory_space<vmem>>
      %dma_start3A_61 = tpu.memref_slice %arg8[%add3A_42] : memref<163840xf32, #tpu.memory_space<vmem_shared>> -> memref<640xf32, #tpu.memory_space<vmem_shared>>
      %dma_start3A_62 = arith.constant 7040 : i32
      %dma_start3A_63 = tpu.memref_slice %arg6[%dma_start3A_62] : memref<10240xf32, #tpu.memory_space<vmem>> -> memref<640xf32, #tpu.memory_space<vmem>>
      %dma_start3A_64 = tpu.memref_slice %arg8[%add3A_42] : memref<163840xf32, #tpu.memory_space<vmem_shared>> -> memref<640xf32, #tpu.memory_space<vmem_shared>>
      tpu.enqueue_dma source(%dma_start3A_64 : memref<640xf32, #tpu.memory_space<vmem_shared>>) target(%dma_start3A_63 : memref<640xf32, #tpu.memory_space<vmem>>) target_semaphore(%run_scoped3A : memref<!tpu.dma_semaphore, #tpu.memory_space<semaphore_mem>>)
      %dma_wait3A = arith.constant 7040 : i32
      %dma_wait3A_65 = tpu.memref_slice %arg6[%dma_wait3A] : memref<10240xf32, #tpu.memory_space<vmem>> -> memref<640xf32, #tpu.memory_space<vmem>>
      %dma_wait3A_66 = tpu.memref_slice %arg8[%add3A_42] : memref<163840xf32, #tpu.memory_space<vmem_shared>> -> memref<640xf32, #tpu.memory_space<vmem_shared>>
      %dma_wait3A_67 = arith.constant 7040 : i32
      %dma_wait3A_68 = tpu.memref_slice %arg6[%dma_wait3A_67] : memref<10240xf32, #tpu.memory_space<vmem>> -> memref<640xf32, #tpu.memory_space<vmem>>
      %dma_wait3A_69 = tpu.memref_slice %arg8[%add3A_42] : memref<163840xf32, #tpu.memory_space<vmem_shared>> -> memref<640xf32, #tpu.memory_space<vmem_shared>>
      tpu.wait_dma2 semaphore(%run_scoped3A : memref<!tpu.dma_semaphore, #tpu.memory_space<semaphore_mem>>) src(%dma_wait3A_69 : memref<640xf32, #tpu.memory_space<vmem_shared>>) dst(%dma_wait3A_68 : memref<640xf32, #tpu.memory_space<vmem>>)
      tpu.yield
    }) : () -> ()
    %add3A_43 = arith.constant 122880 : i32
    %add3A_44 = arith.addi %add3A_43, %mul3A_18 : i32
    "tpu.region"() ({
      %run_scoped3A = tpu.sem_alloc : memref<!tpu.dma_semaphore, #tpu.memory_space<semaphore_mem>>
      %dma_start3A = arith.constant 7680 : i32
      %dma_start3A_60 = tpu.memref_slice %arg6[%dma_start3A] : memref<10240xf32, #tpu.memory_space<vmem>> -> memref<640xf32, #tpu.memory_space<vmem>>
      %dma_start3A_61 = tpu.memref_slice %arg8[%add3A_44] : memref<163840xf32, #tpu.memory_space<vmem_shared>> -> memref<640xf32, #tpu.memory_space<vmem_shared>>
      %dma_start3A_62 = arith.constant 7680 : i32
      %dma_start3A_63 = tpu.memref_slice %arg6[%dma_start3A_62] : memref<10240xf32, #tpu.memory_space<vmem>> -> memref<640xf32, #tpu.memory_space<vmem>>
      %dma_start3A_64 = tpu.memref_slice %arg8[%add3A_44] : memref<163840xf32, #tpu.memory_space<vmem_shared>> -> memref<640xf32, #tpu.memory_space<vmem_shared>>
      tpu.enqueue_dma source(%dma_start3A_64 : memref<640xf32, #tpu.memory_space<vmem_shared>>) target(%dma_start3A_63 : memref<640xf32, #tpu.memory_space<vmem>>) target_semaphore(%run_scoped3A : memref<!tpu.dma_semaphore, #tpu.memory_space<semaphore_mem>>)
      %dma_wait3A = arith.constant 7680 : i32
      %dma_wait3A_65 = tpu.memref_slice %arg6[%dma_wait3A] : memref<10240xf32, #tpu.memory_space<vmem>> -> memref<640xf32, #tpu.memory_space<vmem>>
      %dma_wait3A_66 = tpu.memref_slice %arg8[%add3A_44] : memref<163840xf32, #tpu.memory_space<vmem_shared>> -> memref<640xf32, #tpu.memory_space<vmem_shared>>
      %dma_wait3A_67 = arith.constant 7680 : i32
      %dma_wait3A_68 = tpu.memref_slice %arg6[%dma_wait3A_67] : memref<10240xf32, #tpu.memory_space<vmem>> -> memref<640xf32, #tpu.memory_space<vmem>>
      %dma_wait3A_69 = tpu.memref_slice %arg8[%add3A_44] : memref<163840xf32, #tpu.memory_space<vmem_shared>> -> memref<640xf32, #tpu.memory_space<vmem_shared>>
      tpu.wait_dma2 semaphore(%run_scoped3A : memref<!tpu.dma_semaphore, #tpu.memory_space<semaphore_mem>>) src(%dma_wait3A_69 : memref<640xf32, #tpu.memory_space<vmem_shared>>) dst(%dma_wait3A_68 : memref<640xf32, #tpu.memory_space<vmem>>)
      tpu.yield
    }) : () -> ()
    %add3A_45 = arith.constant 133120 : i32
    %add3A_46 = arith.addi %add3A_45, %mul3A_18 : i32
    "tpu.region"() ({
      %run_scoped3A = tpu.sem_alloc : memref<!tpu.dma_semaphore, #tpu.memory_space<semaphore_mem>>
      %dma_start3A = arith.constant 8320 : i32
      %dma_start3A_60 = tpu.memref_slice %arg6[%dma_start3A] : memref<10240xf32, #tpu.memory_space<vmem>> -> memref<640xf32, #tpu.memory_space<vmem>>
      %dma_start3A_61 = tpu.memref_slice %arg8[%add3A_46] : memref<163840xf32, #tpu.memory_space<vmem_shared>> -> memref<640xf32, #tpu.memory_space<vmem_shared>>
      %dma_start3A_62 = arith.constant 8320 : i32
      %dma_start3A_63 = tpu.memref_slice %arg6[%dma_start3A_62] : memref<10240xf32, #tpu.memory_space<vmem>> -> memref<640xf32, #tpu.memory_space<vmem>>
      %dma_start3A_64 = tpu.memref_slice %arg8[%add3A_46] : memref<163840xf32, #tpu.memory_space<vmem_shared>> -> memref<640xf32, #tpu.memory_space<vmem_shared>>
      tpu.enqueue_dma source(%dma_start3A_64 : memref<640xf32, #tpu.memory_space<vmem_shared>>) target(%dma_start3A_63 : memref<640xf32, #tpu.memory_space<vmem>>) target_semaphore(%run_scoped3A : memref<!tpu.dma_semaphore, #tpu.memory_space<semaphore_mem>>)
      %dma_wait3A = arith.constant 8320 : i32
      %dma_wait3A_65 = tpu.memref_slice %arg6[%dma_wait3A] : memref<10240xf32, #tpu.memory_space<vmem>> -> memref<640xf32, #tpu.memory_space<vmem>>
      %dma_wait3A_66 = tpu.memref_slice %arg8[%add3A_46] : memref<163840xf32, #tpu.memory_space<vmem_shared>> -> memref<640xf32, #tpu.memory_space<vmem_shared>>
      %dma_wait3A_67 = arith.constant 8320 : i32
      %dma_wait3A_68 = tpu.memref_slice %arg6[%dma_wait3A_67] : memref<10240xf32, #tpu.memory_space<vmem>> -> memref<640xf32, #tpu.memory_space<vmem>>
      %dma_wait3A_69 = tpu.memref_slice %arg8[%add3A_46] : memref<163840xf32, #tpu.memory_space<vmem_shared>> -> memref<640xf32, #tpu.memory_space<vmem_shared>>
      tpu.wait_dma2 semaphore(%run_scoped3A : memref<!tpu.dma_semaphore, #tpu.memory_space<semaphore_mem>>) src(%dma_wait3A_69 : memref<640xf32, #tpu.memory_space<vmem_shared>>) dst(%dma_wait3A_68 : memref<640xf32, #tpu.memory_space<vmem>>)
      tpu.yield
    }) : () -> ()
    %add3A_47 = arith.constant 143360 : i32
    %add3A_48 = arith.addi %add3A_47, %mul3A_18 : i32
    "tpu.region"() ({
      %run_scoped3A = tpu.sem_alloc : memref<!tpu.dma_semaphore, #tpu.memory_space<semaphore_mem>>
      %dma_start3A = arith.constant 8960 : i32
      %dma_start3A_60 = tpu.memref_slice %arg6[%dma_start3A] : memref<10240xf32, #tpu.memory_space<vmem>> -> memref<640xf32, #tpu.memory_space<vmem>>
      %dma_start3A_61 = tpu.memref_slice %arg8[%add3A_48] : memref<163840xf32, #tpu.memory_space<vmem_shared>> -> memref<640xf32, #tpu.memory_space<vmem_shared>>
      %dma_start3A_62 = arith.constant 8960 : i32
      %dma_start3A_63 = tpu.memref_slice %arg6[%dma_start3A_62] : memref<10240xf32, #tpu.memory_space<vmem>> -> memref<640xf32, #tpu.memory_space<vmem>>
      %dma_start3A_64 = tpu.memref_slice %arg8[%add3A_48] : memref<163840xf32, #tpu.memory_space<vmem_shared>> -> memref<640xf32, #tpu.memory_space<vmem_shared>>
      tpu.enqueue_dma source(%dma_start3A_64 : memref<640xf32, #tpu.memory_space<vmem_shared>>) target(%dma_start3A_63 : memref<640xf32, #tpu.memory_space<vmem>>) target_semaphore(%run_scoped3A : memref<!tpu.dma_semaphore, #tpu.memory_space<semaphore_mem>>)
      %dma_wait3A = arith.constant 8960 : i32
      %dma_wait3A_65 = tpu.memref_slice %arg6[%dma_wait3A] : memref<10240xf32, #tpu.memory_space<vmem>> -> memref<640xf32, #tpu.memory_space<vmem>>
      %dma_wait3A_66 = tpu.memref_slice %arg8[%add3A_48] : memref<163840xf32, #tpu.memory_space<vmem_shared>> -> memref<640xf32, #tpu.memory_space<vmem_shared>>
      %dma_wait3A_67 = arith.constant 8960 : i32
      %dma_wait3A_68 = tpu.memref_slice %arg6[%dma_wait3A_67] : memref<10240xf32, #tpu.memory_space<vmem>> -> memref<640xf32, #tpu.memory_space<vmem>>
      %dma_wait3A_69 = tpu.memref_slice %arg8[%add3A_48] : memref<163840xf32, #tpu.memory_space<vmem_shared>> -> memref<640xf32, #tpu.memory_space<vmem_shared>>
      tpu.wait_dma2 semaphore(%run_scoped3A : memref<!tpu.dma_semaphore, #tpu.memory_space<semaphore_mem>>) src(%dma_wait3A_69 : memref<640xf32, #tpu.memory_space<vmem_shared>>) dst(%dma_wait3A_68 : memref<640xf32, #tpu.memory_space<vmem>>)
      tpu.yield
    }) : () -> ()
    %add3A_49 = arith.constant 153600 : i32
    %add3A_50 = arith.addi %add3A_49, %mul3A_18 : i32
    "tpu.region"() ({
      %run_scoped3A = tpu.sem_alloc : memref<!tpu.dma_semaphore, #tpu.memory_space<semaphore_mem>>
      %dma_start3A = arith.constant 9600 : i32
      %dma_start3A_60 = tpu.memref_slice %arg6[%dma_start3A] : memref<10240xf32, #tpu.memory_space<vmem>> -> memref<640xf32, #tpu.memory_space<vmem>>
      %dma_start3A_61 = tpu.memref_slice %arg8[%add3A_50] : memref<163840xf32, #tpu.memory_space<vmem_shared>> -> memref<640xf32, #tpu.memory_space<vmem_shared>>
      %dma_start3A_62 = arith.constant 9600 : i32
      %dma_start3A_63 = tpu.memref_slice %arg6[%dma_start3A_62] : memref<10240xf32, #tpu.memory_space<vmem>> -> memref<640xf32, #tpu.memory_space<vmem>>
      %dma_start3A_64 = tpu.memref_slice %arg8[%add3A_50] : memref<163840xf32, #tpu.memory_space<vmem_shared>> -> memref<640xf32, #tpu.memory_space<vmem_shared>>
      tpu.enqueue_dma source(%dma_start3A_64 : memref<640xf32, #tpu.memory_space<vmem_shared>>) target(%dma_start3A_63 : memref<640xf32, #tpu.memory_space<vmem>>) target_semaphore(%run_scoped3A : memref<!tpu.dma_semaphore, #tpu.memory_space<semaphore_mem>>)
      %dma_wait3A = arith.constant 9600 : i32
      %dma_wait3A_65 = tpu.memref_slice %arg6[%dma_wait3A] : memref<10240xf32, #tpu.memory_space<vmem>> -> memref<640xf32, #tpu.memory_space<vmem>>
      %dma_wait3A_66 = tpu.memref_slice %arg8[%add3A_50] : memref<163840xf32, #tpu.memory_space<vmem_shared>> -> memref<640xf32, #tpu.memory_space<vmem_shared>>
      %dma_wait3A_67 = arith.constant 9600 : i32
      %dma_wait3A_68 = tpu.memref_slice %arg6[%dma_wait3A_67] : memref<10240xf32, #tpu.memory_space<vmem>> -> memref<640xf32, #tpu.memory_space<vmem>>
      %dma_wait3A_69 = tpu.memref_slice %arg8[%add3A_50] : memref<163840xf32, #tpu.memory_space<vmem_shared>> -> memref<640xf32, #tpu.memory_space<vmem_shared>>
      tpu.wait_dma2 semaphore(%run_scoped3A : memref<!tpu.dma_semaphore, #tpu.memory_space<semaphore_mem>>) src(%dma_wait3A_69 : memref<640xf32, #tpu.memory_space<vmem_shared>>) dst(%dma_wait3A_68 : memref<640xf32, #tpu.memory_space<vmem>>)
      tpu.yield
    }) : () -> ()
    %scan3A_51 = arith.constant 0 : i32
    %scan3A_52 = arith.constant 0 : i32
    %scan3A_53 = arith.constant 40 : i32
    %scan3A_54 = arith.addi %scan3A_52, %scan3A_53 : i32
    %scan3A_55 = arith.constant 1 : i32
    scf.for %scan3A_60 = %scan3A_52 to %scan3A_54 step %scan3A_55  : i32 {
      %broadcast_in_dim3A_61 = arith.constant 0.000000e+00 : f32
      %broadcast_in_dim3A_62 = vector.broadcast %broadcast_in_dim3A_61 : f32 to vector<16xf32>
      %mul3A_63 = arith.constant 16 : i32
      %mul3A_64 = arith.muli %scan3A_60, %mul3A_63 : i32
      %add3A_65 = arith.constant 0 : i32
      %add3A_66 = arith.addi %add3A_65, %mul3A_64 : i32
      %get3A = arith.index_cast %add3A_66 : i32 to index
      %get3A_67 = tpu.vector_load %arg6[%get3A] {strides = array<i32>} : memref<10240xf32, #tpu.memory_space<vmem>>, vector<16xf32>,
      %add3A_68 = arith.addf %broadcast_in_dim3A_62, %get3A_67 : vector<16xf32>
      %mul3A_69 = arith.constant 16 : i32
      %mul3A_70 = arith.muli %scan3A_60, %mul3A_69 : i32
      %add3A_71 = arith.constant 640 : i32
      %add3A_72 = arith.addi %add3A_71, %mul3A_70 : i32
      %get3A_73 = arith.index_cast %add3A_72 : i32 to index
      %get3A_74 = tpu.vector_load %arg6[%get3A_73] {strides = array<i32>} : memref<10240xf32, #tpu.memory_space<vmem>>, vector<16xf32>,
      %add3A_75 = arith.addf %add3A_68, %get3A_74 : vector<16xf32>
      %mul3A_76 = arith.constant 16 : i32
      %mul3A_77 = arith.muli %scan3A_60, %mul3A_76 : i32
      %add3A_78 = arith.constant 1280 : i32
      %add3A_79 = arith.addi %add3A_78, %mul3A_77 : i32
      %get3A_80 = arith.index_cast %add3A_79 : i32 to index
      %get3A_81 = tpu.vector_load %arg6[%get3A_80] {strides = array<i32>} : memref<10240xf32, #tpu.memory_space<vmem>>, vector<16xf32>,
      %add3A_82 = arith.addf %add3A_75, %get3A_81 : vector<16xf32>
      %mul3A_83 = arith.constant 16 : i32
      %mul3A_84 = arith.muli %scan3A_60, %mul3A_83 : i32
      %add3A_85 = arith.constant 1920 : i32
      %add3A_86 = arith.addi %add3A_85, %mul3A_84 : i32
      %get3A_87 = arith.index_cast %add3A_86 : i32 to index
      %get3A_88 = tpu.vector_load %arg6[%get3A_87] {strides = array<i32>} : memref<10240xf32, #tpu.memory_space<vmem>>, vector<16xf32>,
      %add3A_89 = arith.addf %add3A_82, %get3A_88 : vector<16xf32>
      %mul3A_90 = arith.constant 16 : i32
      %mul3A_91 = arith.muli %scan3A_60, %mul3A_90 : i32
      %add3A_92 = arith.constant 2560 : i32
      %add3A_93 = arith.addi %add3A_92, %mul3A_91 : i32
      %get3A_94 = arith.index_cast %add3A_93 : i32 to index
      %get3A_95 = tpu.vector_load %arg6[%get3A_94] {strides = array<i32>} : memref<10240xf32, #tpu.memory_space<vmem>>, vector<16xf32>,
      %add3A_96 = arith.addf %add3A_89, %get3A_95 : vector<16xf32>
      %mul3A_97 = arith.constant 16 : i32
      %mul3A_98 = arith.muli %scan3A_60, %mul3A_97 : i32
      %add3A_99 = arith.constant 3200 : i32
      %add3A_100 = arith.addi %add3A_99, %mul3A_98 : i32
      %get3A_101 = arith.index_cast %add3A_100 : i32 to index
      %get3A_102 = tpu.vector_load %arg6[%get3A_101] {strides = array<i32>} : memref<10240xf32, #tpu.memory_space<vmem>>, vector<16xf32>,
      %add3A_103 = arith.addf %add3A_96, %get3A_102 : vector<16xf32>
      %mul3A_104 = arith.constant 16 : i32
      %mul3A_105 = arith.muli %scan3A_60, %mul3A_104 : i32
      %add3A_106 = arith.constant 3840 : i32
      %add3A_107 = arith.addi %add3A_106, %mul3A_105 : i32
      %get3A_108 = arith.index_cast %add3A_107 : i32 to index
      %get3A_109 = tpu.vector_load %arg6[%get3A_108] {strides = array<i32>} : memref<10240xf32, #tpu.memory_space<vmem>>, vector<16xf32>,
      %add3A_110 = arith.addf %add3A_103, %get3A_109 : vector<16xf32>
      %mul3A_111 = arith.constant 16 : i32
      %mul3A_112 = arith.muli %scan3A_60, %mul3A_111 : i32
      %add3A_113 = arith.constant 4480 : i32
      %add3A_114 = arith.addi %add3A_113, %mul3A_112 : i32
      %get3A_115 = arith.index_cast %add3A_114 : i32 to index
      %get3A_116 = tpu.vector_load %arg6[%get3A_115] {strides = array<i32>} : memref<10240xf32, #tpu.memory_space<vmem>>, vector<16xf32>,
      %add3A_117 = arith.addf %add3A_110, %get3A_116 : vector<16xf32>
      %mul3A_118 = arith.constant 16 : i32
      %mul3A_119 = arith.muli %scan3A_60, %mul3A_118 : i32
      %add3A_120 = arith.constant 5120 : i32
      %add3A_121 = arith.addi %add3A_120, %mul3A_119 : i32
      %get3A_122 = arith.index_cast %add3A_121 : i32 to index
      %get3A_123 = tpu.vector_load %arg6[%get3A_122] {strides = array<i32>} : memref<10240xf32, #tpu.memory_space<vmem>>, vector<16xf32>,
      %add3A_124 = arith.addf %add3A_117, %get3A_123 : vector<16xf32>
      %mul3A_125 = arith.constant 16 : i32
      %mul3A_126 = arith.muli %scan3A_60, %mul3A_125 : i32
      %add3A_127 = arith.constant 5760 : i32
      %add3A_128 = arith.addi %add3A_127, %mul3A_126 : i32
      %get3A_129 = arith.index_cast %add3A_128 : i32 to index
      %get3A_130 = tpu.vector_load %arg6[%get3A_129] {strides = array<i32>} : memref<10240xf32, #tpu.memory_space<vmem>>, vector<16xf32>,
      %add3A_131 = arith.addf %add3A_124, %get3A_130 : vector<16xf32>
      %mul3A_132 = arith.constant 16 : i32
      %mul3A_133 = arith.muli %scan3A_60, %mul3A_132 : i32
      %add3A_134 = arith.constant 6400 : i32
      %add3A_135 = arith.addi %add3A_134, %mul3A_133 : i32
      %get3A_136 = arith.index_cast %add3A_135 : i32 to index
      %get3A_137 = tpu.vector_load %arg6[%get3A_136] {strides = array<i32>} : memref<10240xf32, #tpu.memory_space<vmem>>, vector<16xf32>,
      %add3A_138 = arith.addf %add3A_131, %get3A_137 : vector<16xf32>
      %mul3A_139 = arith.constant 16 : i32
      %mul3A_140 = arith.muli %scan3A_60, %mul3A_139 : i32
      %add3A_141 = arith.constant 7040 : i32
      %add3A_142 = arith.addi %add3A_141, %mul3A_140 : i32
      %get3A_143 = arith.index_cast %add3A_142 : i32 to index
      %get3A_144 = tpu.vector_load %arg6[%get3A_143] {strides = array<i32>} : memref<10240xf32, #tpu.memory_space<vmem>>, vector<16xf32>,
      %add3A_145 = arith.addf %add3A_138, %get3A_144 : vector<16xf32>
      %mul3A_146 = arith.constant 16 : i32
      %mul3A_147 = arith.muli %scan3A_60, %mul3A_146 : i32
      %add3A_148 = arith.constant 7680 : i32
      %add3A_149 = arith.addi %add3A_148, %mul3A_147 : i32
      %get3A_150 = arith.index_cast %add3A_149 : i32 to index
      %get3A_151 = tpu.vector_load %arg6[%get3A_150] {strides = array<i32>} : memref<10240xf32, #tpu.memory_space<vmem>>, vector<16xf32>,
      %add3A_152 = arith.addf %add3A_145, %get3A_151 : vector<16xf32>
      %mul3A_153 = arith.constant 16 : i32
      %mul3A_154 = arith.muli %scan3A_60, %mul3A_153 : i32
      %add3A_155 = arith.constant 8320 : i32
      %add3A_156 = arith.addi %add3A_155, %mul3A_154 : i32
      %get3A_157 = arith.index_cast %add3A_156 : i32 to index
      %get3A_158 = tpu.vector_load %arg6[%get3A_157] {strides = array<i32>} : memref<10240xf32, #tpu.memory_space<vmem>>, vector<16xf32>,
      %add3A_159 = arith.addf %add3A_152, %get3A_158 : vector<16xf32>
      %mul3A_160 = arith.constant 16 : i32
      %mul3A_161 = arith.muli %scan3A_60, %mul3A_160 : i32
      %add3A_162 = arith.constant 8960 : i32
      %add3A_163 = arith.addi %add3A_162, %mul3A_161 : i32
      %get3A_164 = arith.index_cast %add3A_163 : i32 to index
      %get3A_165 = tpu.vector_load %arg6[%get3A_164] {strides = array<i32>} : memref<10240xf32, #tpu.memory_space<vmem>>, vector<16xf32>,
      %add3A_166 = arith.addf %add3A_159, %get3A_165 : vector<16xf32>
      %mul3A_167 = arith.constant 16 : i32
      %mul3A_168 = arith.muli %scan3A_60, %mul3A_167 : i32
      %add3A_169 = arith.constant 9600 : i32
      %add3A_170 = arith.addi %add3A_169, %mul3A_168 : i32
      %get3A_171 = arith.index_cast %add3A_170 : i32 to index
      %get3A_172 = tpu.vector_load %arg6[%get3A_171] {strides = array<i32>} : memref<10240xf32, #tpu.memory_space<vmem>>, vector<16xf32>,
      %add3A_173 = arith.addf %add3A_166, %get3A_172 : vector<16xf32>
      %mul3A_174 = arith.constant 16 : i32
      %mul3A_175 = arith.muli %scan3A_60, %mul3A_174 : i32
      %swap3A = arith.index_cast %mul3A_175 : i32 to index
      %swap3A_176 = tpu.vector_load %arg7[%swap3A] {strides = array<i32>} : memref<640xf32, #tpu.memory_space<vmem>>, vector<16xf32>,
      tpu.vector_store %arg7[%swap3A], %add3A_173 {strides = array<i32>} : memref<640xf32, #tpu.memory_space<vmem>>, vector<16xf32>,
    }
    %scan3A_56 = arith.constant 40 : i32
    %mul3A_57 = arith.constant 10240 : i32
    %mul3A_58 = arith.muli %arg0, %mul3A_57 : i32
    %add3A_59 = arith.addi %mul3A_58, %mul3A_18 : i32
    "tpu.region"() ({
      %run_scoped3A = tpu.sem_alloc : memref<!tpu.dma_semaphore, #tpu.memory_space<semaphore_mem>>
      %dma_start3A = tpu.memref_slice %arg3[%add3A_59] : memref<20480xf32, #tpu.memory_space<hbm>> -> memref<640xf32, #tpu.memory_space<hbm>>
      %dma_start3A_60 = tpu.memref_slice %arg3[%add3A_59] : memref<20480xf32, #tpu.memory_space<hbm>> -> memref<640xf32, #tpu.memory_space<hbm>>
      tpu.enqueue_dma source(%arg7 : memref<640xf32, #tpu.memory_space<vmem>>) target(%dma_start3A_60 : memref<640xf32, #tpu.memory_space<hbm>>) target_semaphore(%run_scoped3A : memref<!tpu.dma_semaphore, #tpu.memory_space<semaphore_mem>>)
      %dma_wait3A = tpu.memref_slice %arg3[%add3A_59] : memref<20480xf32, #tpu.memory_space<hbm>> -> memref<640xf32, #tpu.memory_space<hbm>>
      %dma_wait3A_61 = tpu.memref_slice %arg3[%add3A_59] : memref<20480xf32, #tpu.memory_space<hbm>> -> memref<640xf32, #tpu.memory_space<hbm>>
      tpu.wait_dma2 semaphore(%run_scoped3A : memref<!tpu.dma_semaphore, #tpu.memory_space<semaphore_mem>>) src(%arg7 : memref<640xf32, #tpu.memory_space<vmem>>) dst(%dma_wait3A_61 : memref<640xf32, #tpu.memory_space<hbm>>)
      tpu.yield
    }) : () -> ()
    return
  }
}

#map = affine_map<(d0, d1) -> (0, 0)>
module attributes {stable_mosaic.version = 14 : i64} {
  func.func @prop(%arg0: i32, %arg1: i32, %arg2: memref<10000x128xf32, #tpu.memory_space<hbm>>, %arg3: memref<2560x128xi32, #tpu.memory_space<hbm>>, %arg4: memref<2560x128xi32, #tpu.memory_space<hbm>>, %arg5: memref<10000x128xf32, #tpu.memory_space<hbm>>, %arg6: memref<20000x128xf32, #tpu.memory_space<hbm>>, %arg7: memref<40x128xi32, #tpu.memory_space<vmem>>, %arg8: memref<40x128xi32, #tpu.memory_space<vmem>>, %arg9: memref<128x128xf32, #tpu.memory_space<vmem>>, %arg10: memref<128x128xf32, #tpu.memory_space<vmem>>, %arg11: memref<10240x128xf32, #tpu.memory_space<vmem_shared>>, %arg12: memref<!tpu.dma_semaphore, #tpu.memory_space<semaphore_mem>>, %arg13: memref<!tpu.dma_semaphore, #tpu.memory_space<semaphore_mem>>) attributes {dimension_semantics = [#tpu.dimension_semantics<core_parallel>, #tpu.dimension_semantics<subcore_parallel>], iteration_bounds = array<i64: 2, 16>, scalar_prefetch = 0 : i64, scratch_operands = 7 : i64, tpu.core_type = #tpu.core_type<sc_vector_subcore>, window_params = [{transform_indices = #map}, {transform_indices = #map}, {transform_indices = #map}, {transform_indices = #map}, {transform_indices = #map}]} {
    %mul3A = arith.constant 16 : i32
    %mul3A_0 = arith.muli %arg0, %mul3A : i32
    %add3A = arith.addi %mul3A_0, %arg1 : i32
    %eq3A = arith.constant 0 : i32
    %eq3A_1 = arith.cmpi eq, %arg0, %eq3A : i32
    %convert_element_type3A = arith.extui %eq3A_1 : i1 to i32
    %cond3A = arith.constant 0 : i32
    %cond3A_2 = arith.cmpi ne, %convert_element_type3A, %cond3A : i32
    scf.if %cond3A_2 {
      %lt3A_61 = arith.constant 15 : i32
      %lt3A_62 = arith.cmpi slt, %arg1, %lt3A_61 : i32
      %convert_element_type3A_63 = arith.extui %lt3A_62 : i1 to i32
      %cond3A_64 = arith.constant 0 : i32
      %cond3A_65 = arith.cmpi ne, %convert_element_type3A_63, %cond3A_64 : i32
      scf.if %cond3A_65 {
        %mul3A_71 = arith.constant 632 : i32
        %mul3A_72 = arith.muli %arg1, %mul3A_71 : i32
        %add3A_73 = arith.constant 0 : i32
        %add3A_74 = arith.addi %add3A_73, %mul3A_72 : i32
        "tpu.region"() ({
          %run_scoped3A = tpu.sem_alloc : memref<!tpu.dma_semaphore, #tpu.memory_space<semaphore_mem>>
          %dma_start3A_75 = arith.constant 0 : i32
          %dma_start3A_76 = tpu.memref_slice %arg11[%mul3A_72, %dma_start3A_75] : memref<10240x128xf32, #tpu.memory_space<vmem_shared>> -> memref<632x128xf32, #tpu.memory_space<vmem_shared>>
          %dma_start3A_77 = arith.constant 0 : i32
          %dma_start3A_78 = tpu.memref_slice %arg2[%add3A_74, %dma_start3A_77] : memref<10000x128xf32, #tpu.memory_space<hbm>> -> memref<632x128xf32, #tpu.memory_space<hbm>>
          tpu.enqueue_dma source(%dma_start3A_78 : memref<632x128xf32, #tpu.memory_space<hbm>>) target(%dma_start3A_76 : memref<632x128xf32, #tpu.memory_space<vmem_shared>>) target_semaphore(%run_scoped3A : memref<!tpu.dma_semaphore, #tpu.memory_space<semaphore_mem>>)
          %dma_wait3A = arith.constant 0 : i32
          %dma_wait3A_79 = tpu.memref_slice %arg11[%mul3A_72, %dma_wait3A] : memref<10240x128xf32, #tpu.memory_space<vmem_shared>> -> memref<632x128xf32, #tpu.memory_space<vmem_shared>>
          %dma_wait3A_80 = arith.constant 0 : i32
          %dma_wait3A_81 = tpu.memref_slice %arg2[%add3A_74, %dma_wait3A_80] : memref<10000x128xf32, #tpu.memory_space<hbm>> -> memref<632x128xf32, #tpu.memory_space<hbm>>
          tpu.wait_dma2 semaphore(%run_scoped3A : memref<!tpu.dma_semaphore, #tpu.memory_space<semaphore_mem>>) src(%dma_wait3A_81 : memref<632x128xf32, #tpu.memory_space<hbm>>) dst(%dma_wait3A_79 : memref<632x128xf32, #tpu.memory_space<vmem_shared>>)
          tpu.yield
        }) : () -> ()
      } else {
      }
      %eq3A_66 = arith.constant 15 : i32
      %eq3A_67 = arith.cmpi eq, %arg1, %eq3A_66 : i32
      %convert_element_type3A_68 = arith.extui %eq3A_67 : i1 to i32
      %cond3A_69 = arith.constant 0 : i32
      %cond3A_70 = arith.cmpi ne, %convert_element_type3A_68, %cond3A_69 : i32
      scf.if %cond3A_70 {
        "tpu.region"() ({
          %run_scoped3A = tpu.sem_alloc : memref<!tpu.dma_semaphore, #tpu.memory_space<semaphore_mem>>
          %dma_start3A_71 = arith.constant 9480 : i32
          %dma_start3A_72 = arith.constant 0 : i32
          %dma_start3A_73 = tpu.memref_slice %arg11[%dma_start3A_71, %dma_start3A_72] : memref<10240x128xf32, #tpu.memory_space<vmem_shared>> -> memref<520x128xf32, #tpu.memory_space<vmem_shared>>
          %dma_start3A_74 = arith.constant 9480 : i32
          %dma_start3A_75 = arith.constant 0 : i32
          %dma_start3A_76 = tpu.memref_slice %arg2[%dma_start3A_74, %dma_start3A_75] : memref<10000x128xf32, #tpu.memory_space<hbm>> -> memref<520x128xf32, #tpu.memory_space<hbm>>
          tpu.enqueue_dma source(%dma_start3A_76 : memref<520x128xf32, #tpu.memory_space<hbm>>) target(%dma_start3A_73 : memref<520x128xf32, #tpu.memory_space<vmem_shared>>) target_semaphore(%run_scoped3A : memref<!tpu.dma_semaphore, #tpu.memory_space<semaphore_mem>>)
          %dma_wait3A = arith.constant 9480 : i32
          %dma_wait3A_77 = arith.constant 0 : i32
          %dma_wait3A_78 = tpu.memref_slice %arg11[%dma_wait3A, %dma_wait3A_77] : memref<10240x128xf32, #tpu.memory_space<vmem_shared>> -> memref<520x128xf32, #tpu.memory_space<vmem_shared>>
          %dma_wait3A_79 = arith.constant 9480 : i32
          %dma_wait3A_80 = arith.constant 0 : i32
          %dma_wait3A_81 = tpu.memref_slice %arg2[%dma_wait3A_79, %dma_wait3A_80] : memref<10000x128xf32, #tpu.memory_space<hbm>> -> memref<520x128xf32, #tpu.memory_space<hbm>>
          tpu.wait_dma2 semaphore(%run_scoped3A : memref<!tpu.dma_semaphore, #tpu.memory_space<semaphore_mem>>) src(%dma_wait3A_81 : memref<520x128xf32, #tpu.memory_space<hbm>>) dst(%dma_wait3A_78 : memref<520x128xf32, #tpu.memory_space<vmem_shared>>)
          tpu.yield
        }) : () -> ()
      } else {
      }
    } else {
    }
    %ne3A = arith.constant 0 : i32
    %ne3A_3 = arith.cmpi ne, %arg0, %ne3A : i32
    %convert_element_type3A_4 = arith.extui %ne3A_3 : i1 to i32
    %cond3A_5 = arith.constant 0 : i32
    %cond3A_6 = arith.cmpi ne, %convert_element_type3A_4, %cond3A_5 : i32
    scf.if %cond3A_6 {
      %lt3A_61 = arith.constant 15 : i32
      %lt3A_62 = arith.cmpi slt, %arg1, %lt3A_61 : i32
      %convert_element_type3A_63 = arith.extui %lt3A_62 : i1 to i32
      %cond3A_64 = arith.constant 0 : i32
      %cond3A_65 = arith.cmpi ne, %convert_element_type3A_63, %cond3A_64 : i32
      scf.if %cond3A_65 {
        %mul3A_71 = arith.constant 632 : i32
        %mul3A_72 = arith.muli %arg1, %mul3A_71 : i32
        "tpu.region"() ({
          %run_scoped3A = tpu.sem_alloc : memref<!tpu.dma_semaphore, #tpu.memory_space<semaphore_mem>>
          %dma_start3A_73 = arith.constant 0 : i32
          %dma_start3A_74 = tpu.memref_slice %arg11[%mul3A_72, %dma_start3A_73] : memref<10240x128xf32, #tpu.memory_space<vmem_shared>> -> memref<632x128xf32, #tpu.memory_space<vmem_shared>>
          %dma_start3A_75 = arith.constant 0 : i32
          %dma_start3A_76 = tpu.memref_slice %arg5[%mul3A_72, %dma_start3A_75] : memref<10000x128xf32, #tpu.memory_space<hbm>> -> memref<632x128xf32, #tpu.memory_space<hbm>>
          tpu.enqueue_dma source(%dma_start3A_76 : memref<632x128xf32, #tpu.memory_space<hbm>>) target(%dma_start3A_74 : memref<632x128xf32, #tpu.memory_space<vmem_shared>>) target_semaphore(%run_scoped3A : memref<!tpu.dma_semaphore, #tpu.memory_space<semaphore_mem>>)
          %dma_wait3A = arith.constant 0 : i32
          %dma_wait3A_77 = tpu.memref_slice %arg11[%mul3A_72, %dma_wait3A] : memref<10240x128xf32, #tpu.memory_space<vmem_shared>> -> memref<632x128xf32, #tpu.memory_space<vmem_shared>>
          %dma_wait3A_78 = arith.constant 0 : i32
          %dma_wait3A_79 = tpu.memref_slice %arg5[%mul3A_72, %dma_wait3A_78] : memref<10000x128xf32, #tpu.memory_space<hbm>> -> memref<632x128xf32, #tpu.memory_space<hbm>>
          tpu.wait_dma2 semaphore(%run_scoped3A : memref<!tpu.dma_semaphore, #tpu.memory_space<semaphore_mem>>) src(%dma_wait3A_79 : memref<632x128xf32, #tpu.memory_space<hbm>>) dst(%dma_wait3A_77 : memref<632x128xf32, #tpu.memory_space<vmem_shared>>)
          tpu.yield
        }) : () -> ()
      } else {
      }
      %eq3A_66 = arith.constant 15 : i32
      %eq3A_67 = arith.cmpi eq, %arg1, %eq3A_66 : i32
      %convert_element_type3A_68 = arith.extui %eq3A_67 : i1 to i32
      %cond3A_69 = arith.constant 0 : i32
      %cond3A_70 = arith.cmpi ne, %convert_element_type3A_68, %cond3A_69 : i32
      scf.if %cond3A_70 {
        "tpu.region"() ({
          %run_scoped3A = tpu.sem_alloc : memref<!tpu.dma_semaphore, #tpu.memory_space<semaphore_mem>>
          %dma_start3A_71 = arith.constant 9480 : i32
          %dma_start3A_72 = arith.constant 0 : i32
          %dma_start3A_73 = tpu.memref_slice %arg11[%dma_start3A_71, %dma_start3A_72] : memref<10240x128xf32, #tpu.memory_space<vmem_shared>> -> memref<520x128xf32, #tpu.memory_space<vmem_shared>>
          %dma_start3A_74 = arith.constant 9480 : i32
          %dma_start3A_75 = arith.constant 0 : i32
          %dma_start3A_76 = tpu.memref_slice %arg5[%dma_start3A_74, %dma_start3A_75] : memref<10000x128xf32, #tpu.memory_space<hbm>> -> memref<520x128xf32, #tpu.memory_space<hbm>>
          tpu.enqueue_dma source(%dma_start3A_76 : memref<520x128xf32, #tpu.memory_space<hbm>>) target(%dma_start3A_73 : memref<520x128xf32, #tpu.memory_space<vmem_shared>>) target_semaphore(%run_scoped3A : memref<!tpu.dma_semaphore, #tpu.memory_space<semaphore_mem>>)
          %dma_wait3A = arith.constant 9480 : i32
          %dma_wait3A_77 = arith.constant 0 : i32
          %dma_wait3A_78 = tpu.memref_slice %arg11[%dma_wait3A, %dma_wait3A_77] : memref<10240x128xf32, #tpu.memory_space<vmem_shared>> -> memref<520x128xf32, #tpu.memory_space<vmem_shared>>
          %dma_wait3A_79 = arith.constant 9480 : i32
          %dma_wait3A_80 = arith.constant 0 : i32
          %dma_wait3A_81 = tpu.memref_slice %arg5[%dma_wait3A_79, %dma_wait3A_80] : memref<10000x128xf32, #tpu.memory_space<hbm>> -> memref<520x128xf32, #tpu.memory_space<hbm>>
          tpu.wait_dma2 semaphore(%run_scoped3A : memref<!tpu.dma_semaphore, #tpu.memory_space<semaphore_mem>>) src(%dma_wait3A_81 : memref<520x128xf32, #tpu.memory_space<hbm>>) dst(%dma_wait3A_78 : memref<520x128xf32, #tpu.memory_space<vmem_shared>>)
          tpu.yield
        }) : () -> ()
      } else {
      }
    } else {
    }
    %barrier3A = arith.constant 0 : index
    tpu.barrier barrier_id(%barrier3A)
    %mul3A_7 = arith.constant 80 : i32
    %mul3A_8 = arith.muli %add3A, %mul3A_7 : i32
    %add3A_9 = arith.constant 0 : i32
    %add3A_10 = arith.addi %add3A_9, %mul3A_8 : i32
    %add3A_11 = arith.constant 0 : i32
    %add3A_12 = arith.addi %add3A_10, %add3A_11 : i32
    %mul3A_13 = arith.constant 80 : i32
    %mul3A_14 = arith.muli %add3A, %mul3A_13 : i32
    %add3A_15 = arith.constant 0 : i32
    %add3A_16 = arith.addi %mul3A_14, %add3A_15 : i32
    "tpu.region"() ({
      %run_scoped3A = tpu.sem_alloc : memref<!tpu.dma_semaphore, #tpu.memory_space<semaphore_mem>>
      %dma_start3A_61 = arith.constant 0 : i32
      %dma_start3A_62 = tpu.memref_slice %arg3[%add3A_12, %dma_start3A_61] : memref<2560x128xi32, #tpu.memory_space<hbm>> -> memref<40x128xi32, #tpu.memory_space<hbm>>
      %dma_start3A_63 = arith.constant 0 : i32
      %dma_start3A_64 = tpu.memref_slice %arg3[%add3A_12, %dma_start3A_63] : memref<2560x128xi32, #tpu.memory_space<hbm>> -> memref<40x128xi32, #tpu.memory_space<hbm>>
      tpu.enqueue_dma source(%dma_start3A_64 : memref<40x128xi32, #tpu.memory_space<hbm>>) target(%arg7 : memref<40x128xi32, #tpu.memory_space<vmem>>) target_semaphore(%run_scoped3A : memref<!tpu.dma_semaphore, #tpu.memory_space<semaphore_mem>>)
      %dma_wait3A = arith.constant 0 : i32
      %dma_wait3A_65 = tpu.memref_slice %arg3[%add3A_12, %dma_wait3A] : memref<2560x128xi32, #tpu.memory_space<hbm>> -> memref<40x128xi32, #tpu.memory_space<hbm>>
      %dma_wait3A_66 = arith.constant 0 : i32
      %dma_wait3A_67 = tpu.memref_slice %arg3[%add3A_12, %dma_wait3A_66] : memref<2560x128xi32, #tpu.memory_space<hbm>> -> memref<40x128xi32, #tpu.memory_space<hbm>>
      tpu.wait_dma2 semaphore(%run_scoped3A : memref<!tpu.dma_semaphore, #tpu.memory_space<semaphore_mem>>) src(%dma_wait3A_67 : memref<40x128xi32, #tpu.memory_space<hbm>>) dst(%arg7 : memref<40x128xi32, #tpu.memory_space<vmem>>)
      tpu.yield
    }) : () -> ()
    "tpu.region"() ({
      %run_scoped3A = tpu.sem_alloc : memref<!tpu.dma_semaphore, #tpu.memory_space<semaphore_mem>>
      %dma_start3A_61 = arith.constant 0 : i32
      %dma_start3A_62 = tpu.memref_slice %arg4[%add3A_16, %dma_start3A_61] : memref<2560x128xi32, #tpu.memory_space<hbm>> -> memref<40x128xi32, #tpu.memory_space<hbm>>
      %dma_start3A_63 = arith.constant 0 : i32
      %dma_start3A_64 = tpu.memref_slice %arg4[%add3A_16, %dma_start3A_63] : memref<2560x128xi32, #tpu.memory_space<hbm>> -> memref<40x128xi32, #tpu.memory_space<hbm>>
      tpu.enqueue_dma source(%dma_start3A_64 : memref<40x128xi32, #tpu.memory_space<hbm>>) target(%arg8 : memref<40x128xi32, #tpu.memory_space<vmem>>) target_semaphore(%run_scoped3A : memref<!tpu.dma_semaphore, #tpu.memory_space<semaphore_mem>>)
      %dma_wait3A = arith.constant 0 : i32
      %dma_wait3A_65 = tpu.memref_slice %arg4[%add3A_16, %dma_wait3A] : memref<2560x128xi32, #tpu.memory_space<hbm>> -> memref<40x128xi32, #tpu.memory_space<hbm>>
      %dma_wait3A_66 = arith.constant 0 : i32
      %dma_wait3A_67 = tpu.memref_slice %arg4[%add3A_16, %dma_wait3A_66] : memref<2560x128xi32, #tpu.memory_space<hbm>> -> memref<40x128xi32, #tpu.memory_space<hbm>>
      tpu.wait_dma2 semaphore(%run_scoped3A : memref<!tpu.dma_semaphore, #tpu.memory_space<semaphore_mem>>) src(%dma_wait3A_67 : memref<40x128xi32, #tpu.memory_space<hbm>>) dst(%arg8 : memref<40x128xi32, #tpu.memory_space<vmem>>)
      tpu.yield
    }) : () -> ()
    %dma_start3A = arith.constant 0 : i32
    %dma_start3A_17 = arith.constant 0 : i32
    %dma_start3A_18 = tpu.memref_slice %arg7[%dma_start3A, %dma_start3A_17] : memref<40x128xi32, #tpu.memory_space<vmem>> -> memref<1x128xi32, #tpu.memory_space<vmem>>
    %dma_start3A_19 = tpu.memref_squeeze %dma_start3A_18 : memref<1x128xi32, #tpu.memory_space<vmem>> -> memref<128xi32, #tpu.memory_space<vmem>>
    %dma_start3A_20 = arith.constant 0 : i32
    %dma_start3A_21 = arith.constant 0 : i32
    %dma_start3A_22 = tpu.memref_slice %arg2[%dma_start3A_20, %dma_start3A_21] : memref<10000x128xf32, #tpu.memory_space<hbm>> -> memref<10000x128xf32, #tpu.memory_space<hbm>>
    tpu.enqueue_indirect_dma source(%dma_start3A_22 : memref<10000x128xf32, #tpu.memory_space<hbm>>) target(%arg9 : memref<128x128xf32, #tpu.memory_space<vmem>>) offsets(%dma_start3A_19 : memref<128xi32, #tpu.memory_space<vmem>>) semaphore(%arg12 : memref<!tpu.dma_semaphore, #tpu.memory_space<semaphore_mem>>)
    %scan3A = arith.constant 0 : i32
    %scan3A_23 = arith.constant 0 : i32
    %scan3A_24 = arith.constant 20 : i32
    %scan3A_25 = arith.addi %scan3A_23, %scan3A_24 : i32
    %scan3A_26 = arith.constant 1 : i32
    scf.for %scan3A_61 = %scan3A_23 to %scan3A_25 step %scan3A_26  : i32 {
      %mul3A_62 = arith.constant 2 : i32
      %mul3A_63 = arith.muli %mul3A_62, %scan3A_61 : i32
      %add3A_64 = arith.constant 1 : i32
      %add3A_65 = arith.addi %mul3A_63, %add3A_64 : i32
      %dma_start3A_66 = arith.constant 0 : i32
      %dma_start3A_67 = tpu.memref_slice %arg7[%add3A_65, %dma_start3A_66] : memref<40x128xi32, #tpu.memory_space<vmem>> -> memref<1x128xi32, #tpu.memory_space<vmem>>
      %dma_start3A_68 = tpu.memref_squeeze %dma_start3A_67 : memref<1x128xi32, #tpu.memory_space<vmem>> -> memref<128xi32, #tpu.memory_space<vmem>>
      %dma_start3A_69 = arith.constant 0 : i32
      %dma_start3A_70 = arith.constant 0 : i32
      %dma_start3A_71 = tpu.memref_slice %arg2[%dma_start3A_69, %dma_start3A_70] : memref<10000x128xf32, #tpu.memory_space<hbm>> -> memref<10000x128xf32, #tpu.memory_space<hbm>>
      tpu.enqueue_indirect_dma source(%dma_start3A_71 : memref<10000x128xf32, #tpu.memory_space<hbm>>) target(%arg10 : memref<128x128xf32, #tpu.memory_space<vmem>>) offsets(%dma_start3A_68 : memref<128xi32, #tpu.memory_space<vmem>>) semaphore(%arg13 : memref<!tpu.dma_semaphore, #tpu.memory_space<semaphore_mem>>)
      %dma_wait3A = arith.constant 0 : i32
      %dma_wait3A_72 = tpu.memref_slice %arg7[%mul3A_63, %dma_wait3A] : memref<40x128xi32, #tpu.memory_space<vmem>> -> memref<1x128xi32, #tpu.memory_space<vmem>>
      %dma_wait3A_73 = tpu.memref_squeeze %dma_wait3A_72 : memref<1x128xi32, #tpu.memory_space<vmem>> -> memref<128xi32, #tpu.memory_space<vmem>>
      %dma_wait3A_74 = arith.constant 0 : i32
      %dma_wait3A_75 = arith.constant 0 : i32
      %dma_wait3A_76 = tpu.memref_slice %arg2[%dma_wait3A_74, %dma_wait3A_75] : memref<10000x128xf32, #tpu.memory_space<hbm>> -> memref<10000x128xf32, #tpu.memory_space<hbm>>
      tpu.wait_indirect_dma semaphore(%arg12 : memref<!tpu.dma_semaphore, #tpu.memory_space<semaphore_mem>>) src(%dma_wait3A_76 : memref<10000x128xf32, #tpu.memory_space<hbm>>) dst(%arg9 : memref<128x128xf32, #tpu.memory_space<vmem>>)
      "tpu.region"() ({
        %run_scoped3A = tpu.sem_alloc : memref<!tpu.dma_semaphore, #tpu.memory_space<semaphore_mem>>
        %dma_start3A_94 = arith.constant 0 : i32
        %dma_start3A_95 = tpu.memref_slice %arg8[%mul3A_63, %dma_start3A_94] : memref<40x128xi32, #tpu.memory_space<vmem>> -> memref<1x128xi32, #tpu.memory_space<vmem>>
        %dma_start3A_96 = tpu.memref_squeeze %dma_start3A_95 : memref<1x128xi32, #tpu.memory_space<vmem>> -> memref<128xi32, #tpu.memory_space<vmem>>
        %dma_start3A_97 = arith.constant 0 : i32
        %dma_start3A_98 = arith.constant 0 : i32
        %dma_start3A_99 = tpu.memref_slice %arg11[%dma_start3A_97, %dma_start3A_98] : memref<10240x128xf32, #tpu.memory_space<vmem_shared>> -> memref<10240x128xf32, #tpu.memory_space<vmem_shared>>
        tpu.enqueue_indirect_dma source(%arg9 : memref<128x128xf32, #tpu.memory_space<vmem>>) target(%dma_start3A_99 : memref<10240x128xf32, #tpu.memory_space<vmem_shared>>) offsets(%dma_start3A_96 : memref<128xi32, #tpu.memory_space<vmem>>) semaphore(%run_scoped3A : memref<!tpu.dma_semaphore, #tpu.memory_space<semaphore_mem>>) {add = true}
        %dma_wait3A_100 = arith.constant 0 : i32
        %dma_wait3A_101 = tpu.memref_slice %arg8[%mul3A_63, %dma_wait3A_100] : memref<40x128xi32, #tpu.memory_space<vmem>> -> memref<1x128xi32, #tpu.memory_space<vmem>>
        %dma_wait3A_102 = tpu.memref_squeeze %dma_wait3A_101 : memref<1x128xi32, #tpu.memory_space<vmem>> -> memref<128xi32, #tpu.memory_space<vmem>>
        %dma_wait3A_103 = arith.constant 0 : i32
        %dma_wait3A_104 = arith.constant 0 : i32
        %dma_wait3A_105 = tpu.memref_slice %arg11[%dma_wait3A_103, %dma_wait3A_104] : memref<10240x128xf32, #tpu.memory_space<vmem_shared>> -> memref<10240x128xf32, #tpu.memory_space<vmem_shared>>
        tpu.wait_indirect_dma semaphore(%run_scoped3A : memref<!tpu.dma_semaphore, #tpu.memory_space<semaphore_mem>>) src(%arg9 : memref<128x128xf32, #tpu.memory_space<vmem>>) dst(%dma_wait3A_105 : memref<10240x128xf32, #tpu.memory_space<vmem_shared>>)
        tpu.yield
      }) : () -> ()
      %add3A_77 = arith.constant 2 : i32
      %add3A_78 = arith.addi %mul3A_63, %add3A_77 : i32
      %lt3A_79 = arith.constant 40 : i32
      %lt3A_80 = arith.cmpi slt, %add3A_78, %lt3A_79 : i32
      %convert_element_type3A_81 = arith.extui %lt3A_80 : i1 to i32
      %cond3A_82 = arith.constant 0 : i32
      %cond3A_83 = arith.cmpi ne, %convert_element_type3A_81, %cond3A_82 : i32
      scf.if %cond3A_83 {
        %add3A_94 = arith.constant 2 : i32
        %add3A_95 = arith.addi %mul3A_63, %add3A_94 : i32
        %dma_start3A_96 = arith.constant 0 : i32
        %dma_start3A_97 = tpu.memref_slice %arg7[%add3A_95, %dma_start3A_96] : memref<40x128xi32, #tpu.memory_space<vmem>> -> memref<1x128xi32, #tpu.memory_space<vmem>>
        %dma_start3A_98 = tpu.memref_squeeze %dma_start3A_97 : memref<1x128xi32, #tpu.memory_space<vmem>> -> memref<128xi32, #tpu.memory_space<vmem>>
        %dma_start3A_99 = arith.constant 0 : i32
        %dma_start3A_100 = arith.constant 0 : i32
        %dma_start3A_101 = tpu.memref_slice %arg2[%dma_start3A_99, %dma_start3A_100] : memref<10000x128xf32, #tpu.memory_space<hbm>> -> memref<10000x128xf32, #tpu.memory_space<hbm>>
        tpu.enqueue_indirect_dma source(%dma_start3A_101 : memref<10000x128xf32, #tpu.memory_space<hbm>>) target(%arg9 : memref<128x128xf32, #tpu.memory_space<vmem>>) offsets(%dma_start3A_98 : memref<128xi32, #tpu.memory_space<vmem>>) semaphore(%arg12 : memref<!tpu.dma_semaphore, #tpu.memory_space<semaphore_mem>>)
      } else {
      }
      %add3A_84 = arith.constant 1 : i32
      %add3A_85 = arith.addi %mul3A_63, %add3A_84 : i32
      %dma_wait3A_86 = arith.constant 0 : i32
      %dma_wait3A_87 = tpu.memref_slice %arg7[%add3A_85, %dma_wait3A_86] : memref<40x128xi32, #tpu.memory_space<vmem>> -> memref<1x128xi32, #tpu.memory_space<vmem>>
      %dma_wait3A_88 = tpu.memref_squeeze %dma_wait3A_87 : memref<1x128xi32, #tpu.memory_space<vmem>> -> memref<128xi32, #tpu.memory_space<vmem>>
      %dma_wait3A_89 = arith.constant 0 : i32
      %dma_wait3A_90 = arith.constant 0 : i32
      %dma_wait3A_91 = tpu.memref_slice %arg2[%dma_wait3A_89, %dma_wait3A_90] : memref<10000x128xf32, #tpu.memory_space<hbm>> -> memref<10000x128xf32, #tpu.memory_space<hbm>>
      tpu.wait_indirect_dma semaphore(%arg13 : memref<!tpu.dma_semaphore, #tpu.memory_space<semaphore_mem>>) src(%dma_wait3A_91 : memref<10000x128xf32, #tpu.memory_space<hbm>>) dst(%arg10 : memref<128x128xf32, #tpu.memory_space<vmem>>)
      %add3A_92 = arith.constant 1 : i32
      %add3A_93 = arith.addi %mul3A_63, %add3A_92 : i32
      "tpu.region"() ({
        %run_scoped3A = tpu.sem_alloc : memref<!tpu.dma_semaphore, #tpu.memory_space<semaphore_mem>>
        %dma_start3A_94 = arith.constant 0 : i32
        %dma_start3A_95 = tpu.memref_slice %arg8[%add3A_93, %dma_start3A_94] : memref<40x128xi32, #tpu.memory_space<vmem>> -> memref<1x128xi32, #tpu.memory_space<vmem>>
        %dma_start3A_96 = tpu.memref_squeeze %dma_start3A_95 : memref<1x128xi32, #tpu.memory_space<vmem>> -> memref<128xi32, #tpu.memory_space<vmem>>
        %dma_start3A_97 = arith.constant 0 : i32
        %dma_start3A_98 = arith.constant 0 : i32
        %dma_start3A_99 = tpu.memref_slice %arg11[%dma_start3A_97, %dma_start3A_98] : memref<10240x128xf32, #tpu.memory_space<vmem_shared>> -> memref<10240x128xf32, #tpu.memory_space<vmem_shared>>
        tpu.enqueue_indirect_dma source(%arg10 : memref<128x128xf32, #tpu.memory_space<vmem>>) target(%dma_start3A_99 : memref<10240x128xf32, #tpu.memory_space<vmem_shared>>) offsets(%dma_start3A_96 : memref<128xi32, #tpu.memory_space<vmem>>) semaphore(%run_scoped3A : memref<!tpu.dma_semaphore, #tpu.memory_space<semaphore_mem>>) {add = true}
        %dma_wait3A_100 = arith.constant 0 : i32
        %dma_wait3A_101 = tpu.memref_slice %arg8[%add3A_93, %dma_wait3A_100] : memref<40x128xi32, #tpu.memory_space<vmem>> -> memref<1x128xi32, #tpu.memory_space<vmem>>
        %dma_wait3A_102 = tpu.memref_squeeze %dma_wait3A_101 : memref<1x128xi32, #tpu.memory_space<vmem>> -> memref<128xi32, #tpu.memory_space<vmem>>
        %dma_wait3A_103 = arith.constant 0 : i32
        %dma_wait3A_104 = arith.constant 0 : i32
        %dma_wait3A_105 = tpu.memref_slice %arg11[%dma_wait3A_103, %dma_wait3A_104] : memref<10240x128xf32, #tpu.memory_space<vmem_shared>> -> memref<10240x128xf32, #tpu.memory_space<vmem_shared>>
        tpu.wait_indirect_dma semaphore(%run_scoped3A : memref<!tpu.dma_semaphore, #tpu.memory_space<semaphore_mem>>) src(%arg10 : memref<128x128xf32, #tpu.memory_space<vmem>>) dst(%dma_wait3A_105 : memref<10240x128xf32, #tpu.memory_space<vmem_shared>>)
        tpu.yield
      }) : () -> ()
    }
    %scan3A_27 = arith.constant 20 : i32
    %mul3A_28 = arith.constant 80 : i32
    %mul3A_29 = arith.muli %add3A, %mul3A_28 : i32
    %add3A_30 = arith.constant 0 : i32
    %add3A_31 = arith.addi %add3A_30, %mul3A_29 : i32
    %add3A_32 = arith.constant 40 : i32
    %add3A_33 = arith.addi %add3A_31, %add3A_32 : i32
    %mul3A_34 = arith.constant 80 : i32
    %mul3A_35 = arith.muli %add3A, %mul3A_34 : i32
    %add3A_36 = arith.constant 40 : i32
    %add3A_37 = arith.addi %mul3A_35, %add3A_36 : i32
    "tpu.region"() ({
      %run_scoped3A = tpu.sem_alloc : memref<!tpu.dma_semaphore, #tpu.memory_space<semaphore_mem>>
      %dma_start3A_61 = arith.constant 0 : i32
      %dma_start3A_62 = tpu.memref_slice %arg3[%add3A_33, %dma_start3A_61] : memref<2560x128xi32, #tpu.memory_space<hbm>> -> memref<40x128xi32, #tpu.memory_space<hbm>>
      %dma_start3A_63 = arith.constant 0 : i32
      %dma_start3A_64 = tpu.memref_slice %arg3[%add3A_33, %dma_start3A_63] : memref<2560x128xi32, #tpu.memory_space<hbm>> -> memref<40x128xi32, #tpu.memory_space<hbm>>
      tpu.enqueue_dma source(%dma_start3A_64 : memref<40x128xi32, #tpu.memory_space<hbm>>) target(%arg7 : memref<40x128xi32, #tpu.memory_space<vmem>>) target_semaphore(%run_scoped3A : memref<!tpu.dma_semaphore, #tpu.memory_space<semaphore_mem>>)
      %dma_wait3A = arith.constant 0 : i32
      %dma_wait3A_65 = tpu.memref_slice %arg3[%add3A_33, %dma_wait3A] : memref<2560x128xi32, #tpu.memory_space<hbm>> -> memref<40x128xi32, #tpu.memory_space<hbm>>
      %dma_wait3A_66 = arith.constant 0 : i32
      %dma_wait3A_67 = tpu.memref_slice %arg3[%add3A_33, %dma_wait3A_66] : memref<2560x128xi32, #tpu.memory_space<hbm>> -> memref<40x128xi32, #tpu.memory_space<hbm>>
      tpu.wait_dma2 semaphore(%run_scoped3A : memref<!tpu.dma_semaphore, #tpu.memory_space<semaphore_mem>>) src(%dma_wait3A_67 : memref<40x128xi32, #tpu.memory_space<hbm>>) dst(%arg7 : memref<40x128xi32, #tpu.memory_space<vmem>>)
      tpu.yield
    }) : () -> ()
    "tpu.region"() ({
      %run_scoped3A = tpu.sem_alloc : memref<!tpu.dma_semaphore, #tpu.memory_space<semaphore_mem>>
      %dma_start3A_61 = arith.constant 0 : i32
      %dma_start3A_62 = tpu.memref_slice %arg4[%add3A_37, %dma_start3A_61] : memref<2560x128xi32, #tpu.memory_space<hbm>> -> memref<40x128xi32, #tpu.memory_space<hbm>>
      %dma_start3A_63 = arith.constant 0 : i32
      %dma_start3A_64 = tpu.memref_slice %arg4[%add3A_37, %dma_start3A_63] : memref<2560x128xi32, #tpu.memory_space<hbm>> -> memref<40x128xi32, #tpu.memory_space<hbm>>
      tpu.enqueue_dma source(%dma_start3A_64 : memref<40x128xi32, #tpu.memory_space<hbm>>) target(%arg8 : memref<40x128xi32, #tpu.memory_space<vmem>>) target_semaphore(%run_scoped3A : memref<!tpu.dma_semaphore, #tpu.memory_space<semaphore_mem>>)
      %dma_wait3A = arith.constant 0 : i32
      %dma_wait3A_65 = tpu.memref_slice %arg4[%add3A_37, %dma_wait3A] : memref<2560x128xi32, #tpu.memory_space<hbm>> -> memref<40x128xi32, #tpu.memory_space<hbm>>
      %dma_wait3A_66 = arith.constant 0 : i32
      %dma_wait3A_67 = tpu.memref_slice %arg4[%add3A_37, %dma_wait3A_66] : memref<2560x128xi32, #tpu.memory_space<hbm>> -> memref<40x128xi32, #tpu.memory_space<hbm>>
      tpu.wait_dma2 semaphore(%run_scoped3A : memref<!tpu.dma_semaphore, #tpu.memory_space<semaphore_mem>>) src(%dma_wait3A_67 : memref<40x128xi32, #tpu.memory_space<hbm>>) dst(%arg8 : memref<40x128xi32, #tpu.memory_space<vmem>>)
      tpu.yield
    }) : () -> ()
    %dma_start3A_38 = arith.constant 0 : i32
    %dma_start3A_39 = arith.constant 0 : i32
    %dma_start3A_40 = tpu.memref_slice %arg7[%dma_start3A_38, %dma_start3A_39] : memref<40x128xi32, #tpu.memory_space<vmem>> -> memref<1x128xi32, #tpu.memory_space<vmem>>
    %dma_start3A_41 = tpu.memref_squeeze %dma_start3A_40 : memref<1x128xi32, #tpu.memory_space<vmem>> -> memref<128xi32, #tpu.memory_space<vmem>>
    %dma_start3A_42 = arith.constant 0 : i32
    %dma_start3A_43 = arith.constant 0 : i32
    %dma_start3A_44 = tpu.memref_slice %arg2[%dma_start3A_42, %dma_start3A_43] : memref<10000x128xf32, #tpu.memory_space<hbm>> -> memref<10000x128xf32, #tpu.memory_space<hbm>>
    tpu.enqueue_indirect_dma source(%dma_start3A_44 : memref<10000x128xf32, #tpu.memory_space<hbm>>) target(%arg9 : memref<128x128xf32, #tpu.memory_space<vmem>>) offsets(%dma_start3A_41 : memref<128xi32, #tpu.memory_space<vmem>>) semaphore(%arg12 : memref<!tpu.dma_semaphore, #tpu.memory_space<semaphore_mem>>)
    %scan3A_45 = arith.constant 0 : i32
    %scan3A_46 = arith.constant 0 : i32
    %scan3A_47 = arith.constant 20 : i32
    %scan3A_48 = arith.addi %scan3A_46, %scan3A_47 : i32
    %scan3A_49 = arith.constant 1 : i32
    scf.for %scan3A_61 = %scan3A_46 to %scan3A_48 step %scan3A_49  : i32 {
      %mul3A_62 = arith.constant 2 : i32
      %mul3A_63 = arith.muli %mul3A_62, %scan3A_61 : i32
      %add3A_64 = arith.constant 1 : i32
      %add3A_65 = arith.addi %mul3A_63, %add3A_64 : i32
      %dma_start3A_66 = arith.constant 0 : i32
      %dma_start3A_67 = tpu.memref_slice %arg7[%add3A_65, %dma_start3A_66] : memref<40x128xi32, #tpu.memory_space<vmem>> -> memref<1x128xi32, #tpu.memory_space<vmem>>
      %dma_start3A_68 = tpu.memref_squeeze %dma_start3A_67 : memref<1x128xi32, #tpu.memory_space<vmem>> -> memref<128xi32, #tpu.memory_space<vmem>>
      %dma_start3A_69 = arith.constant 0 : i32
      %dma_start3A_70 = arith.constant 0 : i32
      %dma_start3A_71 = tpu.memref_slice %arg2[%dma_start3A_69, %dma_start3A_70] : memref<10000x128xf32, #tpu.memory_space<hbm>> -> memref<10000x128xf32, #tpu.memory_space<hbm>>
      tpu.enqueue_indirect_dma source(%dma_start3A_71 : memref<10000x128xf32, #tpu.memory_space<hbm>>) target(%arg10 : memref<128x128xf32, #tpu.memory_space<vmem>>) offsets(%dma_start3A_68 : memref<128xi32, #tpu.memory_space<vmem>>) semaphore(%arg13 : memref<!tpu.dma_semaphore, #tpu.memory_space<semaphore_mem>>)
      %dma_wait3A = arith.constant 0 : i32
      %dma_wait3A_72 = tpu.memref_slice %arg7[%mul3A_63, %dma_wait3A] : memref<40x128xi32, #tpu.memory_space<vmem>> -> memref<1x128xi32, #tpu.memory_space<vmem>>
      %dma_wait3A_73 = tpu.memref_squeeze %dma_wait3A_72 : memref<1x128xi32, #tpu.memory_space<vmem>> -> memref<128xi32, #tpu.memory_space<vmem>>
      %dma_wait3A_74 = arith.constant 0 : i32
      %dma_wait3A_75 = arith.constant 0 : i32
      %dma_wait3A_76 = tpu.memref_slice %arg2[%dma_wait3A_74, %dma_wait3A_75] : memref<10000x128xf32, #tpu.memory_space<hbm>> -> memref<10000x128xf32, #tpu.memory_space<hbm>>
      tpu.wait_indirect_dma semaphore(%arg12 : memref<!tpu.dma_semaphore, #tpu.memory_space<semaphore_mem>>) src(%dma_wait3A_76 : memref<10000x128xf32, #tpu.memory_space<hbm>>) dst(%arg9 : memref<128x128xf32, #tpu.memory_space<vmem>>)
      "tpu.region"() ({
        %run_scoped3A = tpu.sem_alloc : memref<!tpu.dma_semaphore, #tpu.memory_space<semaphore_mem>>
        %dma_start3A_94 = arith.constant 0 : i32
        %dma_start3A_95 = tpu.memref_slice %arg8[%mul3A_63, %dma_start3A_94] : memref<40x128xi32, #tpu.memory_space<vmem>> -> memref<1x128xi32, #tpu.memory_space<vmem>>
        %dma_start3A_96 = tpu.memref_squeeze %dma_start3A_95 : memref<1x128xi32, #tpu.memory_space<vmem>> -> memref<128xi32, #tpu.memory_space<vmem>>
        %dma_start3A_97 = arith.constant 0 : i32
        %dma_start3A_98 = arith.constant 0 : i32
        %dma_start3A_99 = tpu.memref_slice %arg11[%dma_start3A_97, %dma_start3A_98] : memref<10240x128xf32, #tpu.memory_space<vmem_shared>> -> memref<10240x128xf32, #tpu.memory_space<vmem_shared>>
        tpu.enqueue_indirect_dma source(%arg9 : memref<128x128xf32, #tpu.memory_space<vmem>>) target(%dma_start3A_99 : memref<10240x128xf32, #tpu.memory_space<vmem_shared>>) offsets(%dma_start3A_96 : memref<128xi32, #tpu.memory_space<vmem>>) semaphore(%run_scoped3A : memref<!tpu.dma_semaphore, #tpu.memory_space<semaphore_mem>>) {add = true}
        %dma_wait3A_100 = arith.constant 0 : i32
        %dma_wait3A_101 = tpu.memref_slice %arg8[%mul3A_63, %dma_wait3A_100] : memref<40x128xi32, #tpu.memory_space<vmem>> -> memref<1x128xi32, #tpu.memory_space<vmem>>
        %dma_wait3A_102 = tpu.memref_squeeze %dma_wait3A_101 : memref<1x128xi32, #tpu.memory_space<vmem>> -> memref<128xi32, #tpu.memory_space<vmem>>
        %dma_wait3A_103 = arith.constant 0 : i32
        %dma_wait3A_104 = arith.constant 0 : i32
        %dma_wait3A_105 = tpu.memref_slice %arg11[%dma_wait3A_103, %dma_wait3A_104] : memref<10240x128xf32, #tpu.memory_space<vmem_shared>> -> memref<10240x128xf32, #tpu.memory_space<vmem_shared>>
        tpu.wait_indirect_dma semaphore(%run_scoped3A : memref<!tpu.dma_semaphore, #tpu.memory_space<semaphore_mem>>) src(%arg9 : memref<128x128xf32, #tpu.memory_space<vmem>>) dst(%dma_wait3A_105 : memref<10240x128xf32, #tpu.memory_space<vmem_shared>>)
        tpu.yield
      }) : () -> ()
      %add3A_77 = arith.constant 2 : i32
      %add3A_78 = arith.addi %mul3A_63, %add3A_77 : i32
      %lt3A_79 = arith.constant 40 : i32
      %lt3A_80 = arith.cmpi slt, %add3A_78, %lt3A_79 : i32
      %convert_element_type3A_81 = arith.extui %lt3A_80 : i1 to i32
      %cond3A_82 = arith.constant 0 : i32
      %cond3A_83 = arith.cmpi ne, %convert_element_type3A_81, %cond3A_82 : i32
      scf.if %cond3A_83 {
        %add3A_94 = arith.constant 2 : i32
        %add3A_95 = arith.addi %mul3A_63, %add3A_94 : i32
        %dma_start3A_96 = arith.constant 0 : i32
        %dma_start3A_97 = tpu.memref_slice %arg7[%add3A_95, %dma_start3A_96] : memref<40x128xi32, #tpu.memory_space<vmem>> -> memref<1x128xi32, #tpu.memory_space<vmem>>
        %dma_start3A_98 = tpu.memref_squeeze %dma_start3A_97 : memref<1x128xi32, #tpu.memory_space<vmem>> -> memref<128xi32, #tpu.memory_space<vmem>>
        %dma_start3A_99 = arith.constant 0 : i32
        %dma_start3A_100 = arith.constant 0 : i32
        %dma_start3A_101 = tpu.memref_slice %arg2[%dma_start3A_99, %dma_start3A_100] : memref<10000x128xf32, #tpu.memory_space<hbm>> -> memref<10000x128xf32, #tpu.memory_space<hbm>>
        tpu.enqueue_indirect_dma source(%dma_start3A_101 : memref<10000x128xf32, #tpu.memory_space<hbm>>) target(%arg9 : memref<128x128xf32, #tpu.memory_space<vmem>>) offsets(%dma_start3A_98 : memref<128xi32, #tpu.memory_space<vmem>>) semaphore(%arg12 : memref<!tpu.dma_semaphore, #tpu.memory_space<semaphore_mem>>)
      } else {
      }
      %add3A_84 = arith.constant 1 : i32
      %add3A_85 = arith.addi %mul3A_63, %add3A_84 : i32
      %dma_wait3A_86 = arith.constant 0 : i32
      %dma_wait3A_87 = tpu.memref_slice %arg7[%add3A_85, %dma_wait3A_86] : memref<40x128xi32, #tpu.memory_space<vmem>> -> memref<1x128xi32, #tpu.memory_space<vmem>>
      %dma_wait3A_88 = tpu.memref_squeeze %dma_wait3A_87 : memref<1x128xi32, #tpu.memory_space<vmem>> -> memref<128xi32, #tpu.memory_space<vmem>>
      %dma_wait3A_89 = arith.constant 0 : i32
      %dma_wait3A_90 = arith.constant 0 : i32
      %dma_wait3A_91 = tpu.memref_slice %arg2[%dma_wait3A_89, %dma_wait3A_90] : memref<10000x128xf32, #tpu.memory_space<hbm>> -> memref<10000x128xf32, #tpu.memory_space<hbm>>
      tpu.wait_indirect_dma semaphore(%arg13 : memref<!tpu.dma_semaphore, #tpu.memory_space<semaphore_mem>>) src(%dma_wait3A_91 : memref<10000x128xf32, #tpu.memory_space<hbm>>) dst(%arg10 : memref<128x128xf32, #tpu.memory_space<vmem>>)
      %add3A_92 = arith.constant 1 : i32
      %add3A_93 = arith.addi %mul3A_63, %add3A_92 : i32
      "tpu.region"() ({
        %run_scoped3A = tpu.sem_alloc : memref<!tpu.dma_semaphore, #tpu.memory_space<semaphore_mem>>
        %dma_start3A_94 = arith.constant 0 : i32
        %dma_start3A_95 = tpu.memref_slice %arg8[%add3A_93, %dma_start3A_94] : memref<40x128xi32, #tpu.memory_space<vmem>> -> memref<1x128xi32, #tpu.memory_space<vmem>>
        %dma_start3A_96 = tpu.memref_squeeze %dma_start3A_95 : memref<1x128xi32, #tpu.memory_space<vmem>> -> memref<128xi32, #tpu.memory_space<vmem>>
        %dma_start3A_97 = arith.constant 0 : i32
        %dma_start3A_98 = arith.constant 0 : i32
        %dma_start3A_99 = tpu.memref_slice %arg11[%dma_start3A_97, %dma_start3A_98] : memref<10240x128xf32, #tpu.memory_space<vmem_shared>> -> memref<10240x128xf32, #tpu.memory_space<vmem_shared>>
        tpu.enqueue_indirect_dma source(%arg10 : memref<128x128xf32, #tpu.memory_space<vmem>>) target(%dma_start3A_99 : memref<10240x128xf32, #tpu.memory_space<vmem_shared>>) offsets(%dma_start3A_96 : memref<128xi32, #tpu.memory_space<vmem>>) semaphore(%run_scoped3A : memref<!tpu.dma_semaphore, #tpu.memory_space<semaphore_mem>>) {add = true}
        %dma_wait3A_100 = arith.constant 0 : i32
        %dma_wait3A_101 = tpu.memref_slice %arg8[%add3A_93, %dma_wait3A_100] : memref<40x128xi32, #tpu.memory_space<vmem>> -> memref<1x128xi32, #tpu.memory_space<vmem>>
        %dma_wait3A_102 = tpu.memref_squeeze %dma_wait3A_101 : memref<1x128xi32, #tpu.memory_space<vmem>> -> memref<128xi32, #tpu.memory_space<vmem>>
        %dma_wait3A_103 = arith.constant 0 : i32
        %dma_wait3A_104 = arith.constant 0 : i32
        %dma_wait3A_105 = tpu.memref_slice %arg11[%dma_wait3A_103, %dma_wait3A_104] : memref<10240x128xf32, #tpu.memory_space<vmem_shared>> -> memref<10240x128xf32, #tpu.memory_space<vmem_shared>>
        tpu.wait_indirect_dma semaphore(%run_scoped3A : memref<!tpu.dma_semaphore, #tpu.memory_space<semaphore_mem>>) src(%arg10 : memref<128x128xf32, #tpu.memory_space<vmem>>) dst(%dma_wait3A_105 : memref<10240x128xf32, #tpu.memory_space<vmem_shared>>)
        tpu.yield
      }) : () -> ()
    }
    %scan3A_50 = arith.constant 20 : i32
    %barrier3A_51 = arith.constant 0 : index
    tpu.barrier barrier_id(%barrier3A_51)
    %lt3A = arith.constant 15 : i32
    %lt3A_52 = arith.cmpi slt, %arg1, %lt3A : i32
    %convert_element_type3A_53 = arith.extui %lt3A_52 : i1 to i32
    %cond3A_54 = arith.constant 0 : i32
    %cond3A_55 = arith.cmpi ne, %convert_element_type3A_53, %cond3A_54 : i32
    scf.if %cond3A_55 {
      %mul3A_61 = arith.constant 632 : i32
      %mul3A_62 = arith.muli %arg1, %mul3A_61 : i32
      %mul3A_63 = arith.constant 1 : i32
      %mul3A_64 = arith.muli %arg0, %mul3A_63 : i32
      %add3A_65 = arith.constant 0 : i32
      %add3A_66 = arith.addi %mul3A_64, %add3A_65 : i32
      %mul3A_67 = arith.constant 10000 : i32
      %mul3A_68 = arith.muli %add3A_66, %mul3A_67 : i32
      %add3A_69 = arith.addi %mul3A_68, %mul3A_62 : i32
      "tpu.region"() ({
        %run_scoped3A = tpu.sem_alloc : memref<!tpu.dma_semaphore, #tpu.memory_space<semaphore_mem>>
        %dma_start3A_70 = arith.constant 0 : i32
        %dma_start3A_71 = tpu.memref_slice %arg6[%add3A_69, %dma_start3A_70] : memref<20000x128xf32, #tpu.memory_space<hbm>> -> memref<632x128xf32, #tpu.memory_space<hbm>>
        %dma_start3A_72 = arith.constant 0 : i32
        %dma_start3A_73 = tpu.memref_slice %arg11[%mul3A_62, %dma_start3A_72] : memref<10240x128xf32, #tpu.memory_space<vmem_shared>> -> memref<632x128xf32, #tpu.memory_space<vmem_shared>>
        tpu.enqueue_dma source(%dma_start3A_73 : memref<632x128xf32, #tpu.memory_space<vmem_shared>>) target(%dma_start3A_71 : memref<632x128xf32, #tpu.memory_space<hbm>>) target_semaphore(%run_scoped3A : memref<!tpu.dma_semaphore, #tpu.memory_space<semaphore_mem>>)
        %dma_wait3A = arith.constant 0 : i32
        %dma_wait3A_74 = tpu.memref_slice %arg6[%add3A_69, %dma_wait3A] : memref<20000x128xf32, #tpu.memory_space<hbm>> -> memref<632x128xf32, #tpu.memory_space<hbm>>
        %dma_wait3A_75 = arith.constant 0 : i32
        %dma_wait3A_76 = tpu.memref_slice %arg11[%mul3A_62, %dma_wait3A_75] : memref<10240x128xf32, #tpu.memory_space<vmem_shared>> -> memref<632x128xf32, #tpu.memory_space<vmem_shared>>
        tpu.wait_dma2 semaphore(%run_scoped3A : memref<!tpu.dma_semaphore, #tpu.memory_space<semaphore_mem>>) src(%dma_wait3A_76 : memref<632x128xf32, #tpu.memory_space<vmem_shared>>) dst(%dma_wait3A_74 : memref<632x128xf32, #tpu.memory_space<hbm>>)
        tpu.yield
      }) : () -> ()
    } else {
    }
    %eq3A_56 = arith.constant 15 : i32
    %eq3A_57 = arith.cmpi eq, %arg1, %eq3A_56 : i32
    %convert_element_type3A_58 = arith.extui %eq3A_57 : i1 to i32
    %cond3A_59 = arith.constant 0 : i32
    %cond3A_60 = arith.cmpi ne, %convert_element_type3A_58, %cond3A_59 : i32
    scf.if %cond3A_60 {
      %mul3A_61 = arith.constant 1 : i32
      %mul3A_62 = arith.muli %arg0, %mul3A_61 : i32
      %add3A_63 = arith.constant 0 : i32
      %add3A_64 = arith.addi %mul3A_62, %add3A_63 : i32
      %mul3A_65 = arith.constant 10000 : i32
      %mul3A_66 = arith.muli %add3A_64, %mul3A_65 : i32
      %add3A_67 = arith.constant 9480 : i32
      %add3A_68 = arith.addi %mul3A_66, %add3A_67 : i32
      "tpu.region"() ({
        %run_scoped3A = tpu.sem_alloc : memref<!tpu.dma_semaphore, #tpu.memory_space<semaphore_mem>>
        %dma_start3A_69 = arith.constant 0 : i32
        %dma_start3A_70 = tpu.memref_slice %arg6[%add3A_68, %dma_start3A_69] : memref<20000x128xf32, #tpu.memory_space<hbm>> -> memref<520x128xf32, #tpu.memory_space<hbm>>
        %dma_start3A_71 = arith.constant 9480 : i32
        %dma_start3A_72 = arith.constant 0 : i32
        %dma_start3A_73 = tpu.memref_slice %arg11[%dma_start3A_71, %dma_start3A_72] : memref<10240x128xf32, #tpu.memory_space<vmem_shared>> -> memref<520x128xf32, #tpu.memory_space<vmem_shared>>
        tpu.enqueue_dma source(%dma_start3A_73 : memref<520x128xf32, #tpu.memory_space<vmem_shared>>) target(%dma_start3A_70 : memref<520x128xf32, #tpu.memory_space<hbm>>) target_semaphore(%run_scoped3A : memref<!tpu.dma_semaphore, #tpu.memory_space<semaphore_mem>>)
        %dma_wait3A = arith.constant 0 : i32
        %dma_wait3A_74 = tpu.memref_slice %arg6[%add3A_68, %dma_wait3A] : memref<20000x128xf32, #tpu.memory_space<hbm>> -> memref<520x128xf32, #tpu.memory_space<hbm>>
        %dma_wait3A_75 = arith.constant 9480 : i32
        %dma_wait3A_76 = arith.constant 0 : i32
        %dma_wait3A_77 = tpu.memref_slice %arg11[%dma_wait3A_75, %dma_wait3A_76] : memref<10240x128xf32, #tpu.memory_space<vmem_shared>> -> memref<520x128xf32, #tpu.memory_space<vmem_shared>>
        tpu.wait_dma2 semaphore(%run_scoped3A : memref<!tpu.dma_semaphore, #tpu.memory_space<semaphore_mem>>) src(%dma_wait3A_77 : memref<520x128xf32, #tpu.memory_space<vmem_shared>>) dst(%dma_wait3A_74 : memref<520x128xf32, #tpu.memory_space<hbm>>)
        tpu.yield
      }) : () -> ()
    } else {
    }
    return
  }
}

#map = affine_map<(d0, d1) -> (0, 0)>
module attributes {stable_mosaic.version = 14 : i64} {
  func.func @prop(%arg0: i32, %arg1: i32, %arg2: memref<10000x128xf32, #tpu.memory_space<hbm>>, %arg3: memref<2560x128xi32, #tpu.memory_space<hbm>>, %arg4: memref<2560x128xi32, #tpu.memory_space<hbm>>, %arg5: memref<10000x128xf32, #tpu.memory_space<hbm>>, %arg6: memref<20000x128xf32, #tpu.memory_space<hbm>>, %arg7: memref<40x128xi32, #tpu.memory_space<vmem>>, %arg8: memref<40x128xi32, #tpu.memory_space<vmem>>, %arg9: memref<128x128xf32, #tpu.memory_space<vmem>>, %arg10: memref<128x128xf32, #tpu.memory_space<vmem>>, %arg11: memref<10240x128xf32, #tpu.memory_space<vmem_shared>>, %arg12: memref<!tpu.dma_semaphore, #tpu.memory_space<semaphore_mem>>, %arg13: memref<!tpu.dma_semaphore, #tpu.memory_space<semaphore_mem>>) attributes {dimension_semantics = [#tpu.dimension_semantics<core_parallel>, #tpu.dimension_semantics<subcore_parallel>], iteration_bounds = array<i64: 2, 16>, scalar_prefetch = 0 : i64, scratch_operands = 7 : i64, tpu.core_type = #tpu.core_type<sc_vector_subcore>, window_params = [{transform_indices = #map}, {transform_indices = #map}, {transform_indices = #map}, {transform_indices = #map}, {transform_indices = #map}]} {
    %mul3A = arith.constant 16 : i32
    %mul3A_0 = arith.muli %arg0, %mul3A : i32
    %add3A = arith.addi %mul3A_0, %arg1 : i32
    %eq3A = arith.constant 0 : i32
    %eq3A_1 = arith.cmpi eq, %arg0, %eq3A : i32
    %convert_element_type3A = arith.extui %eq3A_1 : i1 to i32
    %cond3A = arith.constant 0 : i32
    %cond3A_2 = arith.cmpi ne, %convert_element_type3A, %cond3A : i32
    scf.if %cond3A_2 {
      %lt3A_61 = arith.constant 15 : i32
      %lt3A_62 = arith.cmpi slt, %arg1, %lt3A_61 : i32
      %convert_element_type3A_63 = arith.extui %lt3A_62 : i1 to i32
      %cond3A_64 = arith.constant 0 : i32
      %cond3A_65 = arith.cmpi ne, %convert_element_type3A_63, %cond3A_64 : i32
      scf.if %cond3A_65 {
        %mul3A_71 = arith.constant 632 : i32
        %mul3A_72 = arith.muli %arg1, %mul3A_71 : i32
        %add3A_73 = arith.constant 0 : i32
        %add3A_74 = arith.addi %add3A_73, %mul3A_72 : i32
        "tpu.region"() ({
          %run_scoped3A = tpu.sem_alloc : memref<!tpu.dma_semaphore, #tpu.memory_space<semaphore_mem>>
          %dma_start3A_75 = arith.constant 0 : i32
          %dma_start3A_76 = tpu.memref_slice %arg11[%mul3A_72, %dma_start3A_75] : memref<10240x128xf32, #tpu.memory_space<vmem_shared>> -> memref<632x128xf32, #tpu.memory_space<vmem_shared>>
          %dma_start3A_77 = arith.constant 0 : i32
          %dma_start3A_78 = tpu.memref_slice %arg2[%add3A_74, %dma_start3A_77] : memref<10000x128xf32, #tpu.memory_space<hbm>> -> memref<632x128xf32, #tpu.memory_space<hbm>>
          tpu.enqueue_dma source(%dma_start3A_78 : memref<632x128xf32, #tpu.memory_space<hbm>>) target(%dma_start3A_76 : memref<632x128xf32, #tpu.memory_space<vmem_shared>>) target_semaphore(%run_scoped3A : memref<!tpu.dma_semaphore, #tpu.memory_space<semaphore_mem>>)
          %dma_wait3A = arith.constant 0 : i32
          %dma_wait3A_79 = tpu.memref_slice %arg11[%mul3A_72, %dma_wait3A] : memref<10240x128xf32, #tpu.memory_space<vmem_shared>> -> memref<632x128xf32, #tpu.memory_space<vmem_shared>>
          %dma_wait3A_80 = arith.constant 0 : i32
          %dma_wait3A_81 = tpu.memref_slice %arg2[%add3A_74, %dma_wait3A_80] : memref<10000x128xf32, #tpu.memory_space<hbm>> -> memref<632x128xf32, #tpu.memory_space<hbm>>
          tpu.wait_dma2 semaphore(%run_scoped3A : memref<!tpu.dma_semaphore, #tpu.memory_space<semaphore_mem>>) src(%dma_wait3A_81 : memref<632x128xf32, #tpu.memory_space<hbm>>) dst(%dma_wait3A_79 : memref<632x128xf32, #tpu.memory_space<vmem_shared>>)
          tpu.yield
        }) : () -> ()
      } else {
      }
      %eq3A_66 = arith.constant 15 : i32
      %eq3A_67 = arith.cmpi eq, %arg1, %eq3A_66 : i32
      %convert_element_type3A_68 = arith.extui %eq3A_67 : i1 to i32
      %cond3A_69 = arith.constant 0 : i32
      %cond3A_70 = arith.cmpi ne, %convert_element_type3A_68, %cond3A_69 : i32
      scf.if %cond3A_70 {
        "tpu.region"() ({
          %run_scoped3A = tpu.sem_alloc : memref<!tpu.dma_semaphore, #tpu.memory_space<semaphore_mem>>
          %dma_start3A_71 = arith.constant 9480 : i32
          %dma_start3A_72 = arith.constant 0 : i32
          %dma_start3A_73 = tpu.memref_slice %arg11[%dma_start3A_71, %dma_start3A_72] : memref<10240x128xf32, #tpu.memory_space<vmem_shared>> -> memref<520x128xf32, #tpu.memory_space<vmem_shared>>
          %dma_start3A_74 = arith.constant 9480 : i32
          %dma_start3A_75 = arith.constant 0 : i32
          %dma_start3A_76 = tpu.memref_slice %arg2[%dma_start3A_74, %dma_start3A_75] : memref<10000x128xf32, #tpu.memory_space<hbm>> -> memref<520x128xf32, #tpu.memory_space<hbm>>
          tpu.enqueue_dma source(%dma_start3A_76 : memref<520x128xf32, #tpu.memory_space<hbm>>) target(%dma_start3A_73 : memref<520x128xf32, #tpu.memory_space<vmem_shared>>) target_semaphore(%run_scoped3A : memref<!tpu.dma_semaphore, #tpu.memory_space<semaphore_mem>>)
          %dma_wait3A = arith.constant 9480 : i32
          %dma_wait3A_77 = arith.constant 0 : i32
          %dma_wait3A_78 = tpu.memref_slice %arg11[%dma_wait3A, %dma_wait3A_77] : memref<10240x128xf32, #tpu.memory_space<vmem_shared>> -> memref<520x128xf32, #tpu.memory_space<vmem_shared>>
          %dma_wait3A_79 = arith.constant 9480 : i32
          %dma_wait3A_80 = arith.constant 0 : i32
          %dma_wait3A_81 = tpu.memref_slice %arg2[%dma_wait3A_79, %dma_wait3A_80] : memref<10000x128xf32, #tpu.memory_space<hbm>> -> memref<520x128xf32, #tpu.memory_space<hbm>>
          tpu.wait_dma2 semaphore(%run_scoped3A : memref<!tpu.dma_semaphore, #tpu.memory_space<semaphore_mem>>) src(%dma_wait3A_81 : memref<520x128xf32, #tpu.memory_space<hbm>>) dst(%dma_wait3A_78 : memref<520x128xf32, #tpu.memory_space<vmem_shared>>)
          tpu.yield
        }) : () -> ()
      } else {
      }
    } else {
    }
    %ne3A = arith.constant 0 : i32
    %ne3A_3 = arith.cmpi ne, %arg0, %ne3A : i32
    %convert_element_type3A_4 = arith.extui %ne3A_3 : i1 to i32
    %cond3A_5 = arith.constant 0 : i32
    %cond3A_6 = arith.cmpi ne, %convert_element_type3A_4, %cond3A_5 : i32
    scf.if %cond3A_6 {
      %lt3A_61 = arith.constant 15 : i32
      %lt3A_62 = arith.cmpi slt, %arg1, %lt3A_61 : i32
      %convert_element_type3A_63 = arith.extui %lt3A_62 : i1 to i32
      %cond3A_64 = arith.constant 0 : i32
      %cond3A_65 = arith.cmpi ne, %convert_element_type3A_63, %cond3A_64 : i32
      scf.if %cond3A_65 {
        %mul3A_71 = arith.constant 632 : i32
        %mul3A_72 = arith.muli %arg1, %mul3A_71 : i32
        "tpu.region"() ({
          %run_scoped3A = tpu.sem_alloc : memref<!tpu.dma_semaphore, #tpu.memory_space<semaphore_mem>>
          %dma_start3A_73 = arith.constant 0 : i32
          %dma_start3A_74 = tpu.memref_slice %arg11[%mul3A_72, %dma_start3A_73] : memref<10240x128xf32, #tpu.memory_space<vmem_shared>> -> memref<632x128xf32, #tpu.memory_space<vmem_shared>>
          %dma_start3A_75 = arith.constant 0 : i32
          %dma_start3A_76 = tpu.memref_slice %arg5[%mul3A_72, %dma_start3A_75] : memref<10000x128xf32, #tpu.memory_space<hbm>> -> memref<632x128xf32, #tpu.memory_space<hbm>>
          tpu.enqueue_dma source(%dma_start3A_76 : memref<632x128xf32, #tpu.memory_space<hbm>>) target(%dma_start3A_74 : memref<632x128xf32, #tpu.memory_space<vmem_shared>>) target_semaphore(%run_scoped3A : memref<!tpu.dma_semaphore, #tpu.memory_space<semaphore_mem>>)
          %dma_wait3A = arith.constant 0 : i32
          %dma_wait3A_77 = tpu.memref_slice %arg11[%mul3A_72, %dma_wait3A] : memref<10240x128xf32, #tpu.memory_space<vmem_shared>> -> memref<632x128xf32, #tpu.memory_space<vmem_shared>>
          %dma_wait3A_78 = arith.constant 0 : i32
          %dma_wait3A_79 = tpu.memref_slice %arg5[%mul3A_72, %dma_wait3A_78] : memref<10000x128xf32, #tpu.memory_space<hbm>> -> memref<632x128xf32, #tpu.memory_space<hbm>>
          tpu.wait_dma2 semaphore(%run_scoped3A : memref<!tpu.dma_semaphore, #tpu.memory_space<semaphore_mem>>) src(%dma_wait3A_79 : memref<632x128xf32, #tpu.memory_space<hbm>>) dst(%dma_wait3A_77 : memref<632x128xf32, #tpu.memory_space<vmem_shared>>)
          tpu.yield
        }) : () -> ()
      } else {
      }
      %eq3A_66 = arith.constant 15 : i32
      %eq3A_67 = arith.cmpi eq, %arg1, %eq3A_66 : i32
      %convert_element_type3A_68 = arith.extui %eq3A_67 : i1 to i32
      %cond3A_69 = arith.constant 0 : i32
      %cond3A_70 = arith.cmpi ne, %convert_element_type3A_68, %cond3A_69 : i32
      scf.if %cond3A_70 {
        "tpu.region"() ({
          %run_scoped3A = tpu.sem_alloc : memref<!tpu.dma_semaphore, #tpu.memory_space<semaphore_mem>>
          %dma_start3A_71 = arith.constant 9480 : i32
          %dma_start3A_72 = arith.constant 0 : i32
          %dma_start3A_73 = tpu.memref_slice %arg11[%dma_start3A_71, %dma_start3A_72] : memref<10240x128xf32, #tpu.memory_space<vmem_shared>> -> memref<520x128xf32, #tpu.memory_space<vmem_shared>>
          %dma_start3A_74 = arith.constant 9480 : i32
          %dma_start3A_75 = arith.constant 0 : i32
          %dma_start3A_76 = tpu.memref_slice %arg5[%dma_start3A_74, %dma_start3A_75] : memref<10000x128xf32, #tpu.memory_space<hbm>> -> memref<520x128xf32, #tpu.memory_space<hbm>>
          tpu.enqueue_dma source(%dma_start3A_76 : memref<520x128xf32, #tpu.memory_space<hbm>>) target(%dma_start3A_73 : memref<520x128xf32, #tpu.memory_space<vmem_shared>>) target_semaphore(%run_scoped3A : memref<!tpu.dma_semaphore, #tpu.memory_space<semaphore_mem>>)
          %dma_wait3A = arith.constant 9480 : i32
          %dma_wait3A_77 = arith.constant 0 : i32
          %dma_wait3A_78 = tpu.memref_slice %arg11[%dma_wait3A, %dma_wait3A_77] : memref<10240x128xf32, #tpu.memory_space<vmem_shared>> -> memref<520x128xf32, #tpu.memory_space<vmem_shared>>
          %dma_wait3A_79 = arith.constant 9480 : i32
          %dma_wait3A_80 = arith.constant 0 : i32
          %dma_wait3A_81 = tpu.memref_slice %arg5[%dma_wait3A_79, %dma_wait3A_80] : memref<10000x128xf32, #tpu.memory_space<hbm>> -> memref<520x128xf32, #tpu.memory_space<hbm>>
          tpu.wait_dma2 semaphore(%run_scoped3A : memref<!tpu.dma_semaphore, #tpu.memory_space<semaphore_mem>>) src(%dma_wait3A_81 : memref<520x128xf32, #tpu.memory_space<hbm>>) dst(%dma_wait3A_78 : memref<520x128xf32, #tpu.memory_space<vmem_shared>>)
          tpu.yield
        }) : () -> ()
      } else {
      }
    } else {
    }
    %barrier3A = arith.constant 0 : index
    tpu.barrier barrier_id(%barrier3A)
    %mul3A_7 = arith.constant 80 : i32
    %mul3A_8 = arith.muli %add3A, %mul3A_7 : i32
    %add3A_9 = arith.constant 0 : i32
    %add3A_10 = arith.addi %add3A_9, %mul3A_8 : i32
    %add3A_11 = arith.constant 0 : i32
    %add3A_12 = arith.addi %add3A_10, %add3A_11 : i32
    %mul3A_13 = arith.constant 80 : i32
    %mul3A_14 = arith.muli %add3A, %mul3A_13 : i32
    %add3A_15 = arith.constant 0 : i32
    %add3A_16 = arith.addi %mul3A_14, %add3A_15 : i32
    "tpu.region"() ({
      %run_scoped3A = tpu.sem_alloc : memref<!tpu.dma_semaphore, #tpu.memory_space<semaphore_mem>>
      %dma_start3A_61 = arith.constant 0 : i32
      %dma_start3A_62 = tpu.memref_slice %arg3[%add3A_12, %dma_start3A_61] : memref<2560x128xi32, #tpu.memory_space<hbm>> -> memref<40x128xi32, #tpu.memory_space<hbm>>
      %dma_start3A_63 = arith.constant 0 : i32
      %dma_start3A_64 = tpu.memref_slice %arg3[%add3A_12, %dma_start3A_63] : memref<2560x128xi32, #tpu.memory_space<hbm>> -> memref<40x128xi32, #tpu.memory_space<hbm>>
      tpu.enqueue_dma source(%dma_start3A_64 : memref<40x128xi32, #tpu.memory_space<hbm>>) target(%arg7 : memref<40x128xi32, #tpu.memory_space<vmem>>) target_semaphore(%run_scoped3A : memref<!tpu.dma_semaphore, #tpu.memory_space<semaphore_mem>>)
      %dma_wait3A = arith.constant 0 : i32
      %dma_wait3A_65 = tpu.memref_slice %arg3[%add3A_12, %dma_wait3A] : memref<2560x128xi32, #tpu.memory_space<hbm>> -> memref<40x128xi32, #tpu.memory_space<hbm>>
      %dma_wait3A_66 = arith.constant 0 : i32
      %dma_wait3A_67 = tpu.memref_slice %arg3[%add3A_12, %dma_wait3A_66] : memref<2560x128xi32, #tpu.memory_space<hbm>> -> memref<40x128xi32, #tpu.memory_space<hbm>>
      tpu.wait_dma2 semaphore(%run_scoped3A : memref<!tpu.dma_semaphore, #tpu.memory_space<semaphore_mem>>) src(%dma_wait3A_67 : memref<40x128xi32, #tpu.memory_space<hbm>>) dst(%arg7 : memref<40x128xi32, #tpu.memory_space<vmem>>)
      tpu.yield
    }) : () -> ()
    "tpu.region"() ({
      %run_scoped3A = tpu.sem_alloc : memref<!tpu.dma_semaphore, #tpu.memory_space<semaphore_mem>>
      %dma_start3A_61 = arith.constant 0 : i32
      %dma_start3A_62 = tpu.memref_slice %arg4[%add3A_16, %dma_start3A_61] : memref<2560x128xi32, #tpu.memory_space<hbm>> -> memref<40x128xi32, #tpu.memory_space<hbm>>
      %dma_start3A_63 = arith.constant 0 : i32
      %dma_start3A_64 = tpu.memref_slice %arg4[%add3A_16, %dma_start3A_63] : memref<2560x128xi32, #tpu.memory_space<hbm>> -> memref<40x128xi32, #tpu.memory_space<hbm>>
      tpu.enqueue_dma source(%dma_start3A_64 : memref<40x128xi32, #tpu.memory_space<hbm>>) target(%arg8 : memref<40x128xi32, #tpu.memory_space<vmem>>) target_semaphore(%run_scoped3A : memref<!tpu.dma_semaphore, #tpu.memory_space<semaphore_mem>>)
      %dma_wait3A = arith.constant 0 : i32
      %dma_wait3A_65 = tpu.memref_slice %arg4[%add3A_16, %dma_wait3A] : memref<2560x128xi32, #tpu.memory_space<hbm>> -> memref<40x128xi32, #tpu.memory_space<hbm>>
      %dma_wait3A_66 = arith.constant 0 : i32
      %dma_wait3A_67 = tpu.memref_slice %arg4[%add3A_16, %dma_wait3A_66] : memref<2560x128xi32, #tpu.memory_space<hbm>> -> memref<40x128xi32, #tpu.memory_space<hbm>>
      tpu.wait_dma2 semaphore(%run_scoped3A : memref<!tpu.dma_semaphore, #tpu.memory_space<semaphore_mem>>) src(%dma_wait3A_67 : memref<40x128xi32, #tpu.memory_space<hbm>>) dst(%arg8 : memref<40x128xi32, #tpu.memory_space<vmem>>)
      tpu.yield
    }) : () -> ()
    %dma_start3A = arith.constant 0 : i32
    %dma_start3A_17 = arith.constant 0 : i32
    %dma_start3A_18 = tpu.memref_slice %arg7[%dma_start3A, %dma_start3A_17] : memref<40x128xi32, #tpu.memory_space<vmem>> -> memref<1x128xi32, #tpu.memory_space<vmem>>
    %dma_start3A_19 = tpu.memref_squeeze %dma_start3A_18 : memref<1x128xi32, #tpu.memory_space<vmem>> -> memref<128xi32, #tpu.memory_space<vmem>>
    %dma_start3A_20 = arith.constant 0 : i32
    %dma_start3A_21 = arith.constant 0 : i32
    %dma_start3A_22 = tpu.memref_slice %arg2[%dma_start3A_20, %dma_start3A_21] : memref<10000x128xf32, #tpu.memory_space<hbm>> -> memref<10000x128xf32, #tpu.memory_space<hbm>>
    tpu.enqueue_indirect_dma source(%dma_start3A_22 : memref<10000x128xf32, #tpu.memory_space<hbm>>) target(%arg9 : memref<128x128xf32, #tpu.memory_space<vmem>>) offsets(%dma_start3A_19 : memref<128xi32, #tpu.memory_space<vmem>>) semaphore(%arg12 : memref<!tpu.dma_semaphore, #tpu.memory_space<semaphore_mem>>)
    %scan3A = arith.constant 0 : i32
    %scan3A_23 = arith.constant 0 : i32
    %scan3A_24 = arith.constant 20 : i32
    %scan3A_25 = arith.addi %scan3A_23, %scan3A_24 : i32
    %scan3A_26 = arith.constant 1 : i32
    scf.for %scan3A_61 = %scan3A_23 to %scan3A_25 step %scan3A_26  : i32 {
      %mul3A_62 = arith.constant 2 : i32
      %mul3A_63 = arith.muli %mul3A_62, %scan3A_61 : i32
      %add3A_64 = arith.constant 1 : i32
      %add3A_65 = arith.addi %mul3A_63, %add3A_64 : i32
      %dma_start3A_66 = arith.constant 0 : i32
      %dma_start3A_67 = tpu.memref_slice %arg7[%add3A_65, %dma_start3A_66] : memref<40x128xi32, #tpu.memory_space<vmem>> -> memref<1x128xi32, #tpu.memory_space<vmem>>
      %dma_start3A_68 = tpu.memref_squeeze %dma_start3A_67 : memref<1x128xi32, #tpu.memory_space<vmem>> -> memref<128xi32, #tpu.memory_space<vmem>>
      %dma_start3A_69 = arith.constant 0 : i32
      %dma_start3A_70 = arith.constant 0 : i32
      %dma_start3A_71 = tpu.memref_slice %arg2[%dma_start3A_69, %dma_start3A_70] : memref<10000x128xf32, #tpu.memory_space<hbm>> -> memref<10000x128xf32, #tpu.memory_space<hbm>>
      tpu.enqueue_indirect_dma source(%dma_start3A_71 : memref<10000x128xf32, #tpu.memory_space<hbm>>) target(%arg10 : memref<128x128xf32, #tpu.memory_space<vmem>>) offsets(%dma_start3A_68 : memref<128xi32, #tpu.memory_space<vmem>>) semaphore(%arg13 : memref<!tpu.dma_semaphore, #tpu.memory_space<semaphore_mem>>)
      %dma_wait3A = arith.constant 0 : i32
      %dma_wait3A_72 = tpu.memref_slice %arg7[%mul3A_63, %dma_wait3A] : memref<40x128xi32, #tpu.memory_space<vmem>> -> memref<1x128xi32, #tpu.memory_space<vmem>>
      %dma_wait3A_73 = tpu.memref_squeeze %dma_wait3A_72 : memref<1x128xi32, #tpu.memory_space<vmem>> -> memref<128xi32, #tpu.memory_space<vmem>>
      %dma_wait3A_74 = arith.constant 0 : i32
      %dma_wait3A_75 = arith.constant 0 : i32
      %dma_wait3A_76 = tpu.memref_slice %arg2[%dma_wait3A_74, %dma_wait3A_75] : memref<10000x128xf32, #tpu.memory_space<hbm>> -> memref<10000x128xf32, #tpu.memory_space<hbm>>
      tpu.wait_indirect_dma semaphore(%arg12 : memref<!tpu.dma_semaphore, #tpu.memory_space<semaphore_mem>>) src(%dma_wait3A_76 : memref<10000x128xf32, #tpu.memory_space<hbm>>) dst(%arg9 : memref<128x128xf32, #tpu.memory_space<vmem>>)
      "tpu.region"() ({
        %run_scoped3A = tpu.sem_alloc : memref<!tpu.dma_semaphore, #tpu.memory_space<semaphore_mem>>
        %dma_start3A_94 = arith.constant 0 : i32
        %dma_start3A_95 = tpu.memref_slice %arg8[%mul3A_63, %dma_start3A_94] : memref<40x128xi32, #tpu.memory_space<vmem>> -> memref<1x128xi32, #tpu.memory_space<vmem>>
        %dma_start3A_96 = tpu.memref_squeeze %dma_start3A_95 : memref<1x128xi32, #tpu.memory_space<vmem>> -> memref<128xi32, #tpu.memory_space<vmem>>
        %dma_start3A_97 = arith.constant 0 : i32
        %dma_start3A_98 = arith.constant 0 : i32
        %dma_start3A_99 = tpu.memref_slice %arg11[%dma_start3A_97, %dma_start3A_98] : memref<10240x128xf32, #tpu.memory_space<vmem_shared>> -> memref<10240x128xf32, #tpu.memory_space<vmem_shared>>
        tpu.enqueue_indirect_dma source(%arg9 : memref<128x128xf32, #tpu.memory_space<vmem>>) target(%dma_start3A_99 : memref<10240x128xf32, #tpu.memory_space<vmem_shared>>) offsets(%dma_start3A_96 : memref<128xi32, #tpu.memory_space<vmem>>) semaphore(%run_scoped3A : memref<!tpu.dma_semaphore, #tpu.memory_space<semaphore_mem>>) {add = true}
        %dma_wait3A_100 = arith.constant 0 : i32
        %dma_wait3A_101 = tpu.memref_slice %arg8[%mul3A_63, %dma_wait3A_100] : memref<40x128xi32, #tpu.memory_space<vmem>> -> memref<1x128xi32, #tpu.memory_space<vmem>>
        %dma_wait3A_102 = tpu.memref_squeeze %dma_wait3A_101 : memref<1x128xi32, #tpu.memory_space<vmem>> -> memref<128xi32, #tpu.memory_space<vmem>>
        %dma_wait3A_103 = arith.constant 0 : i32
        %dma_wait3A_104 = arith.constant 0 : i32
        %dma_wait3A_105 = tpu.memref_slice %arg11[%dma_wait3A_103, %dma_wait3A_104] : memref<10240x128xf32, #tpu.memory_space<vmem_shared>> -> memref<10240x128xf32, #tpu.memory_space<vmem_shared>>
        tpu.wait_indirect_dma semaphore(%run_scoped3A : memref<!tpu.dma_semaphore, #tpu.memory_space<semaphore_mem>>) src(%arg9 : memref<128x128xf32, #tpu.memory_space<vmem>>) dst(%dma_wait3A_105 : memref<10240x128xf32, #tpu.memory_space<vmem_shared>>)
        tpu.yield
      }) : () -> ()
      %add3A_77 = arith.constant 2 : i32
      %add3A_78 = arith.addi %mul3A_63, %add3A_77 : i32
      %lt3A_79 = arith.constant 40 : i32
      %lt3A_80 = arith.cmpi slt, %add3A_78, %lt3A_79 : i32
      %convert_element_type3A_81 = arith.extui %lt3A_80 : i1 to i32
      %cond3A_82 = arith.constant 0 : i32
      %cond3A_83 = arith.cmpi ne, %convert_element_type3A_81, %cond3A_82 : i32
      scf.if %cond3A_83 {
        %add3A_94 = arith.constant 2 : i32
        %add3A_95 = arith.addi %mul3A_63, %add3A_94 : i32
        %dma_start3A_96 = arith.constant 0 : i32
        %dma_start3A_97 = tpu.memref_slice %arg7[%add3A_95, %dma_start3A_96] : memref<40x128xi32, #tpu.memory_space<vmem>> -> memref<1x128xi32, #tpu.memory_space<vmem>>
        %dma_start3A_98 = tpu.memref_squeeze %dma_start3A_97 : memref<1x128xi32, #tpu.memory_space<vmem>> -> memref<128xi32, #tpu.memory_space<vmem>>
        %dma_start3A_99 = arith.constant 0 : i32
        %dma_start3A_100 = arith.constant 0 : i32
        %dma_start3A_101 = tpu.memref_slice %arg2[%dma_start3A_99, %dma_start3A_100] : memref<10000x128xf32, #tpu.memory_space<hbm>> -> memref<10000x128xf32, #tpu.memory_space<hbm>>
        tpu.enqueue_indirect_dma source(%dma_start3A_101 : memref<10000x128xf32, #tpu.memory_space<hbm>>) target(%arg9 : memref<128x128xf32, #tpu.memory_space<vmem>>) offsets(%dma_start3A_98 : memref<128xi32, #tpu.memory_space<vmem>>) semaphore(%arg12 : memref<!tpu.dma_semaphore, #tpu.memory_space<semaphore_mem>>)
      } else {
      }
      %add3A_84 = arith.constant 1 : i32
      %add3A_85 = arith.addi %mul3A_63, %add3A_84 : i32
      %dma_wait3A_86 = arith.constant 0 : i32
      %dma_wait3A_87 = tpu.memref_slice %arg7[%add3A_85, %dma_wait3A_86] : memref<40x128xi32, #tpu.memory_space<vmem>> -> memref<1x128xi32, #tpu.memory_space<vmem>>
      %dma_wait3A_88 = tpu.memref_squeeze %dma_wait3A_87 : memref<1x128xi32, #tpu.memory_space<vmem>> -> memref<128xi32, #tpu.memory_space<vmem>>
      %dma_wait3A_89 = arith.constant 0 : i32
      %dma_wait3A_90 = arith.constant 0 : i32
      %dma_wait3A_91 = tpu.memref_slice %arg2[%dma_wait3A_89, %dma_wait3A_90] : memref<10000x128xf32, #tpu.memory_space<hbm>> -> memref<10000x128xf32, #tpu.memory_space<hbm>>
      tpu.wait_indirect_dma semaphore(%arg13 : memref<!tpu.dma_semaphore, #tpu.memory_space<semaphore_mem>>) src(%dma_wait3A_91 : memref<10000x128xf32, #tpu.memory_space<hbm>>) dst(%arg10 : memref<128x128xf32, #tpu.memory_space<vmem>>)
      %add3A_92 = arith.constant 1 : i32
      %add3A_93 = arith.addi %mul3A_63, %add3A_92 : i32
      "tpu.region"() ({
        %run_scoped3A = tpu.sem_alloc : memref<!tpu.dma_semaphore, #tpu.memory_space<semaphore_mem>>
        %dma_start3A_94 = arith.constant 0 : i32
        %dma_start3A_95 = tpu.memref_slice %arg8[%add3A_93, %dma_start3A_94] : memref<40x128xi32, #tpu.memory_space<vmem>> -> memref<1x128xi32, #tpu.memory_space<vmem>>
        %dma_start3A_96 = tpu.memref_squeeze %dma_start3A_95 : memref<1x128xi32, #tpu.memory_space<vmem>> -> memref<128xi32, #tpu.memory_space<vmem>>
        %dma_start3A_97 = arith.constant 0 : i32
        %dma_start3A_98 = arith.constant 0 : i32
        %dma_start3A_99 = tpu.memref_slice %arg11[%dma_start3A_97, %dma_start3A_98] : memref<10240x128xf32, #tpu.memory_space<vmem_shared>> -> memref<10240x128xf32, #tpu.memory_space<vmem_shared>>
        tpu.enqueue_indirect_dma source(%arg10 : memref<128x128xf32, #tpu.memory_space<vmem>>) target(%dma_start3A_99 : memref<10240x128xf32, #tpu.memory_space<vmem_shared>>) offsets(%dma_start3A_96 : memref<128xi32, #tpu.memory_space<vmem>>) semaphore(%run_scoped3A : memref<!tpu.dma_semaphore, #tpu.memory_space<semaphore_mem>>) {add = true}
        %dma_wait3A_100 = arith.constant 0 : i32
        %dma_wait3A_101 = tpu.memref_slice %arg8[%add3A_93, %dma_wait3A_100] : memref<40x128xi32, #tpu.memory_space<vmem>> -> memref<1x128xi32, #tpu.memory_space<vmem>>
        %dma_wait3A_102 = tpu.memref_squeeze %dma_wait3A_101 : memref<1x128xi32, #tpu.memory_space<vmem>> -> memref<128xi32, #tpu.memory_space<vmem>>
        %dma_wait3A_103 = arith.constant 0 : i32
        %dma_wait3A_104 = arith.constant 0 : i32
        %dma_wait3A_105 = tpu.memref_slice %arg11[%dma_wait3A_103, %dma_wait3A_104] : memref<10240x128xf32, #tpu.memory_space<vmem_shared>> -> memref<10240x128xf32, #tpu.memory_space<vmem_shared>>
        tpu.wait_indirect_dma semaphore(%run_scoped3A : memref<!tpu.dma_semaphore, #tpu.memory_space<semaphore_mem>>) src(%arg10 : memref<128x128xf32, #tpu.memory_space<vmem>>) dst(%dma_wait3A_105 : memref<10240x128xf32, #tpu.memory_space<vmem_shared>>)
        tpu.yield
      }) : () -> ()
    }
    %scan3A_27 = arith.constant 20 : i32
    %mul3A_28 = arith.constant 80 : i32
    %mul3A_29 = arith.muli %add3A, %mul3A_28 : i32
    %add3A_30 = arith.constant 0 : i32
    %add3A_31 = arith.addi %add3A_30, %mul3A_29 : i32
    %add3A_32 = arith.constant 40 : i32
    %add3A_33 = arith.addi %add3A_31, %add3A_32 : i32
    %mul3A_34 = arith.constant 80 : i32
    %mul3A_35 = arith.muli %add3A, %mul3A_34 : i32
    %add3A_36 = arith.constant 40 : i32
    %add3A_37 = arith.addi %mul3A_35, %add3A_36 : i32
    "tpu.region"() ({
      %run_scoped3A = tpu.sem_alloc : memref<!tpu.dma_semaphore, #tpu.memory_space<semaphore_mem>>
      %dma_start3A_61 = arith.constant 0 : i32
      %dma_start3A_62 = tpu.memref_slice %arg3[%add3A_33, %dma_start3A_61] : memref<2560x128xi32, #tpu.memory_space<hbm>> -> memref<40x128xi32, #tpu.memory_space<hbm>>
      %dma_start3A_63 = arith.constant 0 : i32
      %dma_start3A_64 = tpu.memref_slice %arg3[%add3A_33, %dma_start3A_63] : memref<2560x128xi32, #tpu.memory_space<hbm>> -> memref<40x128xi32, #tpu.memory_space<hbm>>
      tpu.enqueue_dma source(%dma_start3A_64 : memref<40x128xi32, #tpu.memory_space<hbm>>) target(%arg7 : memref<40x128xi32, #tpu.memory_space<vmem>>) target_semaphore(%run_scoped3A : memref<!tpu.dma_semaphore, #tpu.memory_space<semaphore_mem>>)
      %dma_wait3A = arith.constant 0 : i32
      %dma_wait3A_65 = tpu.memref_slice %arg3[%add3A_33, %dma_wait3A] : memref<2560x128xi32, #tpu.memory_space<hbm>> -> memref<40x128xi32, #tpu.memory_space<hbm>>
      %dma_wait3A_66 = arith.constant 0 : i32
      %dma_wait3A_67 = tpu.memref_slice %arg3[%add3A_33, %dma_wait3A_66] : memref<2560x128xi32, #tpu.memory_space<hbm>> -> memref<40x128xi32, #tpu.memory_space<hbm>>
      tpu.wait_dma2 semaphore(%run_scoped3A : memref<!tpu.dma_semaphore, #tpu.memory_space<semaphore_mem>>) src(%dma_wait3A_67 : memref<40x128xi32, #tpu.memory_space<hbm>>) dst(%arg7 : memref<40x128xi32, #tpu.memory_space<vmem>>)
      tpu.yield
    }) : () -> ()
    "tpu.region"() ({
      %run_scoped3A = tpu.sem_alloc : memref<!tpu.dma_semaphore, #tpu.memory_space<semaphore_mem>>
      %dma_start3A_61 = arith.constant 0 : i32
      %dma_start3A_62 = tpu.memref_slice %arg4[%add3A_37, %dma_start3A_61] : memref<2560x128xi32, #tpu.memory_space<hbm>> -> memref<40x128xi32, #tpu.memory_space<hbm>>
      %dma_start3A_63 = arith.constant 0 : i32
      %dma_start3A_64 = tpu.memref_slice %arg4[%add3A_37, %dma_start3A_63] : memref<2560x128xi32, #tpu.memory_space<hbm>> -> memref<40x128xi32, #tpu.memory_space<hbm>>
      tpu.enqueue_dma source(%dma_start3A_64 : memref<40x128xi32, #tpu.memory_space<hbm>>) target(%arg8 : memref<40x128xi32, #tpu.memory_space<vmem>>) target_semaphore(%run_scoped3A : memref<!tpu.dma_semaphore, #tpu.memory_space<semaphore_mem>>)
      %dma_wait3A = arith.constant 0 : i32
      %dma_wait3A_65 = tpu.memref_slice %arg4[%add3A_37, %dma_wait3A] : memref<2560x128xi32, #tpu.memory_space<hbm>> -> memref<40x128xi32, #tpu.memory_space<hbm>>
      %dma_wait3A_66 = arith.constant 0 : i32
      %dma_wait3A_67 = tpu.memref_slice %arg4[%add3A_37, %dma_wait3A_66] : memref<2560x128xi32, #tpu.memory_space<hbm>> -> memref<40x128xi32, #tpu.memory_space<hbm>>
      tpu.wait_dma2 semaphore(%run_scoped3A : memref<!tpu.dma_semaphore, #tpu.memory_space<semaphore_mem>>) src(%dma_wait3A_67 : memref<40x128xi32, #tpu.memory_space<hbm>>) dst(%arg8 : memref<40x128xi32, #tpu.memory_space<vmem>>)
      tpu.yield
    }) : () -> ()
    %dma_start3A_38 = arith.constant 0 : i32
    %dma_start3A_39 = arith.constant 0 : i32
    %dma_start3A_40 = tpu.memref_slice %arg7[%dma_start3A_38, %dma_start3A_39] : memref<40x128xi32, #tpu.memory_space<vmem>> -> memref<1x128xi32, #tpu.memory_space<vmem>>
    %dma_start3A_41 = tpu.memref_squeeze %dma_start3A_40 : memref<1x128xi32, #tpu.memory_space<vmem>> -> memref<128xi32, #tpu.memory_space<vmem>>
    %dma_start3A_42 = arith.constant 0 : i32
    %dma_start3A_43 = arith.constant 0 : i32
    %dma_start3A_44 = tpu.memref_slice %arg2[%dma_start3A_42, %dma_start3A_43] : memref<10000x128xf32, #tpu.memory_space<hbm>> -> memref<10000x128xf32, #tpu.memory_space<hbm>>
    tpu.enqueue_indirect_dma source(%dma_start3A_44 : memref<10000x128xf32, #tpu.memory_space<hbm>>) target(%arg9 : memref<128x128xf32, #tpu.memory_space<vmem>>) offsets(%dma_start3A_41 : memref<128xi32, #tpu.memory_space<vmem>>) semaphore(%arg12 : memref<!tpu.dma_semaphore, #tpu.memory_space<semaphore_mem>>)
    %scan3A_45 = arith.constant 0 : i32
    %scan3A_46 = arith.constant 0 : i32
    %scan3A_47 = arith.constant 20 : i32
    %scan3A_48 = arith.addi %scan3A_46, %scan3A_47 : i32
    %scan3A_49 = arith.constant 1 : i32
    scf.for %scan3A_61 = %scan3A_46 to %scan3A_48 step %scan3A_49  : i32 {
      %mul3A_62 = arith.constant 2 : i32
      %mul3A_63 = arith.muli %mul3A_62, %scan3A_61 : i32
      %add3A_64 = arith.constant 1 : i32
      %add3A_65 = arith.addi %mul3A_63, %add3A_64 : i32
      %dma_start3A_66 = arith.constant 0 : i32
      %dma_start3A_67 = tpu.memref_slice %arg7[%add3A_65, %dma_start3A_66] : memref<40x128xi32, #tpu.memory_space<vmem>> -> memref<1x128xi32, #tpu.memory_space<vmem>>
      %dma_start3A_68 = tpu.memref_squeeze %dma_start3A_67 : memref<1x128xi32, #tpu.memory_space<vmem>> -> memref<128xi32, #tpu.memory_space<vmem>>
      %dma_start3A_69 = arith.constant 0 : i32
      %dma_start3A_70 = arith.constant 0 : i32
      %dma_start3A_71 = tpu.memref_slice %arg2[%dma_start3A_69, %dma_start3A_70] : memref<10000x128xf32, #tpu.memory_space<hbm>> -> memref<10000x128xf32, #tpu.memory_space<hbm>>
      tpu.enqueue_indirect_dma source(%dma_start3A_71 : memref<10000x128xf32, #tpu.memory_space<hbm>>) target(%arg10 : memref<128x128xf32, #tpu.memory_space<vmem>>) offsets(%dma_start3A_68 : memref<128xi32, #tpu.memory_space<vmem>>) semaphore(%arg13 : memref<!tpu.dma_semaphore, #tpu.memory_space<semaphore_mem>>)
      %dma_wait3A = arith.constant 0 : i32
      %dma_wait3A_72 = tpu.memref_slice %arg7[%mul3A_63, %dma_wait3A] : memref<40x128xi32, #tpu.memory_space<vmem>> -> memref<1x128xi32, #tpu.memory_space<vmem>>
      %dma_wait3A_73 = tpu.memref_squeeze %dma_wait3A_72 : memref<1x128xi32, #tpu.memory_space<vmem>> -> memref<128xi32, #tpu.memory_space<vmem>>
      %dma_wait3A_74 = arith.constant 0 : i32
      %dma_wait3A_75 = arith.constant 0 : i32
      %dma_wait3A_76 = tpu.memref_slice %arg2[%dma_wait3A_74, %dma_wait3A_75] : memref<10000x128xf32, #tpu.memory_space<hbm>> -> memref<10000x128xf32, #tpu.memory_space<hbm>>
      tpu.wait_indirect_dma semaphore(%arg12 : memref<!tpu.dma_semaphore, #tpu.memory_space<semaphore_mem>>) src(%dma_wait3A_76 : memref<10000x128xf32, #tpu.memory_space<hbm>>) dst(%arg9 : memref<128x128xf32, #tpu.memory_space<vmem>>)
      "tpu.region"() ({
        %run_scoped3A = tpu.sem_alloc : memref<!tpu.dma_semaphore, #tpu.memory_space<semaphore_mem>>
        %dma_start3A_94 = arith.constant 0 : i32
        %dma_start3A_95 = tpu.memref_slice %arg8[%mul3A_63, %dma_start3A_94] : memref<40x128xi32, #tpu.memory_space<vmem>> -> memref<1x128xi32, #tpu.memory_space<vmem>>
        %dma_start3A_96 = tpu.memref_squeeze %dma_start3A_95 : memref<1x128xi32, #tpu.memory_space<vmem>> -> memref<128xi32, #tpu.memory_space<vmem>>
        %dma_start3A_97 = arith.constant 0 : i32
        %dma_start3A_98 = arith.constant 0 : i32
        %dma_start3A_99 = tpu.memref_slice %arg11[%dma_start3A_97, %dma_start3A_98] : memref<10240x128xf32, #tpu.memory_space<vmem_shared>> -> memref<10240x128xf32, #tpu.memory_space<vmem_shared>>
        tpu.enqueue_indirect_dma source(%arg9 : memref<128x128xf32, #tpu.memory_space<vmem>>) target(%dma_start3A_99 : memref<10240x128xf32, #tpu.memory_space<vmem_shared>>) offsets(%dma_start3A_96 : memref<128xi32, #tpu.memory_space<vmem>>) semaphore(%run_scoped3A : memref<!tpu.dma_semaphore, #tpu.memory_space<semaphore_mem>>) {add = true}
        %dma_wait3A_100 = arith.constant 0 : i32
        %dma_wait3A_101 = tpu.memref_slice %arg8[%mul3A_63, %dma_wait3A_100] : memref<40x128xi32, #tpu.memory_space<vmem>> -> memref<1x128xi32, #tpu.memory_space<vmem>>
        %dma_wait3A_102 = tpu.memref_squeeze %dma_wait3A_101 : memref<1x128xi32, #tpu.memory_space<vmem>> -> memref<128xi32, #tpu.memory_space<vmem>>
        %dma_wait3A_103 = arith.constant 0 : i32
        %dma_wait3A_104 = arith.constant 0 : i32
        %dma_wait3A_105 = tpu.memref_slice %arg11[%dma_wait3A_103, %dma_wait3A_104] : memref<10240x128xf32, #tpu.memory_space<vmem_shared>> -> memref<10240x128xf32, #tpu.memory_space<vmem_shared>>
        tpu.wait_indirect_dma semaphore(%run_scoped3A : memref<!tpu.dma_semaphore, #tpu.memory_space<semaphore_mem>>) src(%arg9 : memref<128x128xf32, #tpu.memory_space<vmem>>) dst(%dma_wait3A_105 : memref<10240x128xf32, #tpu.memory_space<vmem_shared>>)
        tpu.yield
      }) : () -> ()
      %add3A_77 = arith.constant 2 : i32
      %add3A_78 = arith.addi %mul3A_63, %add3A_77 : i32
      %lt3A_79 = arith.constant 40 : i32
      %lt3A_80 = arith.cmpi slt, %add3A_78, %lt3A_79 : i32
      %convert_element_type3A_81 = arith.extui %lt3A_80 : i1 to i32
      %cond3A_82 = arith.constant 0 : i32
      %cond3A_83 = arith.cmpi ne, %convert_element_type3A_81, %cond3A_82 : i32
      scf.if %cond3A_83 {
        %add3A_94 = arith.constant 2 : i32
        %add3A_95 = arith.addi %mul3A_63, %add3A_94 : i32
        %dma_start3A_96 = arith.constant 0 : i32
        %dma_start3A_97 = tpu.memref_slice %arg7[%add3A_95, %dma_start3A_96] : memref<40x128xi32, #tpu.memory_space<vmem>> -> memref<1x128xi32, #tpu.memory_space<vmem>>
        %dma_start3A_98 = tpu.memref_squeeze %dma_start3A_97 : memref<1x128xi32, #tpu.memory_space<vmem>> -> memref<128xi32, #tpu.memory_space<vmem>>
        %dma_start3A_99 = arith.constant 0 : i32
        %dma_start3A_100 = arith.constant 0 : i32
        %dma_start3A_101 = tpu.memref_slice %arg2[%dma_start3A_99, %dma_start3A_100] : memref<10000x128xf32, #tpu.memory_space<hbm>> -> memref<10000x128xf32, #tpu.memory_space<hbm>>
        tpu.enqueue_indirect_dma source(%dma_start3A_101 : memref<10000x128xf32, #tpu.memory_space<hbm>>) target(%arg9 : memref<128x128xf32, #tpu.memory_space<vmem>>) offsets(%dma_start3A_98 : memref<128xi32, #tpu.memory_space<vmem>>) semaphore(%arg12 : memref<!tpu.dma_semaphore, #tpu.memory_space<semaphore_mem>>)
      } else {
      }
      %add3A_84 = arith.constant 1 : i32
      %add3A_85 = arith.addi %mul3A_63, %add3A_84 : i32
      %dma_wait3A_86 = arith.constant 0 : i32
      %dma_wait3A_87 = tpu.memref_slice %arg7[%add3A_85, %dma_wait3A_86] : memref<40x128xi32, #tpu.memory_space<vmem>> -> memref<1x128xi32, #tpu.memory_space<vmem>>
      %dma_wait3A_88 = tpu.memref_squeeze %dma_wait3A_87 : memref<1x128xi32, #tpu.memory_space<vmem>> -> memref<128xi32, #tpu.memory_space<vmem>>
      %dma_wait3A_89 = arith.constant 0 : i32
      %dma_wait3A_90 = arith.constant 0 : i32
      %dma_wait3A_91 = tpu.memref_slice %arg2[%dma_wait3A_89, %dma_wait3A_90] : memref<10000x128xf32, #tpu.memory_space<hbm>> -> memref<10000x128xf32, #tpu.memory_space<hbm>>
      tpu.wait_indirect_dma semaphore(%arg13 : memref<!tpu.dma_semaphore, #tpu.memory_space<semaphore_mem>>) src(%dma_wait3A_91 : memref<10000x128xf32, #tpu.memory_space<hbm>>) dst(%arg10 : memref<128x128xf32, #tpu.memory_space<vmem>>)
      %add3A_92 = arith.constant 1 : i32
      %add3A_93 = arith.addi %mul3A_63, %add3A_92 : i32
      "tpu.region"() ({
        %run_scoped3A = tpu.sem_alloc : memref<!tpu.dma_semaphore, #tpu.memory_space<semaphore_mem>>
        %dma_start3A_94 = arith.constant 0 : i32
        %dma_start3A_95 = tpu.memref_slice %arg8[%add3A_93, %dma_start3A_94] : memref<40x128xi32, #tpu.memory_space<vmem>> -> memref<1x128xi32, #tpu.memory_space<vmem>>
        %dma_start3A_96 = tpu.memref_squeeze %dma_start3A_95 : memref<1x128xi32, #tpu.memory_space<vmem>> -> memref<128xi32, #tpu.memory_space<vmem>>
        %dma_start3A_97 = arith.constant 0 : i32
        %dma_start3A_98 = arith.constant 0 : i32
        %dma_start3A_99 = tpu.memref_slice %arg11[%dma_start3A_97, %dma_start3A_98] : memref<10240x128xf32, #tpu.memory_space<vmem_shared>> -> memref<10240x128xf32, #tpu.memory_space<vmem_shared>>
        tpu.enqueue_indirect_dma source(%arg10 : memref<128x128xf32, #tpu.memory_space<vmem>>) target(%dma_start3A_99 : memref<10240x128xf32, #tpu.memory_space<vmem_shared>>) offsets(%dma_start3A_96 : memref<128xi32, #tpu.memory_space<vmem>>) semaphore(%run_scoped3A : memref<!tpu.dma_semaphore, #tpu.memory_space<semaphore_mem>>) {add = true}
        %dma_wait3A_100 = arith.constant 0 : i32
        %dma_wait3A_101 = tpu.memref_slice %arg8[%add3A_93, %dma_wait3A_100] : memref<40x128xi32, #tpu.memory_space<vmem>> -> memref<1x128xi32, #tpu.memory_space<vmem>>
        %dma_wait3A_102 = tpu.memref_squeeze %dma_wait3A_101 : memref<1x128xi32, #tpu.memory_space<vmem>> -> memref<128xi32, #tpu.memory_space<vmem>>
        %dma_wait3A_103 = arith.constant 0 : i32
        %dma_wait3A_104 = arith.constant 0 : i32
        %dma_wait3A_105 = tpu.memref_slice %arg11[%dma_wait3A_103, %dma_wait3A_104] : memref<10240x128xf32, #tpu.memory_space<vmem_shared>> -> memref<10240x128xf32, #tpu.memory_space<vmem_shared>>
        tpu.wait_indirect_dma semaphore(%run_scoped3A : memref<!tpu.dma_semaphore, #tpu.memory_space<semaphore_mem>>) src(%arg10 : memref<128x128xf32, #tpu.memory_space<vmem>>) dst(%dma_wait3A_105 : memref<10240x128xf32, #tpu.memory_space<vmem_shared>>)
        tpu.yield
      }) : () -> ()
    }
    %scan3A_50 = arith.constant 20 : i32
    %barrier3A_51 = arith.constant 0 : index
    tpu.barrier barrier_id(%barrier3A_51)
    %lt3A = arith.constant 15 : i32
    %lt3A_52 = arith.cmpi slt, %arg1, %lt3A : i32
    %convert_element_type3A_53 = arith.extui %lt3A_52 : i1 to i32
    %cond3A_54 = arith.constant 0 : i32
    %cond3A_55 = arith.cmpi ne, %convert_element_type3A_53, %cond3A_54 : i32
    scf.if %cond3A_55 {
      %mul3A_61 = arith.constant 632 : i32
      %mul3A_62 = arith.muli %arg1, %mul3A_61 : i32
      %mul3A_63 = arith.constant 1 : i32
      %mul3A_64 = arith.muli %arg0, %mul3A_63 : i32
      %add3A_65 = arith.constant 0 : i32
      %add3A_66 = arith.addi %mul3A_64, %add3A_65 : i32
      %mul3A_67 = arith.constant 10000 : i32
      %mul3A_68 = arith.muli %add3A_66, %mul3A_67 : i32
      %add3A_69 = arith.addi %mul3A_68, %mul3A_62 : i32
      "tpu.region"() ({
        %run_scoped3A = tpu.sem_alloc : memref<!tpu.dma_semaphore, #tpu.memory_space<semaphore_mem>>
        %dma_start3A_70 = arith.constant 0 : i32
        %dma_start3A_71 = tpu.memref_slice %arg6[%add3A_69, %dma_start3A_70] : memref<20000x128xf32, #tpu.memory_space<hbm>> -> memref<632x128xf32, #tpu.memory_space<hbm>>
        %dma_start3A_72 = arith.constant 0 : i32
        %dma_start3A_73 = tpu.memref_slice %arg11[%mul3A_62, %dma_start3A_72] : memref<10240x128xf32, #tpu.memory_space<vmem_shared>> -> memref<632x128xf32, #tpu.memory_space<vmem_shared>>
        tpu.enqueue_dma source(%dma_start3A_73 : memref<632x128xf32, #tpu.memory_space<vmem_shared>>) target(%dma_start3A_71 : memref<632x128xf32, #tpu.memory_space<hbm>>) target_semaphore(%run_scoped3A : memref<!tpu.dma_semaphore, #tpu.memory_space<semaphore_mem>>)
        %dma_wait3A = arith.constant 0 : i32
        %dma_wait3A_74 = tpu.memref_slice %arg6[%add3A_69, %dma_wait3A] : memref<20000x128xf32, #tpu.memory_space<hbm>> -> memref<632x128xf32, #tpu.memory_space<hbm>>
        %dma_wait3A_75 = arith.constant 0 : i32
        %dma_wait3A_76 = tpu.memref_slice %arg11[%mul3A_62, %dma_wait3A_75] : memref<10240x128xf32, #tpu.memory_space<vmem_shared>> -> memref<632x128xf32, #tpu.memory_space<vmem_shared>>
        tpu.wait_dma2 semaphore(%run_scoped3A : memref<!tpu.dma_semaphore, #tpu.memory_space<semaphore_mem>>) src(%dma_wait3A_76 : memref<632x128xf32, #tpu.memory_space<vmem_shared>>) dst(%dma_wait3A_74 : memref<632x128xf32, #tpu.memory_space<hbm>>)
        tpu.yield
      }) : () -> ()
    } else {
    }
    %eq3A_56 = arith.constant 15 : i32
    %eq3A_57 = arith.cmpi eq, %arg1, %eq3A_56 : i32
    %convert_element_type3A_58 = arith.extui %eq3A_57 : i1 to i32
    %cond3A_59 = arith.constant 0 : i32
    %cond3A_60 = arith.cmpi ne, %convert_element_type3A_58, %cond3A_59 : i32
    scf.if %cond3A_60 {
      %mul3A_61 = arith.constant 1 : i32
      %mul3A_62 = arith.muli %arg0, %mul3A_61 : i32
      %add3A_63 = arith.constant 0 : i32
      %add3A_64 = arith.addi %mul3A_62, %add3A_63 : i32
      %mul3A_65 = arith.constant 10000 : i32
      %mul3A_66 = arith.muli %add3A_64, %mul3A_65 : i32
      %add3A_67 = arith.constant 9480 : i32
      %add3A_68 = arith.addi %mul3A_66, %add3A_67 : i32
      "tpu.region"() ({
        %run_scoped3A = tpu.sem_alloc : memref<!tpu.dma_semaphore, #tpu.memory_space<semaphore_mem>>
        %dma_start3A_69 = arith.constant 0 : i32
        %dma_start3A_70 = tpu.memref_slice %arg6[%add3A_68, %dma_start3A_69] : memref<20000x128xf32, #tpu.memory_space<hbm>> -> memref<520x128xf32, #tpu.memory_space<hbm>>
        %dma_start3A_71 = arith.constant 9480 : i32
        %dma_start3A_72 = arith.constant 0 : i32
        %dma_start3A_73 = tpu.memref_slice %arg11[%dma_start3A_71, %dma_start3A_72] : memref<10240x128xf32, #tpu.memory_space<vmem_shared>> -> memref<520x128xf32, #tpu.memory_space<vmem_shared>>
        tpu.enqueue_dma source(%dma_start3A_73 : memref<520x128xf32, #tpu.memory_space<vmem_shared>>) target(%dma_start3A_70 : memref<520x128xf32, #tpu.memory_space<hbm>>) target_semaphore(%run_scoped3A : memref<!tpu.dma_semaphore, #tpu.memory_space<semaphore_mem>>)
        %dma_wait3A = arith.constant 0 : i32
        %dma_wait3A_74 = tpu.memref_slice %arg6[%add3A_68, %dma_wait3A] : memref<20000x128xf32, #tpu.memory_space<hbm>> -> memref<520x128xf32, #tpu.memory_space<hbm>>
        %dma_wait3A_75 = arith.constant 9480 : i32
        %dma_wait3A_76 = arith.constant 0 : i32
        %dma_wait3A_77 = tpu.memref_slice %arg11[%dma_wait3A_75, %dma_wait3A_76] : memref<10240x128xf32, #tpu.memory_space<vmem_shared>> -> memref<520x128xf32, #tpu.memory_space<vmem_shared>>
        tpu.wait_dma2 semaphore(%run_scoped3A : memref<!tpu.dma_semaphore, #tpu.memory_space<semaphore_mem>>) src(%dma_wait3A_77 : memref<520x128xf32, #tpu.memory_space<vmem_shared>>) dst(%dma_wait3A_74 : memref<520x128xf32, #tpu.memory_space<hbm>>)
        tpu.yield
      }) : () -> ()
    } else {
    }
    return
  }
}

module attributes {stable_mosaic.version = 14 : i64} {
  func.func @_tc1_body(%arg0: i32, %arg1: memref<5000x1xf32, #tpu.memory_space<vmem>>, %arg2: memref<5000x1xf32, #tpu.memory_space<vmem>>, %arg3: memref<5000x128xf32, #tpu.memory_space<vmem>>, %arg4: memref<5000x16xf32, #tpu.memory_space<vmem>>, %arg5: memref<5000x128xf32, #tpu.memory_space<vmem>>) attributes {dimension_semantics = [#tpu.dimension_semantics<arbitrary>], iteration_bounds = array<i64: 2>, scalar_prefetch = 0 : i64, scratch_operands = 0 : i64, tpu.core_type = #tpu.core_type<tc>, window_params = [{transform_indices = @transform_0, window_bounds = array<i64: 5000, 1>}, {transform_indices = @transform_1, window_bounds = array<i64: 5000, 1>}, {transform_indices = @transform_2, window_bounds = array<i64: 5000, 128>}, {transform_indices = @transform_3, window_bounds = array<i64: 5000, 16>}, {transform_indices = @transform_4, window_bounds = array<i64: 5000, 128>}]} {
    %get3A = arith.constant 0 : index
    %get3A_0 = arith.constant 0 : index
    %get3A_1 = vector.load %arg1[%get3A, %get3A_0] : memref<5000x1xf32, #tpu.memory_space<vmem>>, vector<5000x1xf32>
    %get3A_2 = arith.constant 0 : index
    %get3A_3 = arith.constant 0 : index
    %get3A_4 = vector.load %arg2[%get3A_2, %get3A_3] : memref<5000x1xf32, #tpu.memory_space<vmem>>, vector<5000x1xf32>
    %add3A = arith.addf %get3A_1, %get3A_4 : vector<5000x1xf32>
    %add3A_5 = arith.constant 1.000000e+00 : f32
    %add3A_6 = vector.broadcast %add3A_5 : f32 to vector<5000x1xf32>
    %add3A_7 = arith.addf %add3A, %add3A_6 : vector<5000x1xf32>
    %rsqrt3A = math.rsqrt %add3A_7 : vector<5000x1xf32>
    %broadcast_in_dim3A = vector.shape_cast %rsqrt3A : vector<5000x1xf32> to vector<5000x1xf32>
    %broadcast_in_dim3A_8 = vector.broadcast %broadcast_in_dim3A : vector<5000x1xf32> to vector<5000x16xf32>
    %swap3A = arith.constant 0 : index
    %swap3A_9 = arith.constant 0 : index
    %swap3A_10 = vector.load %arg4[%swap3A, %swap3A_9] : memref<5000x16xf32, #tpu.memory_space<vmem>>, vector<5000x16xf32>
    tpu.vector_store %arg4[%swap3A, %swap3A_9], %broadcast_in_dim3A_8 {strides = array<i32>} : memref<5000x16xf32, #tpu.memory_space<vmem>>, vector<5000x16xf32>,
    %get3A_11 = arith.constant 0 : index
    %get3A_12 = arith.constant 0 : index
    %get3A_13 = vector.load %arg3[%get3A_11, %get3A_12] : memref<5000x128xf32, #tpu.memory_space<vmem>>, vector<5000x128xf32>
    %mul3A = vector.broadcast %rsqrt3A : vector<5000x1xf32> to vector<5000x128xf32>
    %mul3A_14 = arith.mulf %get3A_13, %mul3A : vector<5000x128xf32>
    %swap3A_15 = arith.constant 0 : index
    %swap3A_16 = arith.constant 0 : index
    %swap3A_17 = vector.load %arg5[%swap3A_15, %swap3A_16] : memref<5000x128xf32, #tpu.memory_space<vmem>>, vector<5000x128xf32>
    tpu.vector_store %arg5[%swap3A_15, %swap3A_16], %mul3A_14 {strides = array<i32>} : memref<5000x128xf32, #tpu.memory_space<vmem>>, vector<5000x128xf32>,
    return
  }
  func.func @transform_0(%arg0: i32) -> (i32, i32) {
    %c0_i32 = arith.constant 0 : i32
    %c0_i32_0 = arith.constant 0 : i32
    return %arg0, %c0_i32 : i32, i32
  }
  func.func @transform_1(%arg0: i32) -> (i32, i32) {
    %c0_i32 = arith.constant 0 : i32
    %c0_i32_0 = arith.constant 0 : i32
    return %arg0, %c0_i32 : i32, i32
  }
  func.func @transform_2(%arg0: i32) -> (i32, i32) {
    %c0_i32 = arith.constant 0 : i32
    %c0_i32_0 = arith.constant 0 : i32
    return %arg0, %c0_i32 : i32, i32
  }
  func.func @transform_3(%arg0: i32) -> (i32, i32) {
    %c0_i32 = arith.constant 0 : i32
    %c0_i32_0 = arith.constant 0 : i32
    return %arg0, %c0_i32 : i32, i32
  }
  func.func @transform_4(%arg0: i32) -> (i32, i32) {
    %c0_i32 = arith.constant 0 : i32
    %c0_i32_0 = arith.constant 0 : i32
    return %arg0, %c0_i32 : i32, i32
  }
}

module attributes {stable_mosaic.version = 14 : i64} {
  func.func @_tc2_body(%arg0: i32, %arg1: memref<5000x128xf32, #tpu.memory_space<vmem>>, %arg2: memref<5000x128xf32, #tpu.memory_space<vmem>>, %arg3: memref<5000x16xf32, #tpu.memory_space<vmem>>, %arg4: memref<128x256xf32, #tpu.memory_space<vmem>>, %arg5: memref<1x256xf32, #tpu.memory_space<vmem>>, %arg6: memref<128x256xf32, #tpu.memory_space<vmem>>, %arg7: memref<1x256xf32, #tpu.memory_space<vmem>>, %arg8: memref<4x5000x128xf32, #tpu.memory_space<vmem>>) attributes {dimension_semantics = [#tpu.dimension_semantics<arbitrary>], iteration_bounds = array<i64: 2>, scalar_prefetch = 0 : i64, scratch_operands = 0 : i64, tpu.core_type = #tpu.core_type<tc>, window_params = [{transform_indices = @transform_0, window_bounds = array<i64: 5000, 128>}, {transform_indices = @transform_1, window_bounds = array<i64: 5000, 128>}, {transform_indices = @transform_2, window_bounds = array<i64: 5000, 16>}, {pipeline_mode = #tpu.pipeline_mode<synchronous>, transform_indices = @transform_3, window_bounds = array<i64: 128, 256>}, {pipeline_mode = #tpu.pipeline_mode<synchronous>, transform_indices = @transform_4, window_bounds = array<i64: 1, 256>}, {pipeline_mode = #tpu.pipeline_mode<synchronous>, transform_indices = @transform_5, window_bounds = array<i64: 128, 256>}, {pipeline_mode = #tpu.pipeline_mode<synchronous>, transform_indices = @transform_6, window_bounds = array<i64: 1, 256>}, {transform_indices = @transform_7, window_bounds = array<i64: 4, 5000, 128>}]} {
    %get3A = arith.constant 0 : index
    %get3A_0 = arith.constant 0 : index
    %get3A_1 = vector.load %arg3[%get3A, %get3A_0] : memref<5000x16xf32, #tpu.memory_space<vmem>>, vector<5000x1xf32>
    %get3A_2 = arith.constant 0 : index
    %get3A_3 = arith.constant 0 : index
    %get3A_4 = vector.load %arg1[%get3A_2, %get3A_3] : memref<5000x128xf32, #tpu.memory_space<vmem>>, vector<5000x128xf32>
    %get3A_5 = arith.constant 0 : index
    %get3A_6 = arith.constant 0 : index
    %get3A_7 = vector.load %arg2[%get3A_5, %get3A_6] : memref<5000x128xf32, #tpu.memory_space<vmem>>, vector<5000x128xf32>
    %add3A = arith.addf %get3A_4, %get3A_7 : vector<5000x128xf32>
    %mul3A = vector.broadcast %get3A_1 : vector<5000x1xf32> to vector<5000x128xf32>
    %mul3A_8 = arith.mulf %add3A, %mul3A : vector<5000x128xf32>
    %get3A_9 = arith.constant 0 : index
    %get3A_10 = arith.constant 0 : index
    %get3A_11 = vector.load %arg4[%get3A_9, %get3A_10] : memref<128x256xf32, #tpu.memory_space<vmem>>, vector<128x256xf32>
    %dot_general3A = arith.constant dense<0.000000e+00> : vector<5000x256xf32>
    %dot_general3A_12 = tpu.matmul %mul3A_8, %get3A_11, %dot_general3A {dimension_numbers = #tpu.dot_dimension_numbers<[1], [0], [0], [1], [0, 0, 1, 1], [], []>, transpose_lhs_hint = false} : vector<5000x128xf32>, vector<128x256xf32>, vector<5000x256xf32> -> vector<5000x256xf32>
    %get3A_13 = arith.constant 0 : index
    %get3A_14 = arith.constant 0 : index
    %get3A_15 = vector.load %arg5[%get3A_13, %get3A_14] : memref<1x256xf32, #tpu.memory_space<vmem>>, vector<1x256xf32>
    %add3A_16 = vector.broadcast %get3A_15 : vector<1x256xf32> to vector<5000x256xf32>
    %add3A_17 = arith.addf %dot_general3A_12, %add3A_16 : vector<5000x256xf32>
    %tanh3A = math.tanh %add3A_17 : vector<5000x256xf32>
    %get3A_18 = arith.constant 0 : index
    %get3A_19 = arith.constant 0 : index
    %get3A_20 = vector.load %arg6[%get3A_18, %get3A_19] : memref<128x256xf32, #tpu.memory_space<vmem>>, vector<128x256xf32>
    %dot_general3A_21 = arith.constant dense<0.000000e+00> : vector<5000x256xf32>
    %dot_general3A_22 = tpu.matmul %mul3A_8, %get3A_20, %dot_general3A_21 {dimension_numbers = #tpu.dot_dimension_numbers<[1], [0], [0], [1], [0, 0, 1, 1], [], []>, transpose_lhs_hint = false} : vector<5000x128xf32>, vector<128x256xf32>, vector<5000x256xf32> -> vector<5000x256xf32>
    %get3A_23 = arith.constant 0 : index
    %get3A_24 = arith.constant 0 : index
    %get3A_25 = vector.load %arg7[%get3A_23, %get3A_24] : memref<1x256xf32, #tpu.memory_space<vmem>>, vector<1x256xf32>
    %add3A_26 = vector.broadcast %get3A_25 : vector<1x256xf32> to vector<5000x256xf32>
    %add3A_27 = arith.addf %dot_general3A_22, %add3A_26 : vector<5000x256xf32>
    %tanh3A_28 = math.tanh %add3A_27 : vector<5000x256xf32>
    %slice3A = vector.extract_strided_slice %tanh3A {offsets = [0, 0], sizes = [5000, 128], strides = [1, 1]} : vector<5000x256xf32> to vector<5000x128xf32>
    %mul3A_29 = vector.broadcast %get3A_1 : vector<5000x1xf32> to vector<5000x128xf32>
    %mul3A_30 = arith.mulf %slice3A, %mul3A_29 : vector<5000x128xf32>
    %swap3A = arith.constant 0 : index
    %swap3A_31 = arith.constant 0 : index
    %swap3A_32 = arith.constant 0 : index
    %swap3A_33 = vector.load %arg8[%swap3A, %swap3A_31, %swap3A_32] : memref<4x5000x128xf32, #tpu.memory_space<vmem>>, vector<1x5000x128xf32>
    %swap3A_34 = vector.shape_cast %swap3A_33 : vector<1x5000x128xf32> to vector<5000x128xf32>
    %swap3A_35 = vector.shape_cast %mul3A_30 : vector<5000x128xf32> to vector<1x5000x128xf32>
    tpu.vector_store %arg8[%swap3A, %swap3A_31, %swap3A_32], %swap3A_35 {strides = array<i32>} : memref<4x5000x128xf32, #tpu.memory_space<vmem>>, vector<1x5000x128xf32>,
    %slice3A_36 = vector.extract_strided_slice %tanh3A {offsets = [0, 128], sizes = [5000, 128], strides = [1, 1]} : vector<5000x256xf32> to vector<5000x128xf32>
    %mul3A_37 = vector.broadcast %get3A_1 : vector<5000x1xf32> to vector<5000x128xf32>
    %mul3A_38 = arith.mulf %slice3A_36, %mul3A_37 : vector<5000x128xf32>
    %swap3A_39 = arith.constant 1 : index
    %swap3A_40 = arith.constant 0 : index
    %swap3A_41 = arith.constant 0 : index
    %swap3A_42 = vector.load %arg8[%swap3A_39, %swap3A_40, %swap3A_41] : memref<4x5000x128xf32, #tpu.memory_space<vmem>>, vector<1x5000x128xf32>
    %swap3A_43 = vector.shape_cast %swap3A_42 : vector<1x5000x128xf32> to vector<5000x128xf32>
    %swap3A_44 = vector.shape_cast %mul3A_38 : vector<5000x128xf32> to vector<1x5000x128xf32>
    tpu.vector_store %arg8[%swap3A_39, %swap3A_40, %swap3A_41], %swap3A_44 {strides = array<i32>} : memref<4x5000x128xf32, #tpu.memory_space<vmem>>, vector<1x5000x128xf32>,
    %slice3A_45 = vector.extract_strided_slice %tanh3A_28 {offsets = [0, 0], sizes = [5000, 128], strides = [1, 1]} : vector<5000x256xf32> to vector<5000x128xf32>
    %mul3A_46 = vector.broadcast %get3A_1 : vector<5000x1xf32> to vector<5000x128xf32>
    %mul3A_47 = arith.mulf %slice3A_45, %mul3A_46 : vector<5000x128xf32>
    %swap3A_48 = arith.constant 2 : index
    %swap3A_49 = arith.constant 0 : index
    %swap3A_50 = arith.constant 0 : index
    %swap3A_51 = vector.load %arg8[%swap3A_48, %swap3A_49, %swap3A_50] : memref<4x5000x128xf32, #tpu.memory_space<vmem>>, vector<1x5000x128xf32>
    %swap3A_52 = vector.shape_cast %swap3A_51 : vector<1x5000x128xf32> to vector<5000x128xf32>
    %swap3A_53 = vector.shape_cast %mul3A_47 : vector<5000x128xf32> to vector<1x5000x128xf32>
    tpu.vector_store %arg8[%swap3A_48, %swap3A_49, %swap3A_50], %swap3A_53 {strides = array<i32>} : memref<4x5000x128xf32, #tpu.memory_space<vmem>>, vector<1x5000x128xf32>,
    %slice3A_54 = vector.extract_strided_slice %tanh3A_28 {offsets = [0, 128], sizes = [5000, 128], strides = [1, 1]} : vector<5000x256xf32> to vector<5000x128xf32>
    %mul3A_55 = vector.broadcast %get3A_1 : vector<5000x1xf32> to vector<5000x128xf32>
    %mul3A_56 = arith.mulf %slice3A_54, %mul3A_55 : vector<5000x128xf32>
    %swap3A_57 = arith.constant 3 : index
    %swap3A_58 = arith.constant 0 : index
    %swap3A_59 = arith.constant 0 : index
    %swap3A_60 = vector.load %arg8[%swap3A_57, %swap3A_58, %swap3A_59] : memref<4x5000x128xf32, #tpu.memory_space<vmem>>, vector<1x5000x128xf32>
    %swap3A_61 = vector.shape_cast %swap3A_60 : vector<1x5000x128xf32> to vector<5000x128xf32>
    %swap3A_62 = vector.shape_cast %mul3A_56 : vector<5000x128xf32> to vector<1x5000x128xf32>
    tpu.vector_store %arg8[%swap3A_57, %swap3A_58, %swap3A_59], %swap3A_62 {strides = array<i32>} : memref<4x5000x128xf32, #tpu.memory_space<vmem>>, vector<1x5000x128xf32>,
    return
  }
  func.func @transform_0(%arg0: i32) -> (i32, i32) {
    %c0_i32 = arith.constant 0 : i32
    %c0_i32_0 = arith.constant 0 : i32
    return %arg0, %c0_i32 : i32, i32
  }
  func.func @transform_1(%arg0: i32) -> (i32, i32) {
    %add3A = arith.constant 2 : i32
    %add3A_0 = arith.addi %add3A, %arg0 : i32
    %c0_i32 = arith.constant 0 : i32
    %c0_i32_1 = arith.constant 0 : i32
    return %add3A_0, %c0_i32 : i32, i32
  }
  func.func @transform_2(%arg0: i32) -> (i32, i32) {
    %c0_i32 = arith.constant 0 : i32
    %c0_i32_0 = arith.constant 0 : i32
    return %arg0, %c0_i32 : i32, i32
  }
  func.func @transform_3(%arg0: i32) -> (i32, i32) {
    %c0_i32 = arith.constant 0 : i32
    %c0_i32_0 = arith.constant 0 : i32
    %c0_i32_1 = arith.constant 0 : i32
    return %c0_i32, %c0_i32_0 : i32, i32
  }
  func.func @transform_4(%arg0: i32) -> (i32, i32) {
    %c0_i32 = arith.constant 0 : i32
    %c0_i32_0 = arith.constant 0 : i32
    %c0_i32_1 = arith.constant 0 : i32
    return %c0_i32, %c0_i32_0 : i32, i32
  }
  func.func @transform_5(%arg0: i32) -> (i32, i32) {
    %c0_i32 = arith.constant 0 : i32
    %c0_i32_0 = arith.constant 0 : i32
    %c0_i32_1 = arith.constant 0 : i32
    return %c0_i32, %c0_i32_0 : i32, i32
  }
  func.func @transform_6(%arg0: i32) -> (i32, i32) {
    %c0_i32 = arith.constant 0 : i32
    %c0_i32_0 = arith.constant 0 : i32
    %c0_i32_1 = arith.constant 0 : i32
    return %c0_i32, %c0_i32_0 : i32, i32
  }
  func.func @transform_7(%arg0: i32) -> (i32, i32, i32) {
    %c0_i32 = arith.constant 0 : i32
    %c0_i32_0 = arith.constant 0 : i32
    %c0_i32_1 = arith.constant 0 : i32
    return %c0_i32, %arg0, %c0_i32_0 : i32, i32, i32
  }
}

module attributes {stable_mosaic.version = 14 : i64} {
  func.func @_tc3a_body(%arg0: i32, %arg1: memref<5000x128xf32, #tpu.memory_space<vmem>>, %arg2: memref<5000x128xf32, #tpu.memory_space<vmem>>, %arg3: memref<5000x128xf32, #tpu.memory_space<vmem>>, %arg4: memref<5000x128xf32, #tpu.memory_space<vmem>>, %arg5: memref<5000x128xf32, #tpu.memory_space<vmem>>, %arg6: memref<5000x16xf32, #tpu.memory_space<vmem>>, %arg7: memref<256x512xf32, #tpu.memory_space<vmem>>, %arg8: memref<1x512xf32, #tpu.memory_space<vmem>>, %arg9: memref<256x512xf32, #tpu.memory_space<vmem>>, %arg10: memref<1x512xf32, #tpu.memory_space<vmem>>, %arg11: memref<512x128xf32, #tpu.memory_space<vmem>>, %arg12: memref<128x128xf32, #tpu.memory_space<vmem>>, %arg13: memref<5000x128xf32, #tpu.memory_space<vmem>>, %arg14: memref<8x512xf32, #tpu.memory_space<vmem>>) attributes {dimension_semantics = [#tpu.dimension_semantics<arbitrary>], iteration_bounds = array<i64: 2>, scalar_prefetch = 0 : i64, scratch_operands = 0 : i64, tpu.core_type = #tpu.core_type<tc>, window_params = [{transform_indices = @transform_0, window_bounds = array<i64: 5000, 128>}, {transform_indices = @transform_1, window_bounds = array<i64: 5000, 128>}, {transform_indices = @transform_2, window_bounds = array<i64: 5000, 128>}, {transform_indices = @transform_3, window_bounds = array<i64: 5000, 128>}, {transform_indices = @transform_4, window_bounds = array<i64: 5000, 128>}, {transform_indices = @transform_5, window_bounds = array<i64: 5000, 16>}, {pipeline_mode = #tpu.pipeline_mode<synchronous>, transform_indices = @transform_6, window_bounds = array<i64: 256, 512>}, {pipeline_mode = #tpu.pipeline_mode<synchronous>, transform_indices = @transform_7, window_bounds = array<i64: 1, 512>}, {pipeline_mode = #tpu.pipeline_mode<synchronous>, transform_indices = @transform_8, window_bounds = array<i64: 256, 512>}, {pipeline_mode = #tpu.pipeline_mode<synchronous>, transform_indices = @transform_9, window_bounds = array<i64: 1, 512>}, {pipeline_mode = #tpu.pipeline_mode<synchronous>, transform_indices = @transform_10, window_bounds = array<i64: 512, 128>}, {pipeline_mode = #tpu.pipeline_mode<synchronous>, transform_indices = @transform_11, window_bounds = array<i64: 128, 128>}, {transform_indices = @transform_12, window_bounds = array<i64: 5000, 128>}, {pipeline_mode = #tpu.pipeline_mode<synchronous>, transform_indices = @transform_13, window_bounds = array<i64: 8, 512>}]} {
    %get3A = arith.constant 0 : index
    %get3A_0 = arith.constant 0 : index
    %get3A_1 = vector.load %arg6[%get3A, %get3A_0] : memref<5000x16xf32, #tpu.memory_space<vmem>>, vector<5000x1xf32>
    %get3A_2 = arith.constant 0 : index
    %get3A_3 = arith.constant 0 : index
    %get3A_4 = vector.load %arg1[%get3A_2, %get3A_3] : memref<5000x128xf32, #tpu.memory_space<vmem>>, vector<5000x128xf32>
    %mul3A = vector.broadcast %get3A_1 : vector<5000x1xf32> to vector<5000x128xf32>
    %mul3A_5 = arith.mulf %get3A_4, %mul3A : vector<5000x128xf32>
    %get3A_6 = arith.constant 0 : index
    %get3A_7 = arith.constant 0 : index
    %get3A_8 = vector.load %arg2[%get3A_6, %get3A_7] : memref<5000x128xf32, #tpu.memory_space<vmem>>, vector<5000x128xf32>
    %mul3A_9 = vector.broadcast %get3A_1 : vector<5000x1xf32> to vector<5000x128xf32>
    %mul3A_10 = arith.mulf %get3A_8, %mul3A_9 : vector<5000x128xf32>
    %concatenate3A = tpu.concatenate %mul3A_5, %mul3A_10 in 1 : vector<5000x128xf32>, vector<5000x128xf32> -> vector<5000x256xf32>
    %get3A_11 = arith.constant 0 : index
    %get3A_12 = arith.constant 0 : index
    %get3A_13 = vector.load %arg7[%get3A_11, %get3A_12] : memref<256x512xf32, #tpu.memory_space<vmem>>, vector<256x512xf32>
    %dot_general3A = arith.constant dense<0.000000e+00> : vector<5000x512xf32>
    %dot_general3A_14 = tpu.matmul %concatenate3A, %get3A_13, %dot_general3A {dimension_numbers = #tpu.dot_dimension_numbers<[1], [0], [0], [1], [0, 0, 1, 1], [], []>, transpose_lhs_hint = false} : vector<5000x256xf32>, vector<256x512xf32>, vector<5000x512xf32> -> vector<5000x512xf32>
    %get3A_15 = arith.constant 0 : index
    %get3A_16 = arith.constant 0 : index
    %get3A_17 = vector.load %arg8[%get3A_15, %get3A_16] : memref<1x512xf32, #tpu.memory_space<vmem>>, vector<1x512xf32>
    %add3A = vector.broadcast %get3A_17 : vector<1x512xf32> to vector<5000x512xf32>
    %add3A_18 = arith.addf %dot_general3A_14, %add3A : vector<5000x512xf32>
    %tanh3A = math.tanh %add3A_18 : vector<5000x512xf32>
    %reduce_max3A = arith.constant dense<0xFF800000> : vector<512xf32>
    %reduce_max3A_19 = vector.multi_reduction <maximumf>, %tanh3A, %reduce_max3A [0] : vector<5000x512xf32> to vector<512xf32>
    %broadcast_in_dim3A = vector.shape_cast %reduce_max3A_19 : vector<512xf32> to vector<1x512xf32>
    %broadcast_in_dim3A_20 = vector.shape_cast %broadcast_in_dim3A : vector<1x512xf32> to vector<1x512xf32>
    %broadcast_in_dim3A_21 = vector.broadcast %broadcast_in_dim3A_20 : vector<1x512xf32> to vector<8x512xf32>
    %eq3A = arith.constant 0 : i32
    %eq3A_22 = arith.cmpi eq, %arg0, %eq3A : i32
    %convert_element_type3A = arith.extui %eq3A_22 : i1 to i32
    %cond3A = arith.constant 0 : i32
    %cond3A_23 = arith.cmpi ne, %convert_element_type3A, %cond3A : i32
    scf.if %cond3A_23 {
      %swap3A_66 = arith.constant 0 : index
      %swap3A_67 = arith.constant 0 : index
      %swap3A_68 = vector.load %arg14[%swap3A_66, %swap3A_67] : memref<8x512xf32, #tpu.memory_space<vmem>>, vector<8x512xf32>
      tpu.vector_store %arg14[%swap3A_66, %swap3A_67], %broadcast_in_dim3A_21 {strides = array<i32>} : memref<8x512xf32, #tpu.memory_space<vmem>>, vector<8x512xf32>,
    } else {
    }
    %gt3A = arith.constant 0 : i32
    %gt3A_24 = arith.cmpi sgt, %arg0, %gt3A : i32
    %convert_element_type3A_25 = arith.extui %gt3A_24 : i1 to i32
    %cond3A_26 = arith.constant 0 : i32
    %cond3A_27 = arith.cmpi ne, %convert_element_type3A_25, %cond3A_26 : i32
    scf.if %cond3A_27 {
      %get3A_66 = arith.constant 0 : index
      %get3A_67 = arith.constant 0 : index
      %get3A_68 = vector.load %arg14[%get3A_66, %get3A_67] : memref<8x512xf32, #tpu.memory_space<vmem>>, vector<8x512xf32>
      %max3A = arith.maximumf %get3A_68, %broadcast_in_dim3A_21 : vector<8x512xf32>
      %swap3A_69 = arith.constant 0 : index
      %swap3A_70 = arith.constant 0 : index
      %swap3A_71 = vector.load %arg14[%swap3A_69, %swap3A_70] : memref<8x512xf32, #tpu.memory_space<vmem>>, vector<8x512xf32>
      tpu.vector_store %arg14[%swap3A_69, %swap3A_70], %max3A {strides = array<i32>} : memref<8x512xf32, #tpu.memory_space<vmem>>, vector<8x512xf32>,
    } else {
    }
    %get3A_28 = arith.constant 0 : index
    %get3A_29 = arith.constant 0 : index
    %get3A_30 = vector.load %arg3[%get3A_28, %get3A_29] : memref<5000x128xf32, #tpu.memory_space<vmem>>, vector<5000x128xf32>
    %mul3A_31 = vector.broadcast %get3A_1 : vector<5000x1xf32> to vector<5000x128xf32>
    %mul3A_32 = arith.mulf %get3A_30, %mul3A_31 : vector<5000x128xf32>
    %get3A_33 = arith.constant 0 : index
    %get3A_34 = arith.constant 0 : index
    %get3A_35 = vector.load %arg4[%get3A_33, %get3A_34] : memref<5000x128xf32, #tpu.memory_space<vmem>>, vector<5000x128xf32>
    %mul3A_36 = vector.broadcast %get3A_1 : vector<5000x1xf32> to vector<5000x128xf32>
    %mul3A_37 = arith.mulf %get3A_35, %mul3A_36 : vector<5000x128xf32>
    %concatenate3A_38 = tpu.concatenate %mul3A_32, %mul3A_37 in 1 : vector<5000x128xf32>, vector<5000x128xf32> -> vector<5000x256xf32>
    %get3A_39 = arith.constant 0 : index
    %get3A_40 = arith.constant 0 : index
    %get3A_41 = vector.load %arg9[%get3A_39, %get3A_40] : memref<256x512xf32, #tpu.memory_space<vmem>>, vector<256x512xf32>
    %dot_general3A_42 = arith.constant dense<0.000000e+00> : vector<5000x512xf32>
    %dot_general3A_43 = tpu.matmul %concatenate3A_38, %get3A_41, %dot_general3A_42 {dimension_numbers = #tpu.dot_dimension_numbers<[1], [0], [0], [1], [0, 0, 1, 1], [], []>, transpose_lhs_hint = false} : vector<5000x256xf32>, vector<256x512xf32>, vector<5000x512xf32> -> vector<5000x512xf32>
    %get3A_44 = arith.constant 0 : index
    %get3A_45 = arith.constant 0 : index
    %get3A_46 = vector.load %arg10[%get3A_44, %get3A_45] : memref<1x512xf32, #tpu.memory_space<vmem>>, vector<1x512xf32>
    %add3A_47 = vector.broadcast %get3A_46 : vector<1x512xf32> to vector<5000x512xf32>
    %add3A_48 = arith.addf %dot_general3A_43, %add3A_47 : vector<5000x512xf32>
    %tanh3A_49 = math.tanh %add3A_48 : vector<5000x512xf32>
    %get3A_50 = arith.constant 0 : index
    %get3A_51 = arith.constant 0 : index
    %get3A_52 = vector.load %arg11[%get3A_50, %get3A_51] : memref<512x128xf32, #tpu.memory_space<vmem>>, vector<512x128xf32>
    %dot_general3A_53 = arith.constant dense<0.000000e+00> : vector<5000x128xf32>
    %dot_general3A_54 = tpu.matmul %tanh3A_49, %get3A_52, %dot_general3A_53 {dimension_numbers = #tpu.dot_dimension_numbers<[1], [0], [0], [1], [0, 0, 1, 1], [], []>, transpose_lhs_hint = false} : vector<5000x512xf32>, vector<512x128xf32>, vector<5000x128xf32> -> vector<5000x128xf32>
    %get3A_55 = arith.constant 0 : index
    %get3A_56 = arith.constant 0 : index
    %get3A_57 = vector.load %arg5[%get3A_55, %get3A_56] : memref<5000x128xf32, #tpu.memory_space<vmem>>, vector<5000x128xf32>
    %get3A_58 = arith.constant 0 : index
    %get3A_59 = arith.constant 0 : index
    %get3A_60 = vector.load %arg12[%get3A_58, %get3A_59] : memref<128x128xf32, #tpu.memory_space<vmem>>, vector<128x128xf32>
    %dot_general3A_61 = arith.constant dense<0.000000e+00> : vector<5000x128xf32>
    %dot_general3A_62 = tpu.matmul %get3A_57, %get3A_60, %dot_general3A_61 {dimension_numbers = #tpu.dot_dimension_numbers<[1], [0], [0], [1], [0, 0, 1, 1], [], []>, transpose_lhs_hint = false} : vector<5000x128xf32>, vector<128x128xf32>, vector<5000x128xf32> -> vector<5000x128xf32>
    %add3A_63 = arith.addf %dot_general3A_54, %dot_general3A_62 : vector<5000x128xf32>
    %swap3A = arith.constant 0 : index
    %swap3A_64 = arith.constant 0 : index
    %swap3A_65 = vector.load %arg13[%swap3A, %swap3A_64] : memref<5000x128xf32, #tpu.memory_space<vmem>>, vector<5000x128xf32>
    tpu.vector_store %arg13[%swap3A, %swap3A_64], %add3A_63 {strides = array<i32>} : memref<5000x128xf32, #tpu.memory_space<vmem>>, vector<5000x128xf32>,
    return
  }
  func.func @transform_0(%arg0: i32) -> (i32, i32) {
    %add3A = arith.constant 0 : i32
    %add3A_0 = arith.addi %add3A, %arg0 : i32
    %c0_i32 = arith.constant 0 : i32
    %c0_i32_1 = arith.constant 0 : i32
    return %add3A_0, %c0_i32 : i32, i32
  }
  func.func @transform_1(%arg0: i32) -> (i32, i32) {
    %add3A = arith.constant 2 : i32
    %add3A_0 = arith.addi %add3A, %arg0 : i32
    %c0_i32 = arith.constant 0 : i32
    %c0_i32_1 = arith.constant 0 : i32
    return %add3A_0, %c0_i32 : i32, i32
  }
  func.func @transform_2(%arg0: i32) -> (i32, i32) {
    %add3A = arith.constant 4 : i32
    %add3A_0 = arith.addi %add3A, %arg0 : i32
    %c0_i32 = arith.constant 0 : i32
    %c0_i32_1 = arith.constant 0 : i32
    return %add3A_0, %c0_i32 : i32, i32
  }
  func.func @transform_3(%arg0: i32) -> (i32, i32) {
    %add3A = arith.constant 6 : i32
    %add3A_0 = arith.addi %add3A, %arg0 : i32
    %c0_i32 = arith.constant 0 : i32
    %c0_i32_1 = arith.constant 0 : i32
    return %add3A_0, %c0_i32 : i32, i32
  }
  func.func @transform_4(%arg0: i32) -> (i32, i32) {
    %c0_i32 = arith.constant 0 : i32
    %c0_i32_0 = arith.constant 0 : i32
    return %arg0, %c0_i32 : i32, i32
  }
  func.func @transform_5(%arg0: i32) -> (i32, i32) {
    %c0_i32 = arith.constant 0 : i32
    %c0_i32_0 = arith.constant 0 : i32
    return %arg0, %c0_i32 : i32, i32
  }
  func.func @transform_6(%arg0: i32) -> (i32, i32) {
    %c0_i32 = arith.constant 0 : i32
    %c0_i32_0 = arith.constant 0 : i32
    %c0_i32_1 = arith.constant 0 : i32
    return %c0_i32, %c0_i32_0 : i32, i32
  }
  func.func @transform_7(%arg0: i32) -> (i32, i32) {
    %c0_i32 = arith.constant 0 : i32
    %c0_i32_0 = arith.constant 0 : i32
    %c0_i32_1 = arith.constant 0 : i32
    return %c0_i32, %c0_i32_0 : i32, i32
  }
  func.func @transform_8(%arg0: i32) -> (i32, i32) {
    %c0_i32 = arith.constant 0 : i32
    %c0_i32_0 = arith.constant 0 : i32
    %c0_i32_1 = arith.constant 0 : i32
    return %c0_i32, %c0_i32_0 : i32, i32
  }
  func.func @transform_9(%arg0: i32) -> (i32, i32) {
    %c0_i32 = arith.constant 0 : i32
    %c0_i32_0 = arith.constant 0 : i32
    %c0_i32_1 = arith.constant 0 : i32
    return %c0_i32, %c0_i32_0 : i32, i32
  }
  func.func @transform_10(%arg0: i32) -> (i32, i32) {
    %c0_i32 = arith.constant 0 : i32
    %c0_i32_0 = arith.constant 0 : i32
    %c0_i32_1 = arith.constant 0 : i32
    return %c0_i32, %c0_i32_0 : i32, i32
  }
  func.func @transform_11(%arg0: i32) -> (i32, i32) {
    %c0_i32 = arith.constant 0 : i32
    %c0_i32_0 = arith.constant 0 : i32
    %c0_i32_1 = arith.constant 0 : i32
    return %c0_i32, %c0_i32_0 : i32, i32
  }
  func.func @transform_12(%arg0: i32) -> (i32, i32) {
    %c0_i32 = arith.constant 0 : i32
    %c0_i32_0 = arith.constant 0 : i32
    return %arg0, %c0_i32 : i32, i32
  }
  func.func @transform_13(%arg0: i32) -> (i32, i32) {
    %c0_i32 = arith.constant 0 : i32
    %c0_i32_0 = arith.constant 0 : i32
    %c0_i32_1 = arith.constant 0 : i32
    return %c0_i32, %c0_i32_0 : i32, i32
  }
}

module attributes {stable_mosaic.version = 14 : i64} {
  func.func @_tc3b_body(%arg0: i32, %arg1: memref<5000x128xf32, #tpu.memory_space<vmem>>, %arg2: memref<8x512xf32, #tpu.memory_space<vmem>>, %arg3: memref<512x128xf32, #tpu.memory_space<vmem>>, %arg4: memref<5000x16xf32, #tpu.memory_space<vmem>>, %arg5: memref<5000x128xf32, #tpu.memory_space<vmem>>) attributes {dimension_semantics = [#tpu.dimension_semantics<arbitrary>], iteration_bounds = array<i64: 2>, scalar_prefetch = 0 : i64, scratch_operands = 0 : i64, tpu.core_type = #tpu.core_type<tc>, window_params = [{transform_indices = @transform_0, window_bounds = array<i64: 5000, 128>}, {pipeline_mode = #tpu.pipeline_mode<synchronous>, transform_indices = @transform_1, window_bounds = array<i64: 8, 512>}, {pipeline_mode = #tpu.pipeline_mode<synchronous>, transform_indices = @transform_2, window_bounds = array<i64: 512, 128>}, {transform_indices = @transform_3, window_bounds = array<i64: 5000, 16>}, {transform_indices = @transform_4, window_bounds = array<i64: 5000, 128>}]} {
    %get3A = arith.constant 0 : index
    %get3A_0 = arith.constant 0 : index
    %get3A_1 = vector.load %arg2[%get3A, %get3A_0] : memref<8x512xf32, #tpu.memory_space<vmem>>, vector<1x512xf32>
    %get3A_2 = arith.constant 0 : index
    %get3A_3 = arith.constant 0 : index
    %get3A_4 = vector.load %arg3[%get3A_2, %get3A_3] : memref<512x128xf32, #tpu.memory_space<vmem>>, vector<512x128xf32>
    %dot_general3A = arith.constant dense<0.000000e+00> : vector<1x128xf32>
    %dot_general3A_5 = tpu.matmul %get3A_1, %get3A_4, %dot_general3A {dimension_numbers = #tpu.dot_dimension_numbers<[1], [0], [0], [1], [0, 0, 1, 1], [], []>, transpose_lhs_hint = false} : vector<1x512xf32>, vector<512x128xf32>, vector<1x128xf32> -> vector<1x128xf32>
    %get3A_6 = arith.constant 0 : index
    %get3A_7 = arith.constant 0 : index
    %get3A_8 = vector.load %arg1[%get3A_6, %get3A_7] : memref<5000x128xf32, #tpu.memory_space<vmem>>, vector<5000x128xf32>
    %add3A = vector.broadcast %dot_general3A_5 : vector<1x128xf32> to vector<5000x128xf32>
    %add3A_9 = arith.addf %get3A_8, %add3A : vector<5000x128xf32>
    %get3A_10 = arith.constant 0 : index
    %get3A_11 = arith.constant 0 : index
    %get3A_12 = vector.load %arg4[%get3A_10, %get3A_11] : memref<5000x16xf32, #tpu.memory_space<vmem>>, vector<5000x1xf32>
    %mul3A = vector.broadcast %get3A_12 : vector<5000x1xf32> to vector<5000x128xf32>
    %mul3A_13 = arith.mulf %add3A_9, %mul3A : vector<5000x128xf32>
    %swap3A = arith.constant 0 : index
    %swap3A_14 = arith.constant 0 : index
    %swap3A_15 = vector.load %arg5[%swap3A, %swap3A_14] : memref<5000x128xf32, #tpu.memory_space<vmem>>, vector<5000x128xf32>
    tpu.vector_store %arg5[%swap3A, %swap3A_14], %mul3A_13 {strides = array<i32>} : memref<5000x128xf32, #tpu.memory_space<vmem>>, vector<5000x128xf32>,
    return
  }
  func.func @transform_0(%arg0: i32) -> (i32, i32) {
    %c0_i32 = arith.constant 0 : i32
    %c0_i32_0 = arith.constant 0 : i32
    return %arg0, %c0_i32 : i32, i32
  }
  func.func @transform_1(%arg0: i32) -> (i32, i32) {
    %c0_i32 = arith.constant 0 : i32
    %c0_i32_0 = arith.constant 0 : i32
    %c0_i32_1 = arith.constant 0 : i32
    return %c0_i32, %c0_i32_0 : i32, i32
  }
  func.func @transform_2(%arg0: i32) -> (i32, i32) {
    %c0_i32 = arith.constant 0 : i32
    %c0_i32_0 = arith.constant 0 : i32
    %c0_i32_1 = arith.constant 0 : i32
    return %c0_i32, %c0_i32_0 : i32, i32
  }
  func.func @transform_3(%arg0: i32) -> (i32, i32) {
    %c0_i32 = arith.constant 0 : i32
    %c0_i32_0 = arith.constant 0 : i32
    return %arg0, %c0_i32 : i32, i32
  }
  func.func @transform_4(%arg0: i32) -> (i32, i32) {
    %c0_i32 = arith.constant 0 : i32
    %c0_i32_0 = arith.constant 0 : i32
    return %arg0, %c0_i32 : i32, i32
  }
}

module attributes {stable_mosaic.version = 14 : i64} {
  func.func @_tc4_body(%arg0: i32, %arg1: memref<5000x128xf32, #tpu.memory_space<vmem>>, %arg2: memref<5000x128xf32, #tpu.memory_space<vmem>>, %arg3: memref<5000x16xf32, #tpu.memory_space<vmem>>, %arg4: memref<1x128xf32, #tpu.memory_space<vmem>>, %arg5: memref<5000x128xf32, #tpu.memory_space<vmem>>) attributes {dimension_semantics = [#tpu.dimension_semantics<arbitrary>], iteration_bounds = array<i64: 2>, scalar_prefetch = 0 : i64, scratch_operands = 0 : i64, tpu.core_type = #tpu.core_type<tc>, window_params = [{transform_indices = @transform_0, window_bounds = array<i64: 5000, 128>}, {transform_indices = @transform_1, window_bounds = array<i64: 5000, 128>}, {transform_indices = @transform_2, window_bounds = array<i64: 5000, 16>}, {pipeline_mode = #tpu.pipeline_mode<synchronous>, transform_indices = @transform_3, window_bounds = array<i64: 1, 128>}, {transform_indices = @transform_4, window_bounds = array<i64: 5000, 128>}]} {
    %get3A = arith.constant 0 : index
    %get3A_0 = arith.constant 0 : index
    %get3A_1 = vector.load %arg1[%get3A, %get3A_0] : memref<5000x128xf32, #tpu.memory_space<vmem>>, vector<5000x128xf32>
    %get3A_2 = arith.constant 0 : index
    %get3A_3 = arith.constant 0 : index
    %get3A_4 = vector.load %arg2[%get3A_2, %get3A_3] : memref<5000x128xf32, #tpu.memory_space<vmem>>, vector<5000x128xf32>
    %add3A = arith.addf %get3A_1, %get3A_4 : vector<5000x128xf32>
    %get3A_5 = arith.constant 0 : index
    %get3A_6 = arith.constant 0 : index
    %get3A_7 = vector.load %arg3[%get3A_5, %get3A_6] : memref<5000x16xf32, #tpu.memory_space<vmem>>, vector<5000x1xf32>
    %mul3A = vector.broadcast %get3A_7 : vector<5000x1xf32> to vector<5000x128xf32>
    %mul3A_8 = arith.mulf %add3A, %mul3A : vector<5000x128xf32>
    %get3A_9 = arith.constant 0 : index
    %get3A_10 = arith.constant 0 : index
    %get3A_11 = vector.load %arg4[%get3A_9, %get3A_10] : memref<1x128xf32, #tpu.memory_space<vmem>>, vector<1x128xf32>
    %add3A_12 = vector.broadcast %get3A_11 : vector<1x128xf32> to vector<5000x128xf32>
    %add3A_13 = arith.addf %mul3A_8, %add3A_12 : vector<5000x128xf32>
    %tanh3A = math.tanh %add3A_13 : vector<5000x128xf32>
    %swap3A = arith.constant 0 : index
    %swap3A_14 = arith.constant 0 : index
    %swap3A_15 = vector.load %arg5[%swap3A, %swap3A_14] : memref<5000x128xf32, #tpu.memory_space<vmem>>, vector<5000x128xf32>
    tpu.vector_store %arg5[%swap3A, %swap3A_14], %tanh3A {strides = array<i32>} : memref<5000x128xf32, #tpu.memory_space<vmem>>, vector<5000x128xf32>,
    return
  }
  func.func @transform_0(%arg0: i32) -> (i32, i32) {
    %c0_i32 = arith.constant 0 : i32
    %c0_i32_0 = arith.constant 0 : i32
    return %arg0, %c0_i32 : i32, i32
  }
  func.func @transform_1(%arg0: i32) -> (i32, i32) {
    %add3A = arith.constant 2 : i32
    %add3A_0 = arith.addi %add3A, %arg0 : i32
    %c0_i32 = arith.constant 0 : i32
    %c0_i32_1 = arith.constant 0 : i32
    return %add3A_0, %c0_i32 : i32, i32
  }
  func.func @transform_2(%arg0: i32) -> (i32, i32) {
    %c0_i32 = arith.constant 0 : i32
    %c0_i32_0 = arith.constant 0 : i32
    return %arg0, %c0_i32 : i32, i32
  }
  func.func @transform_3(%arg0: i32) -> (i32, i32) {
    %c0_i32 = arith.constant 0 : i32
    %c0_i32_0 = arith.constant 0 : i32
    %c0_i32_1 = arith.constant 0 : i32
    return %c0_i32, %c0_i32_0 : i32, i32
  }
  func.func @transform_4(%arg0: i32) -> (i32, i32) {
    %c0_i32 = arith.constant 0 : i32
    %c0_i32_0 = arith.constant 0 : i32
    return %arg0, %c0_i32 : i32, i32
  }
}

</mosaic_0001>

<sc_bundles>
// kernel: kernel.11.cloned.1.call-start
scs
__scs_entry_jumppad:
0x0: {  	(pc) =	sbr.rel $0x88, $3  }
0x1: {  	(tag) =	ssettag $0x0;
	lr =	simm.s32 $0x1  }
0x2: {  	[smem:$0x3F95] =	sst lr;
	_ =	strace $0xD0000000  }
0x3: {  	_ = 	snop  }
0x4: {  	_ = 	snop  }
0x5: {  	_ = 	snop  }
0x6: {  	_ = 	snop  }
0x7: {  	_ = 	snop  }
__scs_overlays_trampoline_lowered:
0x8: {  	[smem:$0x3FA4] =	sst s0  }
0x9: {  	[smem:$0x3FA5] =	sst s1  }
0xa: {  	[smem:$0x3FA6] =	sst s2  }
0xb: {  	[smem:$0x3FA7] =	sst s3  }
0xc: {  	[smem:$0x3FA8] =	sst s4  }
0xd: {  	[smem:$0x3FA9] =	sst s5  }
0xe: {  	[smem:$0x3FAA] =	sst s6  }
0xf: {  	[smem:$0x3FAB] =	sst s7  }
0x10: {  	[smem:$0x3FAC] =	sst s8  }
0x11: {  	[smem:$0x3FAD] =	sst s9;
	s0 =	simm.s32 @!p0 $0x0  }
0x12: {  	s1 =	sld [smem:$0x3F93];
	s0 =	simm.s32 @p0 $0x1  }
0x13: {  	[smem:$0x3FAE] =	sst s0;
	s0 =	simm.s32 @!p1 $0x0  }
0x14: {  	s2 =	sld [smem:$0x3F92];
	s0 =	simm.s32 @p1 $0x1  }
0x15: {  	[smem:$0x3FAF] =	sst s0;
	s0 =	simm.s32 @!p2 $0x0  }
0x16: {  	s3 =	sld [smem:$0x3FDB];
	s0 =	simm.s32 @p2 $0x1  }
0x17: {  	s4 =	simm.s32 $0x1BF5;
	[smem:$0x3FB1] =	sst s0  }
0x18: {  	s0 =	sld [smem:$0x3F94];
	_ =	swait.ge [sflag:s4], $0x0  }
0x19: {  	s7 =	sld [smem:$0x3F95]  }
0x1a: {  	s8 =	sadd.s32 $0xFFFFE003, lr  }
0x1b: {  	s9 =	sadd.s32 $0xFFFFFEF7, lr;
	s5 =	simm.s32 $0xFFFFFFFF;
	p2 =	slt.u32 s8, $0xFFFFF086  }
0x1c: {  	p1 =	slt.u32 s9, $0xF7A;
	s5 =	simm.s32 @!p2 $0x0  }
0x1d: {  	s5 =	simm.s32 @p1 $0x1;
	p0 =	seq.s32 s7, s2  }
0x1e: {  	s7 =	smul.u32 @!p0 $0xF7A, s2;
	p2 =	seq.s32 @!p0 s5, $0x0  }
0x1f: {  	s9 =	smul.u32 $0xF7A, s1;
	s8 =	simm.s32 @!p0 $0x1BF5;
	p2 =	por !p2, p0  }
0x20: {  	[sflag:s8] =	ssyncset.s32 @!p0 $0xFFFFF086;
	s6 =	sadd.s32 @!p0 s3, s7;
	s7 =	simm.s32 @!p0 $0x108  }
0x21: {  	s3 =	sadd.s32 s3, s9;
	s6 =	sadd.s32 @!p0 $0x88, s6;
	s7 =	simm.s32 @p2 $0x1082  }
0x22: {  	[simem:s7], [sflag:s8] =	dma.local @!p0 [hbm:s6], $0xF7A  }
0x23: {  	s9 =	sor.u32 $0xD0000000, s2;
	s6 =	simm.s32 $0x108;
	_ =	swait.ge @!p0 [sflag:s8], $0x0  }
0x24: {  	s3 =	sadd.s32 $0x88, s3;
	s6 =	simm.s32 @!p1 $0x1082;
	[sflag:s4] =	ssyncset.s32 $0xFFFFF086  }
0x25: {  	[simem:s6], [sflag:s4] =	dma.local [hbm:s3], $0xF7A  }
0x26: {  	[smem:$0x3F95] =	sst s1;
	(tag) =	ssettag s2;
	_ =	strace s9  }
0x27: {  	s1 =	sld [smem:$0x3FA5]  }
0x28: {  	s2 =	sld [smem:$0x3FA6]  }
0x29: {  	s4 =	sld [smem:$0x3FA8]  }
0x2a: {  	p0 =	seq.s32 s5, $0x0;
	s5 =	sld [smem:$0x3FA9]  }
0x2b: {  	s6 =	sld [smem:$0x3FAA]  }
0x2c: {  	s7 =	sld [smem:$0x3FAB]  }
0x2d: {  	s3 =	simm.s32 $0x108;
	s8 =	sld [smem:$0x3FAC]  }
0x2e: {  	s3 =	simm.s32 @!p0 $0x1082;
	s9 =	sld [smem:$0x3FAD]  }
0x2f: {  	lr =	sadd.s32 s0, s3;
	s0 =	sld [smem:$0x3FA4]  }
0x30: {  	s3 =	sld [smem:$0x3FA7]  }
0x31: {  	[smem:$0x3FB0] =	sst s10  }
0x32: {  	s10 =	sld [smem:$0x3FAE];
	_ =	sdelay $0x3  }
0x33: {  	p0 =	seq.s32 s10, $0x1;
	s10 =	sld [smem:$0x3FB0];
	_ =	sdelay $0x3  }
0x34: {  	[smem:$0x3FB0] =	sst s10  }
0x35: {  	s10 =	sld [smem:$0x3FAF];
	_ =	sdelay $0x3  }
0x36: {  	p1 =	seq.s32 s10, $0x1;
	s10 =	sld [smem:$0x3FB0];
	_ =	sdelay $0x3  }
0x37: {  	[smem:$0x3FB0] =	sst s10  }
0x38: {  	s10 =	sld [smem:$0x3FB1]  }
0x39: {  	_ = 	snop;
	(pc) =	sbr.ind lr, $3  }
0x3a: {  	_ = 	snop  }
0x3b: {  	_ = 	snop  }
0x3c: {  	p2 =	seq.s32 s10, $0x1;
	s10 =	sld [smem:$0x3FB0]  }
0x3d: {  	_ =	shalt  }
0x3e: {  	_ =	shalt  }
0x3f: {  	_ =	shalt  }
0x40: {  	_ =	shalt  }
0x41: {  	_ =	shalt  }
0x42: {  	_ =	shalt  }
0x43: {  	_ =	shalt  }
0x44: {  	_ =	shalt  }
0x45: {  	_ =	shalt  }
0x46: {  	_ =	shalt  }
0x47: {  	_ =	shalt  }
0x48: {  	_ =	shalt  }
0x49: {  	_ =	shalt  }
0x4a: {  	_ =	shalt  }
0x4b: {  	_ =	shalt  }
0x4c: {  	_ =	shalt  }
0x4d: {  	_ =	shalt  }
0x4e: {  	_ =	shalt  }
0x4f: {  	_ =	shalt  }
0x50: {  	_ =	shalt  }
0x51: {  	_ =	shalt  }
0x52: {  	_ =	shalt  }
0x53: {  	_ =	shalt  }
0x54: {  	_ =	shalt  }
0x55: {  	_ =	shalt  }
0x56: {  	_ =	shalt  }
0x57: {  	_ =	shalt  }
0x58: {  	_ =	shalt  }
0x59: {  	_ =	shalt  }
0x5a: {  	_ =	shalt  }
0x5b: {  	_ =	shalt  }
0x5c: {  	_ =	shalt  }
0x5d: {  	_ =	shalt  }
0x5e: {  	_ =	shalt  }
0x5f: {  	_ =	shalt  }
0x60: {  	_ =	shalt  }
0x61: {  	_ =	shalt  }
0x62: {  	_ =	shalt  }
0x63: {  	_ =	shalt  }
0x64: {  	_ =	shalt  }
0x65: {  	_ =	shalt  }
0x66: {  	_ =	shalt  }
0x67: {  	_ =	shalt  }
0x68: {  	_ =	shalt  }
0x69: {  	_ =	shalt  }
0x6a: {  	_ =	shalt  }
0x6b: {  	_ =	shalt  }
0x6c: {  	_ =	shalt  }
0x6d: {  	_ =	shalt  }
0x6e: {  	_ =	shalt  }
0x6f: {  	_ =	shalt  }
0x70: {  	_ =	shalt  }
0x71: {  	_ =	shalt  }
0x72: {  	_ =	shalt  }
0x73: {  	_ =	shalt  }
0x74: {  	_ =	shalt  }
0x75: {  	_ =	shalt  }
0x76: {  	_ =	shalt  }
0x77: {  	_ =	shalt  }
0x78: {  	_ =	shalt  }
0x79: {  	_ =	shalt  }
0x7a: {  	_ =	shalt  }
0x7b: {  	_ =	shalt  }
0x7c: {  	_ =	shalt  }
0x7d: {  	_ =	shalt  }
0x7e: {  	_ =	shalt  }
0x7f: {  	_ =	shalt  }
0x80: {  	_ =	shalt  }
0x81: {  	_ =	shalt  }
0x82: {  	_ =	shalt  }
0x83: {  	_ =	shalt  }
0x84: {  	_ =	shalt  }
0x85: {  	_ =	shalt  }
0x86: {  	_ =	shalt  }
0x87: {  	_ =	shalt  }
.Lfunc_end0:
.L_simem_size_0:
called_computation_lowered:
.L_overlay_start_0:
0x88: {  	s2 =	sld [smem:$0x3FD9]  }
0x89: {  	s3 =	sld [smem:$0x3FFE];
	_ =	sdelay $0x1  }
0x8a: {  	s1 =	srdreg.scid  }
0x8b: {  	s0 =	sand.u32 $0x1, s1  }
0x8c: {  	s17 =	sshll.u32 s0, $0xA;
	s2 =	sadd.s32 s3, s2  }
0x8d: {  	s2 =	sadd.s32 s2, s17  }
0x8e: {  	[smem:$0x3FBC] =	sst s2  }
0x8f: {  	_ = 	snop  }
0x90: {  	s2 =	sld [smem:$0x3FD0];
	(tm) =	ssettm $0x1  }
0x91: {  	s18 =	sld [smem:$0x3FFB];
	_ =	sdelay $0x3  }
0x92: {  	_ =	strace s18  }
0x93: {  	s3 =	sld [smem:$0x3FFC];
	_ =	sdelay $0x3  }
0x94: {  	_ =	strace s3  }
0x95: {  	s3 =	sld [smem:$0x3FFD];
	_ =	sdelay $0x3  }
0x96: {  	_ =	strace s3  }
0x97: {  	_ =	strace $0x8FFFFFFF  }
0x98: {  	s19 =	sld [smem:$0x3FDB];
	_ =	sdelay $0x1  }
0x99: {  	s4 =	simm.s32 $_scs_section_size  }
0x9a: {  	s5 =	simm.s32 $_size__tile_overlayer_lowered;
	s6 =	simm.s32 $_tile_overlayer_lowered  }
0x9b: {  	s22 =	simm.s32 $0x1BFF;
	s21 =	sshll.u32 s6, $0x1;
	s3 =	sadd.s32 s4, s19  }
0x9c: {  	s7 =	simm.s32 $0x0;
	s20 =	sshll.u32 s5, $0x1;
	s5 =	sadd.s32 s21, s3  }
0x9d: {  	[timem:s7], [sflag:s22] =	dma.local [hbm:s5], s20  }
0x9e: {  	_ =	swait.ge [sflag:s22], s20  }
0x9f: {  	s4 =	ssub.s32 $0x0, s20;
	[sflag:s22] =	ssyncset.done $0x0  }
0xa0: {  	[sflag:s22] =	ssyncadd.s32 s4;
	_ =	sdelay $0x1  }
0xa1: {  	s23 =	simm.s32 $0x1B8B  }
0xa2: {  	_ =	swait.ge [sflag:s23], $0x1  }
0xa3: {  	[sflag:s23] =	ssyncset.done $0x0  }
0xa4: {  	s25 =	simm.s32 $0x1B8E;
	s24 =	sld [smem:$0x3FFE];
	[sflag:s23] =	ssyncadd.s32 $0xFFFFFFFF  }
0xa5: {  	s26 =	simm.s32 $execute0_lowered;
	[smem:$0x3FD2] =	sst s25  }
0xa6: {  	s5 =	sshll.u32 s26, $0x1;
	_ =	strace $0x80000046;
	[dreg:$0x1] =	wrdreg $0xFFFFFFFF  }
0xa7: {  	s28 =	simm.s32 $_size_execute0_lowered;
	s3 =	sadd.s32 s3, s5;
	[dreg:$0x0] =	wrdreg $0x0  }
0xa8: {  	s5 =	sshll.u32 s28, $0x1;
	[dreg:$0x2] =	wrdreg s3  }
0xa9: {  	[dreg:$0x3] =	wrdreg s5  }
0xaa: {  	[dreg:$0x4] =	wrdreg $0xC0  }
0xab: {  	_ =	task [dreg:s7], $0x5FFFF  }
0xac: {  	[dreg:$0x1] =	wrdreg $0xFFFFFFFF  }
0xad: {  	[dreg:$0x0] =	wrdreg $0x60  }
0xae: {  	[dreg:$0x2] =	wrdreg s24  }
0xaf: {  	[dreg:$0x3] =	wrdreg s2  }
0xb0: {  	[dreg:$0x4] =	wrdreg $0x7A800  }
0xb1: {  	[dreg:$0x5] =	wrdreg $0x9  }
0xb2: {  	_ =	task.clear_ibuf [dreg:s7], $0x6FFFF;
	_ =	strace $0x90000046  }
0xb3: {  	s29 =	simm.s32 $0x9;
	_ =	strace $0x80000048  }
0xb4: {  	_ =	swait.ge [sflag:s29], $0x1  }
0xb5: {  	[sflag:s29] =	ssyncadd.s32 $0xFFFFFFFF  }
0xb6: {  	_ =	strace $0x90000048  }
0xb7: {  	_ =	sfence  }
0xb8: {  	s30 =	sld [smem:$0x0];
	_ =	sdelay $0x2  }
0xb9: {  	s31 =	sshll.u32 s1, $0xD;
	s1 =	sshrl.u32 s1, $0x2  }
0xba: {  	s3 =	sand.u32 $0x4000, s31;
	s1 =	sadd.s32 s1, s30  }
0xbb: {  	s0 =	sor.u32 s3, s0;
	s1 =	sshll.u32 s1, $0x11  }
0xbc: {  	s0 =	sor.u32 s1, s0  }
0xbd: {  	s0 =	sadd.s32 $0x8F2B, s0  }
0xbe: {  	[sflag:s0] =	ssyncadd.remote.s32 $0x1  }
0xbf: {  	_ =	sfence.sel $0xFFFF  }
0xc0: {  	[dreg:$0x0] =	wrdreg $0xFFFFFFFF;
	(pc) =	sbr.abs _section_cstart, $3  }
0xc1: {  	[dreg:$0x1] =	wrdreg $0xFFFFFFFF  }
0xc2: {  	_ =	task.clear_ibuf [dreg:s7], $0x2FFFF;
	_ =	strace $0x9FFFFFFF  }
0xc3: {  	(tm) =	ssettm $0x7FFFFFFF  }
tec
execute0_lowered:
.L_overlay_start_1:
0x0: {  	(tag) =	ssettag $0x1  }
0x1: {  	s1 =	rddreg [dreg:$0x0]  }
0x2: {  	s0 =	srdreg.scid;
	s21 =	rddreg [dreg:$0x1]  }
0x3: {  	s8 =	stileid.u32;
	s5 =	rddreg [dreg:$0x2]  }
0x4: {  	s23 =	simm.s32 $0x1;
	s24 =	simm.s32 $0x2800;
	s6 =	smul.u32 $0xA000, s8  }
0x5: {  	s25 =	simm.s32 $0x0;
	s0 =	sand.u32 $0x1, s0;
	s19 =	smul.u32 $0x280, s8  }
0x6: {  	s2 =	sshll.u32 s0, $0x4;
	s4 =	ssub.s32 $0x2, s0;
	s0 =	smul.u32 $0x2800, s0  }
0x7: {  	s3 =	sor.u32 s8, s2;
	s2 =	simm.s32 $0x0;
	s7 =	sshrl.u32 s4, $0x1  }
0x8: {  	s31 =	sshrl.u32 s6, $0x2;
	s3 =	smul.u32 $0x500, s3;
	[smem:$0x7FF] =	sst s2  }
0x9: {  	s22 =	ssub.s32 s4, s7;
	s4 =	sadd.s32 s31, s5;
	s5 =	sadd.s32 s19, s5  }
0xa: {  	s0 =	sadd.s32 s19, s0;
	_ =	strace $0x80000047;
	s6 =	sadd.s32 $0x2800, s5  }
0xb: {  	s7 =	sadd.s32 $0x5000, s5;
	s8 =	sadd.s32 $0x7800, s5;
	s9 =	sadd.s32 $0xA000, s5  }
0xc: {  	s10 =	sadd.s32 $0xC800, s5;
	s11 =	sadd.s32 $0xF000, s5;
	s12 =	sadd.s32 $0x11800, s5  }
0xd: {  	s13 =	sadd.s32 $0x14000, s5;
	s14 =	sadd.s32 $0x16800, s5;
	s15 =	sadd.s32 $0x19000, s5  }
0xe: {  	s16 =	sadd.s32 $0x1B800, s5;
	s17 =	sadd.s32 $0x1E000, s5;
	s18 =	sadd.s32 $0x20800, s5  }
0xf: {  	s19 =	sadd.s32 $0x23000, s5;
	s20 =	sadd.s32 $0x25800, s5;
	s0 =	sshrl.u32 s0, $0x3  }
0x10: {  	s22 =	smax.u32 s22, $0x1;
	s1 =	sadd.s32 s3, s1;
	s21 =	sadd.s32 s21, s0  }
0x11: {  	v0 =	vimm.f32 $0.0e+00;
	v1 =	vimm.f32 $1.000000000e+00;
	s0 =	simm.s32 $0x7800;
	s3 =	sadd.s32 $0x3600, s1;
	s1 =	simm.s32 $0x7580  }
.LBB2_1:
0x12: {  	[tilespmem:s2], [sflag:$0x1] =	stream.linear.gather [hbm4b:s3+s2], $0x2800, $0x38;
	[tilespmem:$0xA280] =	vst v63  }
0x13: {  	_ =	swait.ge [sflag:s23], $0x2800  }
0x14: {  	[sflag:s23] =	ssyncset.done $0x0  }
0x15: {  	s26 =	simm.s32 $0x0;
	[sflag:s23] =	ssyncadd.s32 $0xFFFFD800  }
.LBB2_2:
0x16: {  	p0 =	sne.s32 s26, $0x9FC0  }
.Ltmp0:
0x17: {  	_ = 	snop;
	(pc) =	sbr.rel @p0 .LBB2_2-.Ltmp0, $3  }
0x18: {  	_ =	sdelay $0x1  }
0x19: {  	s28 =	sshra.s32 s26, $0x2  }
0x1a: {  	s26 =	sadd.s32 $0x40, s26;
	[tilespmem:s28+$0x2800] =	vst v0  }
0x1b: {  	s28 =	simm.s32 $0x0;
	s26 =	simm.s32 $0x40  }
.LBB2_4:
0x1c: {  	p0 =	sne.s32 s26, $0x9FC0;
	v2 =	vld [tilespmem:s28+$0x0];
	_ =	sdelay $0x3  }
.Ltmp1:
0x1d: {  	(pc) =	sbr.rel @p0 .LBB2_4-.Ltmp1, $2  }
0x1e: {  	_ =	sdelay $0x2  }
0x1f: {  	s28 =	sshra.s32 s26, $0x2;
	s26 =	sadd.s32 $0x40, s26;
	[tilespmem:v2+s24+$0x0] =	vst.idx.add.f32.msk $0xffff, v1  }
0x20: {  	v2 =	vld [tilespmem:s28+$0x0];
	_ =	sdelay $0x7  }
0x21: {  	[tilespmem:v2+s24+$0x0] =	vst.idx.add.f32.msk $0xffff, v1  }
0x22: {  	[spmem:s4] =	stream.linear.scatter [tilespmem:s24], [sflag:$0x1], $0x2800, $0x38;
	[tilespmem:$0xA280] =	vst v63  }
0x23: {  	_ =	swait.ge [sflag:s23], $0x2800  }
0x24: {  	[sflag:s23] =	ssyncset.done $0x0  }
0x25: {  	[sflag:s23] =	ssyncadd.s32 $0xFFFFD800  }
0x26: {  	s26 =	simm.s32 $0x5000;
	[bflag:$0x0] =	sbarrier.arrive $0xFFFF  }
0x27: {  	[tilespmem:s26], [sflag:$0x1] =	stream.linear.gather [spmem:s5], $0x280, $0x38;
	[tilespmem:$0xA280] =	vst v63  }
0x28: {  	_ =	swait.ge [sflag:s23], $0x280  }
0x29: {  	[sflag:s23] =	ssyncset.done $0x0  }
0x2a: {  	s28 =	simm.s32 $0x5280;
	[sflag:s23] =	ssyncadd.s32 $0xFFFFFD80  }
0x2b: {  	[tilespmem:s28], [sflag:$0x1] =	stream.linear.gather [spmem:s6], $0x280, $0x38;
	[tilespmem:$0xA280] =	vst v63  }
0x2c: {  	_ =	swait.ge [sflag:s23], $0x280  }
0x2d: {  	[sflag:s23] =	ssyncset.done $0x0  }
0x2e: {  	s28 =	simm.s32 $0x5500;
	[sflag:s23] =	ssyncadd.s32 $0xFFFFFD80  }
0x2f: {  	[tilespmem:s28], [sflag:$0x1] =	stream.linear.gather [spmem:s7], $0x280, $0x38;
	[tilespmem:$0xA280] =	vst v63  }
0x30: {  	_ =	swait.ge [sflag:s23], $0x280  }
0x31: {  	[sflag:s23] =	ssyncset.done $0x0  }
0x32: {  	s28 =	simm.s32 $0x5780;
	[sflag:s23] =	ssyncadd.s32 $0xFFFFFD80  }
0x33: {  	[tilespmem:s28], [sflag:$0x1] =	stream.linear.gather [spmem:s8], $0x280, $0x38;
	[tilespmem:$0xA280] =	vst v63  }
0x34: {  	_ =	swait.ge [sflag:s23], $0x280  }
0x35: {  	[sflag:s23] =	ssyncset.done $0x0  }
0x36: {  	s28 =	simm.s32 $0x5A00;
	[sflag:s23] =	ssyncadd.s32 $0xFFFFFD80  }
0x37: {  	[tilespmem:s28], [sflag:$0x1] =	stream.linear.gather [spmem:s9], $0x280, $0x38;
	[tilespmem:$0xA280] =	vst v63  }
0x38: {  	_ =	swait.ge [sflag:s23], $0x280  }
0x39: {  	[sflag:s23] =	ssyncset.done $0x0  }
0x3a: {  	s28 =	simm.s32 $0x5C80;
	[sflag:s23] =	ssyncadd.s32 $0xFFFFFD80  }
0x3b: {  	[tilespmem:s28], [sflag:$0x1] =	stream.linear.gather [spmem:s10], $0x280, $0x38;
	[tilespmem:$0xA280] =	vst v63  }
0x3c: {  	_ =	swait.ge [sflag:s23], $0x280  }
0x3d: {  	[sflag:s23] =	ssyncset.done $0x0  }
0x3e: {  	s28 =	simm.s32 $0x5F00;
	[sflag:s23] =	ssyncadd.s32 $0xFFFFFD80  }
0x3f: {  	[tilespmem:s28], [sflag:$0x1] =	stream.linear.gather [spmem:s11], $0x280, $0x38;
	[tilespmem:$0xA280] =	vst v63  }
0x40: {  	_ =	swait.ge [sflag:s23], $0x280  }
0x41: {  	[sflag:s23] =	ssyncset.done $0x0  }
0x42: {  	s28 =	simm.s32 $0x6180;
	[sflag:s23] =	ssyncadd.s32 $0xFFFFFD80  }
0x43: {  	[tilespmem:s28], [sflag:$0x1] =	stream.linear.gather [spmem:s12], $0x280, $0x38;
	[tilespmem:$0xA280] =	vst v63  }
0x44: {  	_ =	swait.ge [sflag:s23], $0x280  }
0x45: {  	[sflag:s23] =	ssyncset.done $0x0  }
0x46: {  	s28 =	simm.s32 $0x6400;
	[sflag:s23] =	ssyncadd.s32 $0xFFFFFD80  }
0x47: {  	[tilespmem:s28], [sflag:$0x1] =	stream.linear.gather [spmem:s13], $0x280, $0x38;
	[tilespmem:$0xA280] =	vst v63  }
0x48: {  	_ =	swait.ge [sflag:s23], $0x280  }
0x49: {  	[sflag:s23] =	ssyncset.done $0x0  }
0x4a: {  	s28 =	simm.s32 $0x6680;
	[sflag:s23] =	ssyncadd.s32 $0xFFFFFD80  }
0x4b: {  	[tilespmem:s28], [sflag:$0x1] =	stream.linear.gather [spmem:s14], $0x280, $0x38;
	[tilespmem:$0xA280] =	vst v63  }
0x4c: {  	_ =	swait.ge [sflag:s23], $0x280  }
0x4d: {  	[sflag:s23] =	ssyncset.done $0x0  }
0x4e: {  	s28 =	simm.s32 $0x6900;
	[sflag:s23] =	ssyncadd.s32 $0xFFFFFD80  }
0x4f: {  	[tilespmem:s28], [sflag:$0x1] =	stream.linear.gather [spmem:s15], $0x280, $0x38;
	[tilespmem:$0xA280] =	vst v63  }
0x50: {  	_ =	swait.ge [sflag:s23], $0x280  }
0x51: {  	[sflag:s23] =	ssyncset.done $0x0  }
0x52: {  	s28 =	simm.s32 $0x6B80;
	[sflag:s23] =	ssyncadd.s32 $0xFFFFFD80  }
0x53: {  	[tilespmem:s28], [sflag:$0x1] =	stream.linear.gather [spmem:s16], $0x280, $0x38;
	[tilespmem:$0xA280] =	vst v63  }
0x54: {  	_ =	swait.ge [sflag:s23], $0x280  }
0x55: {  	[sflag:s23] =	ssyncset.done $0x0  }
0x56: {  	s28 =	simm.s32 $0x6E00;
	[sflag:s23] =	ssyncadd.s32 $0xFFFFFD80  }
0x57: {  	[tilespmem:s28], [sflag:$0x1] =	stream.linear.gather [spmem:s17], $0x280, $0x38;
	[tilespmem:$0xA280] =	vst v63  }
0x58: {  	_ =	swait.ge [sflag:s23], $0x280  }
0x59: {  	[sflag:s23] =	ssyncset.done $0x0  }
0x5a: {  	s28 =	simm.s32 $0x7080;
	[sflag:s23] =	ssyncadd.s32 $0xFFFFFD80  }
0x5b: {  	[tilespmem:s28], [sflag:$0x1] =	stream.linear.gather [spmem:s18], $0x280, $0x38;
	[tilespmem:$0xA280] =	vst v63  }
0x5c: {  	_ =	swait.ge [sflag:s23], $0x280  }
0x5d: {  	[sflag:s23] =	ssyncset.done $0x0  }
0x5e: {  	s28 =	simm.s32 $0x7300;
	[sflag:s23] =	ssyncadd.s32 $0xFFFFFD80  }
0x5f: {  	[tilespmem:s28], [sflag:$0x1] =	stream.linear.gather [spmem:s19], $0x280, $0x38;
	[tilespmem:$0xA280] =	vst v63  }
0x60: {  	_ =	swait.ge [sflag:s23], $0x280  }
0x61: {  	[sflag:s23] =	ssyncset.done $0x0  }
0x62: {  	[sflag:s23] =	ssyncadd.s32 $0xFFFFFD80  }
0x63: {  	[tilespmem:s1], [sflag:$0x1] =	stream.linear.gather [spmem:s20], $0x280, $0x38;
	[tilespmem:$0xA280] =	vst v63  }
0x64: {  	_ =	swait.ge [sflag:s23], $0x280  }
0x65: {  	[sflag:s23] =	ssyncset.done $0x0  }
0x66: {  	[sflag:s23] =	ssyncadd.s32 $0xFFFFFD80  }
0x67: {  	s28 =	simm.s32 $0x0;
	v2 =	vld [tilespmem:s26+$0x0]  }
0x68: {  	s31 =	sand.u32 $0x3F0, s28  }
0x69: {  	v3 =	vld [tilespmem:s31+$0x5280];
	_ =	sdelay $0x1  }
0x6a: {  	v4 =	vld [tilespmem:s31+$0x5500]  }
0x6b: {  	v2 =	vadd.f32 $0.0e+00, v2  }
0x6c: {  	v5 =	vld [tilespmem:s31+$0x5780]  }
0x6d: {  	v2 =	vadd.f32 v3, v2  }
0x6e: {  	v3 =	vld [tilespmem:s31+$0x5A00]  }
0x6f: {  	v2 =	vadd.f32 v4, v2  }
0x70: {  	v56 =	vld [tilespmem:s31+$0x5C80]  }
0x71: {  	v2 =	vadd.f32 v5, v2  }
0x72: {  	v57 =	vld [tilespmem:s31+$0x5F00]  }
0x73: {  	v2 =	vadd.f32 v3, v2  }
0x74: {  	v3 =	vld [tilespmem:s31+$0x6180]  }
0x75: {  	v2 =	vadd.f32 v56, v2  }
0x76: {  	v58 =	vld [tilespmem:s31+$0x6400]  }
0x77: {  	v2 =	vadd.f32 v57, v2  }
0x78: {  	v59 =	vld [tilespmem:s31+$0x6680]  }
0x79: {  	v2 =	vadd.f32 v3, v2  }
0x7a: {  	v3 =	vld [tilespmem:s31+$0x6900]  }
0x7b: {  	v2 =	vadd.f32 v58, v2  }
0x7c: {  	v60 =	vld [tilespmem:s31+$0x6B80]  }
0x7d: {  	v2 =	vadd.f32 v59, v2  }
0x7e: {  	v61 =	vld [tilespmem:s31+$0x6E00]  }
0x7f: {  	v2 =	vadd.f32 v3, v2  }
0x80: {  	v3 =	vld [tilespmem:s31+$0x7080]  }
0x81: {  	v2 =	vadd.f32 v60, v2  }
0x82: {  	v62 =	vld [tilespmem:s31+$0x7300]  }
0x83: {  	v2 =	vadd.f32 v61, v2  }
0x84: {  	v63 =	vld [tilespmem:s31+$0x7580]  }
0x85: {  	v2 =	vadd.f32 v3, v2;
	_ =	sdelay $0x1  }
0x86: {  	v2 =	vadd.f32 v62, v2;
	_ =	sdelay $0x1  }
0x87: {  	v2 =	vadd.f32 v63, v2  }
0x88: {  	s26 =	simm.s32 $0x7800  }
0x89: {  	s28 =	simm.s32 $0x5010;
	[tilespmem:s26+$0x0] =	vst v2  }
0x8a: {  	s29 =	simm.s32 $0x10;
	s30 =	simm.s32 $0x20;
	v2 =	vld [tilespmem:s28+$0x0]  }
.LBB2_6:
0x8b: {  	p0 =	sne.s32 s30, $0x270;
	s31 =	sand.u32 $0x3F0, s29;
	s29 =	smov.u32 s30  }
0x8c: {  	v3 =	vld [tilespmem:s31+$0x5280];
	_ =	sdelay $0x1  }
0x8d: {  	v4 =	vld [tilespmem:s31+$0x5500]  }
0x8e: {  	v2 =	vadd.f32 $0.0e+00, v2  }
0x8f: {  	v5 =	vld [tilespmem:s31+$0x5780]  }
0x90: {  	v2 =	vadd.f32 v3, v2  }
0x91: {  	v3 =	vld [tilespmem:s31+$0x5A00]  }
0x92: {  	v2 =	vadd.f32 v4, v2  }
0x93: {  	v4 =	vld [tilespmem:s31+$0x5C80]  }
0x94: {  	v2 =	vadd.f32 v5, v2  }
0x95: {  	v5 =	vld [tilespmem:s31+$0x5F00]  }
0x96: {  	v2 =	vadd.f32 v3, v2  }
0x97: {  	v3 =	vld [tilespmem:s31+$0x6180]  }
0x98: {  	v2 =	vadd.f32 v4, v2  }
0x99: {  	v4 =	vld [tilespmem:s31+$0x6400]  }
0x9a: {  	v2 =	vadd.f32 v5, v2  }
0x9b: {  	v5 =	vld [tilespmem:s31+$0x6680]  }
0x9c: {  	v2 =	vadd.f32 v3, v2  }
0x9d: {  	v3 =	vld [tilespmem:s31+$0x6900]  }
0x9e: {  	v2 =	vadd.f32 v4, v2  }
0x9f: {  	v4 =	vld [tilespmem:s31+$0x6B80]  }
0xa0: {  	v2 =	vadd.f32 v5, v2  }
0xa1: {  	v5 =	vld [tilespmem:s31+$0x6E00]  }
0xa2: {  	v2 =	vadd.f32 v3, v2  }
0xa3: {  	v3 =	vld [tilespmem:s31+$0x7080]  }
0xa4: {  	v2 =	vadd.f32 v4, v2  }
0xa5: {  	v4 =	vld [tilespmem:s31+$0x7300]  }
0xa6: {  	v2 =	vadd.f32 v5, v2  }
0xa7: {  	v5 =	vld [tilespmem:s31+$0x7580]  }
0xa8: {  	v2 =	vadd.f32 v3, v2;
	_ =	sdelay $0x1  }
0xa9: {  	v2 =	vadd.f32 v4, v2  }
.Ltmp2:
0xaa: {  	(pc) =	sbr.rel @p0 .LBB2_6-.Ltmp2, $4  }
0xab: {  	v2 =	vadd.f32 v5, v2  }
0xac: {  	s26 =	sadd.s32 $0x10, s26  }
0xad: {  	s28 =	sadd.s32 $0x10, s28;
	[tilespmem:s26+$0x0] =	vst v2  }
0xae: {  	s30 =	sadd.s32 $0x10, s30;
	v2 =	vld [tilespmem:s28+$0x0]  }
0xaf: {  	s28 =	sand.u32 $0x3F0, s29  }
0xb0: {  	v3 =	vld [tilespmem:s28+$0x5280];
	_ =	sdelay $0x1  }
0xb1: {  	v4 =	vld [tilespmem:s28+$0x5500]  }
0xb2: {  	v2 =	vadd.f32 $0.0e+00, v2  }
0xb3: {  	v5 =	vld [tilespmem:s28+$0x5780]  }
0xb4: {  	v2 =	vadd.f32 v3, v2  }
0xb5: {  	v3 =	vld [tilespmem:s28+$0x5A00]  }
0xb6: {  	v2 =	vadd.f32 v4, v2  }
0xb7: {  	v56 =	vld [tilespmem:s28+$0x5C80]  }
0xb8: {  	v2 =	vadd.f32 v5, v2  }
0xb9: {  	v57 =	vld [tilespmem:s28+$0x5F00]  }
0xba: {  	v2 =	vadd.f32 v3, v2  }
0xbb: {  	v3 =	vld [tilespmem:s28+$0x6180]  }
0xbc: {  	v2 =	vadd.f32 v56, v2  }
0xbd: {  	v58 =	vld [tilespmem:s28+$0x6400]  }
0xbe: {  	v2 =	vadd.f32 v57, v2  }
0xbf: {  	v59 =	vld [tilespmem:s28+$0x6680]  }
0xc0: {  	v2 =	vadd.f32 v3, v2  }
0xc1: {  	v3 =	vld [tilespmem:s28+$0x6900]  }
0xc2: {  	v2 =	vadd.f32 v58, v2  }
0xc3: {  	v60 =	vld [tilespmem:s28+$0x6B80]  }
0xc4: {  	v2 =	vadd.f32 v59, v2  }
0xc5: {  	v61 =	vld [tilespmem:s28+$0x6E00]  }
0xc6: {  	v2 =	vadd.f32 v3, v2  }
0xc7: {  	v3 =	vld [tilespmem:s28+$0x7080]  }
0xc8: {  	v2 =	vadd.f32 v60, v2  }
0xc9: {  	v62 =	vld [tilespmem:s28+$0x7300]  }
0xca: {  	v2 =	vadd.f32 v61, v2  }
0xcb: {  	v63 =	vld [tilespmem:s28+$0x7580]  }
0xcc: {  	v2 =	vadd.f32 v3, v2;
	_ =	sdelay $0x1  }
0xcd: {  	v2 =	vadd.f32 v62, v2;
	_ =	sdelay $0x1  }
0xce: {  	s25 =	sadd.s32 $0x1, s25;
	v2 =	vadd.f32 v63, v2  }
0xcf: {  	s26 =	sadd.s32 $0x10, s26;
	p0 =	sne.s32 s25, s22  }
.Ltmp3:
0xd0: {  	[tilespmem:s26+$0x0] =	vst v2;
	(pc) =	sbr.rel @p0 .LBB2_1-.Ltmp3, $4  }
0xd1: {  	[hbm4b:s21+s2] =	stream.linear.scatter [tilespmem:s0], [sflag:$0x1], $0x280, $0x38;
	[tilespmem:$0xA280] =	vst v63  }
0xd2: {  	_ =	swait.ge [sflag:s23], $0x280  }
0xd3: {  	[sflag:s23] =	ssyncset.done $0x0  }
0xd4: {  	[sflag:s23] =	ssyncadd.s32 $0xFFFFFD80  }
0xd5: {  	_ =	sfence.sel $0x180000  }
0xd6: {  	[bflag:$0x0] =	sbarrier.arrive $0xFFFF  }
0xd7: {  	_ =	strace $0x90000047  }
0xd8: {  	s0 =	stileid.u32;
	[bflag:$0x2] =	sbarrier.arrive $0xFFFF  }
0xd9: {  	p0 =	sne.s32 s0, $0x0;
	s0 =	rddreg [dreg:$0x3]  }
0xda: {  	s0 =	sadd.s32 @!p0 $0x100000, s0  }
0xdb: {  	[sflag:s0] =	ssyncadd.tile.s32 @!p0 $0x1;
	_ =	shalt  }
.Lfunc_end2:
_tile_overlayer_lowered:
.L_overlay_start_2:
0xdc: {  	(tag) =	ssettag $0x2  }
0xdd: {  	s0 =	rddreg [dreg:$0x0];
	s2 =	stileid.u32  }
0xde: {  	s1 =	rddreg [dreg:$0x1];
	p0 =	sne.s32 s2, $0x0  }
0xdf: {  	s3 =	rddreg [dreg:$0x2];
	[bflag:$0x3] =	sbarrier.arrive $0xFFFF;
	s2 =	simm.s32 @!p0 $0x1C01  }
0xe0: {  	[timem:s3], [sflag:s2] =	dma.local @!p0 [hbm:s0], s1  }
0xe1: {  	s0 =	simm.s32 @!p0 $0x1  }
0xe2: {  	_ =	swait.ge @!p0 [sflag:s0], s1  }
0xe3: {  	s1 =	ssub.s32 @!p0 $0x0, s1;
	[sflag:s0] =	ssyncset.done @!p0 $0x0  }
0xe4: {  	[sflag:s0] =	ssyncadd.s32 @!p0 s1  }
0xe5: {  	[bflag:$0x3] =	sbarrier.arrive $0xFFFF  }
0xe6: {  	_ =	shalt  }

// kernel: kernel.14.cloned.1.call-start
scs
__scs_entry_jumppad:
0x0: {  	(pc) =	sbr.rel $0x88, $3  }
0x1: {  	(tag) =	ssettag $0x0;
	lr =	simm.s32 $0x1  }
0x2: {  	[smem:$0x3F95] =	sst lr;
	_ =	strace $0xD0000000  }
0x3: {  	_ = 	snop  }
0x4: {  	_ = 	snop  }
0x5: {  	_ = 	snop  }
0x6: {  	_ = 	snop  }
0x7: {  	_ = 	snop  }
__scs_overlays_trampoline_lowered:
0x8: {  	[smem:$0x3FA4] =	sst s0  }
0x9: {  	[smem:$0x3FA5] =	sst s1  }
0xa: {  	[smem:$0x3FA6] =	sst s2  }
0xb: {  	[smem:$0x3FA7] =	sst s3  }
0xc: {  	[smem:$0x3FA8] =	sst s4  }
0xd: {  	[smem:$0x3FA9] =	sst s5  }
0xe: {  	[smem:$0x3FAA] =	sst s6  }
0xf: {  	[smem:$0x3FAB] =	sst s7  }
0x10: {  	[smem:$0x3FAC] =	sst s8  }
0x11: {  	[smem:$0x3FAD] =	sst s9;
	s0 =	simm.s32 @!p0 $0x0  }
0x12: {  	s1 =	sld [smem:$0x3F93];
	s0 =	simm.s32 @p0 $0x1  }
0x13: {  	[smem:$0x3FAE] =	sst s0;
	s0 =	simm.s32 @!p1 $0x0  }
0x14: {  	s2 =	sld [smem:$0x3F92];
	s0 =	simm.s32 @p1 $0x1  }
0x15: {  	[smem:$0x3FAF] =	sst s0;
	s0 =	simm.s32 @!p2 $0x0  }
0x16: {  	s3 =	sld [smem:$0x3FDB];
	s0 =	simm.s32 @p2 $0x1  }
0x17: {  	s4 =	simm.s32 $0x1BF5;
	[smem:$0x3FB1] =	sst s0  }
0x18: {  	s0 =	sld [smem:$0x3F94];
	_ =	swait.ge [sflag:s4], $0x0  }
0x19: {  	s7 =	sld [smem:$0x3F95]  }
0x1a: {  	s8 =	sadd.s32 $0xFFFFE003, lr  }
0x1b: {  	s9 =	sadd.s32 $0xFFFFFEF7, lr;
	s5 =	simm.s32 $0xFFFFFFFF;
	p2 =	slt.u32 s8, $0xFFFFF086  }
0x1c: {  	p1 =	slt.u32 s9, $0xF7A;
	s5 =	simm.s32 @!p2 $0x0  }
0x1d: {  	s5 =	simm.s32 @p1 $0x1;
	p0 =	seq.s32 s7, s2  }
0x1e: {  	s7 =	smul.u32 @!p0 $0xF7A, s2;
	p2 =	seq.s32 @!p0 s5, $0x0  }
0x1f: {  	s9 =	smul.u32 $0xF7A, s1;
	s8 =	simm.s32 @!p0 $0x1BF5;
	p2 =	por !p2, p0  }
0x20: {  	[sflag:s8] =	ssyncset.s32 @!p0 $0xFFFFF086;
	s6 =	sadd.s32 @!p0 s3, s7;
	s7 =	simm.s32 @!p0 $0x108  }
0x21: {  	s3 =	sadd.s32 s3, s9;
	s6 =	sadd.s32 @!p0 $0x88, s6;
	s7 =	simm.s32 @p2 $0x1082  }
0x22: {  	[simem:s7], [sflag:s8] =	dma.local @!p0 [hbm:s6], $0xF7A  }
0x23: {  	s9 =	sor.u32 $0xD0000000, s2;
	s6 =	simm.s32 $0x108;
	_ =	swait.ge @!p0 [sflag:s8], $0x0  }
0x24: {  	s3 =	sadd.s32 $0x88, s3;
	s6 =	simm.s32 @!p1 $0x1082;
	[sflag:s4] =	ssyncset.s32 $0xFFFFF086  }
0x25: {  	[simem:s6], [sflag:s4] =	dma.local [hbm:s3], $0xF7A  }
0x26: {  	[smem:$0x3F95] =	sst s1;
	(tag) =	ssettag s2;
	_ =	strace s9  }
0x27: {  	s1 =	sld [smem:$0x3FA5]  }
0x28: {  	s2 =	sld [smem:$0x3FA6]  }
0x29: {  	s4 =	sld [smem:$0x3FA8]  }
0x2a: {  	p0 =	seq.s32 s5, $0x0;
	s5 =	sld [smem:$0x3FA9]  }
0x2b: {  	s6 =	sld [smem:$0x3FAA]  }
0x2c: {  	s7 =	sld [smem:$0x3FAB]  }
0x2d: {  	s3 =	simm.s32 $0x108;
	s8 =	sld [smem:$0x3FAC]  }
0x2e: {  	s3 =	simm.s32 @!p0 $0x1082;
	s9 =	sld [smem:$0x3FAD]  }
0x2f: {  	lr =	sadd.s32 s0, s3;
	s0 =	sld [smem:$0x3FA4]  }
0x30: {  	s3 =	sld [smem:$0x3FA7]  }
0x31: {  	[smem:$0x3FB0] =	sst s10  }
0x32: {  	s10 =	sld [smem:$0x3FAE];
	_ =	sdelay $0x3  }
0x33: {  	p0 =	seq.s32 s10, $0x1;
	s10 =	sld [smem:$0x3FB0];
	_ =	sdelay $0x3  }
0x34: {  	[smem:$0x3FB0] =	sst s10  }
0x35: {  	s10 =	sld [smem:$0x3FAF];
	_ =	sdelay $0x3  }
0x36: {  	p1 =	seq.s32 s10, $0x1;
	s10 =	sld [smem:$0x3FB0];
	_ =	sdelay $0x3  }
0x37: {  	[smem:$0x3FB0] =	sst s10  }
0x38: {  	s10 =	sld [smem:$0x3FB1]  }
0x39: {  	_ = 	snop;
	(pc) =	sbr.ind lr, $3  }
0x3a: {  	_ = 	snop  }
0x3b: {  	_ = 	snop  }
0x3c: {  	p2 =	seq.s32 s10, $0x1;
	s10 =	sld [smem:$0x3FB0]  }
0x3d: {  	_ =	shalt  }
0x3e: {  	_ =	shalt  }
0x3f: {  	_ =	shalt  }
0x40: {  	_ =	shalt  }
0x41: {  	_ =	shalt  }
0x42: {  	_ =	shalt  }
0x43: {  	_ =	shalt  }
0x44: {  	_ =	shalt  }
0x45: {  	_ =	shalt  }
0x46: {  	_ =	shalt  }
0x47: {  	_ =	shalt  }
0x48: {  	_ =	shalt  }
0x49: {  	_ =	shalt  }
0x4a: {  	_ =	shalt  }
0x4b: {  	_ =	shalt  }
0x4c: {  	_ =	shalt  }
0x4d: {  	_ =	shalt  }
0x4e: {  	_ =	shalt  }
0x4f: {  	_ =	shalt  }
0x50: {  	_ =	shalt  }
0x51: {  	_ =	shalt  }
0x52: {  	_ =	shalt  }
0x53: {  	_ =	shalt  }
0x54: {  	_ =	shalt  }
0x55: {  	_ =	shalt  }
0x56: {  	_ =	shalt  }
0x57: {  	_ =	shalt  }
0x58: {  	_ =	shalt  }
0x59: {  	_ =	shalt  }
0x5a: {  	_ =	shalt  }
0x5b: {  	_ =	shalt  }
0x5c: {  	_ =	shalt  }
0x5d: {  	_ =	shalt  }
0x5e: {  	_ =	shalt  }
0x5f: {  	_ =	shalt  }
0x60: {  	_ =	shalt  }
0x61: {  	_ =	shalt  }
0x62: {  	_ =	shalt  }
0x63: {  	_ =	shalt  }
0x64: {  	_ =	shalt  }
0x65: {  	_ =	shalt  }
0x66: {  	_ =	shalt  }
0x67: {  	_ =	shalt  }
0x68: {  	_ =	shalt  }
0x69: {  	_ =	shalt  }
0x6a: {  	_ =	shalt  }
0x6b: {  	_ =	shalt  }
0x6c: {  	_ =	shalt  }
0x6d: {  	_ =	shalt  }
0x6e: {  	_ =	shalt  }
0x6f: {  	_ =	shalt  }
0x70: {  	_ =	shalt  }
0x71: {  	_ =	shalt  }
0x72: {  	_ =	shalt  }
0x73: {  	_ =	shalt  }
0x74: {  	_ =	shalt  }
0x75: {  	_ =	shalt  }
0x76: {  	_ =	shalt  }
0x77: {  	_ =	shalt  }
0x78: {  	_ =	shalt  }
0x79: {  	_ =	shalt  }
0x7a: {  	_ =	shalt  }
0x7b: {  	_ =	shalt  }
0x7c: {  	_ =	shalt  }
0x7d: {  	_ =	shalt  }
0x7e: {  	_ =	shalt  }
0x7f: {  	_ =	shalt  }
0x80: {  	_ =	shalt  }
0x81: {  	_ =	shalt  }
0x82: {  	_ =	shalt  }
0x83: {  	_ =	shalt  }
0x84: {  	_ =	shalt  }
0x85: {  	_ =	shalt  }
0x86: {  	_ =	shalt  }
0x87: {  	_ =	shalt  }
.Lfunc_end0:
.L_simem_size_0:
called_computation.1_lowered:
.L_overlay_start_0:
0x88: {  	s2 =	sld [smem:$0x3FD9]  }
0x89: {  	s3 =	sld [smem:$0x3FFE];
	_ =	sdelay $0x1  }
0x8a: {  	s1 =	srdreg.scid  }
0x8b: {  	s0 =	sand.u32 $0x1, s1  }
0x8c: {  	s17 =	sshll.u32 s0, $0xA;
	s2 =	sadd.s32 s3, s2  }
0x8d: {  	s2 =	sadd.s32 s2, s17  }
0x8e: {  	[smem:$0x3FBC] =	sst s2  }
0x8f: {  	_ = 	snop  }
0x90: {  	s2 =	sld [smem:$0x3FD0];
	(tm) =	ssettm $0x1  }
0x91: {  	s18 =	sld [smem:$0x3FFB];
	_ =	sdelay $0x3  }
0x92: {  	_ =	strace s18  }
0x93: {  	s3 =	sld [smem:$0x3FFC];
	_ =	sdelay $0x3  }
0x94: {  	_ =	strace s3  }
0x95: {  	s3 =	sld [smem:$0x3FFD];
	_ =	sdelay $0x3  }
0x96: {  	_ =	strace s3  }
0x97: {  	_ =	strace $0x8FFFFFFF  }
0x98: {  	s19 =	sld [smem:$0x3FDB];
	_ =	sdelay $0x1  }
0x99: {  	s4 =	simm.s32 $_scs_section_size  }
0x9a: {  	s5 =	simm.s32 $_size__tile_overlayer_lowered;
	s6 =	simm.s32 $_tile_overlayer_lowered  }
0x9b: {  	s22 =	simm.s32 $0x1BFF;
	s21 =	sshll.u32 s6, $0x1;
	s3 =	sadd.s32 s4, s19  }
0x9c: {  	s7 =	simm.s32 $0x0;
	s20 =	sshll.u32 s5, $0x1;
	s5 =	sadd.s32 s21, s3  }
0x9d: {  	[timem:s7], [sflag:s22] =	dma.local [hbm:s5], s20  }
0x9e: {  	_ =	swait.ge [sflag:s22], s20  }
0x9f: {  	s4 =	ssub.s32 $0x0, s20;
	[sflag:s22] =	ssyncset.done $0x0  }
0xa0: {  	[sflag:s22] =	ssyncadd.s32 s4;
	_ =	sdelay $0x1  }
0xa1: {  	s23 =	simm.s32 $0x1B8B  }
0xa2: {  	_ =	swait.ge [sflag:s23], $0x1  }
0xa3: {  	[sflag:s23] =	ssyncset.done $0x0  }
0xa4: {  	s25 =	simm.s32 $0x1B8E;
	s24 =	sld [smem:$0x3FFE];
	[sflag:s23] =	ssyncadd.s32 $0xFFFFFFFF  }
0xa5: {  	s26 =	simm.s32 $execute0_lowered;
	[smem:$0x3FD2] =	sst s25  }
0xa6: {  	s5 =	sshll.u32 s26, $0x1;
	_ =	strace $0x80000049;
	[dreg:$0x1] =	wrdreg $0xFFFFFFFF  }
0xa7: {  	s28 =	simm.s32 $_size_execute0_lowered;
	s3 =	sadd.s32 s3, s5;
	[dreg:$0x0] =	wrdreg $0x0  }
0xa8: {  	s5 =	sshll.u32 s28, $0x1;
	[dreg:$0x2] =	wrdreg s3  }
0xa9: {  	[dreg:$0x3] =	wrdreg s5  }
0xaa: {  	[dreg:$0x4] =	wrdreg $0xC0  }
0xab: {  	_ =	task [dreg:s7], $0x5FFFF  }
0xac: {  	[dreg:$0x1] =	wrdreg $0xFFFFFFFF  }
0xad: {  	[dreg:$0x0] =	wrdreg $0x60  }
0xae: {  	[dreg:$0x2] =	wrdreg s2  }
0xaf: {  	[dreg:$0x3] =	wrdreg s24  }
0xb0: {  	[dreg:$0x4] =	wrdreg $0xA8000  }
0xb1: {  	[dreg:$0x5] =	wrdreg $0x9  }
0xb2: {  	_ =	task.clear_ibuf [dreg:s7], $0x6FFFF;
	_ =	strace $0x90000049  }
0xb3: {  	s29 =	simm.s32 $0x9;
	_ =	strace $0x8000004B  }
0xb4: {  	_ =	swait.ge [sflag:s29], $0x1  }
0xb5: {  	[sflag:s29] =	ssyncadd.s32 $0xFFFFFFFF  }
0xb6: {  	_ =	strace $0x9000004B  }
0xb7: {  	_ =	sfence  }
0xb8: {  	s30 =	sld [smem:$0x0];
	_ =	sdelay $0x2  }
0xb9: {  	s31 =	sshll.u32 s1, $0xD;
	s1 =	sshrl.u32 s1, $0x2  }
0xba: {  	s3 =	sand.u32 $0x4000, s31;
	s1 =	sadd.s32 s1, s30  }
0xbb: {  	s0 =	sor.u32 s3, s0;
	s1 =	sshll.u32 s1, $0x11  }
0xbc: {  	s0 =	sor.u32 s1, s0  }
0xbd: {  	s0 =	sadd.s32 $0x8F2B, s0  }
0xbe: {  	[sflag:s0] =	ssyncadd.remote.s32 $0x1  }
0xbf: {  	_ =	sfence.sel $0xFFFF  }
0xc0: {  	[dreg:$0x0] =	wrdreg $0xFFFFFFFF;
	(pc) =	sbr.abs _section_cstart, $3  }
0xc1: {  	[dreg:$0x1] =	wrdreg $0xFFFFFFFF  }
0xc2: {  	_ =	task.clear_ibuf [dreg:s7], $0x2FFFF;
	_ =	strace $0x9FFFFFFF  }
0xc3: {  	(tm) =	ssettm $0x7FFFFFFF  }
tec
execute0_lowered:
.L_overlay_start_1:
0x0: {  	(tag) =	ssettag $0x1  }
0x1: {  	s1 =	rddreg [dreg:$0x0]  }
0x2: {  	s0 =	rddreg [dreg:$0x1]  }
0x3: {  	s3 =	rddreg [dreg:$0x2];
	s4 =	simm.s32 $0x0;
	s2 =	stileid.u32  }
0x4: {  	s5 =	srdreg.scid;
	s28 =	simm.s32 $0x2;
	s29 =	simm.s32 $0x1380  }
0x5: {  	s30 =	simm.s32 $0x2700;
	s31 =	simm.s32 $0x2780;
	[smem:$0x7FF] =	sst s4  }
0x6: {  	s6 =	smul.u32 $0x2780, s2;
	s8 =	sadd.s32 $0xD600, s0;
	s14 =	sadd.s32 $0x3600, s0  }
0x7: {  	s15 =	sand.u32 $0x1, s5;
	s9 =	smul.u32 $0x4F000, s2;
	s16 =	sadd.s32 $0x3E800, s0  }
0x8: {  	s22 =	sadd.s32 $0x25080, s1;
	_ =	strace $0x8000004A;
	s5 =	ssub.s32 $0x2, s15  }
0x9: {  	s11 =	sshll.u32 s15, $0x4;
	[dreg:$0x7] =	wrdreg s22;
	s24 =	smul.u32 $0x27100, s15  }
0xa: {  	p3 =	sne.s32 s15, $0x0;
	s22 =	simm.s32 $0x1400;
	s7 =	sadd.s32 s6, s0  }
0xb: {  	s10 =	sshrl.u32 s5, $0x1;
	s18 =	sor.u32 s2, s11;
	s19 =	sshrl.u32 s9, $0x2  }
0xc: {  	s0 =	sadd.s32 $0x3C680, s0;
	s21 =	sadd.s32 s1, s6;
	p1 =	seq.s32 @p3 s2, $0xF  }
0xd: {  	p4 =	seq.s32 @!p3 s2, $0xF;
	s17 =	ssub.s32 s5, s10;
	s11 =	smul.u32 $0x2800, s18  }
0xe: {  	s5 =	sadd.s32 s19, s3;
	[dreg:$0x5] =	wrdreg s0;
	s20 =	smul.u32 $0x500, s18  }
0xf: {  	s7 =	sadd.s32 $0x17600, s7;
	[dreg:$0x6] =	wrdreg s21;
	s19 =	smul.u32 $0x138800, s15  }
0x10: {  	s0 =	sadd.s32 s6, s24;
	p0 =	por p1, !p3;
	p1 =	por !p1, !p3  }
0x11: {  	p2 =	por !p4, p3;
	p3 =	por p4, p3;
	s21 =	simm.s32 $0x3  }
0x12: {  	s24 =	simm.s32 $0x2800;
	p4 =	seq.s32 s2, $0xF;
	[dreg:$0x4] =	wrdreg s7  }
0x13: {  	s7 =	sadd.s32 $0x128400, s3;
	s15 =	sadd.s32 s16, s0;
	s17 =	smax.u32 s17, $0x1  }
0x14: {  	s0 =	sshll.u32 @!p0 s2, $0x6;
	s12 =	sshrl.u32 s11, $0x3;
	s23 =	sadd.s32 s8, s20  }
0x15: {  	s25 =	sshrl.u32 s19, $0x3;
	s19 =	sor.u32 @!p0 $0x1C03, s0;
	s0 =	simm.s32 $0x0  }
0x16: {  	[dreg:$0x8] =	wrdreg s23;
	s18 =	sadd.s32 $0x280, s12;
	s12 =	sadd.s32 s14, s20  }
0x17: {  	s26 =	sadd.s32 s16, s25;
	s20 =	sshrl.u32 @!p0 s5, $0x3;
	s23 =	simm.s32 $0x80  }
0x18: {  	s25 =	simm.s32 $0x6800;
	s13 =	sadd.s32 s8, s18;
	s14 =	sadd.s32 s14, s18  }
0x19: {  	s16 =	sadd.s32 $0x25080, s26;
	s18 =	sshrl.u32 @!p1 s7, $0x3;
	s26 =	simm.s32 $0x1  }
.LBB2_1:
0x1a: {  	s6 =	simm.s32 @!p1 $0x1FC3;
	s8 =	rddreg [dreg:$0x5]  }
0x1b: {  	[spmem:s18], [sflag:s6] =	dma.local @!p1 [hbm:s8], $0x2080  }
0x1c: {  	s6 =	simm.s32 @!p1 $0x3  }
0x1d: {  	_ =	swait.ge @!p1 [sflag:s6], $0x2080  }
0x1e: {  	[sflag:s6] =	ssyncset.done @!p1 $0x0  }
0x1f: {  	[sflag:s6] =	ssyncadd.s32 @!p1 $0xFFFFDF80;
	s6 =	rddreg [dreg:$0x4]  }
0x20: {  	[spmem:s20], [sflag:s19] =	dma.local @!p0 [hbm:s6], $0x2780  }
0x21: {  	s6 =	simm.s32 @!p0 $0x3  }
0x22: {  	_ =	swait.ge @!p0 [sflag:s6], $0x2780  }
0x23: {  	s8 =	simm.s32 @!p2 $0x1FC3;
	[sflag:s6] =	ssyncset.done @!p0 $0x0  }
0x24: {  	s9 =	rddreg [dreg:$0x7];
	[sflag:s6] =	ssyncadd.s32 @!p0 $0xFFFFD880;
	s6 =	sshrl.u32 @!p2 s7, $0x3  }
0x25: {  	[spmem:s6], [sflag:s8] =	dma.local @!p2 [hbm:s9], $0x2080  }
0x26: {  	s6 =	simm.s32 @!p2 $0x3  }
0x27: {  	_ =	swait.ge @!p2 [sflag:s6], $0x2080  }
0x28: {  	s8 =	sshll.u32 @!p3 s2, $0x6;
	[sflag:s6] =	ssyncset.done @!p2 $0x0;
	s9 =	rddreg [dreg:$0x6]  }
0x29: {  	[sflag:s6] =	ssyncadd.s32 @!p2 $0xFFFFDF80;
	s6 =	sor.u32 @!p3 $0x1C03, s8;
	s8 =	sshrl.u32 @!p3 s5, $0x3  }
0x2a: {  	[spmem:s8], [sflag:s6] =	dma.local @!p3 [hbm:s9], $0x2780  }
0x2b: {  	s6 =	simm.s32 @!p3 $0x3  }
0x2c: {  	_ =	swait.ge @!p3 [sflag:s6], $0x2780  }
0x2d: {  	[sflag:s6] =	ssyncset.done @!p3 $0x0  }
0x2e: {  	[sflag:s6] =	ssyncadd.s32 @!p3 $0xFFFFD880  }
0x2f: {  	[bflag:$0x0] =	sbarrier.arrive $0xFFFF  }
0x30: {  	s11 =	rddreg [dreg:$0x8]  }
0x31: {  	[tilespmem:s4], [sflag:$0x3] =	stream.linear.gather [hbm4b:s11+s4], $0x1400, $0x38;
	[tilespmem:$0x1E800] =	vst v63  }
0x32: {  	_ =	swait.ge [sflag:s21], $0x1400  }
0x33: {  	[sflag:s21] =	ssyncset.done $0x0  }
0x34: {  	[sflag:s21] =	ssyncadd.s32 $0xFFFFEC00  }
0x35: {  	[tilespmem:s22], [sflag:$0x3] =	stream.linear.gather [hbm4b:s12+s4], $0x1400, $0x38;
	[tilespmem:$0x1E800] =	vst v63  }
0x36: {  	_ =	swait.ge [sflag:s21], $0x1400  }
0x37: {  	[sflag:s21] =	ssyncset.done $0x0  }
0x38: {  	[sflag:s21] =	ssyncadd.s32 $0xFFFFEC00  }
0x39: {  	[tilespmem:s24], [sflag:$0x1] =	stream.indirect.gather [hbm4b:s1+s23], $0x80, s4, s23, $0xb8;
	[tilespmem:$0x1E800] =	vst v63  }
0x3a: {  	s8 =	simm.s32 $0x80  }
0x3b: {  	[tilespmem:s25], [sflag:$0x2] =	stream.indirect.gather [hbm4b:s1+s23], $0x80, s8, s23, $0xb8;
	[tilespmem:$0x1E800] =	vst v63  }
0x3c: {  	_ =	swait.ge [sflag:s26], $0x4000  }
0x3d: {  	[sflag:s26] =	ssyncset.done $0x0  }
0x3e: {  	s9 =	simm.s32 $0x1400;
	[sflag:s26] =	ssyncadd.s32 $0xFFFFC000  }
0x3f: {  	[spmem:s3] =	stream.indirect.scatter.add.f32 [tilespmem:s24], [sflag:$0x3], $0x80, s9, s23, $0xb8;
	[tilespmem:$0x1E800] =	vst v63  }
0x40: {  	_ =	swait.ge [sflag:s21], $0x4000  }
0x41: {  	[sflag:s21] =	ssyncset.done $0x0  }
0x42: {  	s10 =	simm.s32 $0x100;
	[sflag:s21] =	ssyncadd.s32 $0xFFFFC000  }
0x43: {  	[tilespmem:s24], [sflag:$0x1] =	stream.indirect.gather [hbm4b:s1+s23], $0x80, s10, s23, $0xb8;
	[tilespmem:$0x1E800] =	vst v63  }
0x44: {  	_ =	swait.ge [sflag:s28], $0x4000  }
0x45: {  	[sflag:s28] =	ssyncset.done $0x0  }
0x46: {  	s11 =	simm.s32 $0x1480;
	[sflag:s28] =	ssyncadd.s32 $0xFFFFC000  }
0x47: {  	[spmem:s3] =	stream.indirect.scatter.add.f32 [tilespmem:s25], [sflag:$0x3], $0x80, s11, s23, $0xb8;
	[tilespmem:$0x1E800] =	vst v63  }
0x48: {  	_ =	swait.ge [sflag:s21], $0x4000  }
0x49: {  	s6 =	simm.s32 $0x100;
	s8 =	simm.s32 $0x800;
	[sflag:s21] =	ssyncset.done $0x0  }
.LBB2_2:
0x4a: {  	s9 =	sadd.s32 $0x80, s6  }
0x4b: {  	[sflag:s21] =	ssyncadd.s32 $0xFFFFC000;
	s10 =	smov.u32 s8;
	s11 =	sadd.s32 $0x400, s8  }
0x4c: {  	[tilespmem:s25], [sflag:$0x2] =	stream.indirect.gather [hbm4b:s1+s23], $0x80, s9, s23, $0xb8;
	[tilespmem:$0x1E800] =	vst v63  }
0x4d: {  	p5 =	sne.s32 s8, $0x4800;
	_ =	swait.ge [sflag:s26], $0x4000  }
0x4e: {  	[sflag:s26] =	ssyncset.done $0x0  }
0x4f: {  	s8 =	sadd.s32 $0x1400, s6;
	[sflag:s26] =	ssyncadd.s32 $0xFFFFC000  }
0x50: {  	[spmem:s3] =	stream.indirect.scatter.add.f32 [tilespmem:s24], [sflag:$0x3], $0x80, s8, s23, $0xb8;
	[tilespmem:$0x1E800] =	vst v63  }
0x51: {  	_ =	swait.ge [sflag:s21], $0x4000  }
0x52: {  	[sflag:s21] =	ssyncset.done $0x0  }
0x53: {  	s8 =	sadd.s32 $0x100, s6;
	[sflag:s21] =	ssyncadd.s32 $0xFFFFC000  }
0x54: {  	[tilespmem:s24], [sflag:$0x1] =	stream.indirect.gather [hbm4b:s1+s23], $0x80, s8, s23, $0xb8;
	[tilespmem:$0x1E800] =	vst v63  }
0x55: {  	_ =	swait.ge [sflag:s28], $0x4000  }
.Ltmp0:
0x56: {  	[sflag:s28] =	ssyncset.done $0x0;
	(pc) =	sbr.rel @p5 .LBB2_2-.Ltmp0, $4  }
0x57: {  	s6 =	sadd.s32 $0x1480, s6;
	[sflag:s28] =	ssyncadd.s32 $0xFFFFC000  }
0x58: {  	[spmem:s3] =	stream.indirect.scatter.add.f32 [tilespmem:s25], [sflag:$0x3], $0x80, s6, s23, $0xb8;
	[tilespmem:$0x1E800] =	vst v63  }
0x59: {  	_ =	swait.ge [sflag:s21], $0x4000  }
0x5a: {  	s8 =	smov.u32 s11;
	s6 =	sshra.s32 s10, $0x2;
	[sflag:s21] =	ssyncset.done $0x0  }
0x5b: {  	s8 =	sadd.s32 $0x80, s6;
	[sflag:s21] =	ssyncadd.s32 $0xFFFFC000  }
0x5c: {  	[tilespmem:s25], [sflag:$0x2] =	stream.indirect.gather [hbm4b:s1+s23], $0x80, s8, s23, $0xb8;
	[tilespmem:$0x1E800] =	vst v63  }
0x5d: {  	_ =	swait.ge [sflag:s26], $0x4000  }
0x5e: {  	[sflag:s26] =	ssyncset.done $0x0  }
0x5f: {  	s11 =	sadd.s32 $0x1400, s6;
	[sflag:s26] =	ssyncadd.s32 $0xFFFFC000  }
0x60: {  	[spmem:s3] =	stream.indirect.scatter.add.f32 [tilespmem:s24], [sflag:$0x3], $0x80, s11, s23, $0xb8;
	[tilespmem:$0x1E800] =	vst v63  }
0x61: {  	_ =	swait.ge [sflag:s21], $0x4000  }
0x62: {  	[sflag:s21] =	ssyncset.done $0x0  }
0x63: {  	s9 =	sadd.s32 $0x100, s6;
	[sflag:s21] =	ssyncadd.s32 $0xFFFFC000  }
0x64: {  	[tilespmem:s24], [sflag:$0x1] =	stream.indirect.gather [hbm4b:s1+s23], $0x80, s9, s23, $0xb8;
	[tilespmem:$0x1E800] =	vst v63  }
0x65: {  	_ =	swait.ge [sflag:s28], $0x4000  }
0x66: {  	[sflag:s28] =	ssyncset.done $0x0  }
0x67: {  	s10 =	sadd.s32 $0x1480, s6;
	[sflag:s28] =	ssyncadd.s32 $0xFFFFC000  }
0x68: {  	[spmem:s3] =	stream.indirect.scatter.add.f32 [tilespmem:s25], [sflag:$0x3], $0x80, s10, s23, $0xb8;
	[tilespmem:$0x1E800] =	vst v63  }
0x69: {  	_ =	swait.ge [sflag:s21], $0x4000  }
0x6a: {  	[sflag:s21] =	ssyncset.done $0x0  }
0x6b: {  	[sflag:s21] =	ssyncadd.s32 $0xFFFFC000  }
0x6c: {  	[tilespmem:s25], [sflag:$0x2] =	stream.indirect.gather [hbm4b:s1+s23], $0x80, s29, s23, $0xb8;
	[tilespmem:$0x1E800] =	vst v63  }
0x6d: {  	_ =	swait.ge [sflag:s26], $0x4000  }
0x6e: {  	[sflag:s26] =	ssyncset.done $0x0  }
0x6f: {  	[sflag:s26] =	ssyncadd.s32 $0xFFFFC000  }
0x70: {  	[spmem:s3] =	stream.indirect.scatter.add.f32 [tilespmem:s24], [sflag:$0x3], $0x80, s30, s23, $0xb8;
	[tilespmem:$0x1E800] =	vst v63  }
0x71: {  	_ =	swait.ge [sflag:s21], $0x4000  }
0x72: {  	[sflag:s21] =	ssyncset.done $0x0  }
0x73: {  	[sflag:s21] =	ssyncadd.s32 $0xFFFFC000  }
0x74: {  	_ =	swait.ge [sflag:s28], $0x4000  }
0x75: {  	[sflag:s28] =	ssyncset.done $0x0  }
0x76: {  	[sflag:s28] =	ssyncadd.s32 $0xFFFFC000  }
0x77: {  	[spmem:s3] =	stream.indirect.scatter.add.f32 [tilespmem:s25], [sflag:$0x3], $0x80, s31, s23, $0xb8;
	[tilespmem:$0x1E800] =	vst v63  }
0x78: {  	_ =	swait.ge [sflag:s21], $0x4000  }
0x79: {  	[sflag:s21] =	ssyncset.done $0x0  }
0x7a: {  	s11 =	simm.s32 $0x0;
	[sflag:s21] =	ssyncadd.s32 $0xFFFFC000  }
0x7b: {  	[tilespmem:s11], [sflag:$0x3] =	stream.linear.gather [hbm4b:s13+s11], $0x1400, $0x38;
	[tilespmem:$0x1E800] =	vst v63  }
0x7c: {  	_ =	swait.ge [sflag:s21], $0x1400  }
0x7d: {  	[sflag:s21] =	ssyncset.done $0x0  }
0x7e: {  	[sflag:s21] =	ssyncadd.s32 $0xFFFFEC00  }
0x7f: {  	[tilespmem:s22], [sflag:$0x3] =	stream.linear.gather [hbm4b:s14+s11], $0x1400, $0x38;
	[tilespmem:$0x1E800] =	vst v63  }
0x80: {  	_ =	swait.ge [sflag:s21], $0x1400  }
0x81: {  	[sflag:s21] =	ssyncset.done $0x0  }
0x82: {  	[sflag:s21] =	ssyncadd.s32 $0xFFFFEC00  }
0x83: {  	[tilespmem:s24], [sflag:$0x1] =	stream.indirect.gather [hbm4b:s1+s23], $0x80, s11, s23, $0xb8;
	[tilespmem:$0x1E800] =	vst v63  }
0x84: {  	s8 =	simm.s32 $0x80  }
0x85: {  	[tilespmem:s25], [sflag:$0x2] =	stream.indirect.gather [hbm4b:s1+s23], $0x80, s8, s23, $0xb8;
	[tilespmem:$0x1E800] =	vst v63  }
0x86: {  	_ =	swait.ge [sflag:s26], $0x4000  }
0x87: {  	[sflag:s26] =	ssyncset.done $0x0  }
0x88: {  	s9 =	simm.s32 $0x1400;
	[sflag:s26] =	ssyncadd.s32 $0xFFFFC000  }
0x89: {  	[spmem:s3] =	stream.indirect.scatter.add.f32 [tilespmem:s24], [sflag:$0x3], $0x80, s9, s23, $0xb8;
	[tilespmem:$0x1E800] =	vst v63  }
0x8a: {  	_ =	swait.ge [sflag:s21], $0x4000  }
0x8b: {  	[sflag:s21] =	ssyncset.done $0x0  }
0x8c: {  	s10 =	simm.s32 $0x100;
	[sflag:s21] =	ssyncadd.s32 $0xFFFFC000  }
0x8d: {  	[tilespmem:s24], [sflag:$0x1] =	stream.indirect.gather [hbm4b:s1+s23], $0x80, s10, s23, $0xb8;
	[tilespmem:$0x1E800] =	vst v63  }
0x8e: {  	_ =	swait.ge [sflag:s28], $0x4000  }
0x8f: {  	[sflag:s28] =	ssyncset.done $0x0  }
0x90: {  	s11 =	simm.s32 $0x1480;
	[sflag:s28] =	ssyncadd.s32 $0xFFFFC000  }
0x91: {  	[spmem:s3] =	stream.indirect.scatter.add.f32 [tilespmem:s25], [sflag:$0x3], $0x80, s11, s23, $0xb8;
	[tilespmem:$0x1E800] =	vst v63  }
0x92: {  	_ =	swait.ge [sflag:s21], $0x4000  }
0x93: {  	s6 =	simm.s32 $0x100;
	s8 =	simm.s32 $0x800;
	[sflag:s21] =	ssyncset.done $0x0  }
.LBB2_4:
0x94: {  	s9 =	sadd.s32 $0x80, s6  }
0x95: {  	[sflag:s21] =	ssyncadd.s32 $0xFFFFC000;
	s10 =	smov.u32 s8;
	s11 =	sadd.s32 $0x400, s8  }
0x96: {  	[tilespmem:s25], [sflag:$0x2] =	stream.indirect.gather [hbm4b:s1+s23], $0x80, s9, s23, $0xb8;
	[tilespmem:$0x1E800] =	vst v63  }
0x97: {  	p5 =	sne.s32 s8, $0x4800;
	_ =	swait.ge [sflag:s26], $0x4000  }
0x98: {  	[sflag:s26] =	ssyncset.done $0x0  }
0x99: {  	s8 =	sadd.s32 $0x1400, s6;
	[sflag:s26] =	ssyncadd.s32 $0xFFFFC000  }
0x9a: {  	[spmem:s3] =	stream.indirect.scatter.add.f32 [tilespmem:s24], [sflag:$0x3], $0x80, s8, s23, $0xb8;
	[tilespmem:$0x1E800] =	vst v63  }
0x9b: {  	_ =	swait.ge [sflag:s21], $0x4000  }
0x9c: {  	[sflag:s21] =	ssyncset.done $0x0  }
0x9d: {  	s8 =	sadd.s32 $0x100, s6;
	[sflag:s21] =	ssyncadd.s32 $0xFFFFC000  }
0x9e: {  	[tilespmem:s24], [sflag:$0x1] =	stream.indirect.gather [hbm4b:s1+s23], $0x80, s8, s23, $0xb8;
	[tilespmem:$0x1E800] =	vst v63  }
0x9f: {  	_ =	swait.ge [sflag:s28], $0x4000  }
.Ltmp1:
0xa0: {  	[sflag:s28] =	ssyncset.done $0x0;
	(pc) =	sbr.rel @p5 .LBB2_4-.Ltmp1, $4  }
0xa1: {  	s6 =	sadd.s32 $0x1480, s6;
	[sflag:s28] =	ssyncadd.s32 $0xFFFFC000  }
0xa2: {  	[spmem:s3] =	stream.indirect.scatter.add.f32 [tilespmem:s25], [sflag:$0x3], $0x80, s6, s23, $0xb8;
	[tilespmem:$0x1E800] =	vst v63  }
0xa3: {  	_ =	swait.ge [sflag:s21], $0x4000  }
0xa4: {  	s8 =	smov.u32 s11;
	s6 =	sshra.s32 s10, $0x2;
	[sflag:s21] =	ssyncset.done $0x0  }
0xa5: {  	s8 =	sadd.s32 $0x80, s6;
	[sflag:s21] =	ssyncadd.s32 $0xFFFFC000  }
0xa6: {  	[tilespmem:s25], [sflag:$0x2] =	stream.indirect.gather [hbm4b:s1+s23], $0x80, s8, s23, $0xb8;
	[tilespmem:$0x1E800] =	vst v63  }
0xa7: {  	_ =	swait.ge [sflag:s26], $0x4000  }
0xa8: {  	[sflag:s26] =	ssyncset.done $0x0  }
0xa9: {  	s9 =	sadd.s32 $0x1400, s6;
	[sflag:s26] =	ssyncadd.s32 $0xFFFFC000  }
0xaa: {  	[spmem:s3] =	stream.indirect.scatter.add.f32 [tilespmem:s24], [sflag:$0x3], $0x80, s9, s23, $0xb8;
	[tilespmem:$0x1E800] =	vst v63  }
0xab: {  	_ =	swait.ge [sflag:s21], $0x4000  }
0xac: {  	[sflag:s21] =	ssyncset.done $0x0  }
0xad: {  	s10 =	sadd.s32 $0x100, s6;
	[sflag:s21] =	ssyncadd.s32 $0xFFFFC000  }
0xae: {  	[tilespmem:s24], [sflag:$0x1] =	stream.indirect.gather [hbm4b:s1+s23], $0x80, s10, s23, $0xb8;
	[tilespmem:$0x1E800] =	vst v63  }
0xaf: {  	_ =	swait.ge [sflag:s28], $0x4000  }
0xb0: {  	[sflag:s28] =	ssyncset.done $0x0  }
0xb1: {  	s11 =	sadd.s32 $0x1480, s6;
	[sflag:s28] =	ssyncadd.s32 $0xFFFFC000  }
0xb2: {  	[spmem:s3] =	stream.indirect.scatter.add.f32 [tilespmem:s25], [sflag:$0x3], $0x80, s11, s23, $0xb8;
	[tilespmem:$0x1E800] =	vst v63  }
0xb3: {  	_ =	swait.ge [sflag:s21], $0x4000  }
0xb4: {  	[sflag:s21] =	ssyncset.done $0x0  }
0xb5: {  	[sflag:s21] =	ssyncadd.s32 $0xFFFFC000  }
0xb6: {  	[tilespmem:s25], [sflag:$0x2] =	stream.indirect.gather [hbm4b:s1+s23], $0x80, s29, s23, $0xb8;
	[tilespmem:$0x1E800] =	vst v63  }
0xb7: {  	_ =	swait.ge [sflag:s26], $0x4000  }
0xb8: {  	[sflag:s26] =	ssyncset.done $0x0  }
0xb9: {  	[sflag:s26] =	ssyncadd.s32 $0xFFFFC000  }
0xba: {  	[spmem:s3] =	stream.indirect.scatter.add.f32 [tilespmem:s24], [sflag:$0x3], $0x80, s30, s23, $0xb8;
	[tilespmem:$0x1E800] =	vst v63  }
0xbb: {  	_ =	swait.ge [sflag:s21], $0x4000  }
0xbc: {  	[sflag:s21] =	ssyncset.done $0x0  }
0xbd: {  	[sflag:s21] =	ssyncadd.s32 $0xFFFFC000  }
0xbe: {  	_ =	swait.ge [sflag:s28], $0x4000  }
0xbf: {  	[sflag:s28] =	ssyncset.done $0x0  }
0xc0: {  	[sflag:s28] =	ssyncadd.s32 $0xFFFFC000  }
0xc1: {  	[spmem:s3] =	stream.indirect.scatter.add.f32 [tilespmem:s25], [sflag:$0x3], $0x80, s31, s23, $0xb8;
	[tilespmem:$0x1E800] =	vst v63  }
0xc2: {  	_ =	swait.ge [sflag:s21], $0x4000  }
0xc3: {  	[sflag:s21] =	ssyncset.done $0x0  }
0xc4: {  	[sflag:s21] =	ssyncadd.s32 $0xFFFFC000  }
0xc5: {  	s6 =	sshrl.u32 @p4 s7, $0x3;
	s8 =	simm.s32 @p4 $0x1FC3;
	[bflag:$0x0] =	sbarrier.arrive $0xFFFF  }
0xc6: {  	[hbm:s16], [sflag:s8] =	dma.local @p4 [spmem:s6], $0x2080  }
0xc7: {  	s6 =	simm.s32 @p4 $0x3  }
0xc8: {  	s0 =	sadd.s32 $0x1, s0;
	_ =	swait.ge @p4 [sflag:s6], $0x2080  }
0xc9: {  	p5 =	sne.s32 s0, s17;
	s8 =	sshll.u32 @!p4 s2, $0x6;
	[sflag:s6] =	ssyncset.done @p4 $0x0  }
0xca: {  	[sflag:s6] =	ssyncadd.s32 @p4 $0xFFFFDF80;
	s6 =	sor.u32 @!p4 $0x1C03, s8;
	s8 =	sshrl.u32 @!p4 s5, $0x3  }
0xcb: {  	[hbm:s15], [sflag:s6] =	dma.local @!p4 [spmem:s8], $0x2780  }
.Ltmp2:
0xcc: {  	_ = 	snop;
	(pc) =	sbr.rel @p5 .LBB2_1-.Ltmp2, $4  }
0xcd: {  	s6 =	simm.s32 @!p4 $0x3  }
0xce: {  	_ =	swait.ge @!p4 [sflag:s6], $0x2780  }
0xcf: {  	[sflag:s6] =	ssyncset.done @!p4 $0x0  }
0xd0: {  	[sflag:s6] =	ssyncadd.s32 @!p4 $0xFFFFD880  }
0xd1: {  	_ =	sfence.sel $0x180000  }
0xd2: {  	[bflag:$0x0] =	sbarrier.arrive $0xFFFF  }
0xd3: {  	_ =	strace $0x9000004A  }
0xd4: {  	[bflag:$0x2] =	sbarrier.arrive $0xFFFF  }
0xd5: {  	p0 =	sne.s32 s2, $0x0;
	s0 =	rddreg [dreg:$0x3]  }
0xd6: {  	s0 =	sadd.s32 @!p0 $0x100000, s0  }
0xd7: {  	[sflag:s0] =	ssyncadd.tile.s32 @!p0 $0x1;
	_ =	shalt  }
.Lfunc_end2:
_tile_overlayer_lowered:
.L_overlay_start_2:
0xd8: {  	(tag) =	ssettag $0x2  }
0xd9: {  	s0 =	rddreg [dreg:$0x0];
	s2 =	stileid.u32  }
0xda: {  	s1 =	rddreg [dreg:$0x1];
	p0 =	sne.s32 s2, $0x0  }
0xdb: {  	s3 =	rddreg [dreg:$0x2];
	[bflag:$0x3] =	sbarrier.arrive $0xFFFF;
	s2 =	simm.s32 @!p0 $0x1C03  }
0xdc: {  	[timem:s3], [sflag:s2] =	dma.local @!p0 [hbm:s0], s1  }
0xdd: {  	s0 =	simm.s32 @!p0 $0x3  }
0xde: {  	_ =	swait.ge @!p0 [sflag:s0], s1  }
0xdf: {  	s1 =	ssub.s32 @!p0 $0x0, s1;
	[sflag:s0] =	ssyncset.done @!p0 $0x0  }
0xe0: {  	[sflag:s0] =	ssyncadd.s32 @!p0 s1  }
0xe1: {  	[bflag:$0x3] =	sbarrier.arrive $0xFFFF  }
0xe2: {  	_ =	shalt  }

// kernel: kernel.17.cloned.1.call-start
scs
__scs_entry_jumppad:
0x0: {  	(pc) =	sbr.rel $0x88, $3  }
0x1: {  	(tag) =	ssettag $0x0;
	lr =	simm.s32 $0x1  }
0x2: {  	[smem:$0x3F95] =	sst lr;
	_ =	strace $0xD0000000  }
0x3: {  	_ = 	snop  }
0x4: {  	_ = 	snop  }
0x5: {  	_ = 	snop  }
0x6: {  	_ = 	snop  }
0x7: {  	_ = 	snop  }
__scs_overlays_trampoline_lowered:
0x8: {  	[smem:$0x3FA4] =	sst s0  }
0x9: {  	[smem:$0x3FA5] =	sst s1  }
0xa: {  	[smem:$0x3FA6] =	sst s2  }
0xb: {  	[smem:$0x3FA7] =	sst s3  }
0xc: {  	[smem:$0x3FA8] =	sst s4  }
0xd: {  	[smem:$0x3FA9] =	sst s5  }
0xe: {  	[smem:$0x3FAA] =	sst s6  }
0xf: {  	[smem:$0x3FAB] =	sst s7  }
0x10: {  	[smem:$0x3FAC] =	sst s8  }
0x11: {  	[smem:$0x3FAD] =	sst s9;
	s0 =	simm.s32 @!p0 $0x0  }
0x12: {  	s1 =	sld [smem:$0x3F93];
	s0 =	simm.s32 @p0 $0x1  }
0x13: {  	[smem:$0x3FAE] =	sst s0;
	s0 =	simm.s32 @!p1 $0x0  }
0x14: {  	s2 =	sld [smem:$0x3F92];
	s0 =	simm.s32 @p1 $0x1  }
0x15: {  	[smem:$0x3FAF] =	sst s0;
	s0 =	simm.s32 @!p2 $0x0  }
0x16: {  	s3 =	sld [smem:$0x3FDB];
	s0 =	simm.s32 @p2 $0x1  }
0x17: {  	s4 =	simm.s32 $0x1BF5;
	[smem:$0x3FB1] =	sst s0  }
0x18: {  	s0 =	sld [smem:$0x3F94];
	_ =	swait.ge [sflag:s4], $0x0  }
0x19: {  	s7 =	sld [smem:$0x3F95]  }
0x1a: {  	s8 =	sadd.s32 $0xFFFFE003, lr  }
0x1b: {  	s9 =	sadd.s32 $0xFFFFFEF7, lr;
	s5 =	simm.s32 $0xFFFFFFFF;
	p2 =	slt.u32 s8, $0xFFFFF086  }
0x1c: {  	p1 =	slt.u32 s9, $0xF7A;
	s5 =	simm.s32 @!p2 $0x0  }
0x1d: {  	s5 =	simm.s32 @p1 $0x1;
	p0 =	seq.s32 s7, s2  }
0x1e: {  	s7 =	smul.u32 @!p0 $0xF7A, s2;
	p2 =	seq.s32 @!p0 s5, $0x0  }
0x1f: {  	s9 =	smul.u32 $0xF7A, s1;
	s8 =	simm.s32 @!p0 $0x1BF5;
	p2 =	por !p2, p0  }
0x20: {  	[sflag:s8] =	ssyncset.s32 @!p0 $0xFFFFF086;
	s6 =	sadd.s32 @!p0 s3, s7;
	s7 =	simm.s32 @!p0 $0x108  }
0x21: {  	s3 =	sadd.s32 s3, s9;
	s6 =	sadd.s32 @!p0 $0x88, s6;
	s7 =	simm.s32 @p2 $0x1082  }
0x22: {  	[simem:s7], [sflag:s8] =	dma.local @!p0 [hbm:s6], $0xF7A  }
0x23: {  	s9 =	sor.u32 $0xD0000000, s2;
	s6 =	simm.s32 $0x108;
	_ =	swait.ge @!p0 [sflag:s8], $0x0  }
0x24: {  	s3 =	sadd.s32 $0x88, s3;
	s6 =	simm.s32 @!p1 $0x1082;
	[sflag:s4] =	ssyncset.s32 $0xFFFFF086  }
0x25: {  	[simem:s6], [sflag:s4] =	dma.local [hbm:s3], $0xF7A  }
0x26: {  	[smem:$0x3F95] =	sst s1;
	(tag) =	ssettag s2;
	_ =	strace s9  }
0x27: {  	s1 =	sld [smem:$0x3FA5]  }
0x28: {  	s2 =	sld [smem:$0x3FA6]  }
0x29: {  	s4 =	sld [smem:$0x3FA8]  }
0x2a: {  	p0 =	seq.s32 s5, $0x0;
	s5 =	sld [smem:$0x3FA9]  }
0x2b: {  	s6 =	sld [smem:$0x3FAA]  }
0x2c: {  	s7 =	sld [smem:$0x3FAB]  }
0x2d: {  	s3 =	simm.s32 $0x108;
	s8 =	sld [smem:$0x3FAC]  }
0x2e: {  	s3 =	simm.s32 @!p0 $0x1082;
	s9 =	sld [smem:$0x3FAD]  }
0x2f: {  	lr =	sadd.s32 s0, s3;
	s0 =	sld [smem:$0x3FA4]  }
0x30: {  	s3 =	sld [smem:$0x3FA7]  }
0x31: {  	[smem:$0x3FB0] =	sst s10  }
0x32: {  	s10 =	sld [smem:$0x3FAE];
	_ =	sdelay $0x3  }
0x33: {  	p0 =	seq.s32 s10, $0x1;
	s10 =	sld [smem:$0x3FB0];
	_ =	sdelay $0x3  }
0x34: {  	[smem:$0x3FB0] =	sst s10  }
0x35: {  	s10 =	sld [smem:$0x3FAF];
	_ =	sdelay $0x3  }
0x36: {  	p1 =	seq.s32 s10, $0x1;
	s10 =	sld [smem:$0x3FB0];
	_ =	sdelay $0x3  }
0x37: {  	[smem:$0x3FB0] =	sst s10  }
0x38: {  	s10 =	sld [smem:$0x3FB1]  }
0x39: {  	_ = 	snop;
	(pc) =	sbr.ind lr, $3  }
0x3a: {  	_ = 	snop  }
0x3b: {  	_ = 	snop  }
0x3c: {  	p2 =	seq.s32 s10, $0x1;
	s10 =	sld [smem:$0x3FB0]  }
0x3d: {  	_ =	shalt  }
0x3e: {  	_ =	shalt  }
0x3f: {  	_ =	shalt  }
0x40: {  	_ =	shalt  }
0x41: {  	_ =	shalt  }
0x42: {  	_ =	shalt  }
0x43: {  	_ =	shalt  }
0x44: {  	_ =	shalt  }
0x45: {  	_ =	shalt  }
0x46: {  	_ =	shalt  }
0x47: {  	_ =	shalt  }
0x48: {  	_ =	shalt  }
0x49: {  	_ =	shalt  }
0x4a: {  	_ =	shalt  }
0x4b: {  	_ =	shalt  }
0x4c: {  	_ =	shalt  }
0x4d: {  	_ =	shalt  }
0x4e: {  	_ =	shalt  }
0x4f: {  	_ =	shalt  }
0x50: {  	_ =	shalt  }
0x51: {  	_ =	shalt  }
0x52: {  	_ =	shalt  }
0x53: {  	_ =	shalt  }
0x54: {  	_ =	shalt  }
0x55: {  	_ =	shalt  }
0x56: {  	_ =	shalt  }
0x57: {  	_ =	shalt  }
0x58: {  	_ =	shalt  }
0x59: {  	_ =	shalt  }
0x5a: {  	_ =	shalt  }
0x5b: {  	_ =	shalt  }
0x5c: {  	_ =	shalt  }
0x5d: {  	_ =	shalt  }
0x5e: {  	_ =	shalt  }
0x5f: {  	_ =	shalt  }
0x60: {  	_ =	shalt  }
0x61: {  	_ =	shalt  }
0x62: {  	_ =	shalt  }
0x63: {  	_ =	shalt  }
0x64: {  	_ =	shalt  }
0x65: {  	_ =	shalt  }
0x66: {  	_ =	shalt  }
0x67: {  	_ =	shalt  }
0x68: {  	_ =	shalt  }
0x69: {  	_ =	shalt  }
0x6a: {  	_ =	shalt  }
0x6b: {  	_ =	shalt  }
0x6c: {  	_ =	shalt  }
0x6d: {  	_ =	shalt  }
0x6e: {  	_ =	shalt  }
0x6f: {  	_ =	shalt  }
0x70: {  	_ =	shalt  }
0x71: {  	_ =	shalt  }
0x72: {  	_ =	shalt  }
0x73: {  	_ =	shalt  }
0x74: {  	_ =	shalt  }
0x75: {  	_ =	shalt  }
0x76: {  	_ =	shalt  }
0x77: {  	_ =	shalt  }
0x78: {  	_ =	shalt  }
0x79: {  	_ =	shalt  }
0x7a: {  	_ =	shalt  }
0x7b: {  	_ =	shalt  }
0x7c: {  	_ =	shalt  }
0x7d: {  	_ =	shalt  }
0x7e: {  	_ =	shalt  }
0x7f: {  	_ =	shalt  }
0x80: {  	_ =	shalt  }
0x81: {  	_ =	shalt  }
0x82: {  	_ =	shalt  }
0x83: {  	_ =	shalt  }
0x84: {  	_ =	shalt  }
0x85: {  	_ =	shalt  }
0x86: {  	_ =	shalt  }
0x87: {  	_ =	shalt  }
.Lfunc_end0:
.L_simem_size_0:
called_computation.2_lowered:
.L_overlay_start_0:
0x88: {  	s2 =	sld [smem:$0x3FD9]  }
0x89: {  	s3 =	sld [smem:$0x3FFE];
	_ =	sdelay $0x1  }
0x8a: {  	s1 =	srdreg.scid  }
0x8b: {  	s0 =	sand.u32 $0x1, s1  }
0x8c: {  	s16 =	sshll.u32 s0, $0xA;
	s2 =	sadd.s32 s3, s2  }
0x8d: {  	s2 =	sadd.s32 s2, s16  }
0x8e: {  	[smem:$0x3FBC] =	sst s2  }
0x8f: {  	_ = 	snop  }
0x90: {  	(tm) =	ssettm $0x1  }
0x91: {  	s17 =	sld [smem:$0x3FFB];
	_ =	sdelay $0x3  }
0x92: {  	_ =	strace s17  }
0x93: {  	s2 =	sld [smem:$0x3FFC];
	_ =	sdelay $0x3  }
0x94: {  	_ =	strace s2  }
0x95: {  	s2 =	sld [smem:$0x3FFD];
	_ =	sdelay $0x3  }
0x96: {  	_ =	strace s2  }
0x97: {  	_ =	strace $0x8FFFFFFF  }
0x98: {  	s18 =	sld [smem:$0x3FDB];
	_ =	sdelay $0x1  }
0x99: {  	s19 =	simm.s32 $_scs_section_size  }
0x9a: {  	s4 =	simm.s32 $_size__tile_overlayer_lowered;
	s5 =	simm.s32 $_tile_overlayer_lowered  }
0x9b: {  	s22 =	simm.s32 $0x1BFF;
	s21 =	sshll.u32 s5, $0x1;
	s2 =	sadd.s32 s19, s18  }
0x9c: {  	s6 =	simm.s32 $0x0;
	s20 =	sshll.u32 s4, $0x1;
	s4 =	sadd.s32 s21, s2  }
0x9d: {  	[timem:s6], [sflag:s22] =	dma.local [hbm:s4], s20  }
0x9e: {  	_ =	swait.ge [sflag:s22], s20  }
0x9f: {  	s3 =	ssub.s32 $0x0, s20;
	[sflag:s22] =	ssyncset.done $0x0  }
0xa0: {  	[sflag:s22] =	ssyncadd.s32 s3;
	_ =	sdelay $0x1  }
0xa1: {  	s23 =	simm.s32 $0x1B8B  }
0xa2: {  	_ =	swait.ge [sflag:s23], $0x1  }
0xa3: {  	[sflag:s23] =	ssyncset.done $0x0  }
0xa4: {  	s25 =	simm.s32 $0x1B8E;
	s24 =	sld [smem:$0x3FFE];
	[sflag:s23] =	ssyncadd.s32 $0xFFFFFFFF  }
0xa5: {  	s26 =	simm.s32 $execute0_lowered;
	[smem:$0x3FD2] =	sst s25  }
0xa6: {  	s4 =	sshll.u32 s26, $0x1;
	_ =	strace $0x8000004C;
	[dreg:$0x1] =	wrdreg $0xFFFFFFFF  }
0xa7: {  	s28 =	simm.s32 $_size_execute0_lowered;
	s2 =	sadd.s32 s2, s4;
	[dreg:$0x0] =	wrdreg $0x0  }
0xa8: {  	s4 =	sshll.u32 s28, $0x1;
	[dreg:$0x2] =	wrdreg s2  }
0xa9: {  	[dreg:$0x3] =	wrdreg s4  }
0xaa: {  	[dreg:$0x4] =	wrdreg $0xC0  }
0xab: {  	_ =	task [dreg:s6], $0x5FFFF  }
0xac: {  	[dreg:$0x1] =	wrdreg $0xFFFFFFFF  }
0xad: {  	[dreg:$0x0] =	wrdreg $0x60  }
0xae: {  	[dreg:$0x2] =	wrdreg s24  }
0xaf: {  	[dreg:$0x3] =	wrdreg $0xA8000  }
0xb0: {  	[dreg:$0x4] =	wrdreg $0x9  }
0xb1: {  	_ =	task.clear_ibuf [dreg:s6], $0x5FFFF;
	_ =	strace $0x9000004C  }
0xb2: {  	s29 =	simm.s32 $0x9;
	_ =	strace $0x8000004E  }
0xb3: {  	_ =	swait.ge [sflag:s29], $0x1  }
0xb4: {  	[sflag:s29] =	ssyncadd.s32 $0xFFFFFFFF  }
0xb5: {  	_ =	strace $0x9000004E  }
0xb6: {  	_ =	sfence  }
0xb7: {  	s30 =	sld [smem:$0x0];
	_ =	sdelay $0x2  }
0xb8: {  	s31 =	sshll.u32 s1, $0xD;
	s1 =	sshrl.u32 s1, $0x2  }
0xb9: {  	s3 =	sand.u32 $0x4000, s31;
	s1 =	sadd.s32 s1, s30  }
0xba: {  	s0 =	sor.u32 s3, s0;
	s1 =	sshll.u32 s1, $0x11  }
0xbb: {  	s0 =	sor.u32 s1, s0  }
0xbc: {  	s0 =	sadd.s32 $0x8F2B, s0  }
0xbd: {  	[sflag:s0] =	ssyncadd.remote.s32 $0x1  }
0xbe: {  	_ =	sfence.sel $0xFFFF  }
0xbf: {  	[dreg:$0x0] =	wrdreg $0xFFFFFFFF;
	(pc) =	sbr.abs _section_cstart, $3  }
0xc0: {  	[dreg:$0x1] =	wrdreg $0xFFFFFFFF  }
0xc1: {  	_ =	task.clear_ibuf [dreg:s6], $0x2FFFF;
	_ =	strace $0x9FFFFFFF  }
0xc2: {  	(tm) =	ssettm $0x7FFFFFFF  }
0xc3: {  	_ =	shalt  }
tec
execute0_lowered:
.L_overlay_start_1:
0x0: {  	(tag) =	ssettag $0x1  }
0x1: {  	s19 =	stileid.u32  }
0x2: {  	s0 =	rddreg [dreg:$0x0];
	s5 =	smul.u32 $0x4F000, s19  }
0x3: {  	s2 =	rddreg [dreg:$0x1];
	s3 =	simm.s32 $0x0;
	s8 =	smul.u32 $0x2780, s19  }
0x4: {  	s1 =	srdreg.scid;
	s29 =	simm.s32 $0x3;
	s15 =	smul.u32 $0xA0, s19  }
0x5: {  	s30 =	simm.s32 $0x1400;
	s31 =	simm.s32 $0x80;
	s24 =	smul.u32 $0xA00, s19  }
0x6: {  	[smem:$0x7FF] =	sst s3;
	s1 =	sand.u32 $0x1, s1;
	s25 =	smul.u32 $0x5000, s19  }
0x7: {  	s4 =	sadd.s32 $0xB4A00, s0;
	s7 =	sadd.s32 $0x8CA00, s0;
	s6 =	smul.u32 $0x4E200, s1  }
0x8: {  	s11 =	sadd.s32 $0x3600, s0;
	s0 =	sadd.s32 $0x150E00, s0;
	s10 =	smul.u32 $0x271000, s1  }
0x9: {  	s9 =	ssub.s32 $0x2, s1;
	s13 =	smul.u32 $0x1400, s1;
	s1 =	sshllo.u32 s1, $0x1  }
0xa: {  	s26 =	sadd.s32 $0x128400, s2;
	p0 =	seq.s32 s19, $0xF;
	s18 =	smul.u32 $0xA00, s1  }
0xb: {  	_ =	strace $0x8000004D;
	[dreg:$0x5] =	wrdreg s26;
	s20 =	smul.u32 $0x27100, s1  }
0xc: {  	s12 =	sshrl.u32 s9, $0x1;
	s5 =	sshrl.u32 s5, $0x2;
	s1 =	smul.u32 $0x138800, s1  }
0xd: {  	s6 =	sadd.s32 s8, s6;
	s17 =	ssub.s32 s9, s12;
	s5 =	sadd.s32 s5, s2  }
0xe: {  	s22 =	sshrl.u32 s10, $0x3;
	s23 =	sadd.s32 s15, s13;
	s10 =	sadd.s32 s11, s24  }
0xf: {  	s12 =	sshrl.u32 s25, $0x3;
	[dreg:$0x3] =	wrdreg s5;
	s21 =	sadd.s32 s4, s6  }
0x10: {  	s5 =	sadd.s32 $0x25080, s22;
	s9 =	sshll.u32 s23, $0x4;
	s11 =	sadd.s32 s11, s12  }
0x11: {  	s13 =	sadd.s32 s15, s18;
	s6 =	sadd.s32 s0, s6;
	s22 =	sadd.s32 s8, s20  }
0x12: {  	s1 =	sshrl.u32 s1, $0x3;
	s23 =	sadd.s32 s0, s8;
	s26 =	smax.u32 s17, $0x1  }
0x13: {  	s8 =	simm.s32 $0x2700;
	[dreg:$0x4] =	wrdreg s21;
	s14 =	sadd.s32 s4, s5  }
0x14: {  	s9 =	sadd.s32 s7, s9;
	s12 =	sadd.s32 $0x280, s11;
	[dreg:$0xa] =	wrdreg s6  }
0x15: {  	s21 =	sshll.u32 s13, $0x4;
	s6 =	sadd.s32 s4, s22;
	[dreg:$0xf] =	wrdreg s26  }
0x16: {  	s5 =	sadd.s32 s0, s5;
	s1 =	sadd.s32 $0x25080, s1;
	[dreg:$0x6] =	wrdreg s14  }
0x17: {  	s24 =	sadd.s32 s23, s20;
	s13 =	simm.s32 $0x0;
	[dreg:$0xb] =	wrdreg s6  }
0x18: {  	s16 =	sadd.s32 $0x280, s9;
	s14 =	sadd.s32 $0x500, s9;
	[dreg:$0xc] =	wrdreg s5  }
0x19: {  	s18 =	sadd.s32 s7, s21;
	[dreg:$0xd] =	wrdreg s24;
	s25 =	sadd.s32 s4, s1  }
0x1a: {  	s0 =	sadd.s32 s0, s1;
	s1 =	simm.s32 $0x6800;
	[dreg:$0x7] =	wrdreg s16  }
0x1b: {  	s5 =	simm.s32 $0x1;
	s6 =	simm.s32 $0x2;
	[dreg:$0x8] =	wrdreg s14  }
0x1c: {  	s7 =	simm.s32 $0x1380;
	s14 =	sadd.s32 $0x500, s11;
	[dreg:$0xe] =	wrdreg s25  }
0x1d: {  	s16 =	sadd.s32 $0x780, s9;
	[dreg:$0x10] =	wrdreg s0;
	s25 =	sadd.s32 $0x280, s18  }
0x1e: {  	s26 =	sadd.s32 $0x500, s18;
	s28 =	sadd.s32 $0x780, s18;
	s0 =	simm.s32 $0x2800  }
0x1f: {  	[dreg:$0x9] =	wrdreg s16;
	s16 =	sadd.s32 $0x780, s11;
	s11 =	simm.s32 $0x2780  }
.LBB2_1:
0x20: {  	s15 =	rddreg [dreg:$0x5]  }
0x21: {  	s17 =	simm.s32 @p0 $0x1FC3;
	s19 =	rddreg [dreg:$0x6];
	s15 =	sshrl.u32 @p0 s15, $0x3  }
0x22: {  	[spmem:s15], [sflag:s17] =	dma.local @p0 [hbm:s19], $0x2080  }
0x23: {  	s17 =	simm.s32 @p0 $0x3  }
0x24: {  	s19 =	stileid.u32;
	_ =	swait.ge @p0 [sflag:s17], $0x2080  }
0x25: {  	s19 =	sshll.u32 @!p0 s19, $0x6;
	[sflag:s17] =	ssyncset.done @p0 $0x0  }
0x26: {  	[sflag:s17] =	ssyncadd.s32 @p0 $0xFFFFDF80;
	s17 =	sor.u32 @!p0 $0x1C03, s19;
	s19 =	rddreg [dreg:$0x3]  }
0x27: {  	s20 =	rddreg [dreg:$0x4];
	s19 =	sshrl.u32 @!p0 s19, $0x3  }
0x28: {  	[spmem:s19], [sflag:s17] =	dma.local @!p0 [hbm:s20], $0x2780  }
0x29: {  	s20 =	simm.s32 @!p0 $0x3  }
0x2a: {  	_ =	swait.ge @!p0 [sflag:s20], $0x2780  }
0x2b: {  	[sflag:s20] =	ssyncset.done @!p0 $0x0  }
0x2c: {  	[sflag:s20] =	ssyncadd.s32 @!p0 $0xFFFFD880  }
0x2d: {  	[bflag:$0x0] =	sbarrier.arrive $0xFFFF  }
0x2e: {  	[tilespmem:s3], [sflag:$0x3] =	stream.linear.gather [hbm4b:s9+s3], $0x1400, $0x38;
	[tilespmem:$0x1E800] =	vst v63  }
0x2f: {  	_ =	swait.ge [sflag:s29], $0x1400  }
0x30: {  	[sflag:s29] =	ssyncset.done $0x0  }
0x31: {  	[sflag:s29] =	ssyncadd.s32 $0xFFFFEC00  }
0x32: {  	[tilespmem:s30], [sflag:$0x3] =	stream.linear.gather [hbm4b:s10+s3], $0x1400, $0x38;
	[tilespmem:$0x1E800] =	vst v63  }
0x33: {  	_ =	swait.ge [sflag:s29], $0x1400  }
0x34: {  	[sflag:s29] =	ssyncset.done $0x0  }
0x35: {  	[sflag:s29] =	ssyncadd.s32 $0xFFFFEC00  }
0x36: {  	[tilespmem:s0], [sflag:$0x1] =	stream.indirect.gather [hbm4b:s4+s31], $0x80, s3, s31, $0xb8;
	[tilespmem:$0x1E800] =	vst v63  }
0x37: {  	s21 =	simm.s32 $0x80  }
0x38: {  	[tilespmem:s1], [sflag:$0x2] =	stream.indirect.gather [hbm4b:s4+s31], $0x80, s21, s31, $0xb8;
	[tilespmem:$0x1E800] =	vst v63  }
0x39: {  	_ =	swait.ge [sflag:s5], $0x4000  }
0x3a: {  	[sflag:s5] =	ssyncset.done $0x0  }
0x3b: {  	s22 =	simm.s32 $0x1400;
	[sflag:s5] =	ssyncadd.s32 $0xFFFFC000  }
0x3c: {  	[spmem:s2] =	stream.indirect.scatter.add.f32 [tilespmem:s0], [sflag:$0x3], $0x80, s22, s31, $0xb8;
	[tilespmem:$0x1E800] =	vst v63  }
0x3d: {  	_ =	swait.ge [sflag:s29], $0x4000  }
0x3e: {  	[sflag:s29] =	ssyncset.done $0x0  }
0x3f: {  	s23 =	simm.s32 $0x100;
	[sflag:s29] =	ssyncadd.s32 $0xFFFFC000  }
0x40: {  	[tilespmem:s0], [sflag:$0x1] =	stream.indirect.gather [hbm4b:s4+s31], $0x80, s23, s31, $0xb8;
	[tilespmem:$0x1E800] =	vst v63  }
0x41: {  	_ =	swait.ge [sflag:s6], $0x4000  }
0x42: {  	[sflag:s6] =	ssyncset.done $0x0  }
0x43: {  	s24 =	simm.s32 $0x1480;
	[sflag:s6] =	ssyncadd.s32 $0xFFFFC000  }
0x44: {  	[spmem:s2] =	stream.indirect.scatter.add.f32 [tilespmem:s1], [sflag:$0x3], $0x80, s24, s31, $0xb8;
	[tilespmem:$0x1E800] =	vst v63  }
0x45: {  	_ =	swait.ge [sflag:s29], $0x4000  }
0x46: {  	s20 =	simm.s32 $0x100;
	s21 =	simm.s32 $0x800;
	[sflag:s29] =	ssyncset.done $0x0  }
.LBB2_2:
0x47: {  	s22 =	sadd.s32 $0x80, s20  }
0x48: {  	[sflag:s29] =	ssyncadd.s32 $0xFFFFC000;
	s23 =	smov.u32 s21;
	s24 =	sadd.s32 $0x400, s21  }
0x49: {  	[tilespmem:s1], [sflag:$0x2] =	stream.indirect.gather [hbm4b:s4+s31], $0x80, s22, s31, $0xb8;
	[tilespmem:$0x1E800] =	vst v63  }
0x4a: {  	p1 =	sne.s32 s21, $0x4800;
	_ =	swait.ge [sflag:s5], $0x4000  }
0x4b: {  	[sflag:s5] =	ssyncset.done $0x0  }
0x4c: {  	s21 =	sadd.s32 $0x1400, s20;
	[sflag:s5] =	ssyncadd.s32 $0xFFFFC000  }
0x4d: {  	[spmem:s2] =	stream.indirect.scatter.add.f32 [tilespmem:s0], [sflag:$0x3], $0x80, s21, s31, $0xb8;
	[tilespmem:$0x1E800] =	vst v63  }
0x4e: {  	_ =	swait.ge [sflag:s29], $0x4000  }
0x4f: {  	[sflag:s29] =	ssyncset.done $0x0  }
0x50: {  	s21 =	sadd.s32 $0x100, s20;
	[sflag:s29] =	ssyncadd.s32 $0xFFFFC000  }
0x51: {  	[tilespmem:s0], [sflag:$0x1] =	stream.indirect.gather [hbm4b:s4+s31], $0x80, s21, s31, $0xb8;
	[tilespmem:$0x1E800] =	vst v63  }
0x52: {  	_ =	swait.ge [sflag:s6], $0x4000  }
.Ltmp0:
0x53: {  	[sflag:s6] =	ssyncset.done $0x0;
	(pc) =	sbr.rel @p1 .LBB2_2-.Ltmp0, $4  }
0x54: {  	s20 =	sadd.s32 $0x1480, s20;
	[sflag:s6] =	ssyncadd.s32 $0xFFFFC000  }
0x55: {  	[spmem:s2] =	stream.indirect.scatter.add.f32 [tilespmem:s1], [sflag:$0x3], $0x80, s20, s31, $0xb8;
	[tilespmem:$0x1E800] =	vst v63  }
0x56: {  	_ =	swait.ge [sflag:s29], $0x4000  }
0x57: {  	s21 =	smov.u32 s24;
	s20 =	sshra.s32 s23, $0x2;
	[sflag:s29] =	ssyncset.done $0x0  }
0x58: {  	s21 =	sadd.s32 $0x80, s20;
	[sflag:s29] =	ssyncadd.s32 $0xFFFFC000  }
0x59: {  	[tilespmem:s1], [sflag:$0x2] =	stream.indirect.gather [hbm4b:s4+s31], $0x80, s21, s31, $0xb8;
	[tilespmem:$0x1E800] =	vst v63  }
0x5a: {  	_ =	swait.ge [sflag:s5], $0x4000  }
0x5b: {  	[sflag:s5] =	ssyncset.done $0x0  }
0x5c: {  	s23 =	sadd.s32 $0x1400, s20;
	[sflag:s5] =	ssyncadd.s32 $0xFFFFC000  }
0x5d: {  	[spmem:s2] =	stream.indirect.scatter.add.f32 [tilespmem:s0], [sflag:$0x3], $0x80, s23, s31, $0xb8;
	[tilespmem:$0x1E800] =	vst v63  }
0x5e: {  	_ =	swait.ge [sflag:s29], $0x4000  }
0x5f: {  	[sflag:s29] =	ssyncset.done $0x0  }
0x60: {  	s24 =	sadd.s32 $0x100, s20;
	[sflag:s29] =	ssyncadd.s32 $0xFFFFC000  }
0x61: {  	[tilespmem:s0], [sflag:$0x1] =	stream.indirect.gather [hbm4b:s4+s31], $0x80, s24, s31, $0xb8;
	[tilespmem:$0x1E800] =	vst v63  }
0x62: {  	_ =	swait.ge [sflag:s6], $0x4000  }
0x63: {  	[sflag:s6] =	ssyncset.done $0x0  }
0x64: {  	s22 =	sadd.s32 $0x1480, s20;
	[sflag:s6] =	ssyncadd.s32 $0xFFFFC000  }
0x65: {  	[spmem:s2] =	stream.indirect.scatter.add.f32 [tilespmem:s1], [sflag:$0x3], $0x80, s22, s31, $0xb8;
	[tilespmem:$0x1E800] =	vst v63  }
0x66: {  	_ =	swait.ge [sflag:s29], $0x4000  }
0x67: {  	[sflag:s29] =	ssyncset.done $0x0  }
0x68: {  	[sflag:s29] =	ssyncadd.s32 $0xFFFFC000  }
0x69: {  	[tilespmem:s1], [sflag:$0x2] =	stream.indirect.gather [hbm4b:s4+s31], $0x80, s7, s31, $0xb8;
	[tilespmem:$0x1E800] =	vst v63  }
0x6a: {  	_ =	swait.ge [sflag:s5], $0x4000  }
0x6b: {  	[sflag:s5] =	ssyncset.done $0x0  }
0x6c: {  	[sflag:s5] =	ssyncadd.s32 $0xFFFFC000  }
0x6d: {  	[spmem:s2] =	stream.indirect.scatter.add.f32 [tilespmem:s0], [sflag:$0x3], $0x80, s8, s31, $0xb8;
	[tilespmem:$0x1E800] =	vst v63  }
0x6e: {  	_ =	swait.ge [sflag:s29], $0x4000  }
0x6f: {  	[sflag:s29] =	ssyncset.done $0x0  }
0x70: {  	[sflag:s29] =	ssyncadd.s32 $0xFFFFC000  }
0x71: {  	_ =	swait.ge [sflag:s6], $0x4000  }
0x72: {  	[sflag:s6] =	ssyncset.done $0x0  }
0x73: {  	[sflag:s6] =	ssyncadd.s32 $0xFFFFC000  }
0x74: {  	[spmem:s2] =	stream.indirect.scatter.add.f32 [tilespmem:s1], [sflag:$0x3], $0x80, s11, s31, $0xb8;
	[tilespmem:$0x1E800] =	vst v63  }
0x75: {  	_ =	swait.ge [sflag:s29], $0x4000  }
0x76: {  	[sflag:s29] =	ssyncset.done $0x0  }
0x77: {  	s23 =	simm.s32 $0x0;
	s24 =	rddreg [dreg:$0x7];
	[sflag:s29] =	ssyncadd.s32 $0xFFFFC000  }
0x78: {  	[tilespmem:s23], [sflag:$0x3] =	stream.linear.gather [hbm4b:s24+s23], $0x1400, $0x38;
	[tilespmem:$0x1E800] =	vst v63  }
0x79: {  	_ =	swait.ge [sflag:s29], $0x1400  }
0x7a: {  	[sflag:s29] =	ssyncset.done $0x0  }
0x7b: {  	[sflag:s29] =	ssyncadd.s32 $0xFFFFEC00  }
0x7c: {  	[tilespmem:s30], [sflag:$0x3] =	stream.linear.gather [hbm4b:s12+s23], $0x1400, $0x38;
	[tilespmem:$0x1E800] =	vst v63  }
0x7d: {  	_ =	swait.ge [sflag:s29], $0x1400  }
0x7e: {  	[sflag:s29] =	ssyncset.done $0x0  }
0x7f: {  	[sflag:s29] =	ssyncadd.s32 $0xFFFFEC00  }
0x80: {  	[tilespmem:s0], [sflag:$0x1] =	stream.indirect.gather [hbm4b:s4+s31], $0x80, s23, s31, $0xb8;
	[tilespmem:$0x1E800] =	vst v63  }
0x81: {  	s21 =	simm.s32 $0x80  }
0x82: {  	[tilespmem:s1], [sflag:$0x2] =	stream.indirect.gather [hbm4b:s4+s31], $0x80, s21, s31, $0xb8;
	[tilespmem:$0x1E800] =	vst v63  }
0x83: {  	_ =	swait.ge [sflag:s5], $0x4000  }
0x84: {  	[sflag:s5] =	ssyncset.done $0x0  }
0x85: {  	s22 =	simm.s32 $0x1400;
	[sflag:s5] =	ssyncadd.s32 $0xFFFFC000  }
0x86: {  	[spmem:s2] =	stream.indirect.scatter.add.f32 [tilespmem:s0], [sflag:$0x3], $0x80, s22, s31, $0xb8;
	[tilespmem:$0x1E800] =	vst v63  }
0x87: {  	_ =	swait.ge [sflag:s29], $0x4000  }
0x88: {  	[sflag:s29] =	ssyncset.done $0x0  }
0x89: {  	s23 =	simm.s32 $0x100;
	[sflag:s29] =	ssyncadd.s32 $0xFFFFC000  }
0x8a: {  	[tilespmem:s0], [sflag:$0x1] =	stream.indirect.gather [hbm4b:s4+s31], $0x80, s23, s31, $0xb8;
	[tilespmem:$0x1E800] =	vst v63  }
0x8b: {  	_ =	swait.ge [sflag:s6], $0x4000  }
0x8c: {  	[sflag:s6] =	ssyncset.done $0x0  }
0x8d: {  	s24 =	simm.s32 $0x1480;
	[sflag:s6] =	ssyncadd.s32 $0xFFFFC000  }
0x8e: {  	[spmem:s2] =	stream.indirect.scatter.add.f32 [tilespmem:s1], [sflag:$0x3], $0x80, s24, s31, $0xb8;
	[tilespmem:$0x1E800] =	vst v63  }
0x8f: {  	_ =	swait.ge [sflag:s29], $0x4000  }
0x90: {  	s20 =	simm.s32 $0x100;
	s21 =	simm.s32 $0x800;
	[sflag:s29] =	ssyncset.done $0x0  }
.LBB2_4:
0x91: {  	s22 =	sadd.s32 $0x80, s20  }
0x92: {  	[sflag:s29] =	ssyncadd.s32 $0xFFFFC000;
	s23 =	smov.u32 s21;
	s24 =	sadd.s32 $0x400, s21  }
0x93: {  	[tilespmem:s1], [sflag:$0x2] =	stream.indirect.gather [hbm4b:s4+s31], $0x80, s22, s31, $0xb8;
	[tilespmem:$0x1E800] =	vst v63  }
0x94: {  	p1 =	sne.s32 s21, $0x4800;
	_ =	swait.ge [sflag:s5], $0x4000  }
0x95: {  	[sflag:s5] =	ssyncset.done $0x0  }
0x96: {  	s21 =	sadd.s32 $0x1400, s20;
	[sflag:s5] =	ssyncadd.s32 $0xFFFFC000  }
0x97: {  	[spmem:s2] =	stream.indirect.scatter.add.f32 [tilespmem:s0], [sflag:$0x3], $0x80, s21, s31, $0xb8;
	[tilespmem:$0x1E800] =	vst v63  }
0x98: {  	_ =	swait.ge [sflag:s29], $0x4000  }
0x99: {  	[sflag:s29] =	ssyncset.done $0x0  }
0x9a: {  	s21 =	sadd.s32 $0x100, s20;
	[sflag:s29] =	ssyncadd.s32 $0xFFFFC000  }
0x9b: {  	[tilespmem:s0], [sflag:$0x1] =	stream.indirect.gather [hbm4b:s4+s31], $0x80, s21, s31, $0xb8;
	[tilespmem:$0x1E800] =	vst v63  }
0x9c: {  	_ =	swait.ge [sflag:s6], $0x4000  }
.Ltmp1:
0x9d: {  	[sflag:s6] =	ssyncset.done $0x0;
	(pc) =	sbr.rel @p1 .LBB2_4-.Ltmp1, $4  }
0x9e: {  	s20 =	sadd.s32 $0x1480, s20;
	[sflag:s6] =	ssyncadd.s32 $0xFFFFC000  }
0x9f: {  	[spmem:s2] =	stream.indirect.scatter.add.f32 [tilespmem:s1], [sflag:$0x3], $0x80, s20, s31, $0xb8;
	[tilespmem:$0x1E800] =	vst v63  }
0xa0: {  	_ =	swait.ge [sflag:s29], $0x4000  }
0xa1: {  	s21 =	smov.u32 s24;
	s20 =	sshra.s32 s23, $0x2;
	[sflag:s29] =	ssyncset.done $0x0  }
0xa2: {  	s21 =	sadd.s32 $0x80, s20;
	[sflag:s29] =	ssyncadd.s32 $0xFFFFC000  }
0xa3: {  	[tilespmem:s1], [sflag:$0x2] =	stream.indirect.gather [hbm4b:s4+s31], $0x80, s21, s31, $0xb8;
	[tilespmem:$0x1E800] =	vst v63  }
0xa4: {  	_ =	swait.ge [sflag:s5], $0x4000  }
0xa5: {  	[sflag:s5] =	ssyncset.done $0x0  }
0xa6: {  	s23 =	sadd.s32 $0x1400, s20;
	[sflag:s5] =	ssyncadd.s32 $0xFFFFC000  }
0xa7: {  	[spmem:s2] =	stream.indirect.scatter.add.f32 [tilespmem:s0], [sflag:$0x3], $0x80, s23, s31, $0xb8;
	[tilespmem:$0x1E800] =	vst v63  }
0xa8: {  	_ =	swait.ge [sflag:s29], $0x4000  }
0xa9: {  	[sflag:s29] =	ssyncset.done $0x0  }
0xaa: {  	s24 =	sadd.s32 $0x100, s20;
	[sflag:s29] =	ssyncadd.s32 $0xFFFFC000  }
0xab: {  	[tilespmem:s0], [sflag:$0x1] =	stream.indirect.gather [hbm4b:s4+s31], $0x80, s24, s31, $0xb8;
	[tilespmem:$0x1E800] =	vst v63  }
0xac: {  	_ =	swait.ge [sflag:s6], $0x4000  }
0xad: {  	[sflag:s6] =	ssyncset.done $0x0  }
0xae: {  	s22 =	sadd.s32 $0x1480, s20;
	[sflag:s6] =	ssyncadd.s32 $0xFFFFC000  }
0xaf: {  	[spmem:s2] =	stream.indirect.scatter.add.f32 [tilespmem:s1], [sflag:$0x3], $0x80, s22, s31, $0xb8;
	[tilespmem:$0x1E800] =	vst v63  }
0xb0: {  	_ =	swait.ge [sflag:s29], $0x4000  }
0xb1: {  	[sflag:s29] =	ssyncset.done $0x0  }
0xb2: {  	[sflag:s29] =	ssyncadd.s32 $0xFFFFC000  }
0xb3: {  	[tilespmem:s1], [sflag:$0x2] =	stream.indirect.gather [hbm4b:s4+s31], $0x80, s7, s31, $0xb8;
	[tilespmem:$0x1E800] =	vst v63  }
0xb4: {  	_ =	swait.ge [sflag:s5], $0x4000  }
0xb5: {  	[sflag:s5] =	ssyncset.done $0x0  }
0xb6: {  	[sflag:s5] =	ssyncadd.s32 $0xFFFFC000  }
0xb7: {  	[spmem:s2] =	stream.indirect.scatter.add.f32 [tilespmem:s0], [sflag:$0x3], $0x80, s8, s31, $0xb8;
	[tilespmem:$0x1E800] =	vst v63  }
0xb8: {  	_ =	swait.ge [sflag:s29], $0x4000  }
0xb9: {  	[sflag:s29] =	ssyncset.done $0x0  }
0xba: {  	[sflag:s29] =	ssyncadd.s32 $0xFFFFC000  }
0xbb: {  	_ =	swait.ge [sflag:s6], $0x4000  }
0xbc: {  	[sflag:s6] =	ssyncset.done $0x0  }
0xbd: {  	[sflag:s6] =	ssyncadd.s32 $0xFFFFC000  }
0xbe: {  	[spmem:s2] =	stream.indirect.scatter.add.f32 [tilespmem:s1], [sflag:$0x3], $0x80, s11, s31, $0xb8;
	[tilespmem:$0x1E800] =	vst v63  }
0xbf: {  	_ =	swait.ge [sflag:s29], $0x4000  }
0xc0: {  	[sflag:s29] =	ssyncset.done $0x0  }
0xc1: {  	s23 =	simm.s32 $0x0;
	s24 =	rddreg [dreg:$0x8];
	[sflag:s29] =	ssyncadd.s32 $0xFFFFC000  }
0xc2: {  	[tilespmem:s23], [sflag:$0x3] =	stream.linear.gather [hbm4b:s24+s23], $0x1400, $0x38;
	[tilespmem:$0x1E800] =	vst v63  }
0xc3: {  	_ =	swait.ge [sflag:s29], $0x1400  }
0xc4: {  	[sflag:s29] =	ssyncset.done $0x0  }
0xc5: {  	[sflag:s29] =	ssyncadd.s32 $0xFFFFEC00  }
0xc6: {  	[tilespmem:s30], [sflag:$0x3] =	stream.linear.gather [hbm4b:s14+s23], $0x1400, $0x38;
	[tilespmem:$0x1E800] =	vst v63  }
0xc7: {  	_ =	swait.ge [sflag:s29], $0x1400  }
0xc8: {  	[sflag:s29] =	ssyncset.done $0x0  }
0xc9: {  	[sflag:s29] =	ssyncadd.s32 $0xFFFFEC00  }
0xca: {  	[tilespmem:s0], [sflag:$0x1] =	stream.indirect.gather [hbm4b:s4+s31], $0x80, s23, s31, $0xb8;
	[tilespmem:$0x1E800] =	vst v63  }
0xcb: {  	s21 =	simm.s32 $0x80  }
0xcc: {  	[tilespmem:s1], [sflag:$0x2] =	stream.indirect.gather [hbm4b:s4+s31], $0x80, s21, s31, $0xb8;
	[tilespmem:$0x1E800] =	vst v63  }
0xcd: {  	_ =	swait.ge [sflag:s5], $0x4000  }
0xce: {  	[sflag:s5] =	ssyncset.done $0x0  }
0xcf: {  	s22 =	simm.s32 $0x1400;
	[sflag:s5] =	ssyncadd.s32 $0xFFFFC000  }
0xd0: {  	[spmem:s2] =	stream.indirect.scatter.add.f32 [tilespmem:s0], [sflag:$0x3], $0x80, s22, s31, $0xb8;
	[tilespmem:$0x1E800] =	vst v63  }
0xd1: {  	_ =	swait.ge [sflag:s29], $0x4000  }
0xd2: {  	[sflag:s29] =	ssyncset.done $0x0  }
0xd3: {  	s23 =	simm.s32 $0x100;
	[sflag:s29] =	ssyncadd.s32 $0xFFFFC000  }
0xd4: {  	[tilespmem:s0], [sflag:$0x1] =	stream.indirect.gather [hbm4b:s4+s31], $0x80, s23, s31, $0xb8;
	[tilespmem:$0x1E800] =	vst v63  }
0xd5: {  	_ =	swait.ge [sflag:s6], $0x4000  }
0xd6: {  	[sflag:s6] =	ssyncset.done $0x0  }
0xd7: {  	s24 =	simm.s32 $0x1480;
	[sflag:s6] =	ssyncadd.s32 $0xFFFFC000  }
0xd8: {  	[spmem:s2] =	stream.indirect.scatter.add.f32 [tilespmem:s1], [sflag:$0x3], $0x80, s24, s31, $0xb8;
	[tilespmem:$0x1E800] =	vst v63  }
0xd9: {  	_ =	swait.ge [sflag:s29], $0x4000  }
0xda: {  	s20 =	simm.s32 $0x100;
	s21 =	simm.s32 $0x800;
	[sflag:s29] =	ssyncset.done $0x0  }
.LBB2_6:
0xdb: {  	s22 =	sadd.s32 $0x80, s20  }
0xdc: {  	[sflag:s29] =	ssyncadd.s32 $0xFFFFC000;
	s23 =	smov.u32 s21;
	s24 =	sadd.s32 $0x400, s21  }
0xdd: {  	[tilespmem:s1], [sflag:$0x2] =	stream.indirect.gather [hbm4b:s4+s31], $0x80, s22, s31, $0xb8;
	[tilespmem:$0x1E800] =	vst v63  }
0xde: {  	p1 =	sne.s32 s21, $0x4800;
	_ =	swait.ge [sflag:s5], $0x4000  }
0xdf: {  	[sflag:s5] =	ssyncset.done $0x0  }
0xe0: {  	s21 =	sadd.s32 $0x1400, s20;
	[sflag:s5] =	ssyncadd.s32 $0xFFFFC000  }
0xe1: {  	[spmem:s2] =	stream.indirect.scatter.add.f32 [tilespmem:s0], [sflag:$0x3], $0x80, s21, s31, $0xb8;
	[tilespmem:$0x1E800] =	vst v63  }
0xe2: {  	_ =	swait.ge [sflag:s29], $0x4000  }
0xe3: {  	[sflag:s29] =	ssyncset.done $0x0  }
0xe4: {  	s21 =	sadd.s32 $0x100, s20;
	[sflag:s29] =	ssyncadd.s32 $0xFFFFC000  }
0xe5: {  	[tilespmem:s0], [sflag:$0x1] =	stream.indirect.gather [hbm4b:s4+s31], $0x80, s21, s31, $0xb8;
	[tilespmem:$0x1E800] =	vst v63  }
0xe6: {  	_ =	swait.ge [sflag:s6], $0x4000  }
.Ltmp2:
0xe7: {  	[sflag:s6] =	ssyncset.done $0x0;
	(pc) =	sbr.rel @p1 .LBB2_6-.Ltmp2, $4  }
0xe8: {  	s20 =	sadd.s32 $0x1480, s20;
	[sflag:s6] =	ssyncadd.s32 $0xFFFFC000  }
0xe9: {  	[spmem:s2] =	stream.indirect.scatter.add.f32 [tilespmem:s1], [sflag:$0x3], $0x80, s20, s31, $0xb8;
	[tilespmem:$0x1E800] =	vst v63  }
0xea: {  	_ =	swait.ge [sflag:s29], $0x4000  }
0xeb: {  	s21 =	smov.u32 s24;
	s20 =	sshra.s32 s23, $0x2;
	[sflag:s29] =	ssyncset.done $0x0  }
0xec: {  	s21 =	sadd.s32 $0x80, s20;
	[sflag:s29] =	ssyncadd.s32 $0xFFFFC000  }
0xed: {  	[tilespmem:s1], [sflag:$0x2] =	stream.indirect.gather [hbm4b:s4+s31], $0x80, s21, s31, $0xb8;
	[tilespmem:$0x1E800] =	vst v63  }
0xee: {  	_ =	swait.ge [sflag:s5], $0x4000  }
0xef: {  	[sflag:s5] =	ssyncset.done $0x0  }
0xf0: {  	s23 =	sadd.s32 $0x1400, s20;
	[sflag:s5] =	ssyncadd.s32 $0xFFFFC000  }
0xf1: {  	[spmem:s2] =	stream.indirect.scatter.add.f32 [tilespmem:s0], [sflag:$0x3], $0x80, s23, s31, $0xb8;
	[tilespmem:$0x1E800] =	vst v63  }
0xf2: {  	_ =	swait.ge [sflag:s29], $0x4000  }
0xf3: {  	[sflag:s29] =	ssyncset.done $0x0  }
0xf4: {  	s24 =	sadd.s32 $0x100, s20;
	[sflag:s29] =	ssyncadd.s32 $0xFFFFC000  }
0xf5: {  	[tilespmem:s0], [sflag:$0x1] =	stream.indirect.gather [hbm4b:s4+s31], $0x80, s24, s31, $0xb8;
	[tilespmem:$0x1E800] =	vst v63  }
0xf6: {  	_ =	swait.ge [sflag:s6], $0x4000  }
0xf7: {  	[sflag:s6] =	ssyncset.done $0x0  }
0xf8: {  	s22 =	sadd.s32 $0x1480, s20;
	[sflag:s6] =	ssyncadd.s32 $0xFFFFC000  }
0xf9: {  	[spmem:s2] =	stream.indirect.scatter.add.f32 [tilespmem:s1], [sflag:$0x3], $0x80, s22, s31, $0xb8;
	[tilespmem:$0x1E800] =	vst v63  }
0xfa: {  	_ =	swait.ge [sflag:s29], $0x4000  }
0xfb: {  	[sflag:s29] =	ssyncset.done $0x0  }
0xfc: {  	[sflag:s29] =	ssyncadd.s32 $0xFFFFC000  }
0xfd: {  	[tilespmem:s1], [sflag:$0x2] =	stream.indirect.gather [hbm4b:s4+s31], $0x80, s7, s31, $0xb8;
	[tilespmem:$0x1E800] =	vst v63  }
0xfe: {  	_ =	swait.ge [sflag:s5], $0x4000  }
0xff: {  	[sflag:s5] =	ssyncset.done $0x0  }
0x100: {  	[sflag:s5] =	ssyncadd.s32 $0xFFFFC000  }
0x101: {  	[spmem:s2] =	stream.indirect.scatter.add.f32 [tilespmem:s0], [sflag:$0x3], $0x80, s8, s31, $0xb8;
	[tilespmem:$0x1E800] =	vst v63  }
0x102: {  	_ =	swait.ge [sflag:s29], $0x4000  }
0x103: {  	[sflag:s29] =	ssyncset.done $0x0  }
0x104: {  	[sflag:s29] =	ssyncadd.s32 $0xFFFFC000  }
0x105: {  	_ =	swait.ge [sflag:s6], $0x4000  }
0x106: {  	[sflag:s6] =	ssyncset.done $0x0  }
0x107: {  	[sflag:s6] =	ssyncadd.s32 $0xFFFFC000  }
0x108: {  	[spmem:s2] =	stream.indirect.scatter.add.f32 [tilespmem:s1], [sflag:$0x3], $0x80, s11, s31, $0xb8;
	[tilespmem:$0x1E800] =	vst v63  }
0x109: {  	_ =	swait.ge [sflag:s29], $0x4000  }
0x10a: {  	[sflag:s29] =	ssyncset.done $0x0  }
0x10b: {  	s23 =	simm.s32 $0x0;
	s24 =	rddreg [dreg:$0x9];
	[sflag:s29] =	ssyncadd.s32 $0xFFFFC000  }
0x10c: {  	[tilespmem:s23], [sflag:$0x3] =	stream.linear.gather [hbm4b:s24+s23], $0x1400, $0x38;
	[tilespmem:$0x1E800] =	vst v63  }
0x10d: {  	_ =	swait.ge [sflag:s29], $0x1400  }
0x10e: {  	[sflag:s29] =	ssyncset.done $0x0  }
0x10f: {  	[sflag:s29] =	ssyncadd.s32 $0xFFFFEC00  }
0x110: {  	[tilespmem:s30], [sflag:$0x3] =	stream.linear.gather [hbm4b:s16+s23], $0x1400, $0x38;
	[tilespmem:$0x1E800] =	vst v63  }
0x111: {  	_ =	swait.ge [sflag:s29], $0x1400  }
0x112: {  	[sflag:s29] =	ssyncset.done $0x0  }
0x113: {  	[sflag:s29] =	ssyncadd.s32 $0xFFFFEC00  }
0x114: {  	[tilespmem:s0], [sflag:$0x1] =	stream.indirect.gather [hbm4b:s4+s31], $0x80, s23, s31, $0xb8;
	[tilespmem:$0x1E800] =	vst v63  }
0x115: {  	s21 =	simm.s32 $0x80  }
0x116: {  	[tilespmem:s1], [sflag:$0x2] =	stream.indirect.gather [hbm4b:s4+s31], $0x80, s21, s31, $0xb8;
	[tilespmem:$0x1E800] =	vst v63  }
0x117: {  	_ =	swait.ge [sflag:s5], $0x4000  }
0x118: {  	[sflag:s5] =	ssyncset.done $0x0  }
0x119: {  	s22 =	simm.s32 $0x1400;
	[sflag:s5] =	ssyncadd.s32 $0xFFFFC000  }
0x11a: {  	[spmem:s2] =	stream.indirect.scatter.add.f32 [tilespmem:s0], [sflag:$0x3], $0x80, s22, s31, $0xb8;
	[tilespmem:$0x1E800] =	vst v63  }
0x11b: {  	_ =	swait.ge [sflag:s29], $0x4000  }
0x11c: {  	[sflag:s29] =	ssyncset.done $0x0  }
0x11d: {  	s23 =	simm.s32 $0x100;
	[sflag:s29] =	ssyncadd.s32 $0xFFFFC000  }
0x11e: {  	[tilespmem:s0], [sflag:$0x1] =	stream.indirect.gather [hbm4b:s4+s31], $0x80, s23, s31, $0xb8;
	[tilespmem:$0x1E800] =	vst v63  }
0x11f: {  	_ =	swait.ge [sflag:s6], $0x4000  }
0x120: {  	[sflag:s6] =	ssyncset.done $0x0  }
0x121: {  	s24 =	simm.s32 $0x1480;
	[sflag:s6] =	ssyncadd.s32 $0xFFFFC000  }
0x122: {  	[spmem:s2] =	stream.indirect.scatter.add.f32 [tilespmem:s1], [sflag:$0x3], $0x80, s24, s31, $0xb8;
	[tilespmem:$0x1E800] =	vst v63  }
0x123: {  	_ =	swait.ge [sflag:s29], $0x4000  }
0x124: {  	s20 =	simm.s32 $0x100;
	s21 =	simm.s32 $0x800;
	[sflag:s29] =	ssyncset.done $0x0  }
.LBB2_8:
0x125: {  	s22 =	sadd.s32 $0x80, s20  }
0x126: {  	[sflag:s29] =	ssyncadd.s32 $0xFFFFC000;
	s23 =	smov.u32 s21;
	s24 =	sadd.s32 $0x400, s21  }
0x127: {  	[tilespmem:s1], [sflag:$0x2] =	stream.indirect.gather [hbm4b:s4+s31], $0x80, s22, s31, $0xb8;
	[tilespmem:$0x1E800] =	vst v63  }
0x128: {  	p1 =	sne.s32 s21, $0x4800;
	_ =	swait.ge [sflag:s5], $0x4000  }
0x129: {  	[sflag:s5] =	ssyncset.done $0x0  }
0x12a: {  	s21 =	sadd.s32 $0x1400, s20;
	[sflag:s5] =	ssyncadd.s32 $0xFFFFC000  }
0x12b: {  	[spmem:s2] =	stream.indirect.scatter.add.f32 [tilespmem:s0], [sflag:$0x3], $0x80, s21, s31, $0xb8;
	[tilespmem:$0x1E800] =	vst v63  }
0x12c: {  	_ =	swait.ge [sflag:s29], $0x4000  }
0x12d: {  	[sflag:s29] =	ssyncset.done $0x0  }
0x12e: {  	s21 =	sadd.s32 $0x100, s20;
	[sflag:s29] =	ssyncadd.s32 $0xFFFFC000  }
0x12f: {  	[tilespmem:s0], [sflag:$0x1] =	stream.indirect.gather [hbm4b:s4+s31], $0x80, s21, s31, $0xb8;
	[tilespmem:$0x1E800] =	vst v63  }
0x130: {  	_ =	swait.ge [sflag:s6], $0x4000  }
.Ltmp3:
0x131: {  	[sflag:s6] =	ssyncset.done $0x0;
	(pc) =	sbr.rel @p1 .LBB2_8-.Ltmp3, $4  }
0x132: {  	s20 =	sadd.s32 $0x1480, s20;
	[sflag:s6] =	ssyncadd.s32 $0xFFFFC000  }
0x133: {  	[spmem:s2] =	stream.indirect.scatter.add.f32 [tilespmem:s1], [sflag:$0x3], $0x80, s20, s31, $0xb8;
	[tilespmem:$0x1E800] =	vst v63  }
0x134: {  	_ =	swait.ge [sflag:s29], $0x4000  }
0x135: {  	s21 =	smov.u32 s24;
	s20 =	sshra.s32 s23, $0x2;
	[sflag:s29] =	ssyncset.done $0x0  }
0x136: {  	s21 =	sadd.s32 $0x80, s20;
	[sflag:s29] =	ssyncadd.s32 $0xFFFFC000  }
0x137: {  	[tilespmem:s1], [sflag:$0x2] =	stream.indirect.gather [hbm4b:s4+s31], $0x80, s21, s31, $0xb8;
	[tilespmem:$0x1E800] =	vst v63  }
0x138: {  	_ =	swait.ge [sflag:s5], $0x4000  }
0x139: {  	[sflag:s5] =	ssyncset.done $0x0  }
0x13a: {  	s24 =	sadd.s32 $0x1400, s20;
	[sflag:s5] =	ssyncadd.s32 $0xFFFFC000  }
0x13b: {  	[spmem:s2] =	stream.indirect.scatter.add.f32 [tilespmem:s0], [sflag:$0x3], $0x80, s24, s31, $0xb8;
	[tilespmem:$0x1E800] =	vst v63  }
0x13c: {  	_ =	swait.ge [sflag:s29], $0x4000  }
0x13d: {  	[sflag:s29] =	ssyncset.done $0x0  }
0x13e: {  	s22 =	sadd.s32 $0x100, s20;
	[sflag:s29] =	ssyncadd.s32 $0xFFFFC000  }
0x13f: {  	[tilespmem:s0], [sflag:$0x1] =	stream.indirect.gather [hbm4b:s4+s31], $0x80, s22, s31, $0xb8;
	[tilespmem:$0x1E800] =	vst v63  }
0x140: {  	_ =	swait.ge [sflag:s6], $0x4000  }
0x141: {  	[sflag:s6] =	ssyncset.done $0x0  }
0x142: {  	s23 =	sadd.s32 $0x1480, s20;
	[sflag:s6] =	ssyncadd.s32 $0xFFFFC000  }
0x143: {  	[spmem:s2] =	stream.indirect.scatter.add.f32 [tilespmem:s1], [sflag:$0x3], $0x80, s23, s31, $0xb8;
	[tilespmem:$0x1E800] =	vst v63  }
0x144: {  	_ =	swait.ge [sflag:s29], $0x4000  }
0x145: {  	[sflag:s29] =	ssyncset.done $0x0  }
0x146: {  	[sflag:s29] =	ssyncadd.s32 $0xFFFFC000  }
0x147: {  	[tilespmem:s1], [sflag:$0x2] =	stream.indirect.gather [hbm4b:s4+s31], $0x80, s7, s31, $0xb8;
	[tilespmem:$0x1E800] =	vst v63  }
0x148: {  	_ =	swait.ge [sflag:s5], $0x4000  }
0x149: {  	[sflag:s5] =	ssyncset.done $0x0  }
0x14a: {  	[sflag:s5] =	ssyncadd.s32 $0xFFFFC000  }
0x14b: {  	[spmem:s2] =	stream.indirect.scatter.add.f32 [tilespmem:s0], [sflag:$0x3], $0x80, s8, s31, $0xb8;
	[tilespmem:$0x1E800] =	vst v63  }
0x14c: {  	_ =	swait.ge [sflag:s29], $0x4000  }
0x14d: {  	[sflag:s29] =	ssyncset.done $0x0  }
0x14e: {  	[sflag:s29] =	ssyncadd.s32 $0xFFFFC000  }
0x14f: {  	_ =	swait.ge [sflag:s6], $0x4000  }
0x150: {  	[sflag:s6] =	ssyncset.done $0x0  }
0x151: {  	[sflag:s6] =	ssyncadd.s32 $0xFFFFC000  }
0x152: {  	[spmem:s2] =	stream.indirect.scatter.add.f32 [tilespmem:s1], [sflag:$0x3], $0x80, s11, s31, $0xb8;
	[tilespmem:$0x1E800] =	vst v63  }
0x153: {  	_ =	swait.ge [sflag:s29], $0x4000  }
0x154: {  	[sflag:s29] =	ssyncset.done $0x0  }
0x155: {  	[sflag:s29] =	ssyncadd.s32 $0xFFFFC000  }
0x156: {  	[bflag:$0x0] =	sbarrier.arrive $0xFFFF  }
0x157: {  	s20 =	simm.s32 @p0 $0x1FC3;
	s21 =	rddreg [dreg:$0xc]  }
0x158: {  	[hbm:s21], [sflag:s20] =	dma.local @p0 [spmem:s15], $0x2080  }
0x159: {  	s21 =	simm.s32 @p0 $0x3  }
0x15a: {  	_ =	swait.ge @p0 [sflag:s21], $0x2080  }
0x15b: {  	[sflag:s21] =	ssyncset.done @p0 $0x0  }
0x15c: {  	s22 =	rddreg [dreg:$0xe];
	[sflag:s21] =	ssyncadd.s32 @p0 $0xFFFFDF80  }
0x15d: {  	[spmem:s15], [sflag:s20] =	dma.local @p0 [hbm:s22], $0x2080  }
0x15e: {  	_ =	swait.ge @p0 [sflag:s21], $0x2080  }
0x15f: {  	[sflag:s21] =	ssyncset.done @p0 $0x0  }
0x160: {  	s20 =	rddreg [dreg:$0xa];
	[sflag:s21] =	ssyncadd.s32 @p0 $0xFFFFDF80  }
0x161: {  	[hbm:s20], [sflag:s17] =	dma.local @!p0 [spmem:s19], $0x2780  }
0x162: {  	s20 =	simm.s32 @!p0 $0x3  }
0x163: {  	_ =	swait.ge @!p0 [sflag:s20], $0x2780  }
0x164: {  	[sflag:s20] =	ssyncset.done @!p0 $0x0  }
0x165: {  	s21 =	rddreg [dreg:$0xb];
	[sflag:s20] =	ssyncadd.s32 @!p0 $0xFFFFD880  }
0x166: {  	[spmem:s19], [sflag:s17] =	dma.local @!p0 [hbm:s21], $0x2780  }
0x167: {  	_ =	swait.ge @!p0 [sflag:s20], $0x2780  }
0x168: {  	[sflag:s20] =	ssyncset.done @!p0 $0x0  }
0x169: {  	[sflag:s20] =	ssyncadd.s32 @!p0 $0xFFFFD880  }
0x16a: {  	s24 =	simm.s32 $0x0;
	[bflag:$0x0] =	sbarrier.arrive $0xFFFF  }
0x16b: {  	[tilespmem:s24], [sflag:$0x3] =	stream.linear.gather [hbm4b:s18+s24], $0x1400, $0x38;
	[tilespmem:$0x1E800] =	vst v63  }
0x16c: {  	_ =	swait.ge [sflag:s29], $0x1400  }
0x16d: {  	[sflag:s29] =	ssyncset.done $0x0  }
0x16e: {  	[sflag:s29] =	ssyncadd.s32 $0xFFFFEC00  }
0x16f: {  	[tilespmem:s30], [sflag:$0x3] =	stream.linear.gather [hbm4b:s10+s24], $0x1400, $0x38;
	[tilespmem:$0x1E800] =	vst v63  }
0x170: {  	_ =	swait.ge [sflag:s29], $0x1400  }
0x171: {  	[sflag:s29] =	ssyncset.done $0x0  }
0x172: {  	[sflag:s29] =	ssyncadd.s32 $0xFFFFEC00  }
0x173: {  	[tilespmem:s0], [sflag:$0x1] =	stream.indirect.gather [hbm4b:s4+s31], $0x80, s24, s31, $0xb8;
	[tilespmem:$0x1E800] =	vst v63  }
0x174: {  	s21 =	simm.s32 $0x80  }
0x175: {  	[tilespmem:s1], [sflag:$0x2] =	stream.indirect.gather [hbm4b:s4+s31], $0x80, s21, s31, $0xb8;
	[tilespmem:$0x1E800] =	vst v63  }
0x176: {  	_ =	swait.ge [sflag:s5], $0x4000  }
0x177: {  	[sflag:s5] =	ssyncset.done $0x0  }
0x178: {  	s22 =	simm.s32 $0x1400;
	[sflag:s5] =	ssyncadd.s32 $0xFFFFC000  }
0x179: {  	[spmem:s2] =	stream.indirect.scatter.add.f32 [tilespmem:s0], [sflag:$0x3], $0x80, s22, s31, $0xb8;
	[tilespmem:$0x1E800] =	vst v63  }
0x17a: {  	_ =	swait.ge [sflag:s29], $0x4000  }
0x17b: {  	[sflag:s29] =	ssyncset.done $0x0  }
0x17c: {  	s23 =	simm.s32 $0x100;
	[sflag:s29] =	ssyncadd.s32 $0xFFFFC000  }
0x17d: {  	[tilespmem:s0], [sflag:$0x1] =	stream.indirect.gather [hbm4b:s4+s31], $0x80, s23, s31, $0xb8;
	[tilespmem:$0x1E800] =	vst v63  }
0x17e: {  	_ =	swait.ge [sflag:s6], $0x4000  }
0x17f: {  	[sflag:s6] =	ssyncset.done $0x0  }
0x180: {  	s24 =	simm.s32 $0x1480;
	[sflag:s6] =	ssyncadd.s32 $0xFFFFC000  }
0x181: {  	[spmem:s2] =	stream.indirect.scatter.add.f32 [tilespmem:s1], [sflag:$0x3], $0x80, s24, s31, $0xb8;
	[tilespmem:$0x1E800] =	vst v63  }
0x182: {  	_ =	swait.ge [sflag:s29], $0x4000  }
0x183: {  	s20 =	simm.s32 $0x100;
	s21 =	simm.s32 $0x800;
	[sflag:s29] =	ssyncset.done $0x0  }
.LBB2_10:
0x184: {  	s22 =	sadd.s32 $0x80, s20  }
0x185: {  	[sflag:s29] =	ssyncadd.s32 $0xFFFFC000;
	s23 =	smov.u32 s21;
	s24 =	sadd.s32 $0x400, s21  }
0x186: {  	[tilespmem:s1], [sflag:$0x2] =	stream.indirect.gather [hbm4b:s4+s31], $0x80, s22, s31, $0xb8;
	[tilespmem:$0x1E800] =	vst v63  }
0x187: {  	p1 =	sne.s32 s21, $0x4800;
	_ =	swait.ge [sflag:s5], $0x4000  }
0x188: {  	[sflag:s5] =	ssyncset.done $0x0  }
0x189: {  	s21 =	sadd.s32 $0x1400, s20;
	[sflag:s5] =	ssyncadd.s32 $0xFFFFC000  }
0x18a: {  	[spmem:s2] =	stream.indirect.scatter.add.f32 [tilespmem:s0], [sflag:$0x3], $0x80, s21, s31, $0xb8;
	[tilespmem:$0x1E800] =	vst v63  }
0x18b: {  	_ =	swait.ge [sflag:s29], $0x4000  }
0x18c: {  	[sflag:s29] =	ssyncset.done $0x0  }
0x18d: {  	s21 =	sadd.s32 $0x100, s20;
	[sflag:s29] =	ssyncadd.s32 $0xFFFFC000  }
0x18e: {  	[tilespmem:s0], [sflag:$0x1] =	stream.indirect.gather [hbm4b:s4+s31], $0x80, s21, s31, $0xb8;
	[tilespmem:$0x1E800] =	vst v63  }
0x18f: {  	_ =	swait.ge [sflag:s6], $0x4000  }
.Ltmp4:
0x190: {  	[sflag:s6] =	ssyncset.done $0x0;
	(pc) =	sbr.rel @p1 .LBB2_10-.Ltmp4, $4  }
0x191: {  	s20 =	sadd.s32 $0x1480, s20;
	[sflag:s6] =	ssyncadd.s32 $0xFFFFC000  }
0x192: {  	[spmem:s2] =	stream.indirect.scatter.add.f32 [tilespmem:s1], [sflag:$0x3], $0x80, s20, s31, $0xb8;
	[tilespmem:$0x1E800] =	vst v63  }
0x193: {  	_ =	swait.ge [sflag:s29], $0x4000  }
0x194: {  	s21 =	smov.u32 s24;
	s20 =	sshra.s32 s23, $0x2;
	[sflag:s29] =	ssyncset.done $0x0  }
0x195: {  	s21 =	sadd.s32 $0x80, s20;
	[sflag:s29] =	ssyncadd.s32 $0xFFFFC000  }
0x196: {  	[tilespmem:s1], [sflag:$0x2] =	stream.indirect.gather [hbm4b:s4+s31], $0x80, s21, s31, $0xb8;
	[tilespmem:$0x1E800] =	vst v63  }
0x197: {  	_ =	swait.ge [sflag:s5], $0x4000  }
0x198: {  	[sflag:s5] =	ssyncset.done $0x0  }
0x199: {  	s24 =	sadd.s32 $0x1400, s20;
	[sflag:s5] =	ssyncadd.s32 $0xFFFFC000  }
0x19a: {  	[spmem:s2] =	stream.indirect.scatter.add.f32 [tilespmem:s0], [sflag:$0x3], $0x80, s24, s31, $0xb8;
	[tilespmem:$0x1E800] =	vst v63  }
0x19b: {  	_ =	swait.ge [sflag:s29], $0x4000  }
0x19c: {  	[sflag:s29] =	ssyncset.done $0x0  }
0x19d: {  	s22 =	sadd.s32 $0x100, s20;
	[sflag:s29] =	ssyncadd.s32 $0xFFFFC000  }
0x19e: {  	[tilespmem:s0], [sflag:$0x1] =	stream.indirect.gather [hbm4b:s4+s31], $0x80, s22, s31, $0xb8;
	[tilespmem:$0x1E800] =	vst v63  }
0x19f: {  	_ =	swait.ge [sflag:s6], $0x4000  }
0x1a0: {  	[sflag:s6] =	ssyncset.done $0x0  }
0x1a1: {  	s23 =	sadd.s32 $0x1480, s20;
	[sflag:s6] =	ssyncadd.s32 $0xFFFFC000  }
0x1a2: {  	[spmem:s2] =	stream.indirect.scatter.add.f32 [tilespmem:s1], [sflag:$0x3], $0x80, s23, s31, $0xb8;
	[tilespmem:$0x1E800] =	vst v63  }
0x1a3: {  	_ =	swait.ge [sflag:s29], $0x4000  }
0x1a4: {  	[sflag:s29] =	ssyncset.done $0x0  }
0x1a5: {  	[sflag:s29] =	ssyncadd.s32 $0xFFFFC000  }
0x1a6: {  	[tilespmem:s1], [sflag:$0x2] =	stream.indirect.gather [hbm4b:s4+s31], $0x80, s7, s31, $0xb8;
	[tilespmem:$0x1E800] =	vst v63  }
0x1a7: {  	_ =	swait.ge [sflag:s5], $0x4000  }
0x1a8: {  	[sflag:s5] =	ssyncset.done $0x0  }
0x1a9: {  	[sflag:s5] =	ssyncadd.s32 $0xFFFFC000  }
0x1aa: {  	[spmem:s2] =	stream.indirect.scatter.add.f32 [tilespmem:s0], [sflag:$0x3], $0x80, s8, s31, $0xb8;
	[tilespmem:$0x1E800] =	vst v63  }
0x1ab: {  	_ =	swait.ge [sflag:s29], $0x4000  }
0x1ac: {  	[sflag:s29] =	ssyncset.done $0x0  }
0x1ad: {  	[sflag:s29] =	ssyncadd.s32 $0xFFFFC000  }
0x1ae: {  	_ =	swait.ge [sflag:s6], $0x4000  }
0x1af: {  	[sflag:s6] =	ssyncset.done $0x0  }
0x1b0: {  	[sflag:s6] =	ssyncadd.s32 $0xFFFFC000  }
0x1b1: {  	[spmem:s2] =	stream.indirect.scatter.add.f32 [tilespmem:s1], [sflag:$0x3], $0x80, s11, s31, $0xb8;
	[tilespmem:$0x1E800] =	vst v63  }
0x1b2: {  	_ =	swait.ge [sflag:s29], $0x4000  }
0x1b3: {  	[sflag:s29] =	ssyncset.done $0x0  }
0x1b4: {  	s24 =	simm.s32 $0x0;
	[sflag:s29] =	ssyncadd.s32 $0xFFFFC000  }
0x1b5: {  	[tilespmem:s24], [sflag:$0x3] =	stream.linear.gather [hbm4b:s25+s24], $0x1400, $0x38;
	[tilespmem:$0x1E800] =	vst v63  }
0x1b6: {  	_ =	swait.ge [sflag:s29], $0x1400  }
0x1b7: {  	[sflag:s29] =	ssyncset.done $0x0  }
0x1b8: {  	[sflag:s29] =	ssyncadd.s32 $0xFFFFEC00  }
0x1b9: {  	[tilespmem:s30], [sflag:$0x3] =	stream.linear.gather [hbm4b:s12+s24], $0x1400, $0x38;
	[tilespmem:$0x1E800] =	vst v63  }
0x1ba: {  	_ =	swait.ge [sflag:s29], $0x1400  }
0x1bb: {  	[sflag:s29] =	ssyncset.done $0x0  }
0x1bc: {  	[sflag:s29] =	ssyncadd.s32 $0xFFFFEC00  }
0x1bd: {  	[tilespmem:s0], [sflag:$0x1] =	stream.indirect.gather [hbm4b:s4+s31], $0x80, s24, s31, $0xb8;
	[tilespmem:$0x1E800] =	vst v63  }
0x1be: {  	s21 =	simm.s32 $0x80  }
0x1bf: {  	[tilespmem:s1], [sflag:$0x2] =	stream.indirect.gather [hbm4b:s4+s31], $0x80, s21, s31, $0xb8;
	[tilespmem:$0x1E800] =	vst v63  }
0x1c0: {  	_ =	swait.ge [sflag:s5], $0x4000  }
0x1c1: {  	[sflag:s5] =	ssyncset.done $0x0  }
0x1c2: {  	s22 =	simm.s32 $0x1400;
	[sflag:s5] =	ssyncadd.s32 $0xFFFFC000  }
0x1c3: {  	[spmem:s2] =	stream.indirect.scatter.add.f32 [tilespmem:s0], [sflag:$0x3], $0x80, s22, s31, $0xb8;
	[tilespmem:$0x1E800] =	vst v63  }
0x1c4: {  	_ =	swait.ge [sflag:s29], $0x4000  }
0x1c5: {  	[sflag:s29] =	ssyncset.done $0x0  }
0x1c6: {  	s23 =	simm.s32 $0x100;
	[sflag:s29] =	ssyncadd.s32 $0xFFFFC000  }
0x1c7: {  	[tilespmem:s0], [sflag:$0x1] =	stream.indirect.gather [hbm4b:s4+s31], $0x80, s23, s31, $0xb8;
	[tilespmem:$0x1E800] =	vst v63  }
0x1c8: {  	_ =	swait.ge [sflag:s6], $0x4000  }
0x1c9: {  	[sflag:s6] =	ssyncset.done $0x0  }
0x1ca: {  	s24 =	simm.s32 $0x1480;
	[sflag:s6] =	ssyncadd.s32 $0xFFFFC000  }
0x1cb: {  	[spmem:s2] =	stream.indirect.scatter.add.f32 [tilespmem:s1], [sflag:$0x3], $0x80, s24, s31, $0xb8;
	[tilespmem:$0x1E800] =	vst v63  }
0x1cc: {  	_ =	swait.ge [sflag:s29], $0x4000  }
0x1cd: {  	s20 =	simm.s32 $0x100;
	s21 =	simm.s32 $0x800;
	[sflag:s29] =	ssyncset.done $0x0  }
.LBB2_12:
0x1ce: {  	s22 =	sadd.s32 $0x80, s20  }
0x1cf: {  	[sflag:s29] =	ssyncadd.s32 $0xFFFFC000;
	s23 =	smov.u32 s21;
	s24 =	sadd.s32 $0x400, s21  }
0x1d0: {  	[tilespmem:s1], [sflag:$0x2] =	stream.indirect.gather [hbm4b:s4+s31], $0x80, s22, s31, $0xb8;
	[tilespmem:$0x1E800] =	vst v63  }
0x1d1: {  	p1 =	sne.s32 s21, $0x4800;
	_ =	swait.ge [sflag:s5], $0x4000  }
0x1d2: {  	[sflag:s5] =	ssyncset.done $0x0  }
0x1d3: {  	s21 =	sadd.s32 $0x1400, s20;
	[sflag:s5] =	ssyncadd.s32 $0xFFFFC000  }
0x1d4: {  	[spmem:s2] =	stream.indirect.scatter.add.f32 [tilespmem:s0], [sflag:$0x3], $0x80, s21, s31, $0xb8;
	[tilespmem:$0x1E800] =	vst v63  }
0x1d5: {  	_ =	swait.ge [sflag:s29], $0x4000  }
0x1d6: {  	[sflag:s29] =	ssyncset.done $0x0  }
0x1d7: {  	s21 =	sadd.s32 $0x100, s20;
	[sflag:s29] =	ssyncadd.s32 $0xFFFFC000  }
0x1d8: {  	[tilespmem:s0], [sflag:$0x1] =	stream.indirect.gather [hbm4b:s4+s31], $0x80, s21, s31, $0xb8;
	[tilespmem:$0x1E800] =	vst v63  }
0x1d9: {  	_ =	swait.ge [sflag:s6], $0x4000  }
.Ltmp5:
0x1da: {  	[sflag:s6] =	ssyncset.done $0x0;
	(pc) =	sbr.rel @p1 .LBB2_12-.Ltmp5, $4  }
0x1db: {  	s20 =	sadd.s32 $0x1480, s20;
	[sflag:s6] =	ssyncadd.s32 $0xFFFFC000  }
0x1dc: {  	[spmem:s2] =	stream.indirect.scatter.add.f32 [tilespmem:s1], [sflag:$0x3], $0x80, s20, s31, $0xb8;
	[tilespmem:$0x1E800] =	vst v63  }
0x1dd: {  	_ =	swait.ge [sflag:s29], $0x4000  }
0x1de: {  	s21 =	smov.u32 s24;
	s20 =	sshra.s32 s23, $0x2;
	[sflag:s29] =	ssyncset.done $0x0  }
0x1df: {  	s21 =	sadd.s32 $0x80, s20;
	[sflag:s29] =	ssyncadd.s32 $0xFFFFC000  }
0x1e0: {  	[tilespmem:s1], [sflag:$0x2] =	stream.indirect.gather [hbm4b:s4+s31], $0x80, s21, s31, $0xb8;
	[tilespmem:$0x1E800] =	vst v63  }
0x1e1: {  	_ =	swait.ge [sflag:s5], $0x4000  }
0x1e2: {  	[sflag:s5] =	ssyncset.done $0x0  }
0x1e3: {  	s24 =	sadd.s32 $0x1400, s20;
	[sflag:s5] =	ssyncadd.s32 $0xFFFFC000  }
0x1e4: {  	[spmem:s2] =	stream.indirect.scatter.add.f32 [tilespmem:s0], [sflag:$0x3], $0x80, s24, s31, $0xb8;
	[tilespmem:$0x1E800] =	vst v63  }
0x1e5: {  	_ =	swait.ge [sflag:s29], $0x4000  }
0x1e6: {  	[sflag:s29] =	ssyncset.done $0x0  }
0x1e7: {  	s22 =	sadd.s32 $0x100, s20;
	[sflag:s29] =	ssyncadd.s32 $0xFFFFC000  }
0x1e8: {  	[tilespmem:s0], [sflag:$0x1] =	stream.indirect.gather [hbm4b:s4+s31], $0x80, s22, s31, $0xb8;
	[tilespmem:$0x1E800] =	vst v63  }
0x1e9: {  	_ =	swait.ge [sflag:s6], $0x4000  }
0x1ea: {  	[sflag:s6] =	ssyncset.done $0x0  }
0x1eb: {  	s23 =	sadd.s32 $0x1480, s20;
	[sflag:s6] =	ssyncadd.s32 $0xFFFFC000  }
0x1ec: {  	[spmem:s2] =	stream.indirect.scatter.add.f32 [tilespmem:s1], [sflag:$0x3], $0x80, s23, s31, $0xb8;
	[tilespmem:$0x1E800] =	vst v63  }
0x1ed: {  	_ =	swait.ge [sflag:s29], $0x4000  }
0x1ee: {  	[sflag:s29] =	ssyncset.done $0x0  }
0x1ef: {  	[sflag:s29] =	ssyncadd.s32 $0xFFFFC000  }
0x1f0: {  	[tilespmem:s1], [sflag:$0x2] =	stream.indirect.gather [hbm4b:s4+s31], $0x80, s7, s31, $0xb8;
	[tilespmem:$0x1E800] =	vst v63  }
0x1f1: {  	_ =	swait.ge [sflag:s5], $0x4000  }
0x1f2: {  	[sflag:s5] =	ssyncset.done $0x0  }
0x1f3: {  	[sflag:s5] =	ssyncadd.s32 $0xFFFFC000  }
0x1f4: {  	[spmem:s2] =	stream.indirect.scatter.add.f32 [tilespmem:s0], [sflag:$0x3], $0x80, s8, s31, $0xb8;
	[tilespmem:$0x1E800] =	vst v63  }
0x1f5: {  	_ =	swait.ge [sflag:s29], $0x4000  }
0x1f6: {  	[sflag:s29] =	ssyncset.done $0x0  }
0x1f7: {  	[sflag:s29] =	ssyncadd.s32 $0xFFFFC000  }
0x1f8: {  	_ =	swait.ge [sflag:s6], $0x4000  }
0x1f9: {  	[sflag:s6] =	ssyncset.done $0x0  }
0x1fa: {  	[sflag:s6] =	ssyncadd.s32 $0xFFFFC000  }
0x1fb: {  	[spmem:s2] =	stream.indirect.scatter.add.f32 [tilespmem:s1], [sflag:$0x3], $0x80, s11, s31, $0xb8;
	[tilespmem:$0x1E800] =	vst v63  }
0x1fc: {  	_ =	swait.ge [sflag:s29], $0x4000  }
0x1fd: {  	[sflag:s29] =	ssyncset.done $0x0  }
0x1fe: {  	s24 =	simm.s32 $0x0;
	[sflag:s29] =	ssyncadd.s32 $0xFFFFC000  }
0x1ff: {  	[tilespmem:s24], [sflag:$0x3] =	stream.linear.gather [hbm4b:s26+s24], $0x1400, $0x38;
	[tilespmem:$0x1E800] =	vst v63  }
0x200: {  	_ =	swait.ge [sflag:s29], $0x1400  }
0x201: {  	[sflag:s29] =	ssyncset.done $0x0  }
0x202: {  	[sflag:s29] =	ssyncadd.s32 $0xFFFFEC00  }
0x203: {  	[tilespmem:s30], [sflag:$0x3] =	stream.linear.gather [hbm4b:s14+s24], $0x1400, $0x38;
	[tilespmem:$0x1E800] =	vst v63  }
0x204: {  	_ =	swait.ge [sflag:s29], $0x1400  }
0x205: {  	[sflag:s29] =	ssyncset.done $0x0  }
0x206: {  	[sflag:s29] =	ssyncadd.s32 $0xFFFFEC00  }
0x207: {  	[tilespmem:s0], [sflag:$0x1] =	stream.indirect.gather [hbm4b:s4+s31], $0x80, s24, s31, $0xb8;
	[tilespmem:$0x1E800] =	vst v63  }
0x208: {  	s21 =	simm.s32 $0x80  }
0x209: {  	[tilespmem:s1], [sflag:$0x2] =	stream.indirect.gather [hbm4b:s4+s31], $0x80, s21, s31, $0xb8;
	[tilespmem:$0x1E800] =	vst v63  }
0x20a: {  	_ =	swait.ge [sflag:s5], $0x4000  }
0x20b: {  	[sflag:s5] =	ssyncset.done $0x0  }
0x20c: {  	s22 =	simm.s32 $0x1400;
	[sflag:s5] =	ssyncadd.s32 $0xFFFFC000  }
0x20d: {  	[spmem:s2] =	stream.indirect.scatter.add.f32 [tilespmem:s0], [sflag:$0x3], $0x80, s22, s31, $0xb8;
	[tilespmem:$0x1E800] =	vst v63  }
0x20e: {  	_ =	swait.ge [sflag:s29], $0x4000  }
0x20f: {  	[sflag:s29] =	ssyncset.done $0x0  }
0x210: {  	s23 =	simm.s32 $0x100;
	[sflag:s29] =	ssyncadd.s32 $0xFFFFC000  }
0x211: {  	[tilespmem:s0], [sflag:$0x1] =	stream.indirect.gather [hbm4b:s4+s31], $0x80, s23, s31, $0xb8;
	[tilespmem:$0x1E800] =	vst v63  }
0x212: {  	_ =	swait.ge [sflag:s6], $0x4000  }
0x213: {  	[sflag:s6] =	ssyncset.done $0x0  }
0x214: {  	s24 =	simm.s32 $0x1480;
	[sflag:s6] =	ssyncadd.s32 $0xFFFFC000  }
0x215: {  	[spmem:s2] =	stream.indirect.scatter.add.f32 [tilespmem:s1], [sflag:$0x3], $0x80, s24, s31, $0xb8;
	[tilespmem:$0x1E800] =	vst v63  }
0x216: {  	_ =	swait.ge [sflag:s29], $0x4000  }
0x217: {  	s20 =	simm.s32 $0x100;
	s21 =	simm.s32 $0x800;
	[sflag:s29] =	ssyncset.done $0x0  }
.LBB2_14:
0x218: {  	s22 =	sadd.s32 $0x80, s20  }
0x219: {  	[sflag:s29] =	ssyncadd.s32 $0xFFFFC000;
	s23 =	smov.u32 s21;
	s24 =	sadd.s32 $0x400, s21  }
0x21a: {  	[tilespmem:s1], [sflag:$0x2] =	stream.indirect.gather [hbm4b:s4+s31], $0x80, s22, s31, $0xb8;
	[tilespmem:$0x1E800] =	vst v63  }
0x21b: {  	p1 =	sne.s32 s21, $0x4800;
	_ =	swait.ge [sflag:s5], $0x4000  }
0x21c: {  	[sflag:s5] =	ssyncset.done $0x0  }
0x21d: {  	s21 =	sadd.s32 $0x1400, s20;
	[sflag:s5] =	ssyncadd.s32 $0xFFFFC000  }
0x21e: {  	[spmem:s2] =	stream.indirect.scatter.add.f32 [tilespmem:s0], [sflag:$0x3], $0x80, s21, s31, $0xb8;
	[tilespmem:$0x1E800] =	vst v63  }
0x21f: {  	_ =	swait.ge [sflag:s29], $0x4000  }
0x220: {  	[sflag:s29] =	ssyncset.done $0x0  }
0x221: {  	s21 =	sadd.s32 $0x100, s20;
	[sflag:s29] =	ssyncadd.s32 $0xFFFFC000  }
0x222: {  	[tilespmem:s0], [sflag:$0x1] =	stream.indirect.gather [hbm4b:s4+s31], $0x80, s21, s31, $0xb8;
	[tilespmem:$0x1E800] =	vst v63  }
0x223: {  	_ =	swait.ge [sflag:s6], $0x4000  }
.Ltmp6:
0x224: {  	[sflag:s6] =	ssyncset.done $0x0;
	(pc) =	sbr.rel @p1 .LBB2_14-.Ltmp6, $4  }
0x225: {  	s20 =	sadd.s32 $0x1480, s20;
	[sflag:s6] =	ssyncadd.s32 $0xFFFFC000  }
0x226: {  	[spmem:s2] =	stream.indirect.scatter.add.f32 [tilespmem:s1], [sflag:$0x3], $0x80, s20, s31, $0xb8;
	[tilespmem:$0x1E800] =	vst v63  }
0x227: {  	_ =	swait.ge [sflag:s29], $0x4000  }
0x228: {  	s21 =	smov.u32 s24;
	s20 =	sshra.s32 s23, $0x2;
	[sflag:s29] =	ssyncset.done $0x0  }
0x229: {  	s21 =	sadd.s32 $0x80, s20;
	[sflag:s29] =	ssyncadd.s32 $0xFFFFC000  }
0x22a: {  	[tilespmem:s1], [sflag:$0x2] =	stream.indirect.gather [hbm4b:s4+s31], $0x80, s21, s31, $0xb8;
	[tilespmem:$0x1E800] =	vst v63  }
0x22b: {  	_ =	swait.ge [sflag:s5], $0x4000  }
0x22c: {  	[sflag:s5] =	ssyncset.done $0x0  }
0x22d: {  	s24 =	sadd.s32 $0x1400, s20;
	[sflag:s5] =	ssyncadd.s32 $0xFFFFC000  }
0x22e: {  	[spmem:s2] =	stream.indirect.scatter.add.f32 [tilespmem:s0], [sflag:$0x3], $0x80, s24, s31, $0xb8;
	[tilespmem:$0x1E800] =	vst v63  }
0x22f: {  	_ =	swait.ge [sflag:s29], $0x4000  }
0x230: {  	[sflag:s29] =	ssyncset.done $0x0  }
0x231: {  	s22 =	sadd.s32 $0x100, s20;
	[sflag:s29] =	ssyncadd.s32 $0xFFFFC000  }
0x232: {  	[tilespmem:s0], [sflag:$0x1] =	stream.indirect.gather [hbm4b:s4+s31], $0x80, s22, s31, $0xb8;
	[tilespmem:$0x1E800] =	vst v63  }
0x233: {  	_ =	swait.ge [sflag:s6], $0x4000  }
0x234: {  	[sflag:s6] =	ssyncset.done $0x0  }
0x235: {  	s23 =	sadd.s32 $0x1480, s20;
	[sflag:s6] =	ssyncadd.s32 $0xFFFFC000  }
0x236: {  	[spmem:s2] =	stream.indirect.scatter.add.f32 [tilespmem:s1], [sflag:$0x3], $0x80, s23, s31, $0xb8;
	[tilespmem:$0x1E800] =	vst v63  }
0x237: {  	_ =	swait.ge [sflag:s29], $0x4000  }
0x238: {  	[sflag:s29] =	ssyncset.done $0x0  }
0x239: {  	[sflag:s29] =	ssyncadd.s32 $0xFFFFC000  }
0x23a: {  	[tilespmem:s1], [sflag:$0x2] =	stream.indirect.gather [hbm4b:s4+s31], $0x80, s7, s31, $0xb8;
	[tilespmem:$0x1E800] =	vst v63  }
0x23b: {  	_ =	swait.ge [sflag:s5], $0x4000  }
0x23c: {  	[sflag:s5] =	ssyncset.done $0x0  }
0x23d: {  	[sflag:s5] =	ssyncadd.s32 $0xFFFFC000  }
0x23e: {  	[spmem:s2] =	stream.indirect.scatter.add.f32 [tilespmem:s0], [sflag:$0x3], $0x80, s8, s31, $0xb8;
	[tilespmem:$0x1E800] =	vst v63  }
0x23f: {  	_ =	swait.ge [sflag:s29], $0x4000  }
0x240: {  	[sflag:s29] =	ssyncset.done $0x0  }
0x241: {  	[sflag:s29] =	ssyncadd.s32 $0xFFFFC000  }
0x242: {  	_ =	swait.ge [sflag:s6], $0x4000  }
0x243: {  	[sflag:s6] =	ssyncset.done $0x0  }
0x244: {  	[sflag:s6] =	ssyncadd.s32 $0xFFFFC000  }
0x245: {  	[spmem:s2] =	stream.indirect.scatter.add.f32 [tilespmem:s1], [sflag:$0x3], $0x80, s11, s31, $0xb8;
	[tilespmem:$0x1E800] =	vst v63  }
0x246: {  	_ =	swait.ge [sflag:s29], $0x4000  }
0x247: {  	[sflag:s29] =	ssyncset.done $0x0  }
0x248: {  	s24 =	simm.s32 $0x0;
	[sflag:s29] =	ssyncadd.s32 $0xFFFFC000  }
0x249: {  	[tilespmem:s24], [sflag:$0x3] =	stream.linear.gather [hbm4b:s28+s24], $0x1400, $0x38;
	[tilespmem:$0x1E800] =	vst v63  }
0x24a: {  	_ =	swait.ge [sflag:s29], $0x1400  }
0x24b: {  	[sflag:s29] =	ssyncset.done $0x0  }
0x24c: {  	[sflag:s29] =	ssyncadd.s32 $0xFFFFEC00  }
0x24d: {  	[tilespmem:s30], [sflag:$0x3] =	stream.linear.gather [hbm4b:s16+s24], $0x1400, $0x38;
	[tilespmem:$0x1E800] =	vst v63  }
0x24e: {  	_ =	swait.ge [sflag:s29], $0x1400  }
0x24f: {  	[sflag:s29] =	ssyncset.done $0x0  }
0x250: {  	[sflag:s29] =	ssyncadd.s32 $0xFFFFEC00  }
0x251: {  	[tilespmem:s0], [sflag:$0x1] =	stream.indirect.gather [hbm4b:s4+s31], $0x80, s24, s31, $0xb8;
	[tilespmem:$0x1E800] =	vst v63  }
0x252: {  	s21 =	simm.s32 $0x80  }
0x253: {  	[tilespmem:s1], [sflag:$0x2] =	stream.indirect.gather [hbm4b:s4+s31], $0x80, s21, s31, $0xb8;
	[tilespmem:$0x1E800] =	vst v63  }
0x254: {  	_ =	swait.ge [sflag:s5], $0x4000  }
0x255: {  	[sflag:s5] =	ssyncset.done $0x0  }
0x256: {  	s22 =	simm.s32 $0x1400;
	[sflag:s5] =	ssyncadd.s32 $0xFFFFC000  }
0x257: {  	[spmem:s2] =	stream.indirect.scatter.add.f32 [tilespmem:s0], [sflag:$0x3], $0x80, s22, s31, $0xb8;
	[tilespmem:$0x1E800] =	vst v63  }
0x258: {  	_ =	swait.ge [sflag:s29], $0x4000  }
0x259: {  	[sflag:s29] =	ssyncset.done $0x0  }
0x25a: {  	s23 =	simm.s32 $0x100;
	[sflag:s29] =	ssyncadd.s32 $0xFFFFC000  }
0x25b: {  	[tilespmem:s0], [sflag:$0x1] =	stream.indirect.gather [hbm4b:s4+s31], $0x80, s23, s31, $0xb8;
	[tilespmem:$0x1E800] =	vst v63  }
0x25c: {  	_ =	swait.ge [sflag:s6], $0x4000  }
0x25d: {  	[sflag:s6] =	ssyncset.done $0x0  }
0x25e: {  	s24 =	simm.s32 $0x1480;
	[sflag:s6] =	ssyncadd.s32 $0xFFFFC000  }
0x25f: {  	[spmem:s2] =	stream.indirect.scatter.add.f32 [tilespmem:s1], [sflag:$0x3], $0x80, s24, s31, $0xb8;
	[tilespmem:$0x1E800] =	vst v63  }
0x260: {  	_ =	swait.ge [sflag:s29], $0x4000  }
0x261: {  	s20 =	simm.s32 $0x100;
	s21 =	simm.s32 $0x800;
	[sflag:s29] =	ssyncset.done $0x0  }
.LBB2_16:
0x262: {  	s22 =	sadd.s32 $0x80, s20  }
0x263: {  	[sflag:s29] =	ssyncadd.s32 $0xFFFFC000;
	s23 =	smov.u32 s21;
	s24 =	sadd.s32 $0x400, s21  }
0x264: {  	[tilespmem:s1], [sflag:$0x2] =	stream.indirect.gather [hbm4b:s4+s31], $0x80, s22, s31, $0xb8;
	[tilespmem:$0x1E800] =	vst v63  }
0x265: {  	p1 =	sne.s32 s21, $0x4800;
	_ =	swait.ge [sflag:s5], $0x4000  }
0x266: {  	[sflag:s5] =	ssyncset.done $0x0  }
0x267: {  	s21 =	sadd.s32 $0x1400, s20;
	[sflag:s5] =	ssyncadd.s32 $0xFFFFC000  }
0x268: {  	[spmem:s2] =	stream.indirect.scatter.add.f32 [tilespmem:s0], [sflag:$0x3], $0x80, s21, s31, $0xb8;
	[tilespmem:$0x1E800] =	vst v63  }
0x269: {  	_ =	swait.ge [sflag:s29], $0x4000  }
0x26a: {  	[sflag:s29] =	ssyncset.done $0x0  }
0x26b: {  	s21 =	sadd.s32 $0x100, s20;
	[sflag:s29] =	ssyncadd.s32 $0xFFFFC000  }
0x26c: {  	[tilespmem:s0], [sflag:$0x1] =	stream.indirect.gather [hbm4b:s4+s31], $0x80, s21, s31, $0xb8;
	[tilespmem:$0x1E800] =	vst v63  }
0x26d: {  	_ =	swait.ge [sflag:s6], $0x4000  }
.Ltmp7:
0x26e: {  	[sflag:s6] =	ssyncset.done $0x0;
	(pc) =	sbr.rel @p1 .LBB2_16-.Ltmp7, $4  }
0x26f: {  	s20 =	sadd.s32 $0x1480, s20;
	[sflag:s6] =	ssyncadd.s32 $0xFFFFC000  }
0x270: {  	[spmem:s2] =	stream.indirect.scatter.add.f32 [tilespmem:s1], [sflag:$0x3], $0x80, s20, s31, $0xb8;
	[tilespmem:$0x1E800] =	vst v63  }
0x271: {  	_ =	swait.ge [sflag:s29], $0x4000  }
0x272: {  	s21 =	smov.u32 s24;
	s20 =	sshra.s32 s23, $0x2;
	[sflag:s29] =	ssyncset.done $0x0  }
0x273: {  	s21 =	sadd.s32 $0x80, s20;
	[sflag:s29] =	ssyncadd.s32 $0xFFFFC000  }
0x274: {  	[tilespmem:s1], [sflag:$0x2] =	stream.indirect.gather [hbm4b:s4+s31], $0x80, s21, s31, $0xb8;
	[tilespmem:$0x1E800] =	vst v63  }
0x275: {  	_ =	swait.ge [sflag:s5], $0x4000  }
0x276: {  	[sflag:s5] =	ssyncset.done $0x0  }
0x277: {  	s24 =	sadd.s32 $0x1400, s20;
	[sflag:s5] =	ssyncadd.s32 $0xFFFFC000  }
0x278: {  	[spmem:s2] =	stream.indirect.scatter.add.f32 [tilespmem:s0], [sflag:$0x3], $0x80, s24, s31, $0xb8;
	[tilespmem:$0x1E800] =	vst v63  }
0x279: {  	_ =	swait.ge [sflag:s29], $0x4000  }
0x27a: {  	[sflag:s29] =	ssyncset.done $0x0  }
0x27b: {  	s22 =	sadd.s32 $0x100, s20;
	[sflag:s29] =	ssyncadd.s32 $0xFFFFC000  }
0x27c: {  	[tilespmem:s0], [sflag:$0x1] =	stream.indirect.gather [hbm4b:s4+s31], $0x80, s22, s31, $0xb8;
	[tilespmem:$0x1E800] =	vst v63  }
0x27d: {  	_ =	swait.ge [sflag:s6], $0x4000  }
0x27e: {  	[sflag:s6] =	ssyncset.done $0x0  }
0x27f: {  	s23 =	sadd.s32 $0x1480, s20;
	[sflag:s6] =	ssyncadd.s32 $0xFFFFC000  }
0x280: {  	[spmem:s2] =	stream.indirect.scatter.add.f32 [tilespmem:s1], [sflag:$0x3], $0x80, s23, s31, $0xb8;
	[tilespmem:$0x1E800] =	vst v63  }
0x281: {  	_ =	swait.ge [sflag:s29], $0x4000  }
0x282: {  	[sflag:s29] =	ssyncset.done $0x0  }
0x283: {  	[sflag:s29] =	ssyncadd.s32 $0xFFFFC000  }
0x284: {  	[tilespmem:s1], [sflag:$0x2] =	stream.indirect.gather [hbm4b:s4+s31], $0x80, s7, s31, $0xb8;
	[tilespmem:$0x1E800] =	vst v63  }
0x285: {  	_ =	swait.ge [sflag:s5], $0x4000  }
0x286: {  	[sflag:s5] =	ssyncset.done $0x0  }
0x287: {  	[sflag:s5] =	ssyncadd.s32 $0xFFFFC000  }
0x288: {  	[spmem:s2] =	stream.indirect.scatter.add.f32 [tilespmem:s0], [sflag:$0x3], $0x80, s8, s31, $0xb8;
	[tilespmem:$0x1E800] =	vst v63  }
0x289: {  	_ =	swait.ge [sflag:s29], $0x4000  }
0x28a: {  	[sflag:s29] =	ssyncset.done $0x0  }
0x28b: {  	[sflag:s29] =	ssyncadd.s32 $0xFFFFC000  }
0x28c: {  	_ =	swait.ge [sflag:s6], $0x4000  }
0x28d: {  	[sflag:s6] =	ssyncset.done $0x0  }
0x28e: {  	[sflag:s6] =	ssyncadd.s32 $0xFFFFC000  }
0x28f: {  	[spmem:s2] =	stream.indirect.scatter.add.f32 [tilespmem:s1], [sflag:$0x3], $0x80, s11, s31, $0xb8;
	[tilespmem:$0x1E800] =	vst v63  }
0x290: {  	_ =	swait.ge [sflag:s29], $0x4000  }
0x291: {  	[sflag:s29] =	ssyncset.done $0x0  }
0x292: {  	[sflag:s29] =	ssyncadd.s32 $0xFFFFC000  }
0x293: {  	[bflag:$0x0] =	sbarrier.arrive $0xFFFF  }
0x294: {  	s20 =	simm.s32 @p0 $0x1FC3;
	s21 =	rddreg [dreg:$0x10]  }
0x295: {  	[hbm:s21], [sflag:s20] =	dma.local @p0 [spmem:s15], $0x2080  }
0x296: {  	s15 =	simm.s32 @p0 $0x3  }
0x297: {  	_ =	swait.ge @p0 [sflag:s15], $0x2080  }
0x298: {  	[sflag:s15] =	ssyncset.done @p0 $0x0  }
0x299: {  	[sflag:s15] =	ssyncadd.s32 @p0 $0xFFFFDF80;
	s15 =	rddreg [dreg:$0xd]  }
0x29a: {  	[hbm:s15], [sflag:s17] =	dma.local @!p0 [spmem:s19], $0x2780  }
0x29b: {  	s15 =	simm.s32 @!p0 $0x3  }
0x29c: {  	_ =	swait.ge @!p0 [sflag:s15], $0x2780  }
0x29d: {  	s13 =	sadd.s32 $0x1, s13;
	s24 =	rddreg [dreg:$0xf]  }
0x29e: {  	p1 =	sne.s32 s13, s24  }
.Ltmp8:
0x29f: {  	_ = 	snop;
	(pc) =	sbr.rel @p1 .LBB2_1-.Ltmp8, $3  }
0x2a0: {  	_ =	sdelay $0x1  }
0x2a1: {  	[sflag:s15] =	ssyncset.done @!p0 $0x0  }
0x2a2: {  	[sflag:s15] =	ssyncadd.s32 @!p0 $0xFFFFD880  }
0x2a3: {  	_ =	sfence.sel $0x180000  }
0x2a4: {  	[bflag:$0x0] =	sbarrier.arrive $0xFFFF  }
0x2a5: {  	_ =	strace $0x9000004D  }
0x2a6: {  	s0 =	stileid.u32;
	[bflag:$0x2] =	sbarrier.arrive $0xFFFF  }
0x2a7: {  	p0 =	sne.s32 s0, $0x0;
	s0 =	rddreg [dreg:$0x2]  }
0x2a8: {  	s0 =	sadd.s32 @!p0 $0x100000, s0  }
0x2a9: {  	[sflag:s0] =	ssyncadd.tile.s32 @!p0 $0x1;
	_ =	shalt  }
.Lfunc_end2:
_tile_overlayer_lowered:
.L_overlay_start_2:
0x2aa: {  	(tag) =	ssettag $0x2  }
0x2ab: {  	s0 =	rddreg [dreg:$0x0];
	s2 =	stileid.u32  }
0x2ac: {  	s1 =	rddreg [dreg:$0x1];
	p0 =	sne.s32 s2, $0x0  }
0x2ad: {  	s3 =	rddreg [dreg:$0x2];
	[bflag:$0x3] =	sbarrier.arrive $0xFFFF;
	s2 =	simm.s32 @!p0 $0x1C03  }
0x2ae: {  	[timem:s3], [sflag:s2] =	dma.local @!p0 [hbm:s0], s1  }
0x2af: {  	s0 =	simm.s32 @!p0 $0x3  }
0x2b0: {  	_ =	swait.ge @!p0 [sflag:s0], s1  }
0x2b1: {  	s1 =	ssub.s32 @!p0 $0x0, s1;
	[sflag:s0] =	ssyncset.done @!p0 $0x0  }
0x2b2: {  	[sflag:s0] =	ssyncadd.s32 @!p0 s1  }
0x2b3: {  	[bflag:$0x3] =	sbarrier.arrive $0xFFFF  }
0x2b4: {  	_ =	shalt  }

// kernel: kernel.20.cloned.1.call-start
scs
__scs_entry_jumppad:
0x0: {  	(pc) =	sbr.rel $0x88, $3  }
0x1: {  	(tag) =	ssettag $0x0;
	lr =	simm.s32 $0x1  }
0x2: {  	[smem:$0x3F95] =	sst lr;
	_ =	strace $0xD0000000  }
0x3: {  	_ = 	snop  }
0x4: {  	_ = 	snop  }
0x5: {  	_ = 	snop  }
0x6: {  	_ = 	snop  }
0x7: {  	_ = 	snop  }
__scs_overlays_trampoline_lowered:
0x8: {  	[smem:$0x3FA4] =	sst s0  }
0x9: {  	[smem:$0x3FA5] =	sst s1  }
0xa: {  	[smem:$0x3FA6] =	sst s2  }
0xb: {  	[smem:$0x3FA7] =	sst s3  }
0xc: {  	[smem:$0x3FA8] =	sst s4  }
0xd: {  	[smem:$0x3FA9] =	sst s5  }
0xe: {  	[smem:$0x3FAA] =	sst s6  }
0xf: {  	[smem:$0x3FAB] =	sst s7  }
0x10: {  	[smem:$0x3FAC] =	sst s8  }
0x11: {  	[smem:$0x3FAD] =	sst s9;
	s0 =	simm.s32 @!p0 $0x0  }
0x12: {  	s1 =	sld [smem:$0x3F93];
	s0 =	simm.s32 @p0 $0x1  }
0x13: {  	[smem:$0x3FAE] =	sst s0;
	s0 =	simm.s32 @!p1 $0x0  }
0x14: {  	s2 =	sld [smem:$0x3F92];
	s0 =	simm.s32 @p1 $0x1  }
0x15: {  	[smem:$0x3FAF] =	sst s0;
	s0 =	simm.s32 @!p2 $0x0  }
0x16: {  	s3 =	sld [smem:$0x3FDB];
	s0 =	simm.s32 @p2 $0x1  }
0x17: {  	s4 =	simm.s32 $0x1BF5;
	[smem:$0x3FB1] =	sst s0  }
0x18: {  	s0 =	sld [smem:$0x3F94];
	_ =	swait.ge [sflag:s4], $0x0  }
0x19: {  	s7 =	sld [smem:$0x3F95]  }
0x1a: {  	s8 =	sadd.s32 $0xFFFFE003, lr  }
0x1b: {  	s9 =	sadd.s32 $0xFFFFFEF7, lr;
	s5 =	simm.s32 $0xFFFFFFFF;
	p2 =	slt.u32 s8, $0xFFFFF086  }
0x1c: {  	p1 =	slt.u32 s9, $0xF7A;
	s5 =	simm.s32 @!p2 $0x0  }
0x1d: {  	s5 =	simm.s32 @p1 $0x1;
	p0 =	seq.s32 s7, s2  }
0x1e: {  	s7 =	smul.u32 @!p0 $0xF7A, s2;
	p2 =	seq.s32 @!p0 s5, $0x0  }
0x1f: {  	s9 =	smul.u32 $0xF7A, s1;
	s8 =	simm.s32 @!p0 $0x1BF5;
	p2 =	por !p2, p0  }
0x20: {  	[sflag:s8] =	ssyncset.s32 @!p0 $0xFFFFF086;
	s6 =	sadd.s32 @!p0 s3, s7;
	s7 =	simm.s32 @!p0 $0x108  }
0x21: {  	s3 =	sadd.s32 s3, s9;
	s6 =	sadd.s32 @!p0 $0x88, s6;
	s7 =	simm.s32 @p2 $0x1082  }
0x22: {  	[simem:s7], [sflag:s8] =	dma.local @!p0 [hbm:s6], $0xF7A  }
0x23: {  	s9 =	sor.u32 $0xD0000000, s2;
	s6 =	simm.s32 $0x108;
	_ =	swait.ge @!p0 [sflag:s8], $0x0  }
0x24: {  	s3 =	sadd.s32 $0x88, s3;
	s6 =	simm.s32 @!p1 $0x1082;
	[sflag:s4] =	ssyncset.s32 $0xFFFFF086  }
0x25: {  	[simem:s6], [sflag:s4] =	dma.local [hbm:s3], $0xF7A  }
0x26: {  	[smem:$0x3F95] =	sst s1;
	(tag) =	ssettag s2;
	_ =	strace s9  }
0x27: {  	s1 =	sld [smem:$0x3FA5]  }
0x28: {  	s2 =	sld [smem:$0x3FA6]  }
0x29: {  	s4 =	sld [smem:$0x3FA8]  }
0x2a: {  	p0 =	seq.s32 s5, $0x0;
	s5 =	sld [smem:$0x3FA9]  }
0x2b: {  	s6 =	sld [smem:$0x3FAA]  }
0x2c: {  	s7 =	sld [smem:$0x3FAB]  }
0x2d: {  	s3 =	simm.s32 $0x108;
	s8 =	sld [smem:$0x3FAC]  }
0x2e: {  	s3 =	simm.s32 @!p0 $0x1082;
	s9 =	sld [smem:$0x3FAD]  }
0x2f: {  	lr =	sadd.s32 s0, s3;
	s0 =	sld [smem:$0x3FA4]  }
0x30: {  	s3 =	sld [smem:$0x3FA7]  }
0x31: {  	[smem:$0x3FB0] =	sst s10  }
0x32: {  	s10 =	sld [smem:$0x3FAE];
	_ =	sdelay $0x3  }
0x33: {  	p0 =	seq.s32 s10, $0x1;
	s10 =	sld [smem:$0x3FB0];
	_ =	sdelay $0x3  }
0x34: {  	[smem:$0x3FB0] =	sst s10  }
0x35: {  	s10 =	sld [smem:$0x3FAF];
	_ =	sdelay $0x3  }
0x36: {  	p1 =	seq.s32 s10, $0x1;
	s10 =	sld [smem:$0x3FB0];
	_ =	sdelay $0x3  }
0x37: {  	[smem:$0x3FB0] =	sst s10  }
0x38: {  	s10 =	sld [smem:$0x3FB1]  }
0x39: {  	_ = 	snop;
	(pc) =	sbr.ind lr, $3  }
0x3a: {  	_ = 	snop  }
0x3b: {  	_ = 	snop  }
0x3c: {  	p2 =	seq.s32 s10, $0x1;
	s10 =	sld [smem:$0x3FB0]  }
0x3d: {  	_ =	shalt  }
0x3e: {  	_ =	shalt  }
0x3f: {  	_ =	shalt  }
0x40: {  	_ =	shalt  }
0x41: {  	_ =	shalt  }
0x42: {  	_ =	shalt  }
0x43: {  	_ =	shalt  }
0x44: {  	_ =	shalt  }
0x45: {  	_ =	shalt  }
0x46: {  	_ =	shalt  }
0x47: {  	_ =	shalt  }
0x48: {  	_ =	shalt  }
0x49: {  	_ =	shalt  }
0x4a: {  	_ =	shalt  }
0x4b: {  	_ =	shalt  }
0x4c: {  	_ =	shalt  }
0x4d: {  	_ =	shalt  }
0x4e: {  	_ =	shalt  }
0x4f: {  	_ =	shalt  }
0x50: {  	_ =	shalt  }
0x51: {  	_ =	shalt  }
0x52: {  	_ =	shalt  }
0x53: {  	_ =	shalt  }
0x54: {  	_ =	shalt  }
0x55: {  	_ =	shalt  }
0x56: {  	_ =	shalt  }
0x57: {  	_ =	shalt  }
0x58: {  	_ =	shalt  }
0x59: {  	_ =	shalt  }
0x5a: {  	_ =	shalt  }
0x5b: {  	_ =	shalt  }
0x5c: {  	_ =	shalt  }
0x5d: {  	_ =	shalt  }
0x5e: {  	_ =	shalt  }
0x5f: {  	_ =	shalt  }
0x60: {  	_ =	shalt  }
0x61: {  	_ =	shalt  }
0x62: {  	_ =	shalt  }
0x63: {  	_ =	shalt  }
0x64: {  	_ =	shalt  }
0x65: {  	_ =	shalt  }
0x66: {  	_ =	shalt  }
0x67: {  	_ =	shalt  }
0x68: {  	_ =	shalt  }
0x69: {  	_ =	shalt  }
0x6a: {  	_ =	shalt  }
0x6b: {  	_ =	shalt  }
0x6c: {  	_ =	shalt  }
0x6d: {  	_ =	shalt  }
0x6e: {  	_ =	shalt  }
0x6f: {  	_ =	shalt  }
0x70: {  	_ =	shalt  }
0x71: {  	_ =	shalt  }
0x72: {  	_ =	shalt  }
0x73: {  	_ =	shalt  }
0x74: {  	_ =	shalt  }
0x75: {  	_ =	shalt  }
0x76: {  	_ =	shalt  }
0x77: {  	_ =	shalt  }
0x78: {  	_ =	shalt  }
0x79: {  	_ =	shalt  }
0x7a: {  	_ =	shalt  }
0x7b: {  	_ =	shalt  }
0x7c: {  	_ =	shalt  }
0x7d: {  	_ =	shalt  }
0x7e: {  	_ =	shalt  }
0x7f: {  	_ =	shalt  }
0x80: {  	_ =	shalt  }
0x81: {  	_ =	shalt  }
0x82: {  	_ =	shalt  }
0x83: {  	_ =	shalt  }
0x84: {  	_ =	shalt  }
0x85: {  	_ =	shalt  }
0x86: {  	_ =	shalt  }
0x87: {  	_ =	shalt  }
.Lfunc_end0:
.L_simem_size_0:
called_computation.3_lowered:
.L_overlay_start_0:
0x88: {  	s2 =	sld [smem:$0x3FD9]  }
0x89: {  	s3 =	sld [smem:$0x3FFE];
	_ =	sdelay $0x1  }
0x8a: {  	s1 =	srdreg.scid  }
0x8b: {  	s0 =	sand.u32 $0x1, s1  }
0x8c: {  	s17 =	sshll.u32 s0, $0xA;
	s2 =	sadd.s32 s3, s2  }
0x8d: {  	s2 =	sadd.s32 s2, s17  }
0x8e: {  	[smem:$0x3FBC] =	sst s2  }
0x8f: {  	_ = 	snop  }
0x90: {  	s2 =	sld [smem:$0x3FD0];
	(tm) =	ssettm $0x1  }
0x91: {  	s18 =	sld [smem:$0x3FFB];
	_ =	sdelay $0x3  }
0x92: {  	_ =	strace s18  }
0x93: {  	s3 =	sld [smem:$0x3FFC];
	_ =	sdelay $0x3  }
0x94: {  	_ =	strace s3  }
0x95: {  	s3 =	sld [smem:$0x3FFD];
	_ =	sdelay $0x3  }
0x96: {  	_ =	strace s3  }
0x97: {  	_ =	strace $0x8FFFFFFF  }
0x98: {  	s19 =	sld [smem:$0x3FDB];
	_ =	sdelay $0x1  }
0x99: {  	s4 =	simm.s32 $_scs_section_size  }
0x9a: {  	s5 =	simm.s32 $_size__tile_overlayer_lowered;
	s6 =	simm.s32 $_tile_overlayer_lowered  }
0x9b: {  	s22 =	simm.s32 $0x1BFF;
	s21 =	sshll.u32 s6, $0x1;
	s3 =	sadd.s32 s4, s19  }
0x9c: {  	s7 =	simm.s32 $0x0;
	s20 =	sshll.u32 s5, $0x1;
	s5 =	sadd.s32 s21, s3  }
0x9d: {  	[timem:s7], [sflag:s22] =	dma.local [hbm:s5], s20  }
0x9e: {  	_ =	swait.ge [sflag:s22], s20  }
0x9f: {  	s4 =	ssub.s32 $0x0, s20;
	[sflag:s22] =	ssyncset.done $0x0  }
0xa0: {  	[sflag:s22] =	ssyncadd.s32 s4;
	_ =	sdelay $0x1  }
0xa1: {  	s23 =	simm.s32 $0x1B8B  }
0xa2: {  	_ =	swait.ge [sflag:s23], $0x1  }
0xa3: {  	[sflag:s23] =	ssyncset.done $0x0  }
0xa4: {  	s25 =	simm.s32 $0x1B8E;
	s24 =	sld [smem:$0x3FFE];
	[sflag:s23] =	ssyncadd.s32 $0xFFFFFFFF  }
0xa5: {  	s26 =	simm.s32 $execute0_lowered;
	[smem:$0x3FD2] =	sst s25  }
0xa6: {  	s5 =	sshll.u32 s26, $0x1;
	_ =	strace $0x8000004F;
	[dreg:$0x1] =	wrdreg $0xFFFFFFFF  }
0xa7: {  	s28 =	simm.s32 $_size_execute0_lowered;
	s3 =	sadd.s32 s3, s5;
	[dreg:$0x0] =	wrdreg $0x0  }
0xa8: {  	s5 =	sshll.u32 s28, $0x1;
	[dreg:$0x2] =	wrdreg s3  }
0xa9: {  	[dreg:$0x3] =	wrdreg s5  }
0xaa: {  	[dreg:$0x4] =	wrdreg $0xC0  }
0xab: {  	_ =	task [dreg:s7], $0x5FFFF  }
0xac: {  	[dreg:$0x1] =	wrdreg $0xFFFFFFFF  }
0xad: {  	[dreg:$0x0] =	wrdreg $0x60  }
0xae: {  	[dreg:$0x2] =	wrdreg s2  }
0xaf: {  	[dreg:$0x3] =	wrdreg s24  }
0xb0: {  	[dreg:$0x4] =	wrdreg $0xA8000  }
0xb1: {  	[dreg:$0x5] =	wrdreg $0x9  }
0xb2: {  	_ =	task.clear_ibuf [dreg:s7], $0x6FFFF;
	_ =	strace $0x9000004F  }
0xb3: {  	s29 =	simm.s32 $0x9;
	_ =	strace $0x80000051  }
0xb4: {  	_ =	swait.ge [sflag:s29], $0x1  }
0xb5: {  	[sflag:s29] =	ssyncadd.s32 $0xFFFFFFFF  }
0xb6: {  	_ =	strace $0x90000051  }
0xb7: {  	_ =	sfence  }
0xb8: {  	s30 =	sld [smem:$0x0];
	_ =	sdelay $0x2  }
0xb9: {  	s31 =	sshll.u32 s1, $0xD;
	s1 =	sshrl.u32 s1, $0x2  }
0xba: {  	s3 =	sand.u32 $0x4000, s31;
	s1 =	sadd.s32 s1, s30  }
0xbb: {  	s0 =	sor.u32 s3, s0;
	s1 =	sshll.u32 s1, $0x11  }
0xbc: {  	s0 =	sor.u32 s1, s0  }
0xbd: {  	s0 =	sadd.s32 $0x8F2B, s0  }
0xbe: {  	[sflag:s0] =	ssyncadd.remote.s32 $0x1  }
0xbf: {  	_ =	sfence.sel $0xFFFF  }
0xc0: {  	[dreg:$0x0] =	wrdreg $0xFFFFFFFF;
	(pc) =	sbr.abs _section_cstart, $3  }
0xc1: {  	[dreg:$0x1] =	wrdreg $0xFFFFFFFF  }
0xc2: {  	_ =	task.clear_ibuf [dreg:s7], $0x2FFFF;
	_ =	strace $0x9FFFFFFF  }
0xc3: {  	(tm) =	ssettm $0x7FFFFFFF  }
tec
execute0_lowered:
.L_overlay_start_1:
0x0: {  	(tag) =	ssettag $0x1  }
0x1: {  	s1 =	rddreg [dreg:$0x0]  }
0x2: {  	s0 =	rddreg [dreg:$0x1]  }
0x3: {  	s3 =	rddreg [dreg:$0x2];
	s4 =	simm.s32 $0x0;
	s2 =	stileid.u32  }
0x4: {  	s5 =	srdreg.scid;
	s28 =	simm.s32 $0x2;
	s29 =	simm.s32 $0x1380  }
0x5: {  	s30 =	simm.s32 $0x2700;
	s31 =	simm.s32 $0x2780;
	[smem:$0x7FF] =	sst s4  }
0x6: {  	s6 =	smul.u32 $0x2780, s2;
	s8 =	sadd.s32 $0xD600, s0;
	s14 =	sadd.s32 $0x3600, s0  }
0x7: {  	s15 =	sand.u32 $0x1, s5;
	s9 =	smul.u32 $0x4F000, s2;
	s16 =	sadd.s32 $0x3E800, s0  }
0x8: {  	s22 =	sadd.s32 $0x25080, s1;
	_ =	strace $0x80000050;
	s5 =	ssub.s32 $0x2, s15  }
0x9: {  	s11 =	sshll.u32 s15, $0x4;
	[dreg:$0x7] =	wrdreg s22;
	s24 =	smul.u32 $0x27100, s15  }
0xa: {  	p3 =	sne.s32 s15, $0x0;
	s22 =	simm.s32 $0x1400;
	s7 =	sadd.s32 s6, s0  }
0xb: {  	s10 =	sshrl.u32 s5, $0x1;
	s18 =	sor.u32 s2, s11;
	s19 =	sshrl.u32 s9, $0x2  }
0xc: {  	s0 =	sadd.s32 $0x3C680, s0;
	s21 =	sadd.s32 s1, s6;
	p1 =	seq.s32 @p3 s2, $0xF  }
0xd: {  	p4 =	seq.s32 @!p3 s2, $0xF;
	s17 =	ssub.s32 s5, s10;
	s11 =	smul.u32 $0x2800, s18  }
0xe: {  	s5 =	sadd.s32 s19, s3;
	[dreg:$0x5] =	wrdreg s0;
	s20 =	smul.u32 $0x500, s18  }
0xf: {  	s7 =	sadd.s32 $0x17600, s7;
	[dreg:$0x6] =	wrdreg s21;
	s19 =	smul.u32 $0x138800, s15  }
0x10: {  	s0 =	sadd.s32 s6, s24;
	p0 =	por p1, !p3;
	p1 =	por !p1, !p3  }
0x11: {  	p2 =	por !p4, p3;
	p3 =	por p4, p3;
	s21 =	simm.s32 $0x3  }
0x12: {  	s24 =	simm.s32 $0x2800;
	p4 =	seq.s32 s2, $0xF;
	[dreg:$0x4] =	wrdreg s7  }
0x13: {  	s7 =	sadd.s32 $0x128400, s3;
	s15 =	sadd.s32 s16, s0;
	s17 =	smax.u32 s17, $0x1  }
0x14: {  	s0 =	sshll.u32 @!p0 s2, $0x6;
	s12 =	sshrl.u32 s11, $0x3;
	s23 =	sadd.s32 s8, s20  }
0x15: {  	s25 =	sshrl.u32 s19, $0x3;
	s19 =	sor.u32 @!p0 $0x1C03, s0;
	s0 =	simm.s32 $0x0  }
0x16: {  	[dreg:$0x8] =	wrdreg s23;
	s18 =	sadd.s32 $0x280, s12;
	s12 =	sadd.s32 s14, s20  }
0x17: {  	s26 =	sadd.s32 s16, s25;
	s20 =	sshrl.u32 @!p0 s5, $0x3;
	s23 =	simm.s32 $0x80  }
0x18: {  	s25 =	simm.s32 $0x6800;
	s13 =	sadd.s32 s8, s18;
	s14 =	sadd.s32 s14, s18  }
0x19: {  	s16 =	sadd.s32 $0x25080, s26;
	s18 =	sshrl.u32 @!p1 s7, $0x3;
	s26 =	simm.s32 $0x1  }
.LBB2_1:
0x1a: {  	s6 =	simm.s32 @!p1 $0x1FC3;
	s8 =	rddreg [dreg:$0x5]  }
0x1b: {  	[spmem:s18], [sflag:s6] =	dma.local @!p1 [hbm:s8], $0x2080  }
0x1c: {  	s6 =	simm.s32 @!p1 $0x3  }
0x1d: {  	_ =	swait.ge @!p1 [sflag:s6], $0x2080  }
0x1e: {  	[sflag:s6] =	ssyncset.done @!p1 $0x0  }
0x1f: {  	[sflag:s6] =	ssyncadd.s32 @!p1 $0xFFFFDF80;
	s6 =	rddreg [dreg:$0x4]  }
0x20: {  	[spmem:s20], [sflag:s19] =	dma.local @!p0 [hbm:s6], $0x2780  }
0x21: {  	s6 =	simm.s32 @!p0 $0x3  }
0x22: {  	_ =	swait.ge @!p0 [sflag:s6], $0x2780  }
0x23: {  	s8 =	simm.s32 @!p2 $0x1FC3;
	[sflag:s6] =	ssyncset.done @!p0 $0x0  }
0x24: {  	s9 =	rddreg [dreg:$0x7];
	[sflag:s6] =	ssyncadd.s32 @!p0 $0xFFFFD880;
	s6 =	sshrl.u32 @!p2 s7, $0x3  }
0x25: {  	[spmem:s6], [sflag:s8] =	dma.local @!p2 [hbm:s9], $0x2080  }
0x26: {  	s6 =	simm.s32 @!p2 $0x3  }
0x27: {  	_ =	swait.ge @!p2 [sflag:s6], $0x2080  }
0x28: {  	s8 =	sshll.u32 @!p3 s2, $0x6;
	[sflag:s6] =	ssyncset.done @!p2 $0x0;
	s9 =	rddreg [dreg:$0x6]  }
0x29: {  	[sflag:s6] =	ssyncadd.s32 @!p2 $0xFFFFDF80;
	s6 =	sor.u32 @!p3 $0x1C03, s8;
	s8 =	sshrl.u32 @!p3 s5, $0x3  }
0x2a: {  	[spmem:s8], [sflag:s6] =	dma.local @!p3 [hbm:s9], $0x2780  }
0x2b: {  	s6 =	simm.s32 @!p3 $0x3  }
0x2c: {  	_ =	swait.ge @!p3 [sflag:s6], $0x2780  }
0x2d: {  	[sflag:s6] =	ssyncset.done @!p3 $0x0  }
0x2e: {  	[sflag:s6] =	ssyncadd.s32 @!p3 $0xFFFFD880  }
0x2f: {  	[bflag:$0x0] =	sbarrier.arrive $0xFFFF  }
0x30: {  	s11 =	rddreg [dreg:$0x8]  }
0x31: {  	[tilespmem:s4], [sflag:$0x3] =	stream.linear.gather [hbm4b:s11+s4], $0x1400, $0x38;
	[tilespmem:$0x1E800] =	vst v63  }
0x32: {  	_ =	swait.ge [sflag:s21], $0x1400  }
0x33: {  	[sflag:s21] =	ssyncset.done $0x0  }
0x34: {  	[sflag:s21] =	ssyncadd.s32 $0xFFFFEC00  }
0x35: {  	[tilespmem:s22], [sflag:$0x3] =	stream.linear.gather [hbm4b:s12+s4], $0x1400, $0x38;
	[tilespmem:$0x1E800] =	vst v63  }
0x36: {  	_ =	swait.ge [sflag:s21], $0x1400  }
0x37: {  	[sflag:s21] =	ssyncset.done $0x0  }
0x38: {  	[sflag:s21] =	ssyncadd.s32 $0xFFFFEC00  }
0x39: {  	[tilespmem:s24], [sflag:$0x1] =	stream.indirect.gather [hbm4b:s1+s23], $0x80, s4, s23, $0xb8;
	[tilespmem:$0x1E800] =	vst v63  }
0x3a: {  	s8 =	simm.s32 $0x80  }
0x3b: {  	[tilespmem:s25], [sflag:$0x2] =	stream.indirect.gather [hbm4b:s1+s23], $0x80, s8, s23, $0xb8;
	[tilespmem:$0x1E800] =	vst v63  }
0x3c: {  	_ =	swait.ge [sflag:s26], $0x4000  }
0x3d: {  	[sflag:s26] =	ssyncset.done $0x0  }
0x3e: {  	s9 =	simm.s32 $0x1400;
	[sflag:s26] =	ssyncadd.s32 $0xFFFFC000  }
0x3f: {  	[spmem:s3] =	stream.indirect.scatter.add.f32 [tilespmem:s24], [sflag:$0x3], $0x80, s9, s23, $0xb8;
	[tilespmem:$0x1E800] =	vst v63  }
0x40: {  	_ =	swait.ge [sflag:s21], $0x4000  }
0x41: {  	[sflag:s21] =	ssyncset.done $0x0  }
0x42: {  	s10 =	simm.s32 $0x100;
	[sflag:s21] =	ssyncadd.s32 $0xFFFFC000  }
0x43: {  	[tilespmem:s24], [sflag:$0x1] =	stream.indirect.gather [hbm4b:s1+s23], $0x80, s10, s23, $0xb8;
	[tilespmem:$0x1E800] =	vst v63  }
0x44: {  	_ =	swait.ge [sflag:s28], $0x4000  }
0x45: {  	[sflag:s28] =	ssyncset.done $0x0  }
0x46: {  	s11 =	simm.s32 $0x1480;
	[sflag:s28] =	ssyncadd.s32 $0xFFFFC000  }
0x47: {  	[spmem:s3] =	stream.indirect.scatter.add.f32 [tilespmem:s25], [sflag:$0x3], $0x80, s11, s23, $0xb8;
	[tilespmem:$0x1E800] =	vst v63  }
0x48: {  	_ =	swait.ge [sflag:s21], $0x4000  }
0x49: {  	s6 =	simm.s32 $0x100;
	s8 =	simm.s32 $0x800;
	[sflag:s21] =	ssyncset.done $0x0  }
.LBB2_2:
0x4a: {  	s9 =	sadd.s32 $0x80, s6  }
0x4b: {  	[sflag:s21] =	ssyncadd.s32 $0xFFFFC000;
	s10 =	smov.u32 s8;
	s11 =	sadd.s32 $0x400, s8  }
0x4c: {  	[tilespmem:s25], [sflag:$0x2] =	stream.indirect.gather [hbm4b:s1+s23], $0x80, s9, s23, $0xb8;
	[tilespmem:$0x1E800] =	vst v63  }
0x4d: {  	p5 =	sne.s32 s8, $0x4800;
	_ =	swait.ge [sflag:s26], $0x4000  }
0x4e: {  	[sflag:s26] =	ssyncset.done $0x0  }
0x4f: {  	s8 =	sadd.s32 $0x1400, s6;
	[sflag:s26] =	ssyncadd.s32 $0xFFFFC000  }
0x50: {  	[spmem:s3] =	stream.indirect.scatter.add.f32 [tilespmem:s24], [sflag:$0x3], $0x80, s8, s23, $0xb8;
	[tilespmem:$0x1E800] =	vst v63  }
0x51: {  	_ =	swait.ge [sflag:s21], $0x4000  }
0x52: {  	[sflag:s21] =	ssyncset.done $0x0  }
0x53: {  	s8 =	sadd.s32 $0x100, s6;
	[sflag:s21] =	ssyncadd.s32 $0xFFFFC000  }
0x54: {  	[tilespmem:s24], [sflag:$0x1] =	stream.indirect.gather [hbm4b:s1+s23], $0x80, s8, s23, $0xb8;
	[tilespmem:$0x1E800] =	vst v63  }
0x55: {  	_ =	swait.ge [sflag:s28], $0x4000  }
.Ltmp0:
0x56: {  	[sflag:s28] =	ssyncset.done $0x0;
	(pc) =	sbr.rel @p5 .LBB2_2-.Ltmp0, $4  }
0x57: {  	s6 =	sadd.s32 $0x1480, s6;
	[sflag:s28] =	ssyncadd.s32 $0xFFFFC000  }
0x58: {  	[spmem:s3] =	stream.indirect.scatter.add.f32 [tilespmem:s25], [sflag:$0x3], $0x80, s6, s23, $0xb8;
	[tilespmem:$0x1E800] =	vst v63  }
0x59: {  	_ =	swait.ge [sflag:s21], $0x4000  }
0x5a: {  	s8 =	smov.u32 s11;
	s6 =	sshra.s32 s10, $0x2;
	[sflag:s21] =	ssyncset.done $0x0  }
0x5b: {  	s8 =	sadd.s32 $0x80, s6;
	[sflag:s21] =	ssyncadd.s32 $0xFFFFC000  }
0x5c: {  	[tilespmem:s25], [sflag:$0x2] =	stream.indirect.gather [hbm4b:s1+s23], $0x80, s8, s23, $0xb8;
	[tilespmem:$0x1E800] =	vst v63  }
0x5d: {  	_ =	swait.ge [sflag:s26], $0x4000  }
0x5e: {  	[sflag:s26] =	ssyncset.done $0x0  }
0x5f: {  	s11 =	sadd.s32 $0x1400, s6;
	[sflag:s26] =	ssyncadd.s32 $0xFFFFC000  }
0x60: {  	[spmem:s3] =	stream.indirect.scatter.add.f32 [tilespmem:s24], [sflag:$0x3], $0x80, s11, s23, $0xb8;
	[tilespmem:$0x1E800] =	vst v63  }
0x61: {  	_ =	swait.ge [sflag:s21], $0x4000  }
0x62: {  	[sflag:s21] =	ssyncset.done $0x0  }
0x63: {  	s9 =	sadd.s32 $0x100, s6;
	[sflag:s21] =	ssyncadd.s32 $0xFFFFC000  }
0x64: {  	[tilespmem:s24], [sflag:$0x1] =	stream.indirect.gather [hbm4b:s1+s23], $0x80, s9, s23, $0xb8;
	[tilespmem:$0x1E800] =	vst v63  }
0x65: {  	_ =	swait.ge [sflag:s28], $0x4000  }
0x66: {  	[sflag:s28] =	ssyncset.done $0x0  }
0x67: {  	s10 =	sadd.s32 $0x1480, s6;
	[sflag:s28] =	ssyncadd.s32 $0xFFFFC000  }
0x68: {  	[spmem:s3] =	stream.indirect.scatter.add.f32 [tilespmem:s25], [sflag:$0x3], $0x80, s10, s23, $0xb8;
	[tilespmem:$0x1E800] =	vst v63  }
0x69: {  	_ =	swait.ge [sflag:s21], $0x4000  }
0x6a: {  	[sflag:s21] =	ssyncset.done $0x0  }
0x6b: {  	[sflag:s21] =	ssyncadd.s32 $0xFFFFC000  }
0x6c: {  	[tilespmem:s25], [sflag:$0x2] =	stream.indirect.gather [hbm4b:s1+s23], $0x80, s29, s23, $0xb8;
	[tilespmem:$0x1E800] =	vst v63  }
0x6d: {  	_ =	swait.ge [sflag:s26], $0x4000  }
0x6e: {  	[sflag:s26] =	ssyncset.done $0x0  }
0x6f: {  	[sflag:s26] =	ssyncadd.s32 $0xFFFFC000  }
0x70: {  	[spmem:s3] =	stream.indirect.scatter.add.f32 [tilespmem:s24], [sflag:$0x3], $0x80, s30, s23, $0xb8;
	[tilespmem:$0x1E800] =	vst v63  }
0x71: {  	_ =	swait.ge [sflag:s21], $0x4000  }
0x72: {  	[sflag:s21] =	ssyncset.done $0x0  }
0x73: {  	[sflag:s21] =	ssyncadd.s32 $0xFFFFC000  }
0x74: {  	_ =	swait.ge [sflag:s28], $0x4000  }
0x75: {  	[sflag:s28] =	ssyncset.done $0x0  }
0x76: {  	[sflag:s28] =	ssyncadd.s32 $0xFFFFC000  }
0x77: {  	[spmem:s3] =	stream.indirect.scatter.add.f32 [tilespmem:s25], [sflag:$0x3], $0x80, s31, s23, $0xb8;
	[tilespmem:$0x1E800] =	vst v63  }
0x78: {  	_ =	swait.ge [sflag:s21], $0x4000  }
0x79: {  	[sflag:s21] =	ssyncset.done $0x0  }
0x7a: {  	s11 =	simm.s32 $0x0;
	[sflag:s21] =	ssyncadd.s32 $0xFFFFC000  }
0x7b: {  	[tilespmem:s11], [sflag:$0x3] =	stream.linear.gather [hbm4b:s13+s11], $0x1400, $0x38;
	[tilespmem:$0x1E800] =	vst v63  }
0x7c: {  	_ =	swait.ge [sflag:s21], $0x1400  }
0x7d: {  	[sflag:s21] =	ssyncset.done $0x0  }
0x7e: {  	[sflag:s21] =	ssyncadd.s32 $0xFFFFEC00  }
0x7f: {  	[tilespmem:s22], [sflag:$0x3] =	stream.linear.gather [hbm4b:s14+s11], $0x1400, $0x38;
	[tilespmem:$0x1E800] =	vst v63  }
0x80: {  	_ =	swait.ge [sflag:s21], $0x1400  }
0x81: {  	[sflag:s21] =	ssyncset.done $0x0  }
0x82: {  	[sflag:s21] =	ssyncadd.s32 $0xFFFFEC00  }
0x83: {  	[tilespmem:s24], [sflag:$0x1] =	stream.indirect.gather [hbm4b:s1+s23], $0x80, s11, s23, $0xb8;
	[tilespmem:$0x1E800] =	vst v63  }
0x84: {  	s8 =	simm.s32 $0x80  }
0x85: {  	[tilespmem:s25], [sflag:$0x2] =	stream.indirect.gather [hbm4b:s1+s23], $0x80, s8, s23, $0xb8;
	[tilespmem:$0x1E800] =	vst v63  }
0x86: {  	_ =	swait.ge [sflag:s26], $0x4000  }
0x87: {  	[sflag:s26] =	ssyncset.done $0x0  }
0x88: {  	s9 =	simm.s32 $0x1400;
	[sflag:s26] =	ssyncadd.s32 $0xFFFFC000  }
0x89: {  	[spmem:s3] =	stream.indirect.scatter.add.f32 [tilespmem:s24], [sflag:$0x3], $0x80, s9, s23, $0xb8;
	[tilespmem:$0x1E800] =	vst v63  }
0x8a: {  	_ =	swait.ge [sflag:s21], $0x4000  }
0x8b: {  	[sflag:s21] =	ssyncset.done $0x0  }
0x8c: {  	s10 =	simm.s32 $0x100;
	[sflag:s21] =	ssyncadd.s32 $0xFFFFC000  }
0x8d: {  	[tilespmem:s24], [sflag:$0x1] =	stream.indirect.gather [hbm4b:s1+s23], $0x80, s10, s23, $0xb8;
	[tilespmem:$0x1E800] =	vst v63  }
0x8e: {  	_ =	swait.ge [sflag:s28], $0x4000  }
0x8f: {  	[sflag:s28] =	ssyncset.done $0x0  }
0x90: {  	s11 =	simm.s32 $0x1480;
	[sflag:s28] =	ssyncadd.s32 $0xFFFFC000  }
0x91: {  	[spmem:s3] =	stream.indirect.scatter.add.f32 [tilespmem:s25], [sflag:$0x3], $0x80, s11, s23, $0xb8;
	[tilespmem:$0x1E800] =	vst v63  }
0x92: {  	_ =	swait.ge [sflag:s21], $0x4000  }
0x93: {  	s6 =	simm.s32 $0x100;
	s8 =	simm.s32 $0x800;
	[sflag:s21] =	ssyncset.done $0x0  }
.LBB2_4:
0x94: {  	s9 =	sadd.s32 $0x80, s6  }
0x95: {  	[sflag:s21] =	ssyncadd.s32 $0xFFFFC000;
	s10 =	smov.u32 s8;
	s11 =	sadd.s32 $0x400, s8  }
0x96: {  	[tilespmem:s25], [sflag:$0x2] =	stream.indirect.gather [hbm4b:s1+s23], $0x80, s9, s23, $0xb8;
	[tilespmem:$0x1E800] =	vst v63  }
0x97: {  	p5 =	sne.s32 s8, $0x4800;
	_ =	swait.ge [sflag:s26], $0x4000  }
0x98: {  	[sflag:s26] =	ssyncset.done $0x0  }
0x99: {  	s8 =	sadd.s32 $0x1400, s6;
	[sflag:s26] =	ssyncadd.s32 $0xFFFFC000  }
0x9a: {  	[spmem:s3] =	stream.indirect.scatter.add.f32 [tilespmem:s24], [sflag:$0x3], $0x80, s8, s23, $0xb8;
	[tilespmem:$0x1E800] =	vst v63  }
0x9b: {  	_ =	swait.ge [sflag:s21], $0x4000  }
0x9c: {  	[sflag:s21] =	ssyncset.done $0x0  }
0x9d: {  	s8 =	sadd.s32 $0x100, s6;
	[sflag:s21] =	ssyncadd.s32 $0xFFFFC000  }
0x9e: {  	[tilespmem:s24], [sflag:$0x1] =	stream.indirect.gather [hbm4b:s1+s23], $0x80, s8, s23, $0xb8;
	[tilespmem:$0x1E800] =	vst v63  }
0x9f: {  	_ =	swait.ge [sflag:s28], $0x4000  }
.Ltmp1:
0xa0: {  	[sflag:s28] =	ssyncset.done $0x0;
	(pc) =	sbr.rel @p5 .LBB2_4-.Ltmp1, $4  }
0xa1: {  	s6 =	sadd.s32 $0x1480, s6;
	[sflag:s28] =	ssyncadd.s32 $0xFFFFC000  }
0xa2: {  	[spmem:s3] =	stream.indirect.scatter.add.f32 [tilespmem:s25], [sflag:$0x3], $0x80, s6, s23, $0xb8;
	[tilespmem:$0x1E800] =	vst v63  }
0xa3: {  	_ =	swait.ge [sflag:s21], $0x4000  }
0xa4: {  	s8 =	smov.u32 s11;
	s6 =	sshra.s32 s10, $0x2;
	[sflag:s21] =	ssyncset.done $0x0  }
0xa5: {  	s8 =	sadd.s32 $0x80, s6;
	[sflag:s21] =	ssyncadd.s32 $0xFFFFC000  }
0xa6: {  	[tilespmem:s25], [sflag:$0x2] =	stream.indirect.gather [hbm4b:s1+s23], $0x80, s8, s23, $0xb8;
	[tilespmem:$0x1E800] =	vst v63  }
0xa7: {  	_ =	swait.ge [sflag:s26], $0x4000  }
0xa8: {  	[sflag:s26] =	ssyncset.done $0x0  }
0xa9: {  	s9 =	sadd.s32 $0x1400, s6;
	[sflag:s26] =	ssyncadd.s32 $0xFFFFC000  }
0xaa: {  	[spmem:s3] =	stream.indirect.scatter.add.f32 [tilespmem:s24], [sflag:$0x3], $0x80, s9, s23, $0xb8;
	[tilespmem:$0x1E800] =	vst v63  }
0xab: {  	_ =	swait.ge [sflag:s21], $0x4000  }
0xac: {  	[sflag:s21] =	ssyncset.done $0x0  }
0xad: {  	s10 =	sadd.s32 $0x100, s6;
	[sflag:s21] =	ssyncadd.s32 $0xFFFFC000  }
0xae: {  	[tilespmem:s24], [sflag:$0x1] =	stream.indirect.gather [hbm4b:s1+s23], $0x80, s10, s23, $0xb8;
	[tilespmem:$0x1E800] =	vst v63  }
0xaf: {  	_ =	swait.ge [sflag:s28], $0x4000  }
0xb0: {  	[sflag:s28] =	ssyncset.done $0x0  }
0xb1: {  	s11 =	sadd.s32 $0x1480, s6;
	[sflag:s28] =	ssyncadd.s32 $0xFFFFC000  }
0xb2: {  	[spmem:s3] =	stream.indirect.scatter.add.f32 [tilespmem:s25], [sflag:$0x3], $0x80, s11, s23, $0xb8;
	[tilespmem:$0x1E800] =	vst v63  }
0xb3: {  	_ =	swait.ge [sflag:s21], $0x4000  }
0xb4: {  	[sflag:s21] =	ssyncset.done $0x0  }
0xb5: {  	[sflag:s21] =	ssyncadd.s32 $0xFFFFC000  }
0xb6: {  	[tilespmem:s25], [sflag:$0x2] =	stream.indirect.gather [hbm4b:s1+s23], $0x80, s29, s23, $0xb8;
	[tilespmem:$0x1E800] =	vst v63  }
0xb7: {  	_ =	swait.ge [sflag:s26], $0x4000  }
0xb8: {  	[sflag:s26] =	ssyncset.done $0x0  }
0xb9: {  	[sflag:s26] =	ssyncadd.s32 $0xFFFFC000  }
0xba: {  	[spmem:s3] =	stream.indirect.scatter.add.f32 [tilespmem:s24], [sflag:$0x3], $0x80, s30, s23, $0xb8;
	[tilespmem:$0x1E800] =	vst v63  }
0xbb: {  	_ =	swait.ge [sflag:s21], $0x4000  }
0xbc: {  	[sflag:s21] =	ssyncset.done $0x0  }
0xbd: {  	[sflag:s21] =	ssyncadd.s32 $0xFFFFC000  }
0xbe: {  	_ =	swait.ge [sflag:s28], $0x4000  }
0xbf: {  	[sflag:s28] =	ssyncset.done $0x0  }
0xc0: {  	[sflag:s28] =	ssyncadd.s32 $0xFFFFC000  }
0xc1: {  	[spmem:s3] =	stream.indirect.scatter.add.f32 [tilespmem:s25], [sflag:$0x3], $0x80, s31, s23, $0xb8;
	[tilespmem:$0x1E800] =	vst v63  }
0xc2: {  	_ =	swait.ge [sflag:s21], $0x4000  }
0xc3: {  	[sflag:s21] =	ssyncset.done $0x0  }
0xc4: {  	[sflag:s21] =	ssyncadd.s32 $0xFFFFC000  }
0xc5: {  	s6 =	sshrl.u32 @p4 s7, $0x3;
	s8 =	simm.s32 @p4 $0x1FC3;
	[bflag:$0x0] =	sbarrier.arrive $0xFFFF  }
0xc6: {  	[hbm:s16], [sflag:s8] =	dma.local @p4 [spmem:s6], $0x2080  }
0xc7: {  	s6 =	simm.s32 @p4 $0x3  }
0xc8: {  	s0 =	sadd.s32 $0x1, s0;
	_ =	swait.ge @p4 [sflag:s6], $0x2080  }
0xc9: {  	p5 =	sne.s32 s0, s17;
	s8 =	sshll.u32 @!p4 s2, $0x6;
	[sflag:s6] =	ssyncset.done @p4 $0x0  }
0xca: {  	[sflag:s6] =	ssyncadd.s32 @p4 $0xFFFFDF80;
	s6 =	sor.u32 @!p4 $0x1C03, s8;
	s8 =	sshrl.u32 @!p4 s5, $0x3  }
0xcb: {  	[hbm:s15], [sflag:s6] =	dma.local @!p4 [spmem:s8], $0x2780  }
.Ltmp2:
0xcc: {  	_ = 	snop;
	(pc) =	sbr.rel @p5 .LBB2_1-.Ltmp2, $4  }
0xcd: {  	s6 =	simm.s32 @!p4 $0x3  }
0xce: {  	_ =	swait.ge @!p4 [sflag:s6], $0x2780  }
0xcf: {  	[sflag:s6] =	ssyncset.done @!p4 $0x0  }
0xd0: {  	[sflag:s6] =	ssyncadd.s32 @!p4 $0xFFFFD880  }
0xd1: {  	_ =	sfence.sel $0x180000  }
0xd2: {  	[bflag:$0x0] =	sbarrier.arrive $0xFFFF  }
0xd3: {  	_ =	strace $0x90000050  }
0xd4: {  	[bflag:$0x2] =	sbarrier.arrive $0xFFFF  }
0xd5: {  	p0 =	sne.s32 s2, $0x0;
	s0 =	rddreg [dreg:$0x3]  }
0xd6: {  	s0 =	sadd.s32 @!p0 $0x100000, s0  }
0xd7: {  	[sflag:s0] =	ssyncadd.tile.s32 @!p0 $0x1;
	_ =	shalt  }
.Lfunc_end2:
_tile_overlayer_lowered:
.L_overlay_start_2:
0xd8: {  	(tag) =	ssettag $0x2  }
0xd9: {  	s0 =	rddreg [dreg:$0x0];
	s2 =	stileid.u32  }
0xda: {  	s1 =	rddreg [dreg:$0x1];
	p0 =	sne.s32 s2, $0x0  }
0xdb: {  	s3 =	rddreg [dreg:$0x2];
	[bflag:$0x3] =	sbarrier.arrive $0xFFFF;
	s2 =	simm.s32 @!p0 $0x1C03  }
0xdc: {  	[timem:s3], [sflag:s2] =	dma.local @!p0 [hbm:s0], s1  }
0xdd: {  	s0 =	simm.s32 @!p0 $0x3  }
0xde: {  	_ =	swait.ge @!p0 [sflag:s0], s1  }
0xdf: {  	s1 =	ssub.s32 @!p0 $0x0, s1;
	[sflag:s0] =	ssyncset.done @!p0 $0x0  }
0xe0: {  	[sflag:s0] =	ssyncadd.s32 @!p0 s1  }
0xe1: {  	[bflag:$0x3] =	sbarrier.arrive $0xFFFF  }
0xe2: {  	_ =	shalt  }

</sc_bundles>
